<compile_context>
chip_gen: v7x
topology: tpu7x:2x2x1
jax: 0.10.2.dev20260603
libtpu: 0.0.44.dev20260713+nightly
codegen_flags: <defaults>
</compile_context>

<pallas_src>
import functools

import jax
import jax.numpy as jnp
from jax import lax
from jax.experimental import pallas as pl
from jax.experimental.pallas import tpu as pltpu
from jax.experimental.pallas import tpu_sc as plsc

N = 10000
E = 320000
D = 128
H = 8
OUT = 16
NC, NS, L = 2, 16, 16
C = 128
NCHUNK = E // C
NP_ = 10112
ROWS_PER_TILE = NP_ // NS
CH = 64

_BLK = 1000
_GRID = N // _BLK


def _proj_body(x_ref, w_ref, alr_ref, feat_ref, elr_ref):
    f = jnp.dot(x_ref[...], w_ref[...], preferred_element_type=jnp.float32)
    feat_ref[...] = f
    elr_ref[...] = jnp.dot(f, alr_ref[...], preferred_element_type=jnp.float32)


def _project(nfeat, w1, alr):
    return pl.pallas_call(
        _proj_body,
        grid=(_GRID,),
        in_specs=[
            pl.BlockSpec((_BLK, D), lambda i: (i, 0)),
            pl.BlockSpec((D, D), lambda i: (0, 0)),
            pl.BlockSpec((D, L), lambda i: (0, 0)),
        ],
        out_specs=[
            pl.BlockSpec((_BLK, D), lambda i: (i, 0)),
            pl.BlockSpec((_BLK, L), lambda i: (i, 0)),
        ],
        out_shape=[
            jax.ShapeDtypeStruct((N, D), jnp.float32),
            jax.ShapeDtypeStruct((N, L), jnp.float32),
        ],
    )(nfeat, w1, alr)


_mesh = plsc.VectorSubcoreMesh(
    core_axis_name="c", subcore_axis_name="s", num_cores=NC, num_subcores=NS)


@functools.partial(
    pl.kernel,
    out_type=(
        jax.ShapeDtypeStruct((NC, NP_, D), jnp.float32),
        jax.ShapeDtypeStruct((NP_, L), jnp.float32),
    ),
    mesh=_mesh,
    scratch_types=[
        pltpu.VMEM_SHARED((NP_, D), jnp.float32),
        pltpu.VMEM_SHARED((NP_, L), jnp.float32),
        pltpu.VMEM_SHARED((N, L), jnp.float32),
        pltpu.VMEM((2, CH), jnp.int32),
        pltpu.VMEM((2, CH), jnp.int32),
        pltpu.VMEM((2, CH, L), jnp.float32),
        pltpu.VMEM((2, CH, L), jnp.float32),
        pltpu.VMEM((CH, D), jnp.float32),
        pltpu.VMEM((CH, D), jnp.float32),
        pltpu.VMEM((CH, L), jnp.float32),
        pltpu.VMEM((CH, L), jnp.float32),
        pltpu.SemaphoreType.DMA,
        pltpu.SemaphoreType.DMA,
        pltpu.SemaphoreType.DMA,
        pltpu.SemaphoreType.DMA,
        pltpu.SemaphoreType.DMA,
        pltpu.SemaphoreType.DMA,
        pltpu.SemaphoreType.DMA,
        pltpu.SemaphoreType.DMA,
    ],
    compiler_params=pltpu.CompilerParams(needs_layout_passes=False,
                                         use_tc_tiling_on_sc=False),
)
def _edge_kernel(eidx_hbm, elr_hbm, feat_hbm, efeat_hbm,
                 acc_out, dd_out,
                 acc_sh, dd_sh, elr_sh,
                 idxA, idxB, ebA, ebB, featA, featB, wscA, wscB,
                 semA0, semA1, semA2, semB0, semB1, semB2, semSA, semSB):
    cid = lax.axis_index("c")
    sid = lax.axis_index("s")
    lanes = lax.iota(jnp.int32, L)
    lane_lt8 = lanes < 8
    lane8_one = jnp.where(lanes == 8, 1.0, 0.0).astype(jnp.float32)

    def _zrow(i, carry):
        for j in range(D // L):
            featA[i, pl.ds(j * L, L)] = jnp.zeros((L,), jnp.float32)
        wscA[i, :] = jnp.zeros((L,), jnp.float32)
        return carry
    lax.fori_loop(0, CH, _zrow, 0)

    base = sid * ROWS_PER_TILE
    for k in range(0, ROWS_PER_TILE, CH):
        cnt = min(CH, ROWS_PER_TILE - k)
        pltpu.sync_copy(featA.at[pl.ds(0, cnt)], acc_sh.at[pl.ds(base + k, cnt)])
        pltpu.sync_copy(wscA.at[pl.ds(0, cnt)], dd_sh.at[pl.ds(base + k, cnt)])

    @pl.when(cid == 0)
    def _stage():
        sbase = jnp.minimum(sid * 640, N - 640)
        pltpu.sync_copy(elr_hbm.at[pl.ds(sbase, 640)],
                        elr_sh.at[pl.ds(sbase, 640)])

    plsc.subcore_barrier()

    nloops = (NCHUNK + NS - 1) // NS

    @pl.when(cid == 0)
    def _attention_core():
        def _compute(eb2, featb, wsc):
            @plsc.parallel_loop(0, CH, unroll=8)
            def _erow(i):
                rot = eb2[1, i, :].at[(lanes + 8) % L].get(
                    mode="promise_in_bounds")
                x = eb2[0, i, :] + rot
                w = jnp.exp(jnp.maximum(x, 0.2 * x))
                wsc[i, :] = jnp.where(lane_lt8, w, lane8_one)
                for h in range(H):
                    wh = w.at[jnp.full((L,), h, jnp.int32)].get(
                        mode="promise_in_bounds")
                    featb[i, pl.ds(h * L, L)] = featb[i, pl.ds(h * L, L)] * wh

        def _drain():
            pltpu.make_async_copy(featA, acc_sh.at[idxA.at[1]], semSA).wait()
            pltpu.make_async_copy(wscA, dd_sh.at[idxA.at[1]], semSA).wait()
            pltpu.make_async_copy(featB, acc_sh.at[idxB.at[1]], semSB).wait()
            pltpu.make_async_copy(wscB, dd_sh.at[idxB.at[1]], semSB).wait()

        def _chunk(j, carry):
            ck = sid + j * NS

            @pl.when(ck < NCHUNK)
            def _():
                @pl.when(j > 0)
                def _():
                    _drain()
                eb = ck * C
                pltpu.sync_copy(eidx_hbm.at[:, pl.ds(eb, CH)], idxA)
                gA2 = pltpu.async_copy(feat_hbm.at[idxA.at[0]], featA, semA2)
                gA0 = pltpu.async_copy(elr_sh.at[idxA.at[0]], ebA.at[0], semA0)
                gA1 = pltpu.async_copy(elr_sh.at[idxA.at[1]], ebA.at[1], semA1)
                pltpu.sync_copy(eidx_hbm.at[:, pl.ds(eb + CH, CH)], idxB)
                gB2 = pltpu.async_copy(feat_hbm.at[idxB.at[0]], featB, semB2)
                gB0 = pltpu.async_copy(elr_sh.at[idxB.at[0]], ebB.at[0], semB0)
                gB1 = pltpu.async_copy(elr_sh.at[idxB.at[1]], ebB.at[1], semB1)
                gA0.wait()
                gA1.wait()
                gA2.wait()
                _compute(ebA, featA, wscA)
                pltpu.async_copy(featA, acc_sh.at[idxA.at[1]], semSA, add=True)
                pltpu.async_copy(wscA, dd_sh.at[idxA.at[1]], semSA, add=True)
                gB0.wait()
                gB1.wait()
                gB2.wait()
                _compute(ebB, featB, wscB)
                pltpu.async_copy(featB, acc_sh.at[idxB.at[1]], semSB, add=True)
                pltpu.async_copy(wscB, dd_sh.at[idxB.at[1]], semSB, add=True)
            return carry
        lax.fori_loop(0, nloops, _chunk, 0)
        _drain()

    @pl.when(cid == 1)
    def _esum_core():
        def _drain():
            pltpu.make_async_copy(featA, acc_sh.at[idxA.at[1]], semSA).wait()
            pltpu.make_async_copy(featB, acc_sh.at[idxB.at[1]], semSB).wait()

        def _chunk(j, carry):
            ck = sid + j * NS

            @pl.when(ck < NCHUNK)
            def _():
                @pl.when(j > 0)
                def _():
                    _drain()
                eb = ck * C
                pltpu.sync_copy(eidx_hbm.at[:, pl.ds(eb, CH)], idxA)
                gA = pltpu.async_copy(efeat_hbm.at[pl.ds(eb, CH)], featA, semA2)
                pltpu.sync_copy(eidx_hbm.at[:, pl.ds(eb + CH, CH)], idxB)
                gB = pltpu.async_copy(efeat_hbm.at[pl.ds(eb + CH, CH)], featB,
                                      semB2)
                gA.wait()
                pltpu.async_copy(featA, acc_sh.at[idxA.at[1]], semSA, add=True)
                gB.wait()
                pltpu.async_copy(featB, acc_sh.at[idxB.at[1]], semSB, add=True)
            return carry
        lax.fori_loop(0, nloops, _chunk, 0)
        _drain()

    plsc.subcore_barrier()

    pltpu.sync_copy(acc_sh.at[pl.ds(base, ROWS_PER_TILE)],
                    acc_out.at[cid, pl.ds(base, ROWS_PER_TILE)])

    @pl.when(cid == 0)
    def _drain_dd():
        pltpu.sync_copy(dd_sh.at[pl.ds(base, ROWS_PER_TILE)],
                        dd_out.at[pl.ds(base, ROWS_PER_TILE)])


def _comb_body(num_ref, esum_ref, dd_ref, deg_sel_ref, feat_ref, ew_ref, e16_ref,
               gb_ref, eb_ref, o_ref):
    dd = dd_ref[...]
    denom = jnp.dot(dd, e16_ref[...], preferred_element_type=jnp.float32)
    deg = jnp.dot(dd, deg_sel_ref[...], preferred_element_type=jnp.float32)
    rst = num_ref[...] / jnp.maximum(denom, 1e-9)
    he = (jnp.dot(esum_ref[...], ew_ref[...], preferred_element_type=jnp.float32)
          / jnp.maximum(deg, 1.0)) + eb_ref[...] * jnp.minimum(deg, 1.0)
    o_ref[...] = rst + gb_ref[...] + feat_ref[...] / (deg + 1.0) + he


def _combine(num, esum, dn, deg, feat, ewT, e8, gb, eb):
    return pl.pallas_call(
        _comb_body,
        grid=(_GRID,),
        in_specs=[
            pl.BlockSpec((_BLK, D), lambda i: (i, 0)),
            pl.BlockSpec((_BLK, D), lambda i: (i, 0)),
            pl.BlockSpec((_BLK, L), lambda i: (i, 0)),
            pl.BlockSpec((L, 1), lambda i: (0, 0)),
            pl.BlockSpec((_BLK, D), lambda i: (i, 0)),
            pl.BlockSpec((D, D), lambda i: (0, 0)),
            pl.BlockSpec((L, D), lambda i: (0, 0)),
            pl.BlockSpec((1, D), lambda i: (0, 0)),
            pl.BlockSpec((1, D), lambda i: (0, 0)),
        ],
        out_specs=pl.BlockSpec((_BLK, D), lambda i: (i, 0)),
        out_shape=jax.ShapeDtypeStruct((N, D), jnp.float32),
    )(num, esum, dn, deg, feat, ewT, e8, gb, eb)


def kernel(nfeat, edge_index, efeat, fc_w, attn_l, attn_r, gat_bias, edge_w,
           edge_b):
    cols = jnp.arange(D)
    head = cols // OUT
    alr = (jnp.zeros((D, L), jnp.float32)
           .at[cols, head].set(attn_l.reshape(-1))
           .at[cols, 8 + head].set(attn_r.reshape(-1)))
    feat, elrtab = _project(nfeat, fc_w.T, alr)

    acc, dd = _edge_kernel(edge_index, elrtab, feat, efeat)

    e16 = (jnp.arange(L)[:, None] == head[None, :]).astype(jnp.float32)
    dsel = (jnp.arange(L)[:, None] == 8).astype(jnp.float32)
    out = _combine(acc[0, :N], acc[1, :N], dd[:N], dsel, feat, edge_w.T, e16,
                   gat_bias.reshape(1, D), edge_b.reshape(1, D))
    return out

# --- scband reference (transcript-rebuilt; emitter-appended) ---
"""Pipeline reference for scband-gatconv-layer-24163486007666 (READ-ONLY COPY).

The authoritative reference and input builder live on the scoring server;
editing this copy changes nothing except your own understanding.
"""

import jax, jax.numpy as jnp
import numpy as np

N = 10000
E = 320000
IN_DIM = 128
OUT_DIM = 16
H = 8


def setup_inputs(seed: int = 0) -> dict:
    key = jax.random.key(seed)
    ks = jax.random.split(key, 9)
    nfeat = jax.random.normal(ks[0], (N, IN_DIM), dtype=jnp.float32)
    edge_index = jax.random.randint(ks[1], (2, E), 0, N, dtype=jnp.int32)
    efeat = jax.random.normal(ks[2], (E, IN_DIM), dtype=jnp.float32)
    scale = 1.0 / np.sqrt(IN_DIM)
    fc_w = jax.random.normal(ks[3], (H * OUT_DIM, IN_DIM), dtype=jnp.float32) * scale
    attn_l = jax.random.normal(ks[4], (H, OUT_DIM), dtype=jnp.float32) * scale
    attn_r = jax.random.normal(ks[5], (H, OUT_DIM), dtype=jnp.float32) * scale
    gat_bias = jnp.zeros((H * OUT_DIM,), dtype=jnp.float32)
    edge_w = jax.random.normal(ks[6], (H * OUT_DIM, IN_DIM), dtype=jnp.float32) * scale
    edge_b = jnp.zeros((H * OUT_DIM,), dtype=jnp.float32)
    return {"nfeat": nfeat, "edge_index": edge_index, "efeat": efeat,
            "fc_w": fc_w, "attn_l": attn_l, "attn_r": attn_r,
            "gat_bias": gat_bias, "edge_w": edge_w, "edge_b": edge_b}


def reference(nfeat, edge_index, efeat, fc_w, attn_l, attn_r, gat_bias, edge_w, edge_b):
    src = edge_index[0]
    dst = edge_index[1]
    # in-degrees (DGL graph.in_degrees())
    in_deg = jnp.bincount(dst, length=N).astype(jnp.float32)
    degs = in_deg + 1.0
    # ---- GATConv (DGL >= 0.5, allow_zero_in_degree=True, drops=0) ----
    feat = (nfeat @ fc_w.T).reshape(N, H, OUT_DIM)  # fc (no bias)
    el = (feat * attn_l[None, :, :]).sum(-1)  # [N, H]
    er = (feat * attn_r[None, :, :]).sum(-1)  # [N, H]
    e = jax.nn.leaky_relu(el[src] + er[dst], negative_slope=0.2)  # [E, H]
    # edge softmax over incoming edges of each dst node
    m = jax.ops.segment_max(e, dst, num_segments=N)
    m = jnp.where(jnp.isfinite(m), m, 0.0)
    ex = jnp.exp(e - m[dst])
    denom = jax.ops.segment_sum(ex, dst, num_segments=N)
    a = ex / jnp.maximum(denom[dst], 1e-9)  # [E, H]
    msg = feat[src] * a[:, :, None]  # [E, H, OUT]
    rst = jax.ops.segment_sum(msg, dst, num_segments=N)  # [N, H, OUT]
    rst = rst + gat_bias.reshape(1, H, OUT_DIM)
    gat_out = rst.reshape(N, H * OUT_DIM)
    # ---- skip term: fc(nfeat) / (in_deg + 1) ----
    sfeat = (nfeat @ fc_w.T) / degs[:, None]
    nout = gat_out + sfeat
    # ---- econv: mean of projected edge features over incoming edges ----
    ep = efeat @ edge_w.T + edge_b[None, :]  # [E, H*OUT]
    h_e = jax.ops.segment_sum(ep, dst, num_segments=N) / jnp.maximum(in_deg, 1.0)[:, None]
    return nout + h_e

if __name__ == "__main__":
    import jax
    _d = setup_inputs()
    print(jax.jit(kernel)(*tuple(_d.values())))

</pallas_src>

<mosaic_0001>
#map = affine_map<(d0, d1) -> (0, 0)>
#map1 = affine_map<(d0, d1) -> (0, 0, 0)>
module attributes {stable_mosaic.version = 14 : i64} {
  func.func @_edge_kernel(%arg0: i32, %arg1: i32, %arg2: memref<2x320000xi32, #tpu.memory_space<hbm>>, %arg3: memref<10000x16xf32, #tpu.memory_space<hbm>>, %arg4: memref<10000x128xf32, #tpu.memory_space<hbm>>, %arg5: memref<320000x128xf32, #tpu.memory_space<hbm>>, %arg6: memref<2x10112x128xf32, #tpu.memory_space<hbm>>, %arg7: memref<10112x16xf32, #tpu.memory_space<hbm>>, %arg8: memref<10112x128xf32, #tpu.memory_space<vmem_shared>>, %arg9: memref<10112x16xf32, #tpu.memory_space<vmem_shared>>, %arg10: memref<10000x16xf32, #tpu.memory_space<vmem_shared>>, %arg11: memref<2x64xi32, #tpu.memory_space<vmem>>, %arg12: memref<2x64xi32, #tpu.memory_space<vmem>>, %arg13: memref<2x64x16xf32, #tpu.memory_space<vmem>>, %arg14: memref<2x64x16xf32, #tpu.memory_space<vmem>>, %arg15: memref<64x128xf32, #tpu.memory_space<vmem>>, %arg16: memref<64x128xf32, #tpu.memory_space<vmem>>, %arg17: memref<64x16xf32, #tpu.memory_space<vmem>>, %arg18: memref<64x16xf32, #tpu.memory_space<vmem>>, %arg19: memref<!tpu.dma_semaphore, #tpu.memory_space<semaphore_mem>>, %arg20: memref<!tpu.dma_semaphore, #tpu.memory_space<semaphore_mem>>, %arg21: memref<!tpu.dma_semaphore, #tpu.memory_space<semaphore_mem>>, %arg22: memref<!tpu.dma_semaphore, #tpu.memory_space<semaphore_mem>>, %arg23: memref<!tpu.dma_semaphore, #tpu.memory_space<semaphore_mem>>, %arg24: memref<!tpu.dma_semaphore, #tpu.memory_space<semaphore_mem>>, %arg25: memref<!tpu.dma_semaphore, #tpu.memory_space<semaphore_mem>>, %arg26: memref<!tpu.dma_semaphore, #tpu.memory_space<semaphore_mem>>) attributes {dimension_semantics = [#tpu.dimension_semantics<core_parallel>, #tpu.dimension_semantics<subcore_parallel>], iteration_bounds = array<i64: 2, 16>, scalar_prefetch = 0 : i64, scratch_operands = 19 : i64, tpu.core_type = #tpu.core_type<sc_vector_subcore>, window_params = [{transform_indices = #map}, {transform_indices = #map}, {transform_indices = #map}, {transform_indices = #map}, {transform_indices = #map1}, {transform_indices = #map}]} {
    %iota3A = tpu.iota {dimensions = array<i32: 0>} : vector<16xi32>
    %lt3A = arith.constant 8 : i32
    %lt3A_0 = vector.broadcast %lt3A : i32 to vector<16xi32>
    %lt3A_1 = arith.cmpi slt, %iota3A, %lt3A_0 : vector<16xi32>
    %eq3A = arith.constant 8 : i32
    %eq3A_2 = vector.broadcast %eq3A : i32 to vector<16xi32>
    %eq3A_3 = arith.cmpi eq, %iota3A, %eq3A_2 : vector<16xi32>
    %jit3A = arith.constant 1.000000e+00 : f32
    %jit3A_4 = arith.constant 0.000000e+00 : f32
    %broadcast_in_dim3A = vector.broadcast %jit3A : f32 to vector<16xf32>
    %broadcast_in_dim3A_5 = vector.broadcast %jit3A_4 : f32 to vector<16xf32>
    %select_n3A = arith.select %eq3A_3, %broadcast_in_dim3A, %broadcast_in_dim3A_5 : vector<16xi1>, vector<16xf32>
    %scan3A = arith.constant 0 : i32
    %scan3A_6 = arith.constant 0 : i32
    %scan3A_7 = arith.constant 64 : i32
    %scan3A_8 = arith.addi %scan3A_6, %scan3A_7 : i32
    %scan3A_9 = arith.constant 1 : i32
    scf.for %scan3A_70 = %scan3A_6 to %scan3A_8 step %scan3A_9  : i32 {
      %broadcast_in_dim3A_71 = arith.constant 0.000000e+00 : f32
      %broadcast_in_dim3A_72 = vector.broadcast %broadcast_in_dim3A_71 : f32 to vector<16xf32>
      %swap3A = arith.index_cast %scan3A_70 : i32 to index
      %swap3A_73 = arith.constant 0 : index
      %swap3A_74 = tpu.vector_load %arg15[%swap3A, %swap3A_73] {strides = array<i32>} : memref<64x128xf32, #tpu.memory_space<vmem>>, vector<16xf32>,
      tpu.vector_store %arg15[%swap3A, %swap3A_73], %broadcast_in_dim3A_72 {strides = array<i32>} : memref<64x128xf32, #tpu.memory_space<vmem>>, vector<16xf32>,
      %broadcast_in_dim3A_75 = arith.constant 0.000000e+00 : f32
      %broadcast_in_dim3A_76 = vector.broadcast %broadcast_in_dim3A_75 : f32 to vector<16xf32>
      %swap3A_77 = arith.index_cast %scan3A_70 : i32 to index
      %swap3A_78 = arith.constant 16 : index
      %swap3A_79 = tpu.vector_load %arg15[%swap3A_77, %swap3A_78] {strides = array<i32>} : memref<64x128xf32, #tpu.memory_space<vmem>>, vector<16xf32>,
      tpu.vector_store %arg15[%swap3A_77, %swap3A_78], %broadcast_in_dim3A_76 {strides = array<i32>} : memref<64x128xf32, #tpu.memory_space<vmem>>, vector<16xf32>,
      %broadcast_in_dim3A_80 = arith.constant 0.000000e+00 : f32
      %broadcast_in_dim3A_81 = vector.broadcast %broadcast_in_dim3A_80 : f32 to vector<16xf32>
      %swap3A_82 = arith.index_cast %scan3A_70 : i32 to index
      %swap3A_83 = arith.constant 32 : index
      %swap3A_84 = tpu.vector_load %arg15[%swap3A_82, %swap3A_83] {strides = array<i32>} : memref<64x128xf32, #tpu.memory_space<vmem>>, vector<16xf32>,
      tpu.vector_store %arg15[%swap3A_82, %swap3A_83], %broadcast_in_dim3A_81 {strides = array<i32>} : memref<64x128xf32, #tpu.memory_space<vmem>>, vector<16xf32>,
      %broadcast_in_dim3A_85 = arith.constant 0.000000e+00 : f32
      %broadcast_in_dim3A_86 = vector.broadcast %broadcast_in_dim3A_85 : f32 to vector<16xf32>
      %swap3A_87 = arith.index_cast %scan3A_70 : i32 to index
      %swap3A_88 = arith.constant 48 : index
      %swap3A_89 = tpu.vector_load %arg15[%swap3A_87, %swap3A_88] {strides = array<i32>} : memref<64x128xf32, #tpu.memory_space<vmem>>, vector<16xf32>,
      tpu.vector_store %arg15[%swap3A_87, %swap3A_88], %broadcast_in_dim3A_86 {strides = array<i32>} : memref<64x128xf32, #tpu.memory_space<vmem>>, vector<16xf32>,
      %broadcast_in_dim3A_90 = arith.constant 0.000000e+00 : f32
      %broadcast_in_dim3A_91 = vector.broadcast %broadcast_in_dim3A_90 : f32 to vector<16xf32>
      %swap3A_92 = arith.index_cast %scan3A_70 : i32 to index
      %swap3A_93 = arith.constant 64 : index
      %swap3A_94 = tpu.vector_load %arg15[%swap3A_92, %swap3A_93] {strides = array<i32>} : memref<64x128xf32, #tpu.memory_space<vmem>>, vector<16xf32>,
      tpu.vector_store %arg15[%swap3A_92, %swap3A_93], %broadcast_in_dim3A_91 {strides = array<i32>} : memref<64x128xf32, #tpu.memory_space<vmem>>, vector<16xf32>,
      %broadcast_in_dim3A_95 = arith.constant 0.000000e+00 : f32
      %broadcast_in_dim3A_96 = vector.broadcast %broadcast_in_dim3A_95 : f32 to vector<16xf32>
      %swap3A_97 = arith.index_cast %scan3A_70 : i32 to index
      %swap3A_98 = arith.constant 80 : index
      %swap3A_99 = tpu.vector_load %arg15[%swap3A_97, %swap3A_98] {strides = array<i32>} : memref<64x128xf32, #tpu.memory_space<vmem>>, vector<16xf32>,
      tpu.vector_store %arg15[%swap3A_97, %swap3A_98], %broadcast_in_dim3A_96 {strides = array<i32>} : memref<64x128xf32, #tpu.memory_space<vmem>>, vector<16xf32>,
      %broadcast_in_dim3A_100 = arith.constant 0.000000e+00 : f32
      %broadcast_in_dim3A_101 = vector.broadcast %broadcast_in_dim3A_100 : f32 to vector<16xf32>
      %swap3A_102 = arith.index_cast %scan3A_70 : i32 to index
      %swap3A_103 = arith.constant 96 : index
      %swap3A_104 = tpu.vector_load %arg15[%swap3A_102, %swap3A_103] {strides = array<i32>} : memref<64x128xf32, #tpu.memory_space<vmem>>, vector<16xf32>,
      tpu.vector_store %arg15[%swap3A_102, %swap3A_103], %broadcast_in_dim3A_101 {strides = array<i32>} : memref<64x128xf32, #tpu.memory_space<vmem>>, vector<16xf32>,
      %broadcast_in_dim3A_105 = arith.constant 0.000000e+00 : f32
      %broadcast_in_dim3A_106 = vector.broadcast %broadcast_in_dim3A_105 : f32 to vector<16xf32>
      %swap3A_107 = arith.index_cast %scan3A_70 : i32 to index
      %swap3A_108 = arith.constant 112 : index
      %swap3A_109 = tpu.vector_load %arg15[%swap3A_107, %swap3A_108] {strides = array<i32>} : memref<64x128xf32, #tpu.memory_space<vmem>>, vector<16xf32>,
      tpu.vector_store %arg15[%swap3A_107, %swap3A_108], %broadcast_in_dim3A_106 {strides = array<i32>} : memref<64x128xf32, #tpu.memory_space<vmem>>, vector<16xf32>,
      %broadcast_in_dim3A_110 = arith.constant 0.000000e+00 : f32
      %broadcast_in_dim3A_111 = vector.broadcast %broadcast_in_dim3A_110 : f32 to vector<16xf32>
      %swap3A_112 = arith.index_cast %scan3A_70 : i32 to index
      %swap3A_113 = arith.constant 0 : index
      %swap3A_114 = tpu.vector_load %arg17[%swap3A_112, %swap3A_113] {strides = array<i32>} : memref<64x16xf32, #tpu.memory_space<vmem>>, vector<16xf32>,
      tpu.vector_store %arg17[%swap3A_112, %swap3A_113], %broadcast_in_dim3A_111 {strides = array<i32>} : memref<64x16xf32, #tpu.memory_space<vmem>>, vector<16xf32>,
    }
    %scan3A_10 = arith.constant 64 : i32
    %mul3A = arith.constant 632 : i32
    %mul3A_11 = arith.muli %arg1, %mul3A : i32
    %add3A = arith.constant 0 : i32
    %add3A_12 = arith.addi %mul3A_11, %add3A : i32
    "tpu.region"() ({
      %run_scoped3A = tpu.sem_alloc : memref<!tpu.dma_semaphore, #tpu.memory_space<semaphore_mem>>
      %dma_start3A = arith.constant 0 : i32
      %dma_start3A_70 = arith.constant 0 : i32
      %dma_start3A_71 = tpu.memref_slice %arg15[%dma_start3A, %dma_start3A_70] : memref<64x128xf32, #tpu.memory_space<vmem>> -> memref<64x128xf32, #tpu.memory_space<vmem>>
      %dma_start3A_72 = arith.constant 0 : i32
      %dma_start3A_73 = tpu.memref_slice %arg8[%add3A_12, %dma_start3A_72] : memref<10112x128xf32, #tpu.memory_space<vmem_shared>> -> memref<64x128xf32, #tpu.memory_space<vmem_shared>>
      %dma_start3A_74 = arith.constant 0 : i32
      %dma_start3A_75 = tpu.memref_slice %arg8[%add3A_12, %dma_start3A_74] : memref<10112x128xf32, #tpu.memory_space<vmem_shared>> -> memref<64x128xf32, #tpu.memory_space<vmem_shared>>
      %dma_start3A_76 = arith.constant 0 : i32
      %dma_start3A_77 = arith.constant 0 : i32
      %dma_start3A_78 = tpu.memref_slice %arg15[%dma_start3A_76, %dma_start3A_77] : memref<64x128xf32, #tpu.memory_space<vmem>> -> memref<64x128xf32, #tpu.memory_space<vmem>>
      tpu.enqueue_dma source(%dma_start3A_78 : memref<64x128xf32, #tpu.memory_space<vmem>>) target(%dma_start3A_75 : memref<64x128xf32, #tpu.memory_space<vmem_shared>>) target_semaphore(%run_scoped3A : memref<!tpu.dma_semaphore, #tpu.memory_space<semaphore_mem>>)
      %dma_wait3A = arith.constant 0 : i32
      %dma_wait3A_79 = arith.constant 0 : i32
      %dma_wait3A_80 = tpu.memref_slice %arg15[%dma_wait3A, %dma_wait3A_79] : memref<64x128xf32, #tpu.memory_space<vmem>> -> memref<64x128xf32, #tpu.memory_space<vmem>>
      %dma_wait3A_81 = arith.constant 0 : i32
      %dma_wait3A_82 = tpu.memref_slice %arg8[%add3A_12, %dma_wait3A_81] : memref<10112x128xf32, #tpu.memory_space<vmem_shared>> -> memref<64x128xf32, #tpu.memory_space<vmem_shared>>
      %dma_wait3A_83 = arith.constant 0 : i32
      %dma_wait3A_84 = tpu.memref_slice %arg8[%add3A_12, %dma_wait3A_83] : memref<10112x128xf32, #tpu.memory_space<vmem_shared>> -> memref<64x128xf32, #tpu.memory_space<vmem_shared>>
      %dma_wait3A_85 = arith.constant 0 : i32
      %dma_wait3A_86 = arith.constant 0 : i32
      %dma_wait3A_87 = tpu.memref_slice %arg15[%dma_wait3A_85, %dma_wait3A_86] : memref<64x128xf32, #tpu.memory_space<vmem>> -> memref<64x128xf32, #tpu.memory_space<vmem>>
      tpu.wait_dma2 semaphore(%run_scoped3A : memref<!tpu.dma_semaphore, #tpu.memory_space<semaphore_mem>>) src(%dma_wait3A_87 : memref<64x128xf32, #tpu.memory_space<vmem>>) dst(%dma_wait3A_84 : memref<64x128xf32, #tpu.memory_space<vmem_shared>>)
      tpu.yield
    }) : () -> ()
    %add3A_13 = arith.constant 0 : i32
    %add3A_14 = arith.addi %mul3A_11, %add3A_13 : i32
    "tpu.region"() ({
      %run_scoped3A = tpu.sem_alloc : memref<!tpu.dma_semaphore, #tpu.memory_space<semaphore_mem>>
      %dma_start3A = arith.constant 0 : i32
      %dma_start3A_70 = arith.constant 0 : i32
      %dma_start3A_71 = tpu.memref_slice %arg17[%dma_start3A, %dma_start3A_70] : memref<64x16xf32, #tpu.memory_space<vmem>> -> memref<64x16xf32, #tpu.memory_space<vmem>>
      %dma_start3A_72 = arith.constant 0 : i32
      %dma_start3A_73 = tpu.memref_slice %arg9[%add3A_14, %dma_start3A_72] : memref<10112x16xf32, #tpu.memory_space<vmem_shared>> -> memref<64x16xf32, #tpu.memory_space<vmem_shared>>
      %dma_start3A_74 = arith.constant 0 : i32
      %dma_start3A_75 = tpu.memref_slice %arg9[%add3A_14, %dma_start3A_74] : memref<10112x16xf32, #tpu.memory_space<vmem_shared>> -> memref<64x16xf32, #tpu.memory_space<vmem_shared>>
      %dma_start3A_76 = arith.constant 0 : i32
      %dma_start3A_77 = arith.constant 0 : i32
      %dma_start3A_78 = tpu.memref_slice %arg17[%dma_start3A_76, %dma_start3A_77] : memref<64x16xf32, #tpu.memory_space<vmem>> -> memref<64x16xf32, #tpu.memory_space<vmem>>
      tpu.enqueue_dma source(%dma_start3A_78 : memref<64x16xf32, #tpu.memory_space<vmem>>) target(%dma_start3A_75 : memref<64x16xf32, #tpu.memory_space<vmem_shared>>) target_semaphore(%run_scoped3A : memref<!tpu.dma_semaphore, #tpu.memory_space<semaphore_mem>>)
      %dma_wait3A = arith.constant 0 : i32
      %dma_wait3A_79 = arith.constant 0 : i32
      %dma_wait3A_80 = tpu.memref_slice %arg17[%dma_wait3A, %dma_wait3A_79] : memref<64x16xf32, #tpu.memory_space<vmem>> -> memref<64x16xf32, #tpu.memory_space<vmem>>
      %dma_wait3A_81 = arith.constant 0 : i32
      %dma_wait3A_82 = tpu.memref_slice %arg9[%add3A_14, %dma_wait3A_81] : memref<10112x16xf32, #tpu.memory_space<vmem_shared>> -> memref<64x16xf32, #tpu.memory_space<vmem_shared>>
      %dma_wait3A_83 = arith.constant 0 : i32
      %dma_wait3A_84 = tpu.memref_slice %arg9[%add3A_14, %dma_wait3A_83] : memref<10112x16xf32, #tpu.memory_space<vmem_shared>> -> memref<64x16xf32, #tpu.memory_space<vmem_shared>>
      %dma_wait3A_85 = arith.constant 0 : i32
      %dma_wait3A_86 = arith.constant 0 : i32
      %dma_wait3A_87 = tpu.memref_slice %arg17[%dma_wait3A_85, %dma_wait3A_86] : memref<64x16xf32, #tpu.memory_space<vmem>> -> memref<64x16xf32, #tpu.memory_space<vmem>>
      tpu.wait_dma2 semaphore(%run_scoped3A : memref<!tpu.dma_semaphore, #tpu.memory_space<semaphore_mem>>) src(%dma_wait3A_87 : memref<64x16xf32, #tpu.memory_space<vmem>>) dst(%dma_wait3A_84 : memref<64x16xf32, #tpu.memory_space<vmem_shared>>)
      tpu.yield
    }) : () -> ()
    %add3A_15 = arith.constant 64 : i32
    %add3A_16 = arith.addi %mul3A_11, %add3A_15 : i32
    "tpu.region"() ({
      %run_scoped3A = tpu.sem_alloc : memref<!tpu.dma_semaphore, #tpu.memory_space<semaphore_mem>>
      %dma_start3A = arith.constant 0 : i32
      %dma_start3A_70 = arith.constant 0 : i32
      %dma_start3A_71 = tpu.memref_slice %arg15[%dma_start3A, %dma_start3A_70] : memref<64x128xf32, #tpu.memory_space<vmem>> -> memref<64x128xf32, #tpu.memory_space<vmem>>
      %dma_start3A_72 = arith.constant 0 : i32
      %dma_start3A_73 = tpu.memref_slice %arg8[%add3A_16, %dma_start3A_72] : memref<10112x128xf32, #tpu.memory_space<vmem_shared>> -> memref<64x128xf32, #tpu.memory_space<vmem_shared>>
      %dma_start3A_74 = arith.constant 0 : i32
      %dma_start3A_75 = tpu.memref_slice %arg8[%add3A_16, %dma_start3A_74] : memref<10112x128xf32, #tpu.memory_space<vmem_shared>> -> memref<64x128xf32, #tpu.memory_space<vmem_shared>>
      %dma_start3A_76 = arith.constant 0 : i32
      %dma_start3A_77 = arith.constant 0 : i32
      %dma_start3A_78 = tpu.memref_slice %arg15[%dma_start3A_76, %dma_start3A_77] : memref<64x128xf32, #tpu.memory_space<vmem>> -> memref<64x128xf32, #tpu.memory_space<vmem>>
      tpu.enqueue_dma source(%dma_start3A_78 : memref<64x128xf32, #tpu.memory_space<vmem>>) target(%dma_start3A_75 : memref<64x128xf32, #tpu.memory_space<vmem_shared>>) target_semaphore(%run_scoped3A : memref<!tpu.dma_semaphore, #tpu.memory_space<semaphore_mem>>)
      %dma_wait3A = arith.constant 0 : i32
      %dma_wait3A_79 = arith.constant 0 : i32
      %dma_wait3A_80 = tpu.memref_slice %arg15[%dma_wait3A, %dma_wait3A_79] : memref<64x128xf32, #tpu.memory_space<vmem>> -> memref<64x128xf32, #tpu.memory_space<vmem>>
      %dma_wait3A_81 = arith.constant 0 : i32
      %dma_wait3A_82 = tpu.memref_slice %arg8[%add3A_16, %dma_wait3A_81] : memref<10112x128xf32, #tpu.memory_space<vmem_shared>> -> memref<64x128xf32, #tpu.memory_space<vmem_shared>>
      %dma_wait3A_83 = arith.constant 0 : i32
      %dma_wait3A_84 = tpu.memref_slice %arg8[%add3A_16, %dma_wait3A_83] : memref<10112x128xf32, #tpu.memory_space<vmem_shared>> -> memref<64x128xf32, #tpu.memory_space<vmem_shared>>
      %dma_wait3A_85 = arith.constant 0 : i32
      %dma_wait3A_86 = arith.constant 0 : i32
      %dma_wait3A_87 = tpu.memref_slice %arg15[%dma_wait3A_85, %dma_wait3A_86] : memref<64x128xf32, #tpu.memory_space<vmem>> -> memref<64x128xf32, #tpu.memory_space<vmem>>
      tpu.wait_dma2 semaphore(%run_scoped3A : memref<!tpu.dma_semaphore, #tpu.memory_space<semaphore_mem>>) src(%dma_wait3A_87 : memref<64x128xf32, #tpu.memory_space<vmem>>) dst(%dma_wait3A_84 : memref<64x128xf32, #tpu.memory_space<vmem_shared>>)
      tpu.yield
    }) : () -> ()
    %add3A_17 = arith.constant 64 : i32
    %add3A_18 = arith.addi %mul3A_11, %add3A_17 : i32
    "tpu.region"() ({
      %run_scoped3A = tpu.sem_alloc : memref<!tpu.dma_semaphore, #tpu.memory_space<semaphore_mem>>
      %dma_start3A = arith.constant 0 : i32
      %dma_start3A_70 = arith.constant 0 : i32
      %dma_start3A_71 = tpu.memref_slice %arg17[%dma_start3A, %dma_start3A_70] : memref<64x16xf32, #tpu.memory_space<vmem>> -> memref<64x16xf32, #tpu.memory_space<vmem>>
      %dma_start3A_72 = arith.constant 0 : i32
      %dma_start3A_73 = tpu.memref_slice %arg9[%add3A_18, %dma_start3A_72] : memref<10112x16xf32, #tpu.memory_space<vmem_shared>> -> memref<64x16xf32, #tpu.memory_space<vmem_shared>>
      %dma_start3A_74 = arith.constant 0 : i32
      %dma_start3A_75 = tpu.memref_slice %arg9[%add3A_18, %dma_start3A_74] : memref<10112x16xf32, #tpu.memory_space<vmem_shared>> -> memref<64x16xf32, #tpu.memory_space<vmem_shared>>
      %dma_start3A_76 = arith.constant 0 : i32
      %dma_start3A_77 = arith.constant 0 : i32
      %dma_start3A_78 = tpu.memref_slice %arg17[%dma_start3A_76, %dma_start3A_77] : memref<64x16xf32, #tpu.memory_space<vmem>> -> memref<64x16xf32, #tpu.memory_space<vmem>>
      tpu.enqueue_dma source(%dma_start3A_78 : memref<64x16xf32, #tpu.memory_space<vmem>>) target(%dma_start3A_75 : memref<64x16xf32, #tpu.memory_space<vmem_shared>>) target_semaphore(%run_scoped3A : memref<!tpu.dma_semaphore, #tpu.memory_space<semaphore_mem>>)
      %dma_wait3A = arith.constant 0 : i32
      %dma_wait3A_79 = arith.constant 0 : i32
      %dma_wait3A_80 = tpu.memref_slice %arg17[%dma_wait3A, %dma_wait3A_79] : memref<64x16xf32, #tpu.memory_space<vmem>> -> memref<64x16xf32, #tpu.memory_space<vmem>>
      %dma_wait3A_81 = arith.constant 0 : i32
      %dma_wait3A_82 = tpu.memref_slice %arg9[%add3A_18, %dma_wait3A_81] : memref<10112x16xf32, #tpu.memory_space<vmem_shared>> -> memref<64x16xf32, #tpu.memory_space<vmem_shared>>
      %dma_wait3A_83 = arith.constant 0 : i32
      %dma_wait3A_84 = tpu.memref_slice %arg9[%add3A_18, %dma_wait3A_83] : memref<10112x16xf32, #tpu.memory_space<vmem_shared>> -> memref<64x16xf32, #tpu.memory_space<vmem_shared>>
      %dma_wait3A_85 = arith.constant 0 : i32
      %dma_wait3A_86 = arith.constant 0 : i32
      %dma_wait3A_87 = tpu.memref_slice %arg17[%dma_wait3A_85, %dma_wait3A_86] : memref<64x16xf32, #tpu.memory_space<vmem>> -> memref<64x16xf32, #tpu.memory_space<vmem>>
      tpu.wait_dma2 semaphore(%run_scoped3A : memref<!tpu.dma_semaphore, #tpu.memory_space<semaphore_mem>>) src(%dma_wait3A_87 : memref<64x16xf32, #tpu.memory_space<vmem>>) dst(%dma_wait3A_84 : memref<64x16xf32, #tpu.memory_space<vmem_shared>>)
      tpu.yield
    }) : () -> ()
    %add3A_19 = arith.constant 128 : i32
    %add3A_20 = arith.addi %mul3A_11, %add3A_19 : i32
    "tpu.region"() ({
      %run_scoped3A = tpu.sem_alloc : memref<!tpu.dma_semaphore, #tpu.memory_space<semaphore_mem>>
      %dma_start3A = arith.constant 0 : i32
      %dma_start3A_70 = arith.constant 0 : i32
      %dma_start3A_71 = tpu.memref_slice %arg15[%dma_start3A, %dma_start3A_70] : memref<64x128xf32, #tpu.memory_space<vmem>> -> memref<64x128xf32, #tpu.memory_space<vmem>>
      %dma_start3A_72 = arith.constant 0 : i32
      %dma_start3A_73 = tpu.memref_slice %arg8[%add3A_20, %dma_start3A_72] : memref<10112x128xf32, #tpu.memory_space<vmem_shared>> -> memref<64x128xf32, #tpu.memory_space<vmem_shared>>
      %dma_start3A_74 = arith.constant 0 : i32
      %dma_start3A_75 = tpu.memref_slice %arg8[%add3A_20, %dma_start3A_74] : memref<10112x128xf32, #tpu.memory_space<vmem_shared>> -> memref<64x128xf32, #tpu.memory_space<vmem_shared>>
      %dma_start3A_76 = arith.constant 0 : i32
      %dma_start3A_77 = arith.constant 0 : i32
      %dma_start3A_78 = tpu.memref_slice %arg15[%dma_start3A_76, %dma_start3A_77] : memref<64x128xf32, #tpu.memory_space<vmem>> -> memref<64x128xf32, #tpu.memory_space<vmem>>
      tpu.enqueue_dma source(%dma_start3A_78 : memref<64x128xf32, #tpu.memory_space<vmem>>) target(%dma_start3A_75 : memref<64x128xf32, #tpu.memory_space<vmem_shared>>) target_semaphore(%run_scoped3A : memref<!tpu.dma_semaphore, #tpu.memory_space<semaphore_mem>>)
      %dma_wait3A = arith.constant 0 : i32
      %dma_wait3A_79 = arith.constant 0 : i32
      %dma_wait3A_80 = tpu.memref_slice %arg15[%dma_wait3A, %dma_wait3A_79] : memref<64x128xf32, #tpu.memory_space<vmem>> -> memref<64x128xf32, #tpu.memory_space<vmem>>
      %dma_wait3A_81 = arith.constant 0 : i32
      %dma_wait3A_82 = tpu.memref_slice %arg8[%add3A_20, %dma_wait3A_81] : memref<10112x128xf32, #tpu.memory_space<vmem_shared>> -> memref<64x128xf32, #tpu.memory_space<vmem_shared>>
      %dma_wait3A_83 = arith.constant 0 : i32
      %dma_wait3A_84 = tpu.memref_slice %arg8[%add3A_20, %dma_wait3A_83] : memref<10112x128xf32, #tpu.memory_space<vmem_shared>> -> memref<64x128xf32, #tpu.memory_space<vmem_shared>>
      %dma_wait3A_85 = arith.constant 0 : i32
      %dma_wait3A_86 = arith.constant 0 : i32
      %dma_wait3A_87 = tpu.memref_slice %arg15[%dma_wait3A_85, %dma_wait3A_86] : memref<64x128xf32, #tpu.memory_space<vmem>> -> memref<64x128xf32, #tpu.memory_space<vmem>>
      tpu.wait_dma2 semaphore(%run_scoped3A : memref<!tpu.dma_semaphore, #tpu.memory_space<semaphore_mem>>) src(%dma_wait3A_87 : memref<64x128xf32, #tpu.memory_space<vmem>>) dst(%dma_wait3A_84 : memref<64x128xf32, #tpu.memory_space<vmem_shared>>)
      tpu.yield
    }) : () -> ()
    %add3A_21 = arith.constant 128 : i32
    %add3A_22 = arith.addi %mul3A_11, %add3A_21 : i32
    "tpu.region"() ({
      %run_scoped3A = tpu.sem_alloc : memref<!tpu.dma_semaphore, #tpu.memory_space<semaphore_mem>>
      %dma_start3A = arith.constant 0 : i32
      %dma_start3A_70 = arith.constant 0 : i32
      %dma_start3A_71 = tpu.memref_slice %arg17[%dma_start3A, %dma_start3A_70] : memref<64x16xf32, #tpu.memory_space<vmem>> -> memref<64x16xf32, #tpu.memory_space<vmem>>
      %dma_start3A_72 = arith.constant 0 : i32
      %dma_start3A_73 = tpu.memref_slice %arg9[%add3A_22, %dma_start3A_72] : memref<10112x16xf32, #tpu.memory_space<vmem_shared>> -> memref<64x16xf32, #tpu.memory_space<vmem_shared>>
      %dma_start3A_74 = arith.constant 0 : i32
      %dma_start3A_75 = tpu.memref_slice %arg9[%add3A_22, %dma_start3A_74] : memref<10112x16xf32, #tpu.memory_space<vmem_shared>> -> memref<64x16xf32, #tpu.memory_space<vmem_shared>>
      %dma_start3A_76 = arith.constant 0 : i32
      %dma_start3A_77 = arith.constant 0 : i32
      %dma_start3A_78 = tpu.memref_slice %arg17[%dma_start3A_76, %dma_start3A_77] : memref<64x16xf32, #tpu.memory_space<vmem>> -> memref<64x16xf32, #tpu.memory_space<vmem>>
      tpu.enqueue_dma source(%dma_start3A_78 : memref<64x16xf32, #tpu.memory_space<vmem>>) target(%dma_start3A_75 : memref<64x16xf32, #tpu.memory_space<vmem_shared>>) target_semaphore(%run_scoped3A : memref<!tpu.dma_semaphore, #tpu.memory_space<semaphore_mem>>)
      %dma_wait3A = arith.constant 0 : i32
      %dma_wait3A_79 = arith.constant 0 : i32
      %dma_wait3A_80 = tpu.memref_slice %arg17[%dma_wait3A, %dma_wait3A_79] : memref<64x16xf32, #tpu.memory_space<vmem>> -> memref<64x16xf32, #tpu.memory_space<vmem>>
      %dma_wait3A_81 = arith.constant 0 : i32
      %dma_wait3A_82 = tpu.memref_slice %arg9[%add3A_22, %dma_wait3A_81] : memref<10112x16xf32, #tpu.memory_space<vmem_shared>> -> memref<64x16xf32, #tpu.memory_space<vmem_shared>>
      %dma_wait3A_83 = arith.constant 0 : i32
      %dma_wait3A_84 = tpu.memref_slice %arg9[%add3A_22, %dma_wait3A_83] : memref<10112x16xf32, #tpu.memory_space<vmem_shared>> -> memref<64x16xf32, #tpu.memory_space<vmem_shared>>
      %dma_wait3A_85 = arith.constant 0 : i32
      %dma_wait3A_86 = arith.constant 0 : i32
      %dma_wait3A_87 = tpu.memref_slice %arg17[%dma_wait3A_85, %dma_wait3A_86] : memref<64x16xf32, #tpu.memory_space<vmem>> -> memref<64x16xf32, #tpu.memory_space<vmem>>
      tpu.wait_dma2 semaphore(%run_scoped3A : memref<!tpu.dma_semaphore, #tpu.memory_space<semaphore_mem>>) src(%dma_wait3A_87 : memref<64x16xf32, #tpu.memory_space<vmem>>) dst(%dma_wait3A_84 : memref<64x16xf32, #tpu.memory_space<vmem_shared>>)
      tpu.yield
    }) : () -> ()
    %add3A_23 = arith.constant 192 : i32
    %add3A_24 = arith.addi %mul3A_11, %add3A_23 : i32
    "tpu.region"() ({
      %run_scoped3A = tpu.sem_alloc : memref<!tpu.dma_semaphore, #tpu.memory_space<semaphore_mem>>
      %dma_start3A = arith.constant 0 : i32
      %dma_start3A_70 = arith.constant 0 : i32
      %dma_start3A_71 = tpu.memref_slice %arg15[%dma_start3A, %dma_start3A_70] : memref<64x128xf32, #tpu.memory_space<vmem>> -> memref<64x128xf32, #tpu.memory_space<vmem>>
      %dma_start3A_72 = arith.constant 0 : i32
      %dma_start3A_73 = tpu.memref_slice %arg8[%add3A_24, %dma_start3A_72] : memref<10112x128xf32, #tpu.memory_space<vmem_shared>> -> memref<64x128xf32, #tpu.memory_space<vmem_shared>>
      %dma_start3A_74 = arith.constant 0 : i32
      %dma_start3A_75 = tpu.memref_slice %arg8[%add3A_24, %dma_start3A_74] : memref<10112x128xf32, #tpu.memory_space<vmem_shared>> -> memref<64x128xf32, #tpu.memory_space<vmem_shared>>
      %dma_start3A_76 = arith.constant 0 : i32
      %dma_start3A_77 = arith.constant 0 : i32
      %dma_start3A_78 = tpu.memref_slice %arg15[%dma_start3A_76, %dma_start3A_77] : memref<64x128xf32, #tpu.memory_space<vmem>> -> memref<64x128xf32, #tpu.memory_space<vmem>>
      tpu.enqueue_dma source(%dma_start3A_78 : memref<64x128xf32, #tpu.memory_space<vmem>>) target(%dma_start3A_75 : memref<64x128xf32, #tpu.memory_space<vmem_shared>>) target_semaphore(%run_scoped3A : memref<!tpu.dma_semaphore, #tpu.memory_space<semaphore_mem>>)
      %dma_wait3A = arith.constant 0 : i32
      %dma_wait3A_79 = arith.constant 0 : i32
      %dma_wait3A_80 = tpu.memref_slice %arg15[%dma_wait3A, %dma_wait3A_79] : memref<64x128xf32, #tpu.memory_space<vmem>> -> memref<64x128xf32, #tpu.memory_space<vmem>>
      %dma_wait3A_81 = arith.constant 0 : i32
      %dma_wait3A_82 = tpu.memref_slice %arg8[%add3A_24, %dma_wait3A_81] : memref<10112x128xf32, #tpu.memory_space<vmem_shared>> -> memref<64x128xf32, #tpu.memory_space<vmem_shared>>
      %dma_wait3A_83 = arith.constant 0 : i32
      %dma_wait3A_84 = tpu.memref_slice %arg8[%add3A_24, %dma_wait3A_83] : memref<10112x128xf32, #tpu.memory_space<vmem_shared>> -> memref<64x128xf32, #tpu.memory_space<vmem_shared>>
      %dma_wait3A_85 = arith.constant 0 : i32
      %dma_wait3A_86 = arith.constant 0 : i32
      %dma_wait3A_87 = tpu.memref_slice %arg15[%dma_wait3A_85, %dma_wait3A_86] : memref<64x128xf32, #tpu.memory_space<vmem>> -> memref<64x128xf32, #tpu.memory_space<vmem>>
      tpu.wait_dma2 semaphore(%run_scoped3A : memref<!tpu.dma_semaphore, #tpu.memory_space<semaphore_mem>>) src(%dma_wait3A_87 : memref<64x128xf32, #tpu.memory_space<vmem>>) dst(%dma_wait3A_84 : memref<64x128xf32, #tpu.memory_space<vmem_shared>>)
      tpu.yield
    }) : () -> ()
    %add3A_25 = arith.constant 192 : i32
    %add3A_26 = arith.addi %mul3A_11, %add3A_25 : i32
    "tpu.region"() ({
      %run_scoped3A = tpu.sem_alloc : memref<!tpu.dma_semaphore, #tpu.memory_space<semaphore_mem>>
      %dma_start3A = arith.constant 0 : i32
      %dma_start3A_70 = arith.constant 0 : i32
      %dma_start3A_71 = tpu.memref_slice %arg17[%dma_start3A, %dma_start3A_70] : memref<64x16xf32, #tpu.memory_space<vmem>> -> memref<64x16xf32, #tpu.memory_space<vmem>>
      %dma_start3A_72 = arith.constant 0 : i32
      %dma_start3A_73 = tpu.memref_slice %arg9[%add3A_26, %dma_start3A_72] : memref<10112x16xf32, #tpu.memory_space<vmem_shared>> -> memref<64x16xf32, #tpu.memory_space<vmem_shared>>
      %dma_start3A_74 = arith.constant 0 : i32
      %dma_start3A_75 = tpu.memref_slice %arg9[%add3A_26, %dma_start3A_74] : memref<10112x16xf32, #tpu.memory_space<vmem_shared>> -> memref<64x16xf32, #tpu.memory_space<vmem_shared>>
      %dma_start3A_76 = arith.constant 0 : i32
      %dma_start3A_77 = arith.constant 0 : i32
      %dma_start3A_78 = tpu.memref_slice %arg17[%dma_start3A_76, %dma_start3A_77] : memref<64x16xf32, #tpu.memory_space<vmem>> -> memref<64x16xf32, #tpu.memory_space<vmem>>
      tpu.enqueue_dma source(%dma_start3A_78 : memref<64x16xf32, #tpu.memory_space<vmem>>) target(%dma_start3A_75 : memref<64x16xf32, #tpu.memory_space<vmem_shared>>) target_semaphore(%run_scoped3A : memref<!tpu.dma_semaphore, #tpu.memory_space<semaphore_mem>>)
      %dma_wait3A = arith.constant 0 : i32
      %dma_wait3A_79 = arith.constant 0 : i32
      %dma_wait3A_80 = tpu.memref_slice %arg17[%dma_wait3A, %dma_wait3A_79] : memref<64x16xf32, #tpu.memory_space<vmem>> -> memref<64x16xf32, #tpu.memory_space<vmem>>
      %dma_wait3A_81 = arith.constant 0 : i32
      %dma_wait3A_82 = tpu.memref_slice %arg9[%add3A_26, %dma_wait3A_81] : memref<10112x16xf32, #tpu.memory_space<vmem_shared>> -> memref<64x16xf32, #tpu.memory_space<vmem_shared>>
      %dma_wait3A_83 = arith.constant 0 : i32
      %dma_wait3A_84 = tpu.memref_slice %arg9[%add3A_26, %dma_wait3A_83] : memref<10112x16xf32, #tpu.memory_space<vmem_shared>> -> memref<64x16xf32, #tpu.memory_space<vmem_shared>>
      %dma_wait3A_85 = arith.constant 0 : i32
      %dma_wait3A_86 = arith.constant 0 : i32
      %dma_wait3A_87 = tpu.memref_slice %arg17[%dma_wait3A_85, %dma_wait3A_86] : memref<64x16xf32, #tpu.memory_space<vmem>> -> memref<64x16xf32, #tpu.memory_space<vmem>>
      tpu.wait_dma2 semaphore(%run_scoped3A : memref<!tpu.dma_semaphore, #tpu.memory_space<semaphore_mem>>) src(%dma_wait3A_87 : memref<64x16xf32, #tpu.memory_space<vmem>>) dst(%dma_wait3A_84 : memref<64x16xf32, #tpu.memory_space<vmem_shared>>)
      tpu.yield
    }) : () -> ()
    %add3A_27 = arith.constant 256 : i32
    %add3A_28 = arith.addi %mul3A_11, %add3A_27 : i32
    "tpu.region"() ({
      %run_scoped3A = tpu.sem_alloc : memref<!tpu.dma_semaphore, #tpu.memory_space<semaphore_mem>>
      %dma_start3A = arith.constant 0 : i32
      %dma_start3A_70 = arith.constant 0 : i32
      %dma_start3A_71 = tpu.memref_slice %arg15[%dma_start3A, %dma_start3A_70] : memref<64x128xf32, #tpu.memory_space<vmem>> -> memref<64x128xf32, #tpu.memory_space<vmem>>
      %dma_start3A_72 = arith.constant 0 : i32
      %dma_start3A_73 = tpu.memref_slice %arg8[%add3A_28, %dma_start3A_72] : memref<10112x128xf32, #tpu.memory_space<vmem_shared>> -> memref<64x128xf32, #tpu.memory_space<vmem_shared>>
      %dma_start3A_74 = arith.constant 0 : i32
      %dma_start3A_75 = tpu.memref_slice %arg8[%add3A_28, %dma_start3A_74] : memref<10112x128xf32, #tpu.memory_space<vmem_shared>> -> memref<64x128xf32, #tpu.memory_space<vmem_shared>>
      %dma_start3A_76 = arith.constant 0 : i32
      %dma_start3A_77 = arith.constant 0 : i32
      %dma_start3A_78 = tpu.memref_slice %arg15[%dma_start3A_76, %dma_start3A_77] : memref<64x128xf32, #tpu.memory_space<vmem>> -> memref<64x128xf32, #tpu.memory_space<vmem>>
      tpu.enqueue_dma source(%dma_start3A_78 : memref<64x128xf32, #tpu.memory_space<vmem>>) target(%dma_start3A_75 : memref<64x128xf32, #tpu.memory_space<vmem_shared>>) target_semaphore(%run_scoped3A : memref<!tpu.dma_semaphore, #tpu.memory_space<semaphore_mem>>)
      %dma_wait3A = arith.constant 0 : i32
      %dma_wait3A_79 = arith.constant 0 : i32
      %dma_wait3A_80 = tpu.memref_slice %arg15[%dma_wait3A, %dma_wait3A_79] : memref<64x128xf32, #tpu.memory_space<vmem>> -> memref<64x128xf32, #tpu.memory_space<vmem>>
      %dma_wait3A_81 = arith.constant 0 : i32
      %dma_wait3A_82 = tpu.memref_slice %arg8[%add3A_28, %dma_wait3A_81] : memref<10112x128xf32, #tpu.memory_space<vmem_shared>> -> memref<64x128xf32, #tpu.memory_space<vmem_shared>>
      %dma_wait3A_83 = arith.constant 0 : i32
      %dma_wait3A_84 = tpu.memref_slice %arg8[%add3A_28, %dma_wait3A_83] : memref<10112x128xf32, #tpu.memory_space<vmem_shared>> -> memref<64x128xf32, #tpu.memory_space<vmem_shared>>
      %dma_wait3A_85 = arith.constant 0 : i32
      %dma_wait3A_86 = arith.constant 0 : i32
      %dma_wait3A_87 = tpu.memref_slice %arg15[%dma_wait3A_85, %dma_wait3A_86] : memref<64x128xf32, #tpu.memory_space<vmem>> -> memref<64x128xf32, #tpu.memory_space<vmem>>
      tpu.wait_dma2 semaphore(%run_scoped3A : memref<!tpu.dma_semaphore, #tpu.memory_space<semaphore_mem>>) src(%dma_wait3A_87 : memref<64x128xf32, #tpu.memory_space<vmem>>) dst(%dma_wait3A_84 : memref<64x128xf32, #tpu.memory_space<vmem_shared>>)
      tpu.yield
    }) : () -> ()
    %add3A_29 = arith.constant 256 : i32
    %add3A_30 = arith.addi %mul3A_11, %add3A_29 : i32
    "tpu.region"() ({
      %run_scoped3A = tpu.sem_alloc : memref<!tpu.dma_semaphore, #tpu.memory_space<semaphore_mem>>
      %dma_start3A = arith.constant 0 : i32
      %dma_start3A_70 = arith.constant 0 : i32
      %dma_start3A_71 = tpu.memref_slice %arg17[%dma_start3A, %dma_start3A_70] : memref<64x16xf32, #tpu.memory_space<vmem>> -> memref<64x16xf32, #tpu.memory_space<vmem>>
      %dma_start3A_72 = arith.constant 0 : i32
      %dma_start3A_73 = tpu.memref_slice %arg9[%add3A_30, %dma_start3A_72] : memref<10112x16xf32, #tpu.memory_space<vmem_shared>> -> memref<64x16xf32, #tpu.memory_space<vmem_shared>>
      %dma_start3A_74 = arith.constant 0 : i32
      %dma_start3A_75 = tpu.memref_slice %arg9[%add3A_30, %dma_start3A_74] : memref<10112x16xf32, #tpu.memory_space<vmem_shared>> -> memref<64x16xf32, #tpu.memory_space<vmem_shared>>
      %dma_start3A_76 = arith.constant 0 : i32
      %dma_start3A_77 = arith.constant 0 : i32
      %dma_start3A_78 = tpu.memref_slice %arg17[%dma_start3A_76, %dma_start3A_77] : memref<64x16xf32, #tpu.memory_space<vmem>> -> memref<64x16xf32, #tpu.memory_space<vmem>>
      tpu.enqueue_dma source(%dma_start3A_78 : memref<64x16xf32, #tpu.memory_space<vmem>>) target(%dma_start3A_75 : memref<64x16xf32, #tpu.memory_space<vmem_shared>>) target_semaphore(%run_scoped3A : memref<!tpu.dma_semaphore, #tpu.memory_space<semaphore_mem>>)
      %dma_wait3A = arith.constant 0 : i32
      %dma_wait3A_79 = arith.constant 0 : i32
      %dma_wait3A_80 = tpu.memref_slice %arg17[%dma_wait3A, %dma_wait3A_79] : memref<64x16xf32, #tpu.memory_space<vmem>> -> memref<64x16xf32, #tpu.memory_space<vmem>>
      %dma_wait3A_81 = arith.constant 0 : i32
      %dma_wait3A_82 = tpu.memref_slice %arg9[%add3A_30, %dma_wait3A_81] : memref<10112x16xf32, #tpu.memory_space<vmem_shared>> -> memref<64x16xf32, #tpu.memory_space<vmem_shared>>
      %dma_wait3A_83 = arith.constant 0 : i32
      %dma_wait3A_84 = tpu.memref_slice %arg9[%add3A_30, %dma_wait3A_83] : memref<10112x16xf32, #tpu.memory_space<vmem_shared>> -> memref<64x16xf32, #tpu.memory_space<vmem_shared>>
      %dma_wait3A_85 = arith.constant 0 : i32
      %dma_wait3A_86 = arith.constant 0 : i32
      %dma_wait3A_87 = tpu.memref_slice %arg17[%dma_wait3A_85, %dma_wait3A_86] : memref<64x16xf32, #tpu.memory_space<vmem>> -> memref<64x16xf32, #tpu.memory_space<vmem>>
      tpu.wait_dma2 semaphore(%run_scoped3A : memref<!tpu.dma_semaphore, #tpu.memory_space<semaphore_mem>>) src(%dma_wait3A_87 : memref<64x16xf32, #tpu.memory_space<vmem>>) dst(%dma_wait3A_84 : memref<64x16xf32, #tpu.memory_space<vmem_shared>>)
      tpu.yield
    }) : () -> ()
    %add3A_31 = arith.constant 320 : i32
    %add3A_32 = arith.addi %mul3A_11, %add3A_31 : i32
    "tpu.region"() ({
      %run_scoped3A = tpu.sem_alloc : memref<!tpu.dma_semaphore, #tpu.memory_space<semaphore_mem>>
      %dma_start3A = arith.constant 0 : i32
      %dma_start3A_70 = arith.constant 0 : i32
      %dma_start3A_71 = tpu.memref_slice %arg15[%dma_start3A, %dma_start3A_70] : memref<64x128xf32, #tpu.memory_space<vmem>> -> memref<64x128xf32, #tpu.memory_space<vmem>>
      %dma_start3A_72 = arith.constant 0 : i32
      %dma_start3A_73 = tpu.memref_slice %arg8[%add3A_32, %dma_start3A_72] : memref<10112x128xf32, #tpu.memory_space<vmem_shared>> -> memref<64x128xf32, #tpu.memory_space<vmem_shared>>
      %dma_start3A_74 = arith.constant 0 : i32
      %dma_start3A_75 = tpu.memref_slice %arg8[%add3A_32, %dma_start3A_74] : memref<10112x128xf32, #tpu.memory_space<vmem_shared>> -> memref<64x128xf32, #tpu.memory_space<vmem_shared>>
      %dma_start3A_76 = arith.constant 0 : i32
      %dma_start3A_77 = arith.constant 0 : i32
      %dma_start3A_78 = tpu.memref_slice %arg15[%dma_start3A_76, %dma_start3A_77] : memref<64x128xf32, #tpu.memory_space<vmem>> -> memref<64x128xf32, #tpu.memory_space<vmem>>
      tpu.enqueue_dma source(%dma_start3A_78 : memref<64x128xf32, #tpu.memory_space<vmem>>) target(%dma_start3A_75 : memref<64x128xf32, #tpu.memory_space<vmem_shared>>) target_semaphore(%run_scoped3A : memref<!tpu.dma_semaphore, #tpu.memory_space<semaphore_mem>>)
      %dma_wait3A = arith.constant 0 : i32
      %dma_wait3A_79 = arith.constant 0 : i32
      %dma_wait3A_80 = tpu.memref_slice %arg15[%dma_wait3A, %dma_wait3A_79] : memref<64x128xf32, #tpu.memory_space<vmem>> -> memref<64x128xf32, #tpu.memory_space<vmem>>
      %dma_wait3A_81 = arith.constant 0 : i32
      %dma_wait3A_82 = tpu.memref_slice %arg8[%add3A_32, %dma_wait3A_81] : memref<10112x128xf32, #tpu.memory_space<vmem_shared>> -> memref<64x128xf32, #tpu.memory_space<vmem_shared>>
      %dma_wait3A_83 = arith.constant 0 : i32
      %dma_wait3A_84 = tpu.memref_slice %arg8[%add3A_32, %dma_wait3A_83] : memref<10112x128xf32, #tpu.memory_space<vmem_shared>> -> memref<64x128xf32, #tpu.memory_space<vmem_shared>>
      %dma_wait3A_85 = arith.constant 0 : i32
      %dma_wait3A_86 = arith.constant 0 : i32
      %dma_wait3A_87 = tpu.memref_slice %arg15[%dma_wait3A_85, %dma_wait3A_86] : memref<64x128xf32, #tpu.memory_space<vmem>> -> memref<64x128xf32, #tpu.memory_space<vmem>>
      tpu.wait_dma2 semaphore(%run_scoped3A : memref<!tpu.dma_semaphore, #tpu.memory_space<semaphore_mem>>) src(%dma_wait3A_87 : memref<64x128xf32, #tpu.memory_space<vmem>>) dst(%dma_wait3A_84 : memref<64x128xf32, #tpu.memory_space<vmem_shared>>)
      tpu.yield
    }) : () -> ()
    %add3A_33 = arith.constant 320 : i32
    %add3A_34 = arith.addi %mul3A_11, %add3A_33 : i32
    "tpu.region"() ({
      %run_scoped3A = tpu.sem_alloc : memref<!tpu.dma_semaphore, #tpu.memory_space<semaphore_mem>>
      %dma_start3A = arith.constant 0 : i32
      %dma_start3A_70 = arith.constant 0 : i32
      %dma_start3A_71 = tpu.memref_slice %arg17[%dma_start3A, %dma_start3A_70] : memref<64x16xf32, #tpu.memory_space<vmem>> -> memref<64x16xf32, #tpu.memory_space<vmem>>
      %dma_start3A_72 = arith.constant 0 : i32
      %dma_start3A_73 = tpu.memref_slice %arg9[%add3A_34, %dma_start3A_72] : memref<10112x16xf32, #tpu.memory_space<vmem_shared>> -> memref<64x16xf32, #tpu.memory_space<vmem_shared>>
      %dma_start3A_74 = arith.constant 0 : i32
      %dma_start3A_75 = tpu.memref_slice %arg9[%add3A_34, %dma_start3A_74] : memref<10112x16xf32, #tpu.memory_space<vmem_shared>> -> memref<64x16xf32, #tpu.memory_space<vmem_shared>>
      %dma_start3A_76 = arith.constant 0 : i32
      %dma_start3A_77 = arith.constant 0 : i32
      %dma_start3A_78 = tpu.memref_slice %arg17[%dma_start3A_76, %dma_start3A_77] : memref<64x16xf32, #tpu.memory_space<vmem>> -> memref<64x16xf32, #tpu.memory_space<vmem>>
      tpu.enqueue_dma source(%dma_start3A_78 : memref<64x16xf32, #tpu.memory_space<vmem>>) target(%dma_start3A_75 : memref<64x16xf32, #tpu.memory_space<vmem_shared>>) target_semaphore(%run_scoped3A : memref<!tpu.dma_semaphore, #tpu.memory_space<semaphore_mem>>)
      %dma_wait3A = arith.constant 0 : i32
      %dma_wait3A_79 = arith.constant 0 : i32
      %dma_wait3A_80 = tpu.memref_slice %arg17[%dma_wait3A, %dma_wait3A_79] : memref<64x16xf32, #tpu.memory_space<vmem>> -> memref<64x16xf32, #tpu.memory_space<vmem>>
      %dma_wait3A_81 = arith.constant 0 : i32
      %dma_wait3A_82 = tpu.memref_slice %arg9[%add3A_34, %dma_wait3A_81] : memref<10112x16xf32, #tpu.memory_space<vmem_shared>> -> memref<64x16xf32, #tpu.memory_space<vmem_shared>>
      %dma_wait3A_83 = arith.constant 0 : i32
      %dma_wait3A_84 = tpu.memref_slice %arg9[%add3A_34, %dma_wait3A_83] : memref<10112x16xf32, #tpu.memory_space<vmem_shared>> -> memref<64x16xf32, #tpu.memory_space<vmem_shared>>
      %dma_wait3A_85 = arith.constant 0 : i32
      %dma_wait3A_86 = arith.constant 0 : i32
      %dma_wait3A_87 = tpu.memref_slice %arg17[%dma_wait3A_85, %dma_wait3A_86] : memref<64x16xf32, #tpu.memory_space<vmem>> -> memref<64x16xf32, #tpu.memory_space<vmem>>
      tpu.wait_dma2 semaphore(%run_scoped3A : memref<!tpu.dma_semaphore, #tpu.memory_space<semaphore_mem>>) src(%dma_wait3A_87 : memref<64x16xf32, #tpu.memory_space<vmem>>) dst(%dma_wait3A_84 : memref<64x16xf32, #tpu.memory_space<vmem_shared>>)
      tpu.yield
    }) : () -> ()
    %add3A_35 = arith.constant 384 : i32
    %add3A_36 = arith.addi %mul3A_11, %add3A_35 : i32
    "tpu.region"() ({
      %run_scoped3A = tpu.sem_alloc : memref<!tpu.dma_semaphore, #tpu.memory_space<semaphore_mem>>
      %dma_start3A = arith.constant 0 : i32
      %dma_start3A_70 = arith.constant 0 : i32
      %dma_start3A_71 = tpu.memref_slice %arg15[%dma_start3A, %dma_start3A_70] : memref<64x128xf32, #tpu.memory_space<vmem>> -> memref<64x128xf32, #tpu.memory_space<vmem>>
      %dma_start3A_72 = arith.constant 0 : i32
      %dma_start3A_73 = tpu.memref_slice %arg8[%add3A_36, %dma_start3A_72] : memref<10112x128xf32, #tpu.memory_space<vmem_shared>> -> memref<64x128xf32, #tpu.memory_space<vmem_shared>>
      %dma_start3A_74 = arith.constant 0 : i32
      %dma_start3A_75 = tpu.memref_slice %arg8[%add3A_36, %dma_start3A_74] : memref<10112x128xf32, #tpu.memory_space<vmem_shared>> -> memref<64x128xf32, #tpu.memory_space<vmem_shared>>
      %dma_start3A_76 = arith.constant 0 : i32
      %dma_start3A_77 = arith.constant 0 : i32
      %dma_start3A_78 = tpu.memref_slice %arg15[%dma_start3A_76, %dma_start3A_77] : memref<64x128xf32, #tpu.memory_space<vmem>> -> memref<64x128xf32, #tpu.memory_space<vmem>>
      tpu.enqueue_dma source(%dma_start3A_78 : memref<64x128xf32, #tpu.memory_space<vmem>>) target(%dma_start3A_75 : memref<64x128xf32, #tpu.memory_space<vmem_shared>>) target_semaphore(%run_scoped3A : memref<!tpu.dma_semaphore, #tpu.memory_space<semaphore_mem>>)
      %dma_wait3A = arith.constant 0 : i32
      %dma_wait3A_79 = arith.constant 0 : i32
      %dma_wait3A_80 = tpu.memref_slice %arg15[%dma_wait3A, %dma_wait3A_79] : memref<64x128xf32, #tpu.memory_space<vmem>> -> memref<64x128xf32, #tpu.memory_space<vmem>>
      %dma_wait3A_81 = arith.constant 0 : i32
      %dma_wait3A_82 = tpu.memref_slice %arg8[%add3A_36, %dma_wait3A_81] : memref<10112x128xf32, #tpu.memory_space<vmem_shared>> -> memref<64x128xf32, #tpu.memory_space<vmem_shared>>
      %dma_wait3A_83 = arith.constant 0 : i32
      %dma_wait3A_84 = tpu.memref_slice %arg8[%add3A_36, %dma_wait3A_83] : memref<10112x128xf32, #tpu.memory_space<vmem_shared>> -> memref<64x128xf32, #tpu.memory_space<vmem_shared>>
      %dma_wait3A_85 = arith.constant 0 : i32
      %dma_wait3A_86 = arith.constant 0 : i32
      %dma_wait3A_87 = tpu.memref_slice %arg15[%dma_wait3A_85, %dma_wait3A_86] : memref<64x128xf32, #tpu.memory_space<vmem>> -> memref<64x128xf32, #tpu.memory_space<vmem>>
      tpu.wait_dma2 semaphore(%run_scoped3A : memref<!tpu.dma_semaphore, #tpu.memory_space<semaphore_mem>>) src(%dma_wait3A_87 : memref<64x128xf32, #tpu.memory_space<vmem>>) dst(%dma_wait3A_84 : memref<64x128xf32, #tpu.memory_space<vmem_shared>>)
      tpu.yield
    }) : () -> ()
    %add3A_37 = arith.constant 384 : i32
    %add3A_38 = arith.addi %mul3A_11, %add3A_37 : i32
    "tpu.region"() ({
      %run_scoped3A = tpu.sem_alloc : memref<!tpu.dma_semaphore, #tpu.memory_space<semaphore_mem>>
      %dma_start3A = arith.constant 0 : i32
      %dma_start3A_70 = arith.constant 0 : i32
      %dma_start3A_71 = tpu.memref_slice %arg17[%dma_start3A, %dma_start3A_70] : memref<64x16xf32, #tpu.memory_space<vmem>> -> memref<64x16xf32, #tpu.memory_space<vmem>>
      %dma_start3A_72 = arith.constant 0 : i32
      %dma_start3A_73 = tpu.memref_slice %arg9[%add3A_38, %dma_start3A_72] : memref<10112x16xf32, #tpu.memory_space<vmem_shared>> -> memref<64x16xf32, #tpu.memory_space<vmem_shared>>
      %dma_start3A_74 = arith.constant 0 : i32
      %dma_start3A_75 = tpu.memref_slice %arg9[%add3A_38, %dma_start3A_74] : memref<10112x16xf32, #tpu.memory_space<vmem_shared>> -> memref<64x16xf32, #tpu.memory_space<vmem_shared>>
      %dma_start3A_76 = arith.constant 0 : i32
      %dma_start3A_77 = arith.constant 0 : i32
      %dma_start3A_78 = tpu.memref_slice %arg17[%dma_start3A_76, %dma_start3A_77] : memref<64x16xf32, #tpu.memory_space<vmem>> -> memref<64x16xf32, #tpu.memory_space<vmem>>
      tpu.enqueue_dma source(%dma_start3A_78 : memref<64x16xf32, #tpu.memory_space<vmem>>) target(%dma_start3A_75 : memref<64x16xf32, #tpu.memory_space<vmem_shared>>) target_semaphore(%run_scoped3A : memref<!tpu.dma_semaphore, #tpu.memory_space<semaphore_mem>>)
      %dma_wait3A = arith.constant 0 : i32
      %dma_wait3A_79 = arith.constant 0 : i32
      %dma_wait3A_80 = tpu.memref_slice %arg17[%dma_wait3A, %dma_wait3A_79] : memref<64x16xf32, #tpu.memory_space<vmem>> -> memref<64x16xf32, #tpu.memory_space<vmem>>
      %dma_wait3A_81 = arith.constant 0 : i32
      %dma_wait3A_82 = tpu.memref_slice %arg9[%add3A_38, %dma_wait3A_81] : memref<10112x16xf32, #tpu.memory_space<vmem_shared>> -> memref<64x16xf32, #tpu.memory_space<vmem_shared>>
      %dma_wait3A_83 = arith.constant 0 : i32
      %dma_wait3A_84 = tpu.memref_slice %arg9[%add3A_38, %dma_wait3A_83] : memref<10112x16xf32, #tpu.memory_space<vmem_shared>> -> memref<64x16xf32, #tpu.memory_space<vmem_shared>>
      %dma_wait3A_85 = arith.constant 0 : i32
      %dma_wait3A_86 = arith.constant 0 : i32
      %dma_wait3A_87 = tpu.memref_slice %arg17[%dma_wait3A_85, %dma_wait3A_86] : memref<64x16xf32, #tpu.memory_space<vmem>> -> memref<64x16xf32, #tpu.memory_space<vmem>>
      tpu.wait_dma2 semaphore(%run_scoped3A : memref<!tpu.dma_semaphore, #tpu.memory_space<semaphore_mem>>) src(%dma_wait3A_87 : memref<64x16xf32, #tpu.memory_space<vmem>>) dst(%dma_wait3A_84 : memref<64x16xf32, #tpu.memory_space<vmem_shared>>)
      tpu.yield
    }) : () -> ()
    %add3A_39 = arith.constant 448 : i32
    %add3A_40 = arith.addi %mul3A_11, %add3A_39 : i32
    "tpu.region"() ({
      %run_scoped3A = tpu.sem_alloc : memref<!tpu.dma_semaphore, #tpu.memory_space<semaphore_mem>>
      %dma_start3A = arith.constant 0 : i32
      %dma_start3A_70 = arith.constant 0 : i32
      %dma_start3A_71 = tpu.memref_slice %arg15[%dma_start3A, %dma_start3A_70] : memref<64x128xf32, #tpu.memory_space<vmem>> -> memref<64x128xf32, #tpu.memory_space<vmem>>
      %dma_start3A_72 = arith.constant 0 : i32
      %dma_start3A_73 = tpu.memref_slice %arg8[%add3A_40, %dma_start3A_72] : memref<10112x128xf32, #tpu.memory_space<vmem_shared>> -> memref<64x128xf32, #tpu.memory_space<vmem_shared>>
      %dma_start3A_74 = arith.constant 0 : i32
      %dma_start3A_75 = tpu.memref_slice %arg8[%add3A_40, %dma_start3A_74] : memref<10112x128xf32, #tpu.memory_space<vmem_shared>> -> memref<64x128xf32, #tpu.memory_space<vmem_shared>>
      %dma_start3A_76 = arith.constant 0 : i32
      %dma_start3A_77 = arith.constant 0 : i32
      %dma_start3A_78 = tpu.memref_slice %arg15[%dma_start3A_76, %dma_start3A_77] : memref<64x128xf32, #tpu.memory_space<vmem>> -> memref<64x128xf32, #tpu.memory_space<vmem>>
      tpu.enqueue_dma source(%dma_start3A_78 : memref<64x128xf32, #tpu.memory_space<vmem>>) target(%dma_start3A_75 : memref<64x128xf32, #tpu.memory_space<vmem_shared>>) target_semaphore(%run_scoped3A : memref<!tpu.dma_semaphore, #tpu.memory_space<semaphore_mem>>)
      %dma_wait3A = arith.constant 0 : i32
      %dma_wait3A_79 = arith.constant 0 : i32
      %dma_wait3A_80 = tpu.memref_slice %arg15[%dma_wait3A, %dma_wait3A_79] : memref<64x128xf32, #tpu.memory_space<vmem>> -> memref<64x128xf32, #tpu.memory_space<vmem>>
      %dma_wait3A_81 = arith.constant 0 : i32
      %dma_wait3A_82 = tpu.memref_slice %arg8[%add3A_40, %dma_wait3A_81] : memref<10112x128xf32, #tpu.memory_space<vmem_shared>> -> memref<64x128xf32, #tpu.memory_space<vmem_shared>>
      %dma_wait3A_83 = arith.constant 0 : i32
      %dma_wait3A_84 = tpu.memref_slice %arg8[%add3A_40, %dma_wait3A_83] : memref<10112x128xf32, #tpu.memory_space<vmem_shared>> -> memref<64x128xf32, #tpu.memory_space<vmem_shared>>
      %dma_wait3A_85 = arith.constant 0 : i32
      %dma_wait3A_86 = arith.constant 0 : i32
      %dma_wait3A_87 = tpu.memref_slice %arg15[%dma_wait3A_85, %dma_wait3A_86] : memref<64x128xf32, #tpu.memory_space<vmem>> -> memref<64x128xf32, #tpu.memory_space<vmem>>
      tpu.wait_dma2 semaphore(%run_scoped3A : memref<!tpu.dma_semaphore, #tpu.memory_space<semaphore_mem>>) src(%dma_wait3A_87 : memref<64x128xf32, #tpu.memory_space<vmem>>) dst(%dma_wait3A_84 : memref<64x128xf32, #tpu.memory_space<vmem_shared>>)
      tpu.yield
    }) : () -> ()
    %add3A_41 = arith.constant 448 : i32
    %add3A_42 = arith.addi %mul3A_11, %add3A_41 : i32
    "tpu.region"() ({
      %run_scoped3A = tpu.sem_alloc : memref<!tpu.dma_semaphore, #tpu.memory_space<semaphore_mem>>
      %dma_start3A = arith.constant 0 : i32
      %dma_start3A_70 = arith.constant 0 : i32
      %dma_start3A_71 = tpu.memref_slice %arg17[%dma_start3A, %dma_start3A_70] : memref<64x16xf32, #tpu.memory_space<vmem>> -> memref<64x16xf32, #tpu.memory_space<vmem>>
      %dma_start3A_72 = arith.constant 0 : i32
      %dma_start3A_73 = tpu.memref_slice %arg9[%add3A_42, %dma_start3A_72] : memref<10112x16xf32, #tpu.memory_space<vmem_shared>> -> memref<64x16xf32, #tpu.memory_space<vmem_shared>>
      %dma_start3A_74 = arith.constant 0 : i32
      %dma_start3A_75 = tpu.memref_slice %arg9[%add3A_42, %dma_start3A_74] : memref<10112x16xf32, #tpu.memory_space<vmem_shared>> -> memref<64x16xf32, #tpu.memory_space<vmem_shared>>
      %dma_start3A_76 = arith.constant 0 : i32
      %dma_start3A_77 = arith.constant 0 : i32
      %dma_start3A_78 = tpu.memref_slice %arg17[%dma_start3A_76, %dma_start3A_77] : memref<64x16xf32, #tpu.memory_space<vmem>> -> memref<64x16xf32, #tpu.memory_space<vmem>>
      tpu.enqueue_dma source(%dma_start3A_78 : memref<64x16xf32, #tpu.memory_space<vmem>>) target(%dma_start3A_75 : memref<64x16xf32, #tpu.memory_space<vmem_shared>>) target_semaphore(%run_scoped3A : memref<!tpu.dma_semaphore, #tpu.memory_space<semaphore_mem>>)
      %dma_wait3A = arith.constant 0 : i32
      %dma_wait3A_79 = arith.constant 0 : i32
      %dma_wait3A_80 = tpu.memref_slice %arg17[%dma_wait3A, %dma_wait3A_79] : memref<64x16xf32, #tpu.memory_space<vmem>> -> memref<64x16xf32, #tpu.memory_space<vmem>>
      %dma_wait3A_81 = arith.constant 0 : i32
      %dma_wait3A_82 = tpu.memref_slice %arg9[%add3A_42, %dma_wait3A_81] : memref<10112x16xf32, #tpu.memory_space<vmem_shared>> -> memref<64x16xf32, #tpu.memory_space<vmem_shared>>
      %dma_wait3A_83 = arith.constant 0 : i32
      %dma_wait3A_84 = tpu.memref_slice %arg9[%add3A_42, %dma_wait3A_83] : memref<10112x16xf32, #tpu.memory_space<vmem_shared>> -> memref<64x16xf32, #tpu.memory_space<vmem_shared>>
      %dma_wait3A_85 = arith.constant 0 : i32
      %dma_wait3A_86 = arith.constant 0 : i32
      %dma_wait3A_87 = tpu.memref_slice %arg17[%dma_wait3A_85, %dma_wait3A_86] : memref<64x16xf32, #tpu.memory_space<vmem>> -> memref<64x16xf32, #tpu.memory_space<vmem>>
      tpu.wait_dma2 semaphore(%run_scoped3A : memref<!tpu.dma_semaphore, #tpu.memory_space<semaphore_mem>>) src(%dma_wait3A_87 : memref<64x16xf32, #tpu.memory_space<vmem>>) dst(%dma_wait3A_84 : memref<64x16xf32, #tpu.memory_space<vmem_shared>>)
      tpu.yield
    }) : () -> ()
    %add3A_43 = arith.constant 512 : i32
    %add3A_44 = arith.addi %mul3A_11, %add3A_43 : i32
    "tpu.region"() ({
      %run_scoped3A = tpu.sem_alloc : memref<!tpu.dma_semaphore, #tpu.memory_space<semaphore_mem>>
      %dma_start3A = arith.constant 0 : i32
      %dma_start3A_70 = arith.constant 0 : i32
      %dma_start3A_71 = tpu.memref_slice %arg15[%dma_start3A, %dma_start3A_70] : memref<64x128xf32, #tpu.memory_space<vmem>> -> memref<64x128xf32, #tpu.memory_space<vmem>>
      %dma_start3A_72 = arith.constant 0 : i32
      %dma_start3A_73 = tpu.memref_slice %arg8[%add3A_44, %dma_start3A_72] : memref<10112x128xf32, #tpu.memory_space<vmem_shared>> -> memref<64x128xf32, #tpu.memory_space<vmem_shared>>
      %dma_start3A_74 = arith.constant 0 : i32
      %dma_start3A_75 = tpu.memref_slice %arg8[%add3A_44, %dma_start3A_74] : memref<10112x128xf32, #tpu.memory_space<vmem_shared>> -> memref<64x128xf32, #tpu.memory_space<vmem_shared>>
      %dma_start3A_76 = arith.constant 0 : i32
      %dma_start3A_77 = arith.constant 0 : i32
      %dma_start3A_78 = tpu.memref_slice %arg15[%dma_start3A_76, %dma_start3A_77] : memref<64x128xf32, #tpu.memory_space<vmem>> -> memref<64x128xf32, #tpu.memory_space<vmem>>
      tpu.enqueue_dma source(%dma_start3A_78 : memref<64x128xf32, #tpu.memory_space<vmem>>) target(%dma_start3A_75 : memref<64x128xf32, #tpu.memory_space<vmem_shared>>) target_semaphore(%run_scoped3A : memref<!tpu.dma_semaphore, #tpu.memory_space<semaphore_mem>>)
      %dma_wait3A = arith.constant 0 : i32
      %dma_wait3A_79 = arith.constant 0 : i32
      %dma_wait3A_80 = tpu.memref_slice %arg15[%dma_wait3A, %dma_wait3A_79] : memref<64x128xf32, #tpu.memory_space<vmem>> -> memref<64x128xf32, #tpu.memory_space<vmem>>
      %dma_wait3A_81 = arith.constant 0 : i32
      %dma_wait3A_82 = tpu.memref_slice %arg8[%add3A_44, %dma_wait3A_81] : memref<10112x128xf32, #tpu.memory_space<vmem_shared>> -> memref<64x128xf32, #tpu.memory_space<vmem_shared>>
      %dma_wait3A_83 = arith.constant 0 : i32
      %dma_wait3A_84 = tpu.memref_slice %arg8[%add3A_44, %dma_wait3A_83] : memref<10112x128xf32, #tpu.memory_space<vmem_shared>> -> memref<64x128xf32, #tpu.memory_space<vmem_shared>>
      %dma_wait3A_85 = arith.constant 0 : i32
      %dma_wait3A_86 = arith.constant 0 : i32
      %dma_wait3A_87 = tpu.memref_slice %arg15[%dma_wait3A_85, %dma_wait3A_86] : memref<64x128xf32, #tpu.memory_space<vmem>> -> memref<64x128xf32, #tpu.memory_space<vmem>>
      tpu.wait_dma2 semaphore(%run_scoped3A : memref<!tpu.dma_semaphore, #tpu.memory_space<semaphore_mem>>) src(%dma_wait3A_87 : memref<64x128xf32, #tpu.memory_space<vmem>>) dst(%dma_wait3A_84 : memref<64x128xf32, #tpu.memory_space<vmem_shared>>)
      tpu.yield
    }) : () -> ()
    %add3A_45 = arith.constant 512 : i32
    %add3A_46 = arith.addi %mul3A_11, %add3A_45 : i32
    "tpu.region"() ({
      %run_scoped3A = tpu.sem_alloc : memref<!tpu.dma_semaphore, #tpu.memory_space<semaphore_mem>>
      %dma_start3A = arith.constant 0 : i32
      %dma_start3A_70 = arith.constant 0 : i32
      %dma_start3A_71 = tpu.memref_slice %arg17[%dma_start3A, %dma_start3A_70] : memref<64x16xf32, #tpu.memory_space<vmem>> -> memref<64x16xf32, #tpu.memory_space<vmem>>
      %dma_start3A_72 = arith.constant 0 : i32
      %dma_start3A_73 = tpu.memref_slice %arg9[%add3A_46, %dma_start3A_72] : memref<10112x16xf32, #tpu.memory_space<vmem_shared>> -> memref<64x16xf32, #tpu.memory_space<vmem_shared>>
      %dma_start3A_74 = arith.constant 0 : i32
      %dma_start3A_75 = tpu.memref_slice %arg9[%add3A_46, %dma_start3A_74] : memref<10112x16xf32, #tpu.memory_space<vmem_shared>> -> memref<64x16xf32, #tpu.memory_space<vmem_shared>>
      %dma_start3A_76 = arith.constant 0 : i32
      %dma_start3A_77 = arith.constant 0 : i32
      %dma_start3A_78 = tpu.memref_slice %arg17[%dma_start3A_76, %dma_start3A_77] : memref<64x16xf32, #tpu.memory_space<vmem>> -> memref<64x16xf32, #tpu.memory_space<vmem>>
      tpu.enqueue_dma source(%dma_start3A_78 : memref<64x16xf32, #tpu.memory_space<vmem>>) target(%dma_start3A_75 : memref<64x16xf32, #tpu.memory_space<vmem_shared>>) target_semaphore(%run_scoped3A : memref<!tpu.dma_semaphore, #tpu.memory_space<semaphore_mem>>)
      %dma_wait3A = arith.constant 0 : i32
      %dma_wait3A_79 = arith.constant 0 : i32
      %dma_wait3A_80 = tpu.memref_slice %arg17[%dma_wait3A, %dma_wait3A_79] : memref<64x16xf32, #tpu.memory_space<vmem>> -> memref<64x16xf32, #tpu.memory_space<vmem>>
      %dma_wait3A_81 = arith.constant 0 : i32
      %dma_wait3A_82 = tpu.memref_slice %arg9[%add3A_46, %dma_wait3A_81] : memref<10112x16xf32, #tpu.memory_space<vmem_shared>> -> memref<64x16xf32, #tpu.memory_space<vmem_shared>>
      %dma_wait3A_83 = arith.constant 0 : i32
      %dma_wait3A_84 = tpu.memref_slice %arg9[%add3A_46, %dma_wait3A_83] : memref<10112x16xf32, #tpu.memory_space<vmem_shared>> -> memref<64x16xf32, #tpu.memory_space<vmem_shared>>
      %dma_wait3A_85 = arith.constant 0 : i32
      %dma_wait3A_86 = arith.constant 0 : i32
      %dma_wait3A_87 = tpu.memref_slice %arg17[%dma_wait3A_85, %dma_wait3A_86] : memref<64x16xf32, #tpu.memory_space<vmem>> -> memref<64x16xf32, #tpu.memory_space<vmem>>
      tpu.wait_dma2 semaphore(%run_scoped3A : memref<!tpu.dma_semaphore, #tpu.memory_space<semaphore_mem>>) src(%dma_wait3A_87 : memref<64x16xf32, #tpu.memory_space<vmem>>) dst(%dma_wait3A_84 : memref<64x16xf32, #tpu.memory_space<vmem_shared>>)
      tpu.yield
    }) : () -> ()
    %add3A_47 = arith.constant 576 : i32
    %add3A_48 = arith.addi %mul3A_11, %add3A_47 : i32
    "tpu.region"() ({
      %run_scoped3A = tpu.sem_alloc : memref<!tpu.dma_semaphore, #tpu.memory_space<semaphore_mem>>
      %dma_start3A = arith.constant 0 : i32
      %dma_start3A_70 = arith.constant 0 : i32
      %dma_start3A_71 = tpu.memref_slice %arg15[%dma_start3A, %dma_start3A_70] : memref<64x128xf32, #tpu.memory_space<vmem>> -> memref<56x128xf32, #tpu.memory_space<vmem>>
      %dma_start3A_72 = arith.constant 0 : i32
      %dma_start3A_73 = tpu.memref_slice %arg8[%add3A_48, %dma_start3A_72] : memref<10112x128xf32, #tpu.memory_space<vmem_shared>> -> memref<56x128xf32, #tpu.memory_space<vmem_shared>>
      %dma_start3A_74 = arith.constant 0 : i32
      %dma_start3A_75 = tpu.memref_slice %arg8[%add3A_48, %dma_start3A_74] : memref<10112x128xf32, #tpu.memory_space<vmem_shared>> -> memref<56x128xf32, #tpu.memory_space<vmem_shared>>
      %dma_start3A_76 = arith.constant 0 : i32
      %dma_start3A_77 = arith.constant 0 : i32
      %dma_start3A_78 = tpu.memref_slice %arg15[%dma_start3A_76, %dma_start3A_77] : memref<64x128xf32, #tpu.memory_space<vmem>> -> memref<56x128xf32, #tpu.memory_space<vmem>>
      tpu.enqueue_dma source(%dma_start3A_78 : memref<56x128xf32, #tpu.memory_space<vmem>>) target(%dma_start3A_75 : memref<56x128xf32, #tpu.memory_space<vmem_shared>>) target_semaphore(%run_scoped3A : memref<!tpu.dma_semaphore, #tpu.memory_space<semaphore_mem>>)
      %dma_wait3A = arith.constant 0 : i32
      %dma_wait3A_79 = arith.constant 0 : i32
      %dma_wait3A_80 = tpu.memref_slice %arg15[%dma_wait3A, %dma_wait3A_79] : memref<64x128xf32, #tpu.memory_space<vmem>> -> memref<56x128xf32, #tpu.memory_space<vmem>>
      %dma_wait3A_81 = arith.constant 0 : i32
      %dma_wait3A_82 = tpu.memref_slice %arg8[%add3A_48, %dma_wait3A_81] : memref<10112x128xf32, #tpu.memory_space<vmem_shared>> -> memref<56x128xf32, #tpu.memory_space<vmem_shared>>
      %dma_wait3A_83 = arith.constant 0 : i32
      %dma_wait3A_84 = tpu.memref_slice %arg8[%add3A_48, %dma_wait3A_83] : memref<10112x128xf32, #tpu.memory_space<vmem_shared>> -> memref<56x128xf32, #tpu.memory_space<vmem_shared>>
      %dma_wait3A_85 = arith.constant 0 : i32
      %dma_wait3A_86 = arith.constant 0 : i32
      %dma_wait3A_87 = tpu.memref_slice %arg15[%dma_wait3A_85, %dma_wait3A_86] : memref<64x128xf32, #tpu.memory_space<vmem>> -> memref<56x128xf32, #tpu.memory_space<vmem>>
      tpu.wait_dma2 semaphore(%run_scoped3A : memref<!tpu.dma_semaphore, #tpu.memory_space<semaphore_mem>>) src(%dma_wait3A_87 : memref<56x128xf32, #tpu.memory_space<vmem>>) dst(%dma_wait3A_84 : memref<56x128xf32, #tpu.memory_space<vmem_shared>>)
      tpu.yield
    }) : () -> ()
    %add3A_49 = arith.constant 576 : i32
    %add3A_50 = arith.addi %mul3A_11, %add3A_49 : i32
    "tpu.region"() ({
      %run_scoped3A = tpu.sem_alloc : memref<!tpu.dma_semaphore, #tpu.memory_space<semaphore_mem>>
      %dma_start3A = arith.constant 0 : i32
      %dma_start3A_70 = arith.constant 0 : i32
      %dma_start3A_71 = tpu.memref_slice %arg17[%dma_start3A, %dma_start3A_70] : memref<64x16xf32, #tpu.memory_space<vmem>> -> memref<56x16xf32, #tpu.memory_space<vmem>>
      %dma_start3A_72 = arith.constant 0 : i32
      %dma_start3A_73 = tpu.memref_slice %arg9[%add3A_50, %dma_start3A_72] : memref<10112x16xf32, #tpu.memory_space<vmem_shared>> -> memref<56x16xf32, #tpu.memory_space<vmem_shared>>
      %dma_start3A_74 = arith.constant 0 : i32
      %dma_start3A_75 = tpu.memref_slice %arg9[%add3A_50, %dma_start3A_74] : memref<10112x16xf32, #tpu.memory_space<vmem_shared>> -> memref<56x16xf32, #tpu.memory_space<vmem_shared>>
      %dma_start3A_76 = arith.constant 0 : i32
      %dma_start3A_77 = arith.constant 0 : i32
      %dma_start3A_78 = tpu.memref_slice %arg17[%dma_start3A_76, %dma_start3A_77] : memref<64x16xf32, #tpu.memory_space<vmem>> -> memref<56x16xf32, #tpu.memory_space<vmem>>
      tpu.enqueue_dma source(%dma_start3A_78 : memref<56x16xf32, #tpu.memory_space<vmem>>) target(%dma_start3A_75 : memref<56x16xf32, #tpu.memory_space<vmem_shared>>) target_semaphore(%run_scoped3A : memref<!tpu.dma_semaphore, #tpu.memory_space<semaphore_mem>>)
      %dma_wait3A = arith.constant 0 : i32
      %dma_wait3A_79 = arith.constant 0 : i32
      %dma_wait3A_80 = tpu.memref_slice %arg17[%dma_wait3A, %dma_wait3A_79] : memref<64x16xf32, #tpu.memory_space<vmem>> -> memref<56x16xf32, #tpu.memory_space<vmem>>
      %dma_wait3A_81 = arith.constant 0 : i32
      %dma_wait3A_82 = tpu.memref_slice %arg9[%add3A_50, %dma_wait3A_81] : memref<10112x16xf32, #tpu.memory_space<vmem_shared>> -> memref<56x16xf32, #tpu.memory_space<vmem_shared>>
      %dma_wait3A_83 = arith.constant 0 : i32
      %dma_wait3A_84 = tpu.memref_slice %arg9[%add3A_50, %dma_wait3A_83] : memref<10112x16xf32, #tpu.memory_space<vmem_shared>> -> memref<56x16xf32, #tpu.memory_space<vmem_shared>>
      %dma_wait3A_85 = arith.constant 0 : i32
      %dma_wait3A_86 = arith.constant 0 : i32
      %dma_wait3A_87 = tpu.memref_slice %arg17[%dma_wait3A_85, %dma_wait3A_86] : memref<64x16xf32, #tpu.memory_space<vmem>> -> memref<56x16xf32, #tpu.memory_space<vmem>>
      tpu.wait_dma2 semaphore(%run_scoped3A : memref<!tpu.dma_semaphore, #tpu.memory_space<semaphore_mem>>) src(%dma_wait3A_87 : memref<56x16xf32, #tpu.memory_space<vmem>>) dst(%dma_wait3A_84 : memref<56x16xf32, #tpu.memory_space<vmem_shared>>)
      tpu.yield
    }) : () -> ()
    %eq3A_51 = arith.constant 0 : i32
    %eq3A_52 = arith.cmpi eq, %arg0, %eq3A_51 : i32
    %convert_element_type3A = arith.extui %eq3A_52 : i1 to i32
    %cond3A = arith.constant 0 : i32
    %cond3A_53 = arith.cmpi ne, %convert_element_type3A, %cond3A : i32
    scf.if %cond3A_53 {
      %mul3A_70 = arith.constant 640 : i32
      %mul3A_71 = arith.muli %arg1, %mul3A_70 : i32
      %min3A = arith.constant 9360 : i32
      %min3A_72 = arith.minsi %mul3A_71, %min3A : i32
      "tpu.region"() ({
        %run_scoped3A = tpu.sem_alloc : memref<!tpu.dma_semaphore, #tpu.memory_space<semaphore_mem>>
        %dma_start3A = arith.constant 0 : i32
        %dma_start3A_73 = tpu.memref_slice %arg10[%min3A_72, %dma_start3A] : memref<10000x16xf32, #tpu.memory_space<vmem_shared>> -> memref<640x16xf32, #tpu.memory_space<vmem_shared>>
        %dma_start3A_74 = arith.constant 0 : i32
        %dma_start3A_75 = tpu.memref_slice %arg3[%min3A_72, %dma_start3A_74] : memref<10000x16xf32, #tpu.memory_space<hbm>> -> memref<640x16xf32, #tpu.memory_space<hbm>>
        tpu.enqueue_dma source(%dma_start3A_75 : memref<640x16xf32, #tpu.memory_space<hbm>>) target(%dma_start3A_73 : memref<640x16xf32, #tpu.memory_space<vmem_shared>>) target_semaphore(%run_scoped3A : memref<!tpu.dma_semaphore, #tpu.memory_space<semaphore_mem>>)
        %dma_wait3A = arith.constant 0 : i32
        %dma_wait3A_76 = tpu.memref_slice %arg10[%min3A_72, %dma_wait3A] : memref<10000x16xf32, #tpu.memory_space<vmem_shared>> -> memref<640x16xf32, #tpu.memory_space<vmem_shared>>
        %dma_wait3A_77 = arith.constant 0 : i32
        %dma_wait3A_78 = tpu.memref_slice %arg3[%min3A_72, %dma_wait3A_77] : memref<10000x16xf32, #tpu.memory_space<hbm>> -> memref<640x16xf32, #tpu.memory_space<hbm>>
        tpu.wait_dma2 semaphore(%run_scoped3A : memref<!tpu.dma_semaphore, #tpu.memory_space<semaphore_mem>>) src(%dma_wait3A_78 : memref<640x16xf32, #tpu.memory_space<hbm>>) dst(%dma_wait3A_76 : memref<640x16xf32, #tpu.memory_space<vmem_shared>>)
        tpu.yield
      }) : () -> ()
    } else {
    }
    %barrier3A = arith.constant 0 : index
    tpu.barrier barrier_id(%barrier3A)
    %eq3A_54 = arith.constant 0 : i32
    %eq3A_55 = arith.cmpi eq, %arg0, %eq3A_54 : i32
    %convert_element_type3A_56 = arith.extui %eq3A_55 : i1 to i32
    %cond3A_57 = arith.constant 0 : i32
    %cond3A_58 = arith.cmpi ne, %convert_element_type3A_56, %cond3A_57 : i32
    scf.if %cond3A_58 {
      %scan3A_70 = arith.constant 0 : i32
      %scan3A_71 = arith.constant 0 : i32
      %scan3A_72 = arith.constant 157 : i32
      %scan3A_73 = arith.addi %scan3A_71, %scan3A_72 : i32
      %scan3A_74 = arith.constant 1 : i32
      scf.for %scan3A_103 = %scan3A_71 to %scan3A_73 step %scan3A_74  : i32 {
        %mul3A_104 = arith.constant 16 : i32
        %mul3A_105 = arith.muli %scan3A_103, %mul3A_104 : i32
        %add3A_106 = arith.addi %arg1, %mul3A_105 : i32
        %lt3A_107 = arith.constant 2500 : i32
        %lt3A_108 = arith.cmpi slt, %add3A_106, %lt3A_107 : i32
        %convert_element_type3A_109 = arith.extui %lt3A_108 : i1 to i32
        %cond3A_110 = arith.constant 0 : i32
        %cond3A_111 = arith.cmpi ne, %convert_element_type3A_109, %cond3A_110 : i32
        scf.if %cond3A_111 {
          %gt3A = arith.constant 0 : i32
          %gt3A_112 = arith.cmpi sgt, %scan3A_103, %gt3A : i32
          %convert_element_type3A_113 = arith.extui %gt3A_112 : i1 to i32
          %cond3A_114 = arith.constant 0 : i32
          %cond3A_115 = arith.cmpi ne, %convert_element_type3A_113, %cond3A_114 : i32
          scf.if %cond3A_115 {
            %dma_wait3A_276 = arith.constant 1 : i32
            %dma_wait3A_277 = arith.constant 0 : i32
            %dma_wait3A_278 = tpu.memref_slice %arg11[%dma_wait3A_276, %dma_wait3A_277] : memref<2x64xi32, #tpu.memory_space<vmem>> -> memref<1x64xi32, #tpu.memory_space<vmem>>
            %dma_wait3A_279 = tpu.memref_squeeze %dma_wait3A_278 : memref<1x64xi32, #tpu.memory_space<vmem>> -> memref<64xi32, #tpu.memory_space<vmem>>
            %dma_wait3A_280 = arith.constant 0 : i32
            %dma_wait3A_281 = arith.constant 0 : i32
            %dma_wait3A_282 = tpu.memref_slice %arg8[%dma_wait3A_280, %dma_wait3A_281] : memref<10112x128xf32, #tpu.memory_space<vmem_shared>> -> memref<10112x128xf32, #tpu.memory_space<vmem_shared>>
            tpu.wait_indirect_dma semaphore(%arg25 : memref<!tpu.dma_semaphore, #tpu.memory_space<semaphore_mem>>) src(%arg15 : memref<64x128xf32, #tpu.memory_space<vmem>>) dst(%dma_wait3A_282 : memref<10112x128xf32, #tpu.memory_space<vmem_shared>>)
            %dma_wait3A_283 = arith.constant 1 : i32
            %dma_wait3A_284 = arith.constant 0 : i32
            %dma_wait3A_285 = tpu.memref_slice %arg11[%dma_wait3A_283, %dma_wait3A_284] : memref<2x64xi32, #tpu.memory_space<vmem>> -> memref<1x64xi32, #tpu.memory_space<vmem>>
            %dma_wait3A_286 = tpu.memref_squeeze %dma_wait3A_285 : memref<1x64xi32, #tpu.memory_space<vmem>> -> memref<64xi32, #tpu.memory_space<vmem>>
            %dma_wait3A_287 = arith.constant 0 : i32
            %dma_wait3A_288 = arith.constant 0 : i32
            %dma_wait3A_289 = tpu.memref_slice %arg9[%dma_wait3A_287, %dma_wait3A_288] : memref<10112x16xf32, #tpu.memory_space<vmem_shared>> -> memref<10112x16xf32, #tpu.memory_space<vmem_shared>>
            tpu.wait_indirect_dma semaphore(%arg25 : memref<!tpu.dma_semaphore, #tpu.memory_space<semaphore_mem>>) src(%arg17 : memref<64x16xf32, #tpu.memory_space<vmem>>) dst(%dma_wait3A_289 : memref<10112x16xf32, #tpu.memory_space<vmem_shared>>)
            %dma_wait3A_290 = arith.constant 1 : i32
            %dma_wait3A_291 = arith.constant 0 : i32
            %dma_wait3A_292 = tpu.memref_slice %arg12[%dma_wait3A_290, %dma_wait3A_291] : memref<2x64xi32, #tpu.memory_space<vmem>> -> memref<1x64xi32, #tpu.memory_space<vmem>>
            %dma_wait3A_293 = tpu.memref_squeeze %dma_wait3A_292 : memref<1x64xi32, #tpu.memory_space<vmem>> -> memref<64xi32, #tpu.memory_space<vmem>>
            %dma_wait3A_294 = arith.constant 0 : i32
            %dma_wait3A_295 = arith.constant 0 : i32
            %dma_wait3A_296 = tpu.memref_slice %arg8[%dma_wait3A_294, %dma_wait3A_295] : memref<10112x128xf32, #tpu.memory_space<vmem_shared>> -> memref<10112x128xf32, #tpu.memory_space<vmem_shared>>
            tpu.wait_indirect_dma semaphore(%arg26 : memref<!tpu.dma_semaphore, #tpu.memory_space<semaphore_mem>>) src(%arg16 : memref<64x128xf32, #tpu.memory_space<vmem>>) dst(%dma_wait3A_296 : memref<10112x128xf32, #tpu.memory_space<vmem_shared>>)
            %dma_wait3A_297 = arith.constant 1 : i32
            %dma_wait3A_298 = arith.constant 0 : i32
            %dma_wait3A_299 = tpu.memref_slice %arg12[%dma_wait3A_297, %dma_wait3A_298] : memref<2x64xi32, #tpu.memory_space<vmem>> -> memref<1x64xi32, #tpu.memory_space<vmem>>
            %dma_wait3A_300 = tpu.memref_squeeze %dma_wait3A_299 : memref<1x64xi32, #tpu.memory_space<vmem>> -> memref<64xi32, #tpu.memory_space<vmem>>
            %dma_wait3A_301 = arith.constant 0 : i32
            %dma_wait3A_302 = arith.constant 0 : i32
            %dma_wait3A_303 = tpu.memref_slice %arg9[%dma_wait3A_301, %dma_wait3A_302] : memref<10112x16xf32, #tpu.memory_space<vmem_shared>> -> memref<10112x16xf32, #tpu.memory_space<vmem_shared>>
            tpu.wait_indirect_dma semaphore(%arg26 : memref<!tpu.dma_semaphore, #tpu.memory_space<semaphore_mem>>) src(%arg18 : memref<64x16xf32, #tpu.memory_space<vmem>>) dst(%dma_wait3A_303 : memref<10112x16xf32, #tpu.memory_space<vmem_shared>>)
          } else {
          }
          %mul3A_116 = arith.constant 128 : i32
          %mul3A_117 = arith.muli %add3A_106, %mul3A_116 : i32
          "tpu.region"() ({
            %run_scoped3A = tpu.sem_alloc : memref<!tpu.dma_semaphore, #tpu.memory_space<semaphore_mem>>
            %dma_start3A_276 = arith.constant 0 : i32
            %dma_start3A_277 = tpu.memref_slice %arg2[%dma_start3A_276, %mul3A_117] : memref<2x320000xi32, #tpu.memory_space<hbm>> -> memref<2x64xi32, #tpu.memory_space<hbm>>
            %dma_start3A_278 = arith.constant 0 : i32
            %dma_start3A_279 = tpu.memref_slice %arg2[%dma_start3A_278, %mul3A_117] : memref<2x320000xi32, #tpu.memory_space<hbm>> -> memref<2x64xi32, #tpu.memory_space<hbm>>
            tpu.enqueue_dma source(%dma_start3A_279 : memref<2x64xi32, #tpu.memory_space<hbm>>) target(%arg11 : memref<2x64xi32, #tpu.memory_space<vmem>>) target_semaphore(%run_scoped3A : memref<!tpu.dma_semaphore, #tpu.memory_space<semaphore_mem>>)
            %dma_wait3A_280 = arith.constant 0 : i32
            %dma_wait3A_281 = tpu.memref_slice %arg2[%dma_wait3A_280, %mul3A_117] : memref<2x320000xi32, #tpu.memory_space<hbm>> -> memref<2x64xi32, #tpu.memory_space<hbm>>
            %dma_wait3A_282 = arith.constant 0 : i32
            %dma_wait3A_283 = tpu.memref_slice %arg2[%dma_wait3A_282, %mul3A_117] : memref<2x320000xi32, #tpu.memory_space<hbm>> -> memref<2x64xi32, #tpu.memory_space<hbm>>
            tpu.wait_dma2 semaphore(%run_scoped3A : memref<!tpu.dma_semaphore, #tpu.memory_space<semaphore_mem>>) src(%dma_wait3A_283 : memref<2x64xi32, #tpu.memory_space<hbm>>) dst(%arg11 : memref<2x64xi32, #tpu.memory_space<vmem>>)
            tpu.yield
          }) : () -> ()
          %dma_start3A = arith.constant 0 : i32
          %dma_start3A_118 = arith.constant 0 : i32
          %dma_start3A_119 = tpu.memref_slice %arg11[%dma_start3A, %dma_start3A_118] : memref<2x64xi32, #tpu.memory_space<vmem>> -> memref<1x64xi32, #tpu.memory_space<vmem>>
          %dma_start3A_120 = tpu.memref_squeeze %dma_start3A_119 : memref<1x64xi32, #tpu.memory_space<vmem>> -> memref<64xi32, #tpu.memory_space<vmem>>
          %dma_start3A_121 = arith.constant 0 : i32
          %dma_start3A_122 = arith.constant 0 : i32
          %dma_start3A_123 = tpu.memref_slice %arg4[%dma_start3A_121, %dma_start3A_122] : memref<10000x128xf32, #tpu.memory_space<hbm>> -> memref<10000x128xf32, #tpu.memory_space<hbm>>
          tpu.enqueue_indirect_dma source(%dma_start3A_123 : memref<10000x128xf32, #tpu.memory_space<hbm>>) target(%arg15 : memref<64x128xf32, #tpu.memory_space<vmem>>) offsets(%dma_start3A_120 : memref<64xi32, #tpu.memory_space<vmem>>) semaphore(%arg21 : memref<!tpu.dma_semaphore, #tpu.memory_space<semaphore_mem>>)
          %dma_start3A_124 = arith.constant 0 : i32
          %dma_start3A_125 = arith.constant 0 : i32
          %dma_start3A_126 = arith.constant 0 : i32
          %dma_start3A_127 = arith.constant 0 : i32
          %dma_start3A_128 = tpu.memref_slice %arg13[%dma_start3A_125, %dma_start3A_126, %dma_start3A_127] : memref<2x64x16xf32, #tpu.memory_space<vmem>> -> memref<1x64x16xf32, #tpu.memory_space<vmem>>
          %dma_start3A_129 = tpu.memref_squeeze %dma_start3A_128 : memref<1x64x16xf32, #tpu.memory_space<vmem>> -> memref<64x16xf32, #tpu.memory_space<vmem>>
          %dma_start3A_130 = arith.constant 0 : i32
          %dma_start3A_131 = tpu.memref_slice %arg11[%dma_start3A_124, %dma_start3A_130] : memref<2x64xi32, #tpu.memory_space<vmem>> -> memref<1x64xi32, #tpu.memory_space<vmem>>
          %dma_start3A_132 = tpu.memref_squeeze %dma_start3A_131 : memref<1x64xi32, #tpu.memory_space<vmem>> -> memref<64xi32, #tpu.memory_space<vmem>>
          %dma_start3A_133 = arith.constant 0 : i32
          %dma_start3A_134 = arith.constant 0 : i32
          %dma_start3A_135 = tpu.memref_slice %arg10[%dma_start3A_133, %dma_start3A_134] : memref<10000x16xf32, #tpu.memory_space<vmem_shared>> -> memref<10000x16xf32, #tpu.memory_space<vmem_shared>>
          tpu.enqueue_indirect_dma source(%dma_start3A_135 : memref<10000x16xf32, #tpu.memory_space<vmem_shared>>) target(%dma_start3A_129 : memref<64x16xf32, #tpu.memory_space<vmem>>) offsets(%dma_start3A_132 : memref<64xi32, #tpu.memory_space<vmem>>) semaphore(%arg19 : memref<!tpu.dma_semaphore, #tpu.memory_space<semaphore_mem>>)
          %dma_start3A_136 = arith.constant 1 : i32
          %dma_start3A_137 = arith.constant 1 : i32
          %dma_start3A_138 = arith.constant 0 : i32
          %dma_start3A_139 = arith.constant 0 : i32
          %dma_start3A_140 = tpu.memref_slice %arg13[%dma_start3A_137, %dma_start3A_138, %dma_start3A_139] : memref<2x64x16xf32, #tpu.memory_space<vmem>> -> memref<1x64x16xf32, #tpu.memory_space<vmem>>
          %dma_start3A_141 = tpu.memref_squeeze %dma_start3A_140 : memref<1x64x16xf32, #tpu.memory_space<vmem>> -> memref<64x16xf32, #tpu.memory_space<vmem>>
          %dma_start3A_142 = arith.constant 0 : i32
          %dma_start3A_143 = tpu.memref_slice %arg11[%dma_start3A_136, %dma_start3A_142] : memref<2x64xi32, #tpu.memory_space<vmem>> -> memref<1x64xi32, #tpu.memory_space<vmem>>
          %dma_start3A_144 = tpu.memref_squeeze %dma_start3A_143 : memref<1x64xi32, #tpu.memory_space<vmem>> -> memref<64xi32, #tpu.memory_space<vmem>>
          %dma_start3A_145 = arith.constant 0 : i32
          %dma_start3A_146 = arith.constant 0 : i32
          %dma_start3A_147 = tpu.memref_slice %arg10[%dma_start3A_145, %dma_start3A_146] : memref<10000x16xf32, #tpu.memory_space<vmem_shared>> -> memref<10000x16xf32, #tpu.memory_space<vmem_shared>>
          tpu.enqueue_indirect_dma source(%dma_start3A_147 : memref<10000x16xf32, #tpu.memory_space<vmem_shared>>) target(%dma_start3A_141 : memref<64x16xf32, #tpu.memory_space<vmem>>) offsets(%dma_start3A_144 : memref<64xi32, #tpu.memory_space<vmem>>) semaphore(%arg20 : memref<!tpu.dma_semaphore, #tpu.memory_space<semaphore_mem>>)
          %add3A_148 = arith.constant 64 : i32
          %add3A_149 = arith.addi %mul3A_117, %add3A_148 : i32
          "tpu.region"() ({
            %run_scoped3A = tpu.sem_alloc : memref<!tpu.dma_semaphore, #tpu.memory_space<semaphore_mem>>
            %dma_start3A_276 = arith.constant 0 : i32
            %dma_start3A_277 = tpu.memref_slice %arg2[%dma_start3A_276, %add3A_149] : memref<2x320000xi32, #tpu.memory_space<hbm>> -> memref<2x64xi32, #tpu.memory_space<hbm>>
            %dma_start3A_278 = arith.constant 0 : i32
            %dma_start3A_279 = tpu.memref_slice %arg2[%dma_start3A_278, %add3A_149] : memref<2x320000xi32, #tpu.memory_space<hbm>> -> memref<2x64xi32, #tpu.memory_space<hbm>>
            tpu.enqueue_dma source(%dma_start3A_279 : memref<2x64xi32, #tpu.memory_space<hbm>>) target(%arg12 : memref<2x64xi32, #tpu.memory_space<vmem>>) target_semaphore(%run_scoped3A : memref<!tpu.dma_semaphore, #tpu.memory_space<semaphore_mem>>)
            %dma_wait3A_280 = arith.constant 0 : i32
            %dma_wait3A_281 = tpu.memref_slice %arg2[%dma_wait3A_280, %add3A_149] : memref<2x320000xi32, #tpu.memory_space<hbm>> -> memref<2x64xi32, #tpu.memory_space<hbm>>
            %dma_wait3A_282 = arith.constant 0 : i32
            %dma_wait3A_283 = tpu.memref_slice %arg2[%dma_wait3A_282, %add3A_149] : memref<2x320000xi32, #tpu.memory_space<hbm>> -> memref<2x64xi32, #tpu.memory_space<hbm>>
            tpu.wait_dma2 semaphore(%run_scoped3A : memref<!tpu.dma_semaphore, #tpu.memory_space<semaphore_mem>>) src(%dma_wait3A_283 : memref<2x64xi32, #tpu.memory_space<hbm>>) dst(%arg12 : memref<2x64xi32, #tpu.memory_space<vmem>>)
            tpu.yield
          }) : () -> ()
          %dma_start3A_150 = arith.constant 0 : i32
          %dma_start3A_151 = arith.constant 0 : i32
          %dma_start3A_152 = tpu.memref_slice %arg12[%dma_start3A_150, %dma_start3A_151] : memref<2x64xi32, #tpu.memory_space<vmem>> -> memref<1x64xi32, #tpu.memory_space<vmem>>
          %dma_start3A_153 = tpu.memref_squeeze %dma_start3A_152 : memref<1x64xi32, #tpu.memory_space<vmem>> -> memref<64xi32, #tpu.memory_space<vmem>>
          %dma_start3A_154 = arith.constant 0 : i32
          %dma_start3A_155 = arith.constant 0 : i32
          %dma_start3A_156 = tpu.memref_slice %arg4[%dma_start3A_154, %dma_start3A_155] : memref<10000x128xf32, #tpu.memory_space<hbm>> -> memref<10000x128xf32, #tpu.memory_space<hbm>>
          tpu.enqueue_indirect_dma source(%dma_start3A_156 : memref<10000x128xf32, #tpu.memory_space<hbm>>) target(%arg16 : memref<64x128xf32, #tpu.memory_space<vmem>>) offsets(%dma_start3A_153 : memref<64xi32, #tpu.memory_space<vmem>>) semaphore(%arg24 : memref<!tpu.dma_semaphore, #tpu.memory_space<semaphore_mem>>)
          %dma_start3A_157 = arith.constant 0 : i32
          %dma_start3A_158 = arith.constant 0 : i32
          %dma_start3A_159 = arith.constant 0 : i32
          %dma_start3A_160 = arith.constant 0 : i32
          %dma_start3A_161 = tpu.memref_slice %arg14[%dma_start3A_158, %dma_start3A_159, %dma_start3A_160] : memref<2x64x16xf32, #tpu.memory_space<vmem>> -> memref<1x64x16xf32, #tpu.memory_space<vmem>>
          %dma_start3A_162 = tpu.memref_squeeze %dma_start3A_161 : memref<1x64x16xf32, #tpu.memory_space<vmem>> -> memref<64x16xf32, #tpu.memory_space<vmem>>
          %dma_start3A_163 = arith.constant 0 : i32
          %dma_start3A_164 = tpu.memref_slice %arg12[%dma_start3A_157, %dma_start3A_163] : memref<2x64xi32, #tpu.memory_space<vmem>> -> memref<1x64xi32, #tpu.memory_space<vmem>>
          %dma_start3A_165 = tpu.memref_squeeze %dma_start3A_164 : memref<1x64xi32, #tpu.memory_space<vmem>> -> memref<64xi32, #tpu.memory_space<vmem>>
          %dma_start3A_166 = arith.constant 0 : i32
          %dma_start3A_167 = arith.constant 0 : i32
          %dma_start3A_168 = tpu.memref_slice %arg10[%dma_start3A_166, %dma_start3A_167] : memref<10000x16xf32, #tpu.memory_space<vmem_shared>> -> memref<10000x16xf32, #tpu.memory_space<vmem_shared>>
          tpu.enqueue_indirect_dma source(%dma_start3A_168 : memref<10000x16xf32, #tpu.memory_space<vmem_shared>>) target(%dma_start3A_162 : memref<64x16xf32, #tpu.memory_space<vmem>>) offsets(%dma_start3A_165 : memref<64xi32, #tpu.memory_space<vmem>>) semaphore(%arg22 : memref<!tpu.dma_semaphore, #tpu.memory_space<semaphore_mem>>)
          %dma_start3A_169 = arith.constant 1 : i32
          %dma_start3A_170 = arith.constant 1 : i32
          %dma_start3A_171 = arith.constant 0 : i32
          %dma_start3A_172 = arith.constant 0 : i32
          %dma_start3A_173 = tpu.memref_slice %arg14[%dma_start3A_170, %dma_start3A_171, %dma_start3A_172] : memref<2x64x16xf32, #tpu.memory_space<vmem>> -> memref<1x64x16xf32, #tpu.memory_space<vmem>>
          %dma_start3A_174 = tpu.memref_squeeze %dma_start3A_173 : memref<1x64x16xf32, #tpu.memory_space<vmem>> -> memref<64x16xf32, #tpu.memory_space<vmem>>
          %dma_start3A_175 = arith.constant 0 : i32
          %dma_start3A_176 = tpu.memref_slice %arg12[%dma_start3A_169, %dma_start3A_175] : memref<2x64xi32, #tpu.memory_space<vmem>> -> memref<1x64xi32, #tpu.memory_space<vmem>>
          %dma_start3A_177 = tpu.memref_squeeze %dma_start3A_176 : memref<1x64xi32, #tpu.memory_space<vmem>> -> memref<64xi32, #tpu.memory_space<vmem>>
          %dma_start3A_178 = arith.constant 0 : i32
          %dma_start3A_179 = arith.constant 0 : i32
          %dma_start3A_180 = tpu.memref_slice %arg10[%dma_start3A_178, %dma_start3A_179] : memref<10000x16xf32, #tpu.memory_space<vmem_shared>> -> memref<10000x16xf32, #tpu.memory_space<vmem_shared>>
          tpu.enqueue_indirect_dma source(%dma_start3A_180 : memref<10000x16xf32, #tpu.memory_space<vmem_shared>>) target(%dma_start3A_174 : memref<64x16xf32, #tpu.memory_space<vmem>>) offsets(%dma_start3A_177 : memref<64xi32, #tpu.memory_space<vmem>>) semaphore(%arg23 : memref<!tpu.dma_semaphore, #tpu.memory_space<semaphore_mem>>)
          %dma_wait3A_181 = arith.constant 0 : i32
          %dma_wait3A_182 = arith.constant 0 : i32
          %dma_wait3A_183 = arith.constant 0 : i32
          %dma_wait3A_184 = arith.constant 0 : i32
          %dma_wait3A_185 = tpu.memref_slice %arg13[%dma_wait3A_182, %dma_wait3A_183, %dma_wait3A_184] : memref<2x64x16xf32, #tpu.memory_space<vmem>> -> memref<1x64x16xf32, #tpu.memory_space<vmem>>
          %dma_wait3A_186 = tpu.memref_squeeze %dma_wait3A_185 : memref<1x64x16xf32, #tpu.memory_space<vmem>> -> memref<64x16xf32, #tpu.memory_space<vmem>>
          %dma_wait3A_187 = arith.constant 0 : i32
          %dma_wait3A_188 = tpu.memref_slice %arg11[%dma_wait3A_181, %dma_wait3A_187] : memref<2x64xi32, #tpu.memory_space<vmem>> -> memref<1x64xi32, #tpu.memory_space<vmem>>
          %dma_wait3A_189 = tpu.memref_squeeze %dma_wait3A_188 : memref<1x64xi32, #tpu.memory_space<vmem>> -> memref<64xi32, #tpu.memory_space<vmem>>
          %dma_wait3A_190 = arith.constant 0 : i32
          %dma_wait3A_191 = arith.constant 0 : i32
          %dma_wait3A_192 = tpu.memref_slice %arg10[%dma_wait3A_190, %dma_wait3A_191] : memref<10000x16xf32, #tpu.memory_space<vmem_shared>> -> memref<10000x16xf32, #tpu.memory_space<vmem_shared>>
          tpu.wait_indirect_dma semaphore(%arg19 : memref<!tpu.dma_semaphore, #tpu.memory_space<semaphore_mem>>) src(%dma_wait3A_192 : memref<10000x16xf32, #tpu.memory_space<vmem_shared>>) dst(%dma_wait3A_186 : memref<64x16xf32, #tpu.memory_space<vmem>>)
          %dma_wait3A_193 = arith.constant 1 : i32
          %dma_wait3A_194 = arith.constant 1 : i32
          %dma_wait3A_195 = arith.constant 0 : i32
          %dma_wait3A_196 = arith.constant 0 : i32
          %dma_wait3A_197 = tpu.memref_slice %arg13[%dma_wait3A_194, %dma_wait3A_195, %dma_wait3A_196] : memref<2x64x16xf32, #tpu.memory_space<vmem>> -> memref<1x64x16xf32, #tpu.memory_space<vmem>>
          %dma_wait3A_198 = tpu.memref_squeeze %dma_wait3A_197 : memref<1x64x16xf32, #tpu.memory_space<vmem>> -> memref<64x16xf32, #tpu.memory_space<vmem>>
          %dma_wait3A_199 = arith.constant 0 : i32
          %dma_wait3A_200 = tpu.memref_slice %arg11[%dma_wait3A_193, %dma_wait3A_199] : memref<2x64xi32, #tpu.memory_space<vmem>> -> memref<1x64xi32, #tpu.memory_space<vmem>>
          %dma_wait3A_201 = tpu.memref_squeeze %dma_wait3A_200 : memref<1x64xi32, #tpu.memory_space<vmem>> -> memref<64xi32, #tpu.memory_space<vmem>>
          %dma_wait3A_202 = arith.constant 0 : i32
          %dma_wait3A_203 = arith.constant 0 : i32
          %dma_wait3A_204 = tpu.memref_slice %arg10[%dma_wait3A_202, %dma_wait3A_203] : memref<10000x16xf32, #tpu.memory_space<vmem_shared>> -> memref<10000x16xf32, #tpu.memory_space<vmem_shared>>
          tpu.wait_indirect_dma semaphore(%arg20 : memref<!tpu.dma_semaphore, #tpu.memory_space<semaphore_mem>>) src(%dma_wait3A_204 : memref<10000x16xf32, #tpu.memory_space<vmem_shared>>) dst(%dma_wait3A_198 : memref<64x16xf32, #tpu.memory_space<vmem>>)
          %dma_wait3A_205 = arith.constant 0 : i32
          %dma_wait3A_206 = arith.constant 0 : i32
          %dma_wait3A_207 = tpu.memref_slice %arg11[%dma_wait3A_205, %dma_wait3A_206] : memref<2x64xi32, #tpu.memory_space<vmem>> -> memref<1x64xi32, #tpu.memory_space<vmem>>
          %dma_wait3A_208 = tpu.memref_squeeze %dma_wait3A_207 : memref<1x64xi32, #tpu.memory_space<vmem>> -> memref<64xi32, #tpu.memory_space<vmem>>
          %dma_wait3A_209 = arith.constant 0 : i32
          %dma_wait3A_210 = arith.constant 0 : i32
          %dma_wait3A_211 = tpu.memref_slice %arg4[%dma_wait3A_209, %dma_wait3A_210] : memref<10000x128xf32, #tpu.memory_space<hbm>> -> memref<10000x128xf32, #tpu.memory_space<hbm>>
          tpu.wait_indirect_dma semaphore(%arg21 : memref<!tpu.dma_semaphore, #tpu.memory_space<semaphore_mem>>) src(%dma_wait3A_211 : memref<10000x128xf32, #tpu.memory_space<hbm>>) dst(%arg15 : memref<64x128xf32, #tpu.memory_space<vmem>>)
          %parallel_loop3A = arith.constant 0 : i32
          %parallel_loop3A_212 = arith.constant 64 : i32
          %parallel_loop3A_213 = arith.constant 1 : i32
          scf.for %parallel_loop3A_276 = %parallel_loop3A to %parallel_loop3A_212 step %parallel_loop3A_213  : i32 {
            %parallel_loop3A_277 = arith.constant 1 : i32
            %parallel_loop3A_278 = arith.index_cast %parallel_loop3A_277 : i32 to index
            %parallel_loop3A_279 = arith.index_cast %parallel_loop3A_276 : i32 to index
            %parallel_loop3A_280 = arith.constant 0 : index
            %parallel_loop3A_281 = tpu.vector_load %arg13[%parallel_loop3A_278, %parallel_loop3A_279, %parallel_loop3A_280] {strides = array<i32>} : memref<2x64x16xf32, #tpu.memory_space<vmem>>, vector<16xf32>,
            %parallel_loop3A_282 = arith.constant 8 : i32
            %parallel_loop3A_283 = vector.broadcast %parallel_loop3A_282 : i32 to vector<16xi32>
            %parallel_loop3A_284 = arith.addi %iota3A, %parallel_loop3A_283 : vector<16xi32>
            %parallel_loop3A_285 = arith.constant 16 : i32
            %parallel_loop3A_286 = arith.constant 0 : i32
            %parallel_loop3A_287 = arith.cmpi eq, %parallel_loop3A_285, %parallel_loop3A_286 : i32
            %parallel_loop3A_288 = arith.constant 1 : i32
            %parallel_loop3A_289 = arith.select %parallel_loop3A_287, %parallel_loop3A_288, %parallel_loop3A_285 : i32
            %parallel_loop3A_290 = vector.broadcast %parallel_loop3A_289 : i32 to vector<16xi32>
            %parallel_loop3A_291 = arith.remsi %parallel_loop3A_284, %parallel_loop3A_290 : vector<16xi32>
            %parallel_loop3A_292 = arith.constant 0 : i32
            %parallel_loop3A_293 = vector.broadcast %parallel_loop3A_292 : i32 to vector<16xi32>
            %parallel_loop3A_294 = arith.cmpi ne, %parallel_loop3A_291, %parallel_loop3A_293 : vector<16xi32>
            %parallel_loop3A_295 = arith.constant 0 : i32
            %parallel_loop3A_296 = vector.broadcast %parallel_loop3A_295 : i32 to vector<16xi32>
            %parallel_loop3A_297 = arith.cmpi slt, %parallel_loop3A_291, %parallel_loop3A_296 : vector<16xi32>
            %parallel_loop3A_298 = arith.constant 0 : i32
            %parallel_loop3A_299 = arith.cmpi slt, %parallel_loop3A_289, %parallel_loop3A_298 : i32
            %parallel_loop3A_300 = vector.broadcast %parallel_loop3A_299 : i1 to vector<16xi1>
            %parallel_loop3A_301 = vector.broadcast %parallel_loop3A_300 : vector<16xi1> to vector<16xi1>
            %parallel_loop3A_302 = arith.xori %parallel_loop3A_297, %parallel_loop3A_301 : vector<16xi1>
            %parallel_loop3A_303 = arith.andi %parallel_loop3A_302, %parallel_loop3A_294 : vector<16xi1>
            %parallel_loop3A_304 = vector.broadcast %parallel_loop3A_289 : i32 to vector<16xi32>
            %parallel_loop3A_305 = arith.addi %parallel_loop3A_291, %parallel_loop3A_304 : vector<16xi32>
            %parallel_loop3A_306 = arith.select %parallel_loop3A_303, %parallel_loop3A_305, %parallel_loop3A_291 : vector<16xi1>, vector<16xi32>
            %parallel_loop3A_307 = arith.constant 0 : i32
            %parallel_loop3A_308 = vector.broadcast %parallel_loop3A_307 : i32 to vector<16xi32>
            %parallel_loop3A_309 = arith.cmpi slt, %parallel_loop3A_306, %parallel_loop3A_308 : vector<16xi32>
            %parallel_loop3A_310 = arith.constant 16 : i32
            %parallel_loop3A_311 = vector.broadcast %parallel_loop3A_310 : i32 to vector<16xi32>
            %parallel_loop3A_312 = arith.addi %parallel_loop3A_306, %parallel_loop3A_311 : vector<16xi32>
            %parallel_loop3A_313 = arith.select %parallel_loop3A_309, %parallel_loop3A_312, %parallel_loop3A_306 : vector<16xi1>, vector<16xi32>
            %parallel_loop3A_314 = vector.shape_cast %parallel_loop3A_313 : vector<16xi32> to vector<16x1xi32>
            %parallel_loop3A_315 = vector.shape_cast %parallel_loop3A_314 : vector<16x1xi32> to vector<16xi32>
            %parallel_loop3A_316 = tpu.dynamic_gather %parallel_loop3A_281[%parallel_loop3A_315] in [0] : vector<16xf32>, vector<16xi32> -> vector<16xf32>
            %parallel_loop3A_317 = arith.constant 0 : i32
            %parallel_loop3A_318 = arith.index_cast %parallel_loop3A_317 : i32 to index
            %parallel_loop3A_319 = arith.index_cast %parallel_loop3A_276 : i32 to index
            %parallel_loop3A_320 = arith.constant 0 : index
            %parallel_loop3A_321 = tpu.vector_load %arg13[%parallel_loop3A_318, %parallel_loop3A_319, %parallel_loop3A_320] {strides = array<i32>} : memref<2x64x16xf32, #tpu.memory_space<vmem>>, vector<16xf32>,
            %parallel_loop3A_322 = arith.addf %parallel_loop3A_321, %parallel_loop3A_316 : vector<16xf32>
            %parallel_loop3A_323 = arith.constant 2.000000e-01 : f32
            %parallel_loop3A_324 = vector.broadcast %parallel_loop3A_323 : f32 to vector<16xf32>
            %parallel_loop3A_325 = arith.mulf %parallel_loop3A_324, %parallel_loop3A_322 : vector<16xf32>
            %parallel_loop3A_326 = arith.maximumf %parallel_loop3A_322, %parallel_loop3A_325 : vector<16xf32>
            %parallel_loop3A_327 = math.exp %parallel_loop3A_326 : vector<16xf32>
            %parallel_loop3A_328 = arith.select %lt3A_1, %parallel_loop3A_327, %select_n3A : vector<16xi1>, vector<16xf32>
            %parallel_loop3A_329 = arith.index_cast %parallel_loop3A_276 : i32 to index
            %parallel_loop3A_330 = arith.constant 0 : index
            %parallel_loop3A_331 = tpu.vector_load %arg17[%parallel_loop3A_329, %parallel_loop3A_330] {strides = array<i32>} : memref<64x16xf32, #tpu.memory_space<vmem>>, vector<16xf32>,
            tpu.vector_store %arg17[%parallel_loop3A_329, %parallel_loop3A_330], %parallel_loop3A_328 {strides = array<i32>} : memref<64x16xf32, #tpu.memory_space<vmem>>, vector<16xf32>,
            %parallel_loop3A_332 = arith.constant 0 : i32
            %parallel_loop3A_333 = vector.broadcast %parallel_loop3A_332 : i32 to vector<16xi32>
            %parallel_loop3A_334 = arith.constant 0 : i32
            %parallel_loop3A_335 = vector.broadcast %parallel_loop3A_334 : i32 to vector<16xi32>
            %parallel_loop3A_336 = arith.cmpi slt, %parallel_loop3A_333, %parallel_loop3A_335 : vector<16xi32>
            %parallel_loop3A_337 = arith.constant 16 : i32
            %parallel_loop3A_338 = vector.broadcast %parallel_loop3A_337 : i32 to vector<16xi32>
            %parallel_loop3A_339 = arith.addi %parallel_loop3A_333, %parallel_loop3A_338 : vector<16xi32>
            %parallel_loop3A_340 = arith.select %parallel_loop3A_336, %parallel_loop3A_339, %parallel_loop3A_333 : vector<16xi1>, vector<16xi32>
            %parallel_loop3A_341 = vector.shape_cast %parallel_loop3A_340 : vector<16xi32> to vector<16x1xi32>
            %parallel_loop3A_342 = vector.shape_cast %parallel_loop3A_341 : vector<16x1xi32> to vector<16xi32>
            %parallel_loop3A_343 = tpu.dynamic_gather %parallel_loop3A_327[%parallel_loop3A_342] in [0] : vector<16xf32>, vector<16xi32> -> vector<16xf32>
            %parallel_loop3A_344 = arith.index_cast %parallel_loop3A_276 : i32 to index
            %parallel_loop3A_345 = arith.constant 0 : index
            %parallel_loop3A_346 = tpu.vector_load %arg15[%parallel_loop3A_344, %parallel_loop3A_345] {strides = array<i32>} : memref<64x128xf32, #tpu.memory_space<vmem>>, vector<16xf32>,
            %parallel_loop3A_347 = arith.mulf %parallel_loop3A_346, %parallel_loop3A_343 : vector<16xf32>
            %parallel_loop3A_348 = arith.index_cast %parallel_loop3A_276 : i32 to index
            %parallel_loop3A_349 = arith.constant 0 : index
            %parallel_loop3A_350 = tpu.vector_load %arg15[%parallel_loop3A_348, %parallel_loop3A_349] {strides = array<i32>} : memref<64x128xf32, #tpu.memory_space<vmem>>, vector<16xf32>,
            tpu.vector_store %arg15[%parallel_loop3A_348, %parallel_loop3A_349], %parallel_loop3A_347 {strides = array<i32>} : memref<64x128xf32, #tpu.memory_space<vmem>>, vector<16xf32>,
            %parallel_loop3A_351 = arith.constant 1 : i32
            %parallel_loop3A_352 = vector.broadcast %parallel_loop3A_351 : i32 to vector<16xi32>
            %parallel_loop3A_353 = arith.constant 0 : i32
            %parallel_loop3A_354 = vector.broadcast %parallel_loop3A_353 : i32 to vector<16xi32>
            %parallel_loop3A_355 = arith.cmpi slt, %parallel_loop3A_352, %parallel_loop3A_354 : vector<16xi32>
            %parallel_loop3A_356 = arith.constant 16 : i32
            %parallel_loop3A_357 = vector.broadcast %parallel_loop3A_356 : i32 to vector<16xi32>
            %parallel_loop3A_358 = arith.addi %parallel_loop3A_352, %parallel_loop3A_357 : vector<16xi32>
            %parallel_loop3A_359 = arith.select %parallel_loop3A_355, %parallel_loop3A_358, %parallel_loop3A_352 : vector<16xi1>, vector<16xi32>
            %parallel_loop3A_360 = vector.shape_cast %parallel_loop3A_359 : vector<16xi32> to vector<16x1xi32>
            %parallel_loop3A_361 = vector.shape_cast %parallel_loop3A_360 : vector<16x1xi32> to vector<16xi32>
            %parallel_loop3A_362 = tpu.dynamic_gather %parallel_loop3A_327[%parallel_loop3A_361] in [0] : vector<16xf32>, vector<16xi32> -> vector<16xf32>
            %parallel_loop3A_363 = arith.index_cast %parallel_loop3A_276 : i32 to index
            %parallel_loop3A_364 = arith.constant 16 : index
            %parallel_loop3A_365 = tpu.vector_load %arg15[%parallel_loop3A_363, %parallel_loop3A_364] {strides = array<i32>} : memref<64x128xf32, #tpu.memory_space<vmem>>, vector<16xf32>,
            %parallel_loop3A_366 = arith.mulf %parallel_loop3A_365, %parallel_loop3A_362 : vector<16xf32>
            %parallel_loop3A_367 = arith.index_cast %parallel_loop3A_276 : i32 to index
            %parallel_loop3A_368 = arith.constant 16 : index
            %parallel_loop3A_369 = tpu.vector_load %arg15[%parallel_loop3A_367, %parallel_loop3A_368] {strides = array<i32>} : memref<64x128xf32, #tpu.memory_space<vmem>>, vector<16xf32>,
            tpu.vector_store %arg15[%parallel_loop3A_367, %parallel_loop3A_368], %parallel_loop3A_366 {strides = array<i32>} : memref<64x128xf32, #tpu.memory_space<vmem>>, vector<16xf32>,
            %parallel_loop3A_370 = arith.constant 2 : i32
            %parallel_loop3A_371 = vector.broadcast %parallel_loop3A_370 : i32 to vector<16xi32>
            %parallel_loop3A_372 = arith.constant 0 : i32
            %parallel_loop3A_373 = vector.broadcast %parallel_loop3A_372 : i32 to vector<16xi32>
            %parallel_loop3A_374 = arith.cmpi slt, %parallel_loop3A_371, %parallel_loop3A_373 : vector<16xi32>
            %parallel_loop3A_375 = arith.constant 16 : i32
            %parallel_loop3A_376 = vector.broadcast %parallel_loop3A_375 : i32 to vector<16xi32>
            %parallel_loop3A_377 = arith.addi %parallel_loop3A_371, %parallel_loop3A_376 : vector<16xi32>
            %parallel_loop3A_378 = arith.select %parallel_loop3A_374, %parallel_loop3A_377, %parallel_loop3A_371 : vector<16xi1>, vector<16xi32>
            %parallel_loop3A_379 = vector.shape_cast %parallel_loop3A_378 : vector<16xi32> to vector<16x1xi32>
            %parallel_loop3A_380 = vector.shape_cast %parallel_loop3A_379 : vector<16x1xi32> to vector<16xi32>
            %parallel_loop3A_381 = tpu.dynamic_gather %parallel_loop3A_327[%parallel_loop3A_380] in [0] : vector<16xf32>, vector<16xi32> -> vector<16xf32>
            %parallel_loop3A_382 = arith.index_cast %parallel_loop3A_276 : i32 to index
            %parallel_loop3A_383 = arith.constant 32 : index
            %parallel_loop3A_384 = tpu.vector_load %arg15[%parallel_loop3A_382, %parallel_loop3A_383] {strides = array<i32>} : memref<64x128xf32, #tpu.memory_space<vmem>>, vector<16xf32>,
            %parallel_loop3A_385 = arith.mulf %parallel_loop3A_384, %parallel_loop3A_381 : vector<16xf32>
            %parallel_loop3A_386 = arith.index_cast %parallel_loop3A_276 : i32 to index
            %parallel_loop3A_387 = arith.constant 32 : index
            %parallel_loop3A_388 = tpu.vector_load %arg15[%parallel_loop3A_386, %parallel_loop3A_387] {strides = array<i32>} : memref<64x128xf32, #tpu.memory_space<vmem>>, vector<16xf32>,
            tpu.vector_store %arg15[%parallel_loop3A_386, %parallel_loop3A_387], %parallel_loop3A_385 {strides = array<i32>} : memref<64x128xf32, #tpu.memory_space<vmem>>, vector<16xf32>,
            %parallel_loop3A_389 = arith.constant 3 : i32
            %parallel_loop3A_390 = vector.broadcast %parallel_loop3A_389 : i32 to vector<16xi32>
            %parallel_loop3A_391 = arith.constant 0 : i32
            %parallel_loop3A_392 = vector.broadcast %parallel_loop3A_391 : i32 to vector<16xi32>
            %parallel_loop3A_393 = arith.cmpi slt, %parallel_loop3A_390, %parallel_loop3A_392 : vector<16xi32>
            %parallel_loop3A_394 = arith.constant 16 : i32
            %parallel_loop3A_395 = vector.broadcast %parallel_loop3A_394 : i32 to vector<16xi32>
            %parallel_loop3A_396 = arith.addi %parallel_loop3A_390, %parallel_loop3A_395 : vector<16xi32>
            %parallel_loop3A_397 = arith.select %parallel_loop3A_393, %parallel_loop3A_396, %parallel_loop3A_390 : vector<16xi1>, vector<16xi32>
            %parallel_loop3A_398 = vector.shape_cast %parallel_loop3A_397 : vector<16xi32> to vector<16x1xi32>
            %parallel_loop3A_399 = vector.shape_cast %parallel_loop3A_398 : vector<16x1xi32> to vector<16xi32>
            %parallel_loop3A_400 = tpu.dynamic_gather %parallel_loop3A_327[%parallel_loop3A_399] in [0] : vector<16xf32>, vector<16xi32> -> vector<16xf32>
            %parallel_loop3A_401 = arith.index_cast %parallel_loop3A_276 : i32 to index
            %parallel_loop3A_402 = arith.constant 48 : index
            %parallel_loop3A_403 = tpu.vector_load %arg15[%parallel_loop3A_401, %parallel_loop3A_402] {strides = array<i32>} : memref<64x128xf32, #tpu.memory_space<vmem>>, vector<16xf32>,
            %parallel_loop3A_404 = arith.mulf %parallel_loop3A_403, %parallel_loop3A_400 : vector<16xf32>
            %parallel_loop3A_405 = arith.index_cast %parallel_loop3A_276 : i32 to index
            %parallel_loop3A_406 = arith.constant 48 : index
            %parallel_loop3A_407 = tpu.vector_load %arg15[%parallel_loop3A_405, %parallel_loop3A_406] {strides = array<i32>} : memref<64x128xf32, #tpu.memory_space<vmem>>, vector<16xf32>,
            tpu.vector_store %arg15[%parallel_loop3A_405, %parallel_loop3A_406], %parallel_loop3A_404 {strides = array<i32>} : memref<64x128xf32, #tpu.memory_space<vmem>>, vector<16xf32>,
            %parallel_loop3A_408 = arith.constant 4 : i32
            %parallel_loop3A_409 = vector.broadcast %parallel_loop3A_408 : i32 to vector<16xi32>
            %parallel_loop3A_410 = arith.constant 0 : i32
            %parallel_loop3A_411 = vector.broadcast %parallel_loop3A_410 : i32 to vector<16xi32>
            %parallel_loop3A_412 = arith.cmpi slt, %parallel_loop3A_409, %parallel_loop3A_411 : vector<16xi32>
            %parallel_loop3A_413 = arith.constant 16 : i32
            %parallel_loop3A_414 = vector.broadcast %parallel_loop3A_413 : i32 to vector<16xi32>
            %parallel_loop3A_415 = arith.addi %parallel_loop3A_409, %parallel_loop3A_414 : vector<16xi32>
            %parallel_loop3A_416 = arith.select %parallel_loop3A_412, %parallel_loop3A_415, %parallel_loop3A_409 : vector<16xi1>, vector<16xi32>
            %parallel_loop3A_417 = vector.shape_cast %parallel_loop3A_416 : vector<16xi32> to vector<16x1xi32>
            %parallel_loop3A_418 = vector.shape_cast %parallel_loop3A_417 : vector<16x1xi32> to vector<16xi32>
            %parallel_loop3A_419 = tpu.dynamic_gather %parallel_loop3A_327[%parallel_loop3A_418] in [0] : vector<16xf32>, vector<16xi32> -> vector<16xf32>
            %parallel_loop3A_420 = arith.index_cast %parallel_loop3A_276 : i32 to index
            %parallel_loop3A_421 = arith.constant 64 : index
            %parallel_loop3A_422 = tpu.vector_load %arg15[%parallel_loop3A_420, %parallel_loop3A_421] {strides = array<i32>} : memref<64x128xf32, #tpu.memory_space<vmem>>, vector<16xf32>,
            %parallel_loop3A_423 = arith.mulf %parallel_loop3A_422, %parallel_loop3A_419 : vector<16xf32>
            %parallel_loop3A_424 = arith.index_cast %parallel_loop3A_276 : i32 to index
            %parallel_loop3A_425 = arith.constant 64 : index
            %parallel_loop3A_426 = tpu.vector_load %arg15[%parallel_loop3A_424, %parallel_loop3A_425] {strides = array<i32>} : memref<64x128xf32, #tpu.memory_space<vmem>>, vector<16xf32>,
            tpu.vector_store %arg15[%parallel_loop3A_424, %parallel_loop3A_425], %parallel_loop3A_423 {strides = array<i32>} : memref<64x128xf32, #tpu.memory_space<vmem>>, vector<16xf32>,
            %parallel_loop3A_427 = arith.constant 5 : i32
            %parallel_loop3A_428 = vector.broadcast %parallel_loop3A_427 : i32 to vector<16xi32>
            %parallel_loop3A_429 = arith.constant 0 : i32
            %parallel_loop3A_430 = vector.broadcast %parallel_loop3A_429 : i32 to vector<16xi32>
            %parallel_loop3A_431 = arith.cmpi slt, %parallel_loop3A_428, %parallel_loop3A_430 : vector<16xi32>
            %parallel_loop3A_432 = arith.constant 16 : i32
            %parallel_loop3A_433 = vector.broadcast %parallel_loop3A_432 : i32 to vector<16xi32>
            %parallel_loop3A_434 = arith.addi %parallel_loop3A_428, %parallel_loop3A_433 : vector<16xi32>
            %parallel_loop3A_435 = arith.select %parallel_loop3A_431, %parallel_loop3A_434, %parallel_loop3A_428 : vector<16xi1>, vector<16xi32>
            %parallel_loop3A_436 = vector.shape_cast %parallel_loop3A_435 : vector<16xi32> to vector<16x1xi32>
            %parallel_loop3A_437 = vector.shape_cast %parallel_loop3A_436 : vector<16x1xi32> to vector<16xi32>
            %parallel_loop3A_438 = tpu.dynamic_gather %parallel_loop3A_327[%parallel_loop3A_437] in [0] : vector<16xf32>, vector<16xi32> -> vector<16xf32>
            %parallel_loop3A_439 = arith.index_cast %parallel_loop3A_276 : i32 to index
            %parallel_loop3A_440 = arith.constant 80 : index
            %parallel_loop3A_441 = tpu.vector_load %arg15[%parallel_loop3A_439, %parallel_loop3A_440] {strides = array<i32>} : memref<64x128xf32, #tpu.memory_space<vmem>>, vector<16xf32>,
            %parallel_loop3A_442 = arith.mulf %parallel_loop3A_441, %parallel_loop3A_438 : vector<16xf32>
            %parallel_loop3A_443 = arith.index_cast %parallel_loop3A_276 : i32 to index
            %parallel_loop3A_444 = arith.constant 80 : index
            %parallel_loop3A_445 = tpu.vector_load %arg15[%parallel_loop3A_443, %parallel_loop3A_444] {strides = array<i32>} : memref<64x128xf32, #tpu.memory_space<vmem>>, vector<16xf32>,
            tpu.vector_store %arg15[%parallel_loop3A_443, %parallel_loop3A_444], %parallel_loop3A_442 {strides = array<i32>} : memref<64x128xf32, #tpu.memory_space<vmem>>, vector<16xf32>,
            %parallel_loop3A_446 = arith.constant 6 : i32
            %parallel_loop3A_447 = vector.broadcast %parallel_loop3A_446 : i32 to vector<16xi32>
            %parallel_loop3A_448 = arith.constant 0 : i32
            %parallel_loop3A_449 = vector.broadcast %parallel_loop3A_448 : i32 to vector<16xi32>
            %parallel_loop3A_450 = arith.cmpi slt, %parallel_loop3A_447, %parallel_loop3A_449 : vector<16xi32>
            %parallel_loop3A_451 = arith.constant 16 : i32
            %parallel_loop3A_452 = vector.broadcast %parallel_loop3A_451 : i32 to vector<16xi32>
            %parallel_loop3A_453 = arith.addi %parallel_loop3A_447, %parallel_loop3A_452 : vector<16xi32>
            %parallel_loop3A_454 = arith.select %parallel_loop3A_450, %parallel_loop3A_453, %parallel_loop3A_447 : vector<16xi1>, vector<16xi32>
            %parallel_loop3A_455 = vector.shape_cast %parallel_loop3A_454 : vector<16xi32> to vector<16x1xi32>
            %parallel_loop3A_456 = vector.shape_cast %parallel_loop3A_455 : vector<16x1xi32> to vector<16xi32>
            %parallel_loop3A_457 = tpu.dynamic_gather %parallel_loop3A_327[%parallel_loop3A_456] in [0] : vector<16xf32>, vector<16xi32> -> vector<16xf32>
            %parallel_loop3A_458 = arith.index_cast %parallel_loop3A_276 : i32 to index
            %parallel_loop3A_459 = arith.constant 96 : index
            %parallel_loop3A_460 = tpu.vector_load %arg15[%parallel_loop3A_458, %parallel_loop3A_459] {strides = array<i32>} : memref<64x128xf32, #tpu.memory_space<vmem>>, vector<16xf32>,
            %parallel_loop3A_461 = arith.mulf %parallel_loop3A_460, %parallel_loop3A_457 : vector<16xf32>
            %parallel_loop3A_462 = arith.index_cast %parallel_loop3A_276 : i32 to index
            %parallel_loop3A_463 = arith.constant 96 : index
            %parallel_loop3A_464 = tpu.vector_load %arg15[%parallel_loop3A_462, %parallel_loop3A_463] {strides = array<i32>} : memref<64x128xf32, #tpu.memory_space<vmem>>, vector<16xf32>,
            tpu.vector_store %arg15[%parallel_loop3A_462, %parallel_loop3A_463], %parallel_loop3A_461 {strides = array<i32>} : memref<64x128xf32, #tpu.memory_space<vmem>>, vector<16xf32>,
            %parallel_loop3A_465 = arith.constant 7 : i32
            %parallel_loop3A_466 = vector.broadcast %parallel_loop3A_465 : i32 to vector<16xi32>
            %parallel_loop3A_467 = arith.constant 0 : i32
            %parallel_loop3A_468 = vector.broadcast %parallel_loop3A_467 : i32 to vector<16xi32>
            %parallel_loop3A_469 = arith.cmpi slt, %parallel_loop3A_466, %parallel_loop3A_468 : vector<16xi32>
            %parallel_loop3A_470 = arith.constant 16 : i32
            %parallel_loop3A_471 = vector.broadcast %parallel_loop3A_470 : i32 to vector<16xi32>
            %parallel_loop3A_472 = arith.addi %parallel_loop3A_466, %parallel_loop3A_471 : vector<16xi32>
            %parallel_loop3A_473 = arith.select %parallel_loop3A_469, %parallel_loop3A_472, %parallel_loop3A_466 : vector<16xi1>, vector<16xi32>
            %parallel_loop3A_474 = vector.shape_cast %parallel_loop3A_473 : vector<16xi32> to vector<16x1xi32>
            %parallel_loop3A_475 = vector.shape_cast %parallel_loop3A_474 : vector<16x1xi32> to vector<16xi32>
            %parallel_loop3A_476 = tpu.dynamic_gather %parallel_loop3A_327[%parallel_loop3A_475] in [0] : vector<16xf32>, vector<16xi32> -> vector<16xf32>
            %parallel_loop3A_477 = arith.index_cast %parallel_loop3A_276 : i32 to index
            %parallel_loop3A_478 = arith.constant 112 : index
            %parallel_loop3A_479 = tpu.vector_load %arg15[%parallel_loop3A_477, %parallel_loop3A_478] {strides = array<i32>} : memref<64x128xf32, #tpu.memory_space<vmem>>, vector<16xf32>,
            %parallel_loop3A_480 = arith.mulf %parallel_loop3A_479, %parallel_loop3A_476 : vector<16xf32>
            %parallel_loop3A_481 = arith.index_cast %parallel_loop3A_276 : i32 to index
            %parallel_loop3A_482 = arith.constant 112 : index
            %parallel_loop3A_483 = tpu.vector_load %arg15[%parallel_loop3A_481, %parallel_loop3A_482] {strides = array<i32>} : memref<64x128xf32, #tpu.memory_space<vmem>>, vector<16xf32>,
            tpu.vector_store %arg15[%parallel_loop3A_481, %parallel_loop3A_482], %parallel_loop3A_480 {strides = array<i32>} : memref<64x128xf32, #tpu.memory_space<vmem>>, vector<16xf32>,
          } {sc.loop_unroll_factor = 8 : i64, sc.parallel_access}
          %dma_start3A_214 = arith.constant 1 : i32
          %dma_start3A_215 = arith.constant 0 : i32
          %dma_start3A_216 = tpu.memref_slice %arg11[%dma_start3A_214, %dma_start3A_215] : memref<2x64xi32, #tpu.memory_space<vmem>> -> memref<1x64xi32, #tpu.memory_space<vmem>>
          %dma_start3A_217 = tpu.memref_squeeze %dma_start3A_216 : memref<1x64xi32, #tpu.memory_space<vmem>> -> memref<64xi32, #tpu.memory_space<vmem>>
          %dma_start3A_218 = arith.constant 0 : i32
          %dma_start3A_219 = arith.constant 0 : i32
          %dma_start3A_220 = tpu.memref_slice %arg8[%dma_start3A_218, %dma_start3A_219] : memref<10112x128xf32, #tpu.memory_space<vmem_shared>> -> memref<10112x128xf32, #tpu.memory_space<vmem_shared>>
          tpu.enqueue_indirect_dma source(%arg15 : memref<64x128xf32, #tpu.memory_space<vmem>>) target(%dma_start3A_220 : memref<10112x128xf32, #tpu.memory_space<vmem_shared>>) offsets(%dma_start3A_217 : memref<64xi32, #tpu.memory_space<vmem>>) semaphore(%arg25 : memref<!tpu.dma_semaphore, #tpu.memory_space<semaphore_mem>>) {add = true}
          %dma_start3A_221 = arith.constant 1 : i32
          %dma_start3A_222 = arith.constant 0 : i32
          %dma_start3A_223 = tpu.memref_slice %arg11[%dma_start3A_221, %dma_start3A_222] : memref<2x64xi32, #tpu.memory_space<vmem>> -> memref<1x64xi32, #tpu.memory_space<vmem>>
          %dma_start3A_224 = tpu.memref_squeeze %dma_start3A_223 : memref<1x64xi32, #tpu.memory_space<vmem>> -> memref<64xi32, #tpu.memory_space<vmem>>
          %dma_start3A_225 = arith.constant 0 : i32
          %dma_start3A_226 = arith.constant 0 : i32
          %dma_start3A_227 = tpu.memref_slice %arg9[%dma_start3A_225, %dma_start3A_226] : memref<10112x16xf32, #tpu.memory_space<vmem_shared>> -> memref<10112x16xf32, #tpu.memory_space<vmem_shared>>
          tpu.enqueue_indirect_dma source(%arg17 : memref<64x16xf32, #tpu.memory_space<vmem>>) target(%dma_start3A_227 : memref<10112x16xf32, #tpu.memory_space<vmem_shared>>) offsets(%dma_start3A_224 : memref<64xi32, #tpu.memory_space<vmem>>) semaphore(%arg25 : memref<!tpu.dma_semaphore, #tpu.memory_space<semaphore_mem>>) {add = true}
          %dma_wait3A_228 = arith.constant 0 : i32
          %dma_wait3A_229 = arith.constant 0 : i32
          %dma_wait3A_230 = arith.constant 0 : i32
          %dma_wait3A_231 = arith.constant 0 : i32
          %dma_wait3A_232 = tpu.memref_slice %arg14[%dma_wait3A_229, %dma_wait3A_230, %dma_wait3A_231] : memref<2x64x16xf32, #tpu.memory_space<vmem>> -> memref<1x64x16xf32, #tpu.memory_space<vmem>>
          %dma_wait3A_233 = tpu.memref_squeeze %dma_wait3A_232 : memref<1x64x16xf32, #tpu.memory_space<vmem>> -> memref<64x16xf32, #tpu.memory_space<vmem>>
          %dma_wait3A_234 = arith.constant 0 : i32
          %dma_wait3A_235 = tpu.memref_slice %arg12[%dma_wait3A_228, %dma_wait3A_234] : memref<2x64xi32, #tpu.memory_space<vmem>> -> memref<1x64xi32, #tpu.memory_space<vmem>>
          %dma_wait3A_236 = tpu.memref_squeeze %dma_wait3A_235 : memref<1x64xi32, #tpu.memory_space<vmem>> -> memref<64xi32, #tpu.memory_space<vmem>>
          %dma_wait3A_237 = arith.constant 0 : i32
          %dma_wait3A_238 = arith.constant 0 : i32
          %dma_wait3A_239 = tpu.memref_slice %arg10[%dma_wait3A_237, %dma_wait3A_238] : memref<10000x16xf32, #tpu.memory_space<vmem_shared>> -> memref<10000x16xf32, #tpu.memory_space<vmem_shared>>
          tpu.wait_indirect_dma semaphore(%arg22 : memref<!tpu.dma_semaphore, #tpu.memory_space<semaphore_mem>>) src(%dma_wait3A_239 : memref<10000x16xf32, #tpu.memory_space<vmem_shared>>) dst(%dma_wait3A_233 : memref<64x16xf32, #tpu.memory_space<vmem>>)
          %dma_wait3A_240 = arith.constant 1 : i32
          %dma_wait3A_241 = arith.constant 1 : i32
          %dma_wait3A_242 = arith.constant 0 : i32
          %dma_wait3A_243 = arith.constant 0 : i32
          %dma_wait3A_244 = tpu.memref_slice %arg14[%dma_wait3A_241, %dma_wait3A_242, %dma_wait3A_243] : memref<2x64x16xf32, #tpu.memory_space<vmem>> -> memref<1x64x16xf32, #tpu.memory_space<vmem>>
          %dma_wait3A_245 = tpu.memref_squeeze %dma_wait3A_244 : memref<1x64x16xf32, #tpu.memory_space<vmem>> -> memref<64x16xf32, #tpu.memory_space<vmem>>
          %dma_wait3A_246 = arith.constant 0 : i32
          %dma_wait3A_247 = tpu.memref_slice %arg12[%dma_wait3A_240, %dma_wait3A_246] : memref<2x64xi32, #tpu.memory_space<vmem>> -> memref<1x64xi32, #tpu.memory_space<vmem>>
          %dma_wait3A_248 = tpu.memref_squeeze %dma_wait3A_247 : memref<1x64xi32, #tpu.memory_space<vmem>> -> memref<64xi32, #tpu.memory_space<vmem>>
          %dma_wait3A_249 = arith.constant 0 : i32
          %dma_wait3A_250 = arith.constant 0 : i32
          %dma_wait3A_251 = tpu.memref_slice %arg10[%dma_wait3A_249, %dma_wait3A_250] : memref<10000x16xf32, #tpu.memory_space<vmem_shared>> -> memref<10000x16xf32, #tpu.memory_space<vmem_shared>>
          tpu.wait_indirect_dma semaphore(%arg23 : memref<!tpu.dma_semaphore, #tpu.memory_space<semaphore_mem>>) src(%dma_wait3A_251 : memref<10000x16xf32, #tpu.memory_space<vmem_shared>>) dst(%dma_wait3A_245 : memref<64x16xf32, #tpu.memory_space<vmem>>)
          %dma_wait3A_252 = arith.constant 0 : i32
          %dma_wait3A_253 = arith.constant 0 : i32
          %dma_wait3A_254 = tpu.memref_slice %arg12[%dma_wait3A_252, %dma_wait3A_253] : memref<2x64xi32, #tpu.memory_space<vmem>> -> memref<1x64xi32, #tpu.memory_space<vmem>>
          %dma_wait3A_255 = tpu.memref_squeeze %dma_wait3A_254 : memref<1x64xi32, #tpu.memory_space<vmem>> -> memref<64xi32, #tpu.memory_space<vmem>>
          %dma_wait3A_256 = arith.constant 0 : i32
          %dma_wait3A_257 = arith.constant 0 : i32
          %dma_wait3A_258 = tpu.memref_slice %arg4[%dma_wait3A_256, %dma_wait3A_257] : memref<10000x128xf32, #tpu.memory_space<hbm>> -> memref<10000x128xf32, #tpu.memory_space<hbm>>
          tpu.wait_indirect_dma semaphore(%arg24 : memref<!tpu.dma_semaphore, #tpu.memory_space<semaphore_mem>>) src(%dma_wait3A_258 : memref<10000x128xf32, #tpu.memory_space<hbm>>) dst(%arg16 : memref<64x128xf32, #tpu.memory_space<vmem>>)
          %parallel_loop3A_259 = arith.constant 0 : i32
          %parallel_loop3A_260 = arith.constant 64 : i32
          %parallel_loop3A_261 = arith.constant 1 : i32
          scf.for %parallel_loop3A_276 = %parallel_loop3A_259 to %parallel_loop3A_260 step %parallel_loop3A_261  : i32 {
            %parallel_loop3A_277 = arith.constant 1 : i32
            %parallel_loop3A_278 = arith.index_cast %parallel_loop3A_277 : i32 to index
            %parallel_loop3A_279 = arith.index_cast %parallel_loop3A_276 : i32 to index
            %parallel_loop3A_280 = arith.constant 0 : index
            %parallel_loop3A_281 = tpu.vector_load %arg14[%parallel_loop3A_278, %parallel_loop3A_279, %parallel_loop3A_280] {strides = array<i32>} : memref<2x64x16xf32, #tpu.memory_space<vmem>>, vector<16xf32>,
            %parallel_loop3A_282 = arith.constant 8 : i32
            %parallel_loop3A_283 = vector.broadcast %parallel_loop3A_282 : i32 to vector<16xi32>
            %parallel_loop3A_284 = arith.addi %iota3A, %parallel_loop3A_283 : vector<16xi32>
            %parallel_loop3A_285 = arith.constant 16 : i32
            %parallel_loop3A_286 = arith.constant 0 : i32
            %parallel_loop3A_287 = arith.cmpi eq, %parallel_loop3A_285, %parallel_loop3A_286 : i32
            %parallel_loop3A_288 = arith.constant 1 : i32
            %parallel_loop3A_289 = arith.select %parallel_loop3A_287, %parallel_loop3A_288, %parallel_loop3A_285 : i32
            %parallel_loop3A_290 = vector.broadcast %parallel_loop3A_289 : i32 to vector<16xi32>
            %parallel_loop3A_291 = arith.remsi %parallel_loop3A_284, %parallel_loop3A_290 : vector<16xi32>
            %parallel_loop3A_292 = arith.constant 0 : i32
            %parallel_loop3A_293 = vector.broadcast %parallel_loop3A_292 : i32 to vector<16xi32>
            %parallel_loop3A_294 = arith.cmpi ne, %parallel_loop3A_291, %parallel_loop3A_293 : vector<16xi32>
            %parallel_loop3A_295 = arith.constant 0 : i32
            %parallel_loop3A_296 = vector.broadcast %parallel_loop3A_295 : i32 to vector<16xi32>
            %parallel_loop3A_297 = arith.cmpi slt, %parallel_loop3A_291, %parallel_loop3A_296 : vector<16xi32>
            %parallel_loop3A_298 = arith.constant 0 : i32
            %parallel_loop3A_299 = arith.cmpi slt, %parallel_loop3A_289, %parallel_loop3A_298 : i32
            %parallel_loop3A_300 = vector.broadcast %parallel_loop3A_299 : i1 to vector<16xi1>
            %parallel_loop3A_301 = vector.broadcast %parallel_loop3A_300 : vector<16xi1> to vector<16xi1>
            %parallel_loop3A_302 = arith.xori %parallel_loop3A_297, %parallel_loop3A_301 : vector<16xi1>
            %parallel_loop3A_303 = arith.andi %parallel_loop3A_302, %parallel_loop3A_294 : vector<16xi1>
            %parallel_loop3A_304 = vector.broadcast %parallel_loop3A_289 : i32 to vector<16xi32>
            %parallel_loop3A_305 = arith.addi %parallel_loop3A_291, %parallel_loop3A_304 : vector<16xi32>
            %parallel_loop3A_306 = arith.select %parallel_loop3A_303, %parallel_loop3A_305, %parallel_loop3A_291 : vector<16xi1>, vector<16xi32>
            %parallel_loop3A_307 = arith.constant 0 : i32
            %parallel_loop3A_308 = vector.broadcast %parallel_loop3A_307 : i32 to vector<16xi32>
            %parallel_loop3A_309 = arith.cmpi slt, %parallel_loop3A_306, %parallel_loop3A_308 : vector<16xi32>
            %parallel_loop3A_310 = arith.constant 16 : i32
            %parallel_loop3A_311 = vector.broadcast %parallel_loop3A_310 : i32 to vector<16xi32>
            %parallel_loop3A_312 = arith.addi %parallel_loop3A_306, %parallel_loop3A_311 : vector<16xi32>
            %parallel_loop3A_313 = arith.select %parallel_loop3A_309, %parallel_loop3A_312, %parallel_loop3A_306 : vector<16xi1>, vector<16xi32>
            %parallel_loop3A_314 = vector.shape_cast %parallel_loop3A_313 : vector<16xi32> to vector<16x1xi32>
            %parallel_loop3A_315 = vector.shape_cast %parallel_loop3A_314 : vector<16x1xi32> to vector<16xi32>
            %parallel_loop3A_316 = tpu.dynamic_gather %parallel_loop3A_281[%parallel_loop3A_315] in [0] : vector<16xf32>, vector<16xi32> -> vector<16xf32>
            %parallel_loop3A_317 = arith.constant 0 : i32
            %parallel_loop3A_318 = arith.index_cast %parallel_loop3A_317 : i32 to index
            %parallel_loop3A_319 = arith.index_cast %parallel_loop3A_276 : i32 to index
            %parallel_loop3A_320 = arith.constant 0 : index
            %parallel_loop3A_321 = tpu.vector_load %arg14[%parallel_loop3A_318, %parallel_loop3A_319, %parallel_loop3A_320] {strides = array<i32>} : memref<2x64x16xf32, #tpu.memory_space<vmem>>, vector<16xf32>,
            %parallel_loop3A_322 = arith.addf %parallel_loop3A_321, %parallel_loop3A_316 : vector<16xf32>
            %parallel_loop3A_323 = arith.constant 2.000000e-01 : f32
            %parallel_loop3A_324 = vector.broadcast %parallel_loop3A_323 : f32 to vector<16xf32>
            %parallel_loop3A_325 = arith.mulf %parallel_loop3A_324, %parallel_loop3A_322 : vector<16xf32>
            %parallel_loop3A_326 = arith.maximumf %parallel_loop3A_322, %parallel_loop3A_325 : vector<16xf32>
            %parallel_loop3A_327 = math.exp %parallel_loop3A_326 : vector<16xf32>
            %parallel_loop3A_328 = arith.select %lt3A_1, %parallel_loop3A_327, %select_n3A : vector<16xi1>, vector<16xf32>
            %parallel_loop3A_329 = arith.index_cast %parallel_loop3A_276 : i32 to index
            %parallel_loop3A_330 = arith.constant 0 : index
            %parallel_loop3A_331 = tpu.vector_load %arg18[%parallel_loop3A_329, %parallel_loop3A_330] {strides = array<i32>} : memref<64x16xf32, #tpu.memory_space<vmem>>, vector<16xf32>,
            tpu.vector_store %arg18[%parallel_loop3A_329, %parallel_loop3A_330], %parallel_loop3A_328 {strides = array<i32>} : memref<64x16xf32, #tpu.memory_space<vmem>>, vector<16xf32>,
            %parallel_loop3A_332 = arith.constant 0 : i32
            %parallel_loop3A_333 = vector.broadcast %parallel_loop3A_332 : i32 to vector<16xi32>
            %parallel_loop3A_334 = arith.constant 0 : i32
            %parallel_loop3A_335 = vector.broadcast %parallel_loop3A_334 : i32 to vector<16xi32>
            %parallel_loop3A_336 = arith.cmpi slt, %parallel_loop3A_333, %parallel_loop3A_335 : vector<16xi32>
            %parallel_loop3A_337 = arith.constant 16 : i32
            %parallel_loop3A_338 = vector.broadcast %parallel_loop3A_337 : i32 to vector<16xi32>
            %parallel_loop3A_339 = arith.addi %parallel_loop3A_333, %parallel_loop3A_338 : vector<16xi32>
            %parallel_loop3A_340 = arith.select %parallel_loop3A_336, %parallel_loop3A_339, %parallel_loop3A_333 : vector<16xi1>, vector<16xi32>
            %parallel_loop3A_341 = vector.shape_cast %parallel_loop3A_340 : vector<16xi32> to vector<16x1xi32>
            %parallel_loop3A_342 = vector.shape_cast %parallel_loop3A_341 : vector<16x1xi32> to vector<16xi32>
            %parallel_loop3A_343 = tpu.dynamic_gather %parallel_loop3A_327[%parallel_loop3A_342] in [0] : vector<16xf32>, vector<16xi32> -> vector<16xf32>
            %parallel_loop3A_344 = arith.index_cast %parallel_loop3A_276 : i32 to index
            %parallel_loop3A_345 = arith.constant 0 : index
            %parallel_loop3A_346 = tpu.vector_load %arg16[%parallel_loop3A_344, %parallel_loop3A_345] {strides = array<i32>} : memref<64x128xf32, #tpu.memory_space<vmem>>, vector<16xf32>,
            %parallel_loop3A_347 = arith.mulf %parallel_loop3A_346, %parallel_loop3A_343 : vector<16xf32>
            %parallel_loop3A_348 = arith.index_cast %parallel_loop3A_276 : i32 to index
            %parallel_loop3A_349 = arith.constant 0 : index
            %parallel_loop3A_350 = tpu.vector_load %arg16[%parallel_loop3A_348, %parallel_loop3A_349] {strides = array<i32>} : memref<64x128xf32, #tpu.memory_space<vmem>>, vector<16xf32>,
            tpu.vector_store %arg16[%parallel_loop3A_348, %parallel_loop3A_349], %parallel_loop3A_347 {strides = array<i32>} : memref<64x128xf32, #tpu.memory_space<vmem>>, vector<16xf32>,
            %parallel_loop3A_351 = arith.constant 1 : i32
            %parallel_loop3A_352 = vector.broadcast %parallel_loop3A_351 : i32 to vector<16xi32>
            %parallel_loop3A_353 = arith.constant 0 : i32
            %parallel_loop3A_354 = vector.broadcast %parallel_loop3A_353 : i32 to vector<16xi32>
            %parallel_loop3A_355 = arith.cmpi slt, %parallel_loop3A_352, %parallel_loop3A_354 : vector<16xi32>
            %parallel_loop3A_356 = arith.constant 16 : i32
            %parallel_loop3A_357 = vector.broadcast %parallel_loop3A_356 : i32 to vector<16xi32>
            %parallel_loop3A_358 = arith.addi %parallel_loop3A_352, %parallel_loop3A_357 : vector<16xi32>
            %parallel_loop3A_359 = arith.select %parallel_loop3A_355, %parallel_loop3A_358, %parallel_loop3A_352 : vector<16xi1>, vector<16xi32>
            %parallel_loop3A_360 = vector.shape_cast %parallel_loop3A_359 : vector<16xi32> to vector<16x1xi32>
            %parallel_loop3A_361 = vector.shape_cast %parallel_loop3A_360 : vector<16x1xi32> to vector<16xi32>
            %parallel_loop3A_362 = tpu.dynamic_gather %parallel_loop3A_327[%parallel_loop3A_361] in [0] : vector<16xf32>, vector<16xi32> -> vector<16xf32>
            %parallel_loop3A_363 = arith.index_cast %parallel_loop3A_276 : i32 to index
            %parallel_loop3A_364 = arith.constant 16 : index
            %parallel_loop3A_365 = tpu.vector_load %arg16[%parallel_loop3A_363, %parallel_loop3A_364] {strides = array<i32>} : memref<64x128xf32, #tpu.memory_space<vmem>>, vector<16xf32>,
            %parallel_loop3A_366 = arith.mulf %parallel_loop3A_365, %parallel_loop3A_362 : vector<16xf32>
            %parallel_loop3A_367 = arith.index_cast %parallel_loop3A_276 : i32 to index
            %parallel_loop3A_368 = arith.constant 16 : index
            %parallel_loop3A_369 = tpu.vector_load %arg16[%parallel_loop3A_367, %parallel_loop3A_368] {strides = array<i32>} : memref<64x128xf32, #tpu.memory_space<vmem>>, vector<16xf32>,
            tpu.vector_store %arg16[%parallel_loop3A_367, %parallel_loop3A_368], %parallel_loop3A_366 {strides = array<i32>} : memref<64x128xf32, #tpu.memory_space<vmem>>, vector<16xf32>,
            %parallel_loop3A_370 = arith.constant 2 : i32
            %parallel_loop3A_371 = vector.broadcast %parallel_loop3A_370 : i32 to vector<16xi32>
            %parallel_loop3A_372 = arith.constant 0 : i32
            %parallel_loop3A_373 = vector.broadcast %parallel_loop3A_372 : i32 to vector<16xi32>
            %parallel_loop3A_374 = arith.cmpi slt, %parallel_loop3A_371, %parallel_loop3A_373 : vector<16xi32>
            %parallel_loop3A_375 = arith.constant 16 : i32
            %parallel_loop3A_376 = vector.broadcast %parallel_loop3A_375 : i32 to vector<16xi32>
            %parallel_loop3A_377 = arith.addi %parallel_loop3A_371, %parallel_loop3A_376 : vector<16xi32>
            %parallel_loop3A_378 = arith.select %parallel_loop3A_374, %parallel_loop3A_377, %parallel_loop3A_371 : vector<16xi1>, vector<16xi32>
            %parallel_loop3A_379 = vector.shape_cast %parallel_loop3A_378 : vector<16xi32> to vector<16x1xi32>
            %parallel_loop3A_380 = vector.shape_cast %parallel_loop3A_379 : vector<16x1xi32> to vector<16xi32>
            %parallel_loop3A_381 = tpu.dynamic_gather %parallel_loop3A_327[%parallel_loop3A_380] in [0] : vector<16xf32>, vector<16xi32> -> vector<16xf32>
            %parallel_loop3A_382 = arith.index_cast %parallel_loop3A_276 : i32 to index
            %parallel_loop3A_383 = arith.constant 32 : index
            %parallel_loop3A_384 = tpu.vector_load %arg16[%parallel_loop3A_382, %parallel_loop3A_383] {strides = array<i32>} : memref<64x128xf32, #tpu.memory_space<vmem>>, vector<16xf32>,
            %parallel_loop3A_385 = arith.mulf %parallel_loop3A_384, %parallel_loop3A_381 : vector<16xf32>
            %parallel_loop3A_386 = arith.index_cast %parallel_loop3A_276 : i32 to index
            %parallel_loop3A_387 = arith.constant 32 : index
            %parallel_loop3A_388 = tpu.vector_load %arg16[%parallel_loop3A_386, %parallel_loop3A_387] {strides = array<i32>} : memref<64x128xf32, #tpu.memory_space<vmem>>, vector<16xf32>,
            tpu.vector_store %arg16[%parallel_loop3A_386, %parallel_loop3A_387], %parallel_loop3A_385 {strides = array<i32>} : memref<64x128xf32, #tpu.memory_space<vmem>>, vector<16xf32>,
            %parallel_loop3A_389 = arith.constant 3 : i32
            %parallel_loop3A_390 = vector.broadcast %parallel_loop3A_389 : i32 to vector<16xi32>
            %parallel_loop3A_391 = arith.constant 0 : i32
            %parallel_loop3A_392 = vector.broadcast %parallel_loop3A_391 : i32 to vector<16xi32>
            %parallel_loop3A_393 = arith.cmpi slt, %parallel_loop3A_390, %parallel_loop3A_392 : vector<16xi32>
            %parallel_loop3A_394 = arith.constant 16 : i32
            %parallel_loop3A_395 = vector.broadcast %parallel_loop3A_394 : i32 to vector<16xi32>
            %parallel_loop3A_396 = arith.addi %parallel_loop3A_390, %parallel_loop3A_395 : vector<16xi32>
            %parallel_loop3A_397 = arith.select %parallel_loop3A_393, %parallel_loop3A_396, %parallel_loop3A_390 : vector<16xi1>, vector<16xi32>
            %parallel_loop3A_398 = vector.shape_cast %parallel_loop3A_397 : vector<16xi32> to vector<16x1xi32>
            %parallel_loop3A_399 = vector.shape_cast %parallel_loop3A_398 : vector<16x1xi32> to vector<16xi32>
            %parallel_loop3A_400 = tpu.dynamic_gather %parallel_loop3A_327[%parallel_loop3A_399] in [0] : vector<16xf32>, vector<16xi32> -> vector<16xf32>
            %parallel_loop3A_401 = arith.index_cast %parallel_loop3A_276 : i32 to index
            %parallel_loop3A_402 = arith.constant 48 : index
            %parallel_loop3A_403 = tpu.vector_load %arg16[%parallel_loop3A_401, %parallel_loop3A_402] {strides = array<i32>} : memref<64x128xf32, #tpu.memory_space<vmem>>, vector<16xf32>,
            %parallel_loop3A_404 = arith.mulf %parallel_loop3A_403, %parallel_loop3A_400 : vector<16xf32>
            %parallel_loop3A_405 = arith.index_cast %parallel_loop3A_276 : i32 to index
            %parallel_loop3A_406 = arith.constant 48 : index
            %parallel_loop3A_407 = tpu.vector_load %arg16[%parallel_loop3A_405, %parallel_loop3A_406] {strides = array<i32>} : memref<64x128xf32, #tpu.memory_space<vmem>>, vector<16xf32>,
            tpu.vector_store %arg16[%parallel_loop3A_405, %parallel_loop3A_406], %parallel_loop3A_404 {strides = array<i32>} : memref<64x128xf32, #tpu.memory_space<vmem>>, vector<16xf32>,
            %parallel_loop3A_408 = arith.constant 4 : i32
            %parallel_loop3A_409 = vector.broadcast %parallel_loop3A_408 : i32 to vector<16xi32>
            %parallel_loop3A_410 = arith.constant 0 : i32
            %parallel_loop3A_411 = vector.broadcast %parallel_loop3A_410 : i32 to vector<16xi32>
            %parallel_loop3A_412 = arith.cmpi slt, %parallel_loop3A_409, %parallel_loop3A_411 : vector<16xi32>
            %parallel_loop3A_413 = arith.constant 16 : i32
            %parallel_loop3A_414 = vector.broadcast %parallel_loop3A_413 : i32 to vector<16xi32>
            %parallel_loop3A_415 = arith.addi %parallel_loop3A_409, %parallel_loop3A_414 : vector<16xi32>
            %parallel_loop3A_416 = arith.select %parallel_loop3A_412, %parallel_loop3A_415, %parallel_loop3A_409 : vector<16xi1>, vector<16xi32>
            %parallel_loop3A_417 = vector.shape_cast %parallel_loop3A_416 : vector<16xi32> to vector<16x1xi32>
            %parallel_loop3A_418 = vector.shape_cast %parallel_loop3A_417 : vector<16x1xi32> to vector<16xi32>
            %parallel_loop3A_419 = tpu.dynamic_gather %parallel_loop3A_327[%parallel_loop3A_418] in [0] : vector<16xf32>, vector<16xi32> -> vector<16xf32>
            %parallel_loop3A_420 = arith.index_cast %parallel_loop3A_276 : i32 to index
            %parallel_loop3A_421 = arith.constant 64 : index
            %parallel_loop3A_422 = tpu.vector_load %arg16[%parallel_loop3A_420, %parallel_loop3A_421] {strides = array<i32>} : memref<64x128xf32, #tpu.memory_space<vmem>>, vector<16xf32>,
            %parallel_loop3A_423 = arith.mulf %parallel_loop3A_422, %parallel_loop3A_419 : vector<16xf32>
            %parallel_loop3A_424 = arith.index_cast %parallel_loop3A_276 : i32 to index
            %parallel_loop3A_425 = arith.constant 64 : index
            %parallel_loop3A_426 = tpu.vector_load %arg16[%parallel_loop3A_424, %parallel_loop3A_425] {strides = array<i32>} : memref<64x128xf32, #tpu.memory_space<vmem>>, vector<16xf32>,
            tpu.vector_store %arg16[%parallel_loop3A_424, %parallel_loop3A_425], %parallel_loop3A_423 {strides = array<i32>} : memref<64x128xf32, #tpu.memory_space<vmem>>, vector<16xf32>,
            %parallel_loop3A_427 = arith.constant 5 : i32
            %parallel_loop3A_428 = vector.broadcast %parallel_loop3A_427 : i32 to vector<16xi32>
            %parallel_loop3A_429 = arith.constant 0 : i32
            %parallel_loop3A_430 = vector.broadcast %parallel_loop3A_429 : i32 to vector<16xi32>
            %parallel_loop3A_431 = arith.cmpi slt, %parallel_loop3A_428, %parallel_loop3A_430 : vector<16xi32>
            %parallel_loop3A_432 = arith.constant 16 : i32
            %parallel_loop3A_433 = vector.broadcast %parallel_loop3A_432 : i32 to vector<16xi32>
            %parallel_loop3A_434 = arith.addi %parallel_loop3A_428, %parallel_loop3A_433 : vector<16xi32>
            %parallel_loop3A_435 = arith.select %parallel_loop3A_431, %parallel_loop3A_434, %parallel_loop3A_428 : vector<16xi1>, vector<16xi32>
            %parallel_loop3A_436 = vector.shape_cast %parallel_loop3A_435 : vector<16xi32> to vector<16x1xi32>
            %parallel_loop3A_437 = vector.shape_cast %parallel_loop3A_436 : vector<16x1xi32> to vector<16xi32>
            %parallel_loop3A_438 = tpu.dynamic_gather %parallel_loop3A_327[%parallel_loop3A_437] in [0] : vector<16xf32>, vector<16xi32> -> vector<16xf32>
            %parallel_loop3A_439 = arith.index_cast %parallel_loop3A_276 : i32 to index
            %parallel_loop3A_440 = arith.constant 80 : index
            %parallel_loop3A_441 = tpu.vector_load %arg16[%parallel_loop3A_439, %parallel_loop3A_440] {strides = array<i32>} : memref<64x128xf32, #tpu.memory_space<vmem>>, vector<16xf32>,
            %parallel_loop3A_442 = arith.mulf %parallel_loop3A_441, %parallel_loop3A_438 : vector<16xf32>
            %parallel_loop3A_443 = arith.index_cast %parallel_loop3A_276 : i32 to index
            %parallel_loop3A_444 = arith.constant 80 : index
            %parallel_loop3A_445 = tpu.vector_load %arg16[%parallel_loop3A_443, %parallel_loop3A_444] {strides = array<i32>} : memref<64x128xf32, #tpu.memory_space<vmem>>, vector<16xf32>,
            tpu.vector_store %arg16[%parallel_loop3A_443, %parallel_loop3A_444], %parallel_loop3A_442 {strides = array<i32>} : memref<64x128xf32, #tpu.memory_space<vmem>>, vector<16xf32>,
            %parallel_loop3A_446 = arith.constant 6 : i32
            %parallel_loop3A_447 = vector.broadcast %parallel_loop3A_446 : i32 to vector<16xi32>
            %parallel_loop3A_448 = arith.constant 0 : i32
            %parallel_loop3A_449 = vector.broadcast %parallel_loop3A_448 : i32 to vector<16xi32>
            %parallel_loop3A_450 = arith.cmpi slt, %parallel_loop3A_447, %parallel_loop3A_449 : vector<16xi32>
            %parallel_loop3A_451 = arith.constant 16 : i32
            %parallel_loop3A_452 = vector.broadcast %parallel_loop3A_451 : i32 to vector<16xi32>
            %parallel_loop3A_453 = arith.addi %parallel_loop3A_447, %parallel_loop3A_452 : vector<16xi32>
            %parallel_loop3A_454 = arith.select %parallel_loop3A_450, %parallel_loop3A_453, %parallel_loop3A_447 : vector<16xi1>, vector<16xi32>
            %parallel_loop3A_455 = vector.shape_cast %parallel_loop3A_454 : vector<16xi32> to vector<16x1xi32>
            %parallel_loop3A_456 = vector.shape_cast %parallel_loop3A_455 : vector<16x1xi32> to vector<16xi32>
            %parallel_loop3A_457 = tpu.dynamic_gather %parallel_loop3A_327[%parallel_loop3A_456] in [0] : vector<16xf32>, vector<16xi32> -> vector<16xf32>
            %parallel_loop3A_458 = arith.index_cast %parallel_loop3A_276 : i32 to index
            %parallel_loop3A_459 = arith.constant 96 : index
            %parallel_loop3A_460 = tpu.vector_load %arg16[%parallel_loop3A_458, %parallel_loop3A_459] {strides = array<i32>} : memref<64x128xf32, #tpu.memory_space<vmem>>, vector<16xf32>,
            %parallel_loop3A_461 = arith.mulf %parallel_loop3A_460, %parallel_loop3A_457 : vector<16xf32>
            %parallel_loop3A_462 = arith.index_cast %parallel_loop3A_276 : i32 to index
            %parallel_loop3A_463 = arith.constant 96 : index
            %parallel_loop3A_464 = tpu.vector_load %arg16[%parallel_loop3A_462, %parallel_loop3A_463] {strides = array<i32>} : memref<64x128xf32, #tpu.memory_space<vmem>>, vector<16xf32>,
            tpu.vector_store %arg16[%parallel_loop3A_462, %parallel_loop3A_463], %parallel_loop3A_461 {strides = array<i32>} : memref<64x128xf32, #tpu.memory_space<vmem>>, vector<16xf32>,
            %parallel_loop3A_465 = arith.constant 7 : i32
            %parallel_loop3A_466 = vector.broadcast %parallel_loop3A_465 : i32 to vector<16xi32>
            %parallel_loop3A_467 = arith.constant 0 : i32
            %parallel_loop3A_468 = vector.broadcast %parallel_loop3A_467 : i32 to vector<16xi32>
            %parallel_loop3A_469 = arith.cmpi slt, %parallel_loop3A_466, %parallel_loop3A_468 : vector<16xi32>
            %parallel_loop3A_470 = arith.constant 16 : i32
            %parallel_loop3A_471 = vector.broadcast %parallel_loop3A_470 : i32 to vector<16xi32>
            %parallel_loop3A_472 = arith.addi %parallel_loop3A_466, %parallel_loop3A_471 : vector<16xi32>
            %parallel_loop3A_473 = arith.select %parallel_loop3A_469, %parallel_loop3A_472, %parallel_loop3A_466 : vector<16xi1>, vector<16xi32>
            %parallel_loop3A_474 = vector.shape_cast %parallel_loop3A_473 : vector<16xi32> to vector<16x1xi32>
            %parallel_loop3A_475 = vector.shape_cast %parallel_loop3A_474 : vector<16x1xi32> to vector<16xi32>
            %parallel_loop3A_476 = tpu.dynamic_gather %parallel_loop3A_327[%parallel_loop3A_475] in [0] : vector<16xf32>, vector<16xi32> -> vector<16xf32>
            %parallel_loop3A_477 = arith.index_cast %parallel_loop3A_276 : i32 to index
            %parallel_loop3A_478 = arith.constant 112 : index
            %parallel_loop3A_479 = tpu.vector_load %arg16[%parallel_loop3A_477, %parallel_loop3A_478] {strides = array<i32>} : memref<64x128xf32, #tpu.memory_space<vmem>>, vector<16xf32>,
            %parallel_loop3A_480 = arith.mulf %parallel_loop3A_479, %parallel_loop3A_476 : vector<16xf32>
            %parallel_loop3A_481 = arith.index_cast %parallel_loop3A_276 : i32 to index
            %parallel_loop3A_482 = arith.constant 112 : index
            %parallel_loop3A_483 = tpu.vector_load %arg16[%parallel_loop3A_481, %parallel_loop3A_482] {strides = array<i32>} : memref<64x128xf32, #tpu.memory_space<vmem>>, vector<16xf32>,
            tpu.vector_store %arg16[%parallel_loop3A_481, %parallel_loop3A_482], %parallel_loop3A_480 {strides = array<i32>} : memref<64x128xf32, #tpu.memory_space<vmem>>, vector<16xf32>,
          } {sc.loop_unroll_factor = 8 : i64, sc.parallel_access}
          %dma_start3A_262 = arith.constant 1 : i32
          %dma_start3A_263 = arith.constant 0 : i32
          %dma_start3A_264 = tpu.memref_slice %arg12[%dma_start3A_262, %dma_start3A_263] : memref<2x64xi32, #tpu.memory_space<vmem>> -> memref<1x64xi32, #tpu.memory_space<vmem>>
          %dma_start3A_265 = tpu.memref_squeeze %dma_start3A_264 : memref<1x64xi32, #tpu.memory_space<vmem>> -> memref<64xi32, #tpu.memory_space<vmem>>
          %dma_start3A_266 = arith.constant 0 : i32
          %dma_start3A_267 = arith.constant 0 : i32
          %dma_start3A_268 = tpu.memref_slice %arg8[%dma_start3A_266, %dma_start3A_267] : memref<10112x128xf32, #tpu.memory_space<vmem_shared>> -> memref<10112x128xf32, #tpu.memory_space<vmem_shared>>
          tpu.enqueue_indirect_dma source(%arg16 : memref<64x128xf32, #tpu.memory_space<vmem>>) target(%dma_start3A_268 : memref<10112x128xf32, #tpu.memory_space<vmem_shared>>) offsets(%dma_start3A_265 : memref<64xi32, #tpu.memory_space<vmem>>) semaphore(%arg26 : memref<!tpu.dma_semaphore, #tpu.memory_space<semaphore_mem>>) {add = true}
          %dma_start3A_269 = arith.constant 1 : i32
          %dma_start3A_270 = arith.constant 0 : i32
          %dma_start3A_271 = tpu.memref_slice %arg12[%dma_start3A_269, %dma_start3A_270] : memref<2x64xi32, #tpu.memory_space<vmem>> -> memref<1x64xi32, #tpu.memory_space<vmem>>
          %dma_start3A_272 = tpu.memref_squeeze %dma_start3A_271 : memref<1x64xi32, #tpu.memory_space<vmem>> -> memref<64xi32, #tpu.memory_space<vmem>>
          %dma_start3A_273 = arith.constant 0 : i32
          %dma_start3A_274 = arith.constant 0 : i32
          %dma_start3A_275 = tpu.memref_slice %arg9[%dma_start3A_273, %dma_start3A_274] : memref<10112x16xf32, #tpu.memory_space<vmem_shared>> -> memref<10112x16xf32, #tpu.memory_space<vmem_shared>>
          tpu.enqueue_indirect_dma source(%arg18 : memref<64x16xf32, #tpu.memory_space<vmem>>) target(%dma_start3A_275 : memref<10112x16xf32, #tpu.memory_space<vmem_shared>>) offsets(%dma_start3A_272 : memref<64xi32, #tpu.memory_space<vmem>>) semaphore(%arg26 : memref<!tpu.dma_semaphore, #tpu.memory_space<semaphore_mem>>) {add = true}
        } else {
        }
      }
      %scan3A_75 = arith.constant 157 : i32
      %dma_wait3A = arith.constant 1 : i32
      %dma_wait3A_76 = arith.constant 0 : i32
      %dma_wait3A_77 = tpu.memref_slice %arg11[%dma_wait3A, %dma_wait3A_76] : memref<2x64xi32, #tpu.memory_space<vmem>> -> memref<1x64xi32, #tpu.memory_space<vmem>>
      %dma_wait3A_78 = tpu.memref_squeeze %dma_wait3A_77 : memref<1x64xi32, #tpu.memory_space<vmem>> -> memref<64xi32, #tpu.memory_space<vmem>>
      %dma_wait3A_79 = arith.constant 0 : i32
      %dma_wait3A_80 = arith.constant 0 : i32
      %dma_wait3A_81 = tpu.memref_slice %arg8[%dma_wait3A_79, %dma_wait3A_80] : memref<10112x128xf32, #tpu.memory_space<vmem_shared>> -> memref<10112x128xf32, #tpu.memory_space<vmem_shared>>
      tpu.wait_indirect_dma semaphore(%arg25 : memref<!tpu.dma_semaphore, #tpu.memory_space<semaphore_mem>>) src(%arg15 : memref<64x128xf32, #tpu.memory_space<vmem>>) dst(%dma_wait3A_81 : memref<10112x128xf32, #tpu.memory_space<vmem_shared>>)
      %dma_wait3A_82 = arith.constant 1 : i32
      %dma_wait3A_83 = arith.constant 0 : i32
      %dma_wait3A_84 = tpu.memref_slice %arg11[%dma_wait3A_82, %dma_wait3A_83] : memref<2x64xi32, #tpu.memory_space<vmem>> -> memref<1x64xi32, #tpu.memory_space<vmem>>
      %dma_wait3A_85 = tpu.memref_squeeze %dma_wait3A_84 : memref<1x64xi32, #tpu.memory_space<vmem>> -> memref<64xi32, #tpu.memory_space<vmem>>
      %dma_wait3A_86 = arith.constant 0 : i32
      %dma_wait3A_87 = arith.constant 0 : i32
      %dma_wait3A_88 = tpu.memref_slice %arg9[%dma_wait3A_86, %dma_wait3A_87] : memref<10112x16xf32, #tpu.memory_space<vmem_shared>> -> memref<10112x16xf32, #tpu.memory_space<vmem_shared>>
      tpu.wait_indirect_dma semaphore(%arg25 : memref<!tpu.dma_semaphore, #tpu.memory_space<semaphore_mem>>) src(%arg17 : memref<64x16xf32, #tpu.memory_space<vmem>>) dst(%dma_wait3A_88 : memref<10112x16xf32, #tpu.memory_space<vmem_shared>>)
      %dma_wait3A_89 = arith.constant 1 : i32
      %dma_wait3A_90 = arith.constant 0 : i32
      %dma_wait3A_91 = tpu.memref_slice %arg12[%dma_wait3A_89, %dma_wait3A_90] : memref<2x64xi32, #tpu.memory_space<vmem>> -> memref<1x64xi32, #tpu.memory_space<vmem>>
      %dma_wait3A_92 = tpu.memref_squeeze %dma_wait3A_91 : memref<1x64xi32, #tpu.memory_space<vmem>> -> memref<64xi32, #tpu.memory_space<vmem>>
      %dma_wait3A_93 = arith.constant 0 : i32
      %dma_wait3A_94 = arith.constant 0 : i32
      %dma_wait3A_95 = tpu.memref_slice %arg8[%dma_wait3A_93, %dma_wait3A_94] : memref<10112x128xf32, #tpu.memory_space<vmem_shared>> -> memref<10112x128xf32, #tpu.memory_space<vmem_shared>>
      tpu.wait_indirect_dma semaphore(%arg26 : memref<!tpu.dma_semaphore, #tpu.memory_space<semaphore_mem>>) src(%arg16 : memref<64x128xf32, #tpu.memory_space<vmem>>) dst(%dma_wait3A_95 : memref<10112x128xf32, #tpu.memory_space<vmem_shared>>)
      %dma_wait3A_96 = arith.constant 1 : i32
      %dma_wait3A_97 = arith.constant 0 : i32
      %dma_wait3A_98 = tpu.memref_slice %arg12[%dma_wait3A_96, %dma_wait3A_97] : memref<2x64xi32, #tpu.memory_space<vmem>> -> memref<1x64xi32, #tpu.memory_space<vmem>>
      %dma_wait3A_99 = tpu.memref_squeeze %dma_wait3A_98 : memref<1x64xi32, #tpu.memory_space<vmem>> -> memref<64xi32, #tpu.memory_space<vmem>>
      %dma_wait3A_100 = arith.constant 0 : i32
      %dma_wait3A_101 = arith.constant 0 : i32
      %dma_wait3A_102 = tpu.memref_slice %arg9[%dma_wait3A_100, %dma_wait3A_101] : memref<10112x16xf32, #tpu.memory_space<vmem_shared>> -> memref<10112x16xf32, #tpu.memory_space<vmem_shared>>
      tpu.wait_indirect_dma semaphore(%arg26 : memref<!tpu.dma_semaphore, #tpu.memory_space<semaphore_mem>>) src(%arg18 : memref<64x16xf32, #tpu.memory_space<vmem>>) dst(%dma_wait3A_102 : memref<10112x16xf32, #tpu.memory_space<vmem_shared>>)
    } else {
    }
    %eq3A_59 = arith.constant 1 : i32
    %eq3A_60 = arith.cmpi eq, %arg0, %eq3A_59 : i32
    %convert_element_type3A_61 = arith.extui %eq3A_60 : i1 to i32
    %cond3A_62 = arith.constant 0 : i32
    %cond3A_63 = arith.cmpi ne, %convert_element_type3A_61, %cond3A_62 : i32
    scf.if %cond3A_63 {
      %scan3A_70 = arith.constant 0 : i32
      %scan3A_71 = arith.constant 0 : i32
      %scan3A_72 = arith.constant 157 : i32
      %scan3A_73 = arith.addi %scan3A_71, %scan3A_72 : i32
      %scan3A_74 = arith.constant 1 : i32
      scf.for %scan3A_89 = %scan3A_71 to %scan3A_73 step %scan3A_74  : i32 {
        %mul3A_90 = arith.constant 16 : i32
        %mul3A_91 = arith.muli %scan3A_89, %mul3A_90 : i32
        %add3A_92 = arith.addi %arg1, %mul3A_91 : i32
        %lt3A_93 = arith.constant 2500 : i32
        %lt3A_94 = arith.cmpi slt, %add3A_92, %lt3A_93 : i32
        %convert_element_type3A_95 = arith.extui %lt3A_94 : i1 to i32
        %cond3A_96 = arith.constant 0 : i32
        %cond3A_97 = arith.cmpi ne, %convert_element_type3A_95, %cond3A_96 : i32
        scf.if %cond3A_97 {
          %gt3A = arith.constant 0 : i32
          %gt3A_98 = arith.cmpi sgt, %scan3A_89, %gt3A : i32
          %convert_element_type3A_99 = arith.extui %gt3A_98 : i1 to i32
          %cond3A_100 = arith.constant 0 : i32
          %cond3A_101 = arith.cmpi ne, %convert_element_type3A_99, %cond3A_100 : i32
          scf.if %cond3A_101 {
            %dma_wait3A_137 = arith.constant 1 : i32
            %dma_wait3A_138 = arith.constant 0 : i32
            %dma_wait3A_139 = tpu.memref_slice %arg11[%dma_wait3A_137, %dma_wait3A_138] : memref<2x64xi32, #tpu.memory_space<vmem>> -> memref<1x64xi32, #tpu.memory_space<vmem>>
            %dma_wait3A_140 = tpu.memref_squeeze %dma_wait3A_139 : memref<1x64xi32, #tpu.memory_space<vmem>> -> memref<64xi32, #tpu.memory_space<vmem>>
            %dma_wait3A_141 = arith.constant 0 : i32
            %dma_wait3A_142 = arith.constant 0 : i32
            %dma_wait3A_143 = tpu.memref_slice %arg8[%dma_wait3A_141, %dma_wait3A_142] : memref<10112x128xf32, #tpu.memory_space<vmem_shared>> -> memref<10112x128xf32, #tpu.memory_space<vmem_shared>>
            tpu.wait_indirect_dma semaphore(%arg25 : memref<!tpu.dma_semaphore, #tpu.memory_space<semaphore_mem>>) src(%arg15 : memref<64x128xf32, #tpu.memory_space<vmem>>) dst(%dma_wait3A_143 : memref<10112x128xf32, #tpu.memory_space<vmem_shared>>)
            %dma_wait3A_144 = arith.constant 1 : i32
            %dma_wait3A_145 = arith.constant 0 : i32
            %dma_wait3A_146 = tpu.memref_slice %arg12[%dma_wait3A_144, %dma_wait3A_145] : memref<2x64xi32, #tpu.memory_space<vmem>> -> memref<1x64xi32, #tpu.memory_space<vmem>>
            %dma_wait3A_147 = tpu.memref_squeeze %dma_wait3A_146 : memref<1x64xi32, #tpu.memory_space<vmem>> -> memref<64xi32, #tpu.memory_space<vmem>>
            %dma_wait3A_148 = arith.constant 0 : i32
            %dma_wait3A_149 = arith.constant 0 : i32
            %dma_wait3A_150 = tpu.memref_slice %arg8[%dma_wait3A_148, %dma_wait3A_149] : memref<10112x128xf32, #tpu.memory_space<vmem_shared>> -> memref<10112x128xf32, #tpu.memory_space<vmem_shared>>
            tpu.wait_indirect_dma semaphore(%arg26 : memref<!tpu.dma_semaphore, #tpu.memory_space<semaphore_mem>>) src(%arg16 : memref<64x128xf32, #tpu.memory_space<vmem>>) dst(%dma_wait3A_150 : memref<10112x128xf32, #tpu.memory_space<vmem_shared>>)
          } else {
          }
          %mul3A_102 = arith.constant 128 : i32
          %mul3A_103 = arith.muli %add3A_92, %mul3A_102 : i32
          "tpu.region"() ({
            %run_scoped3A = tpu.sem_alloc : memref<!tpu.dma_semaphore, #tpu.memory_space<semaphore_mem>>
            %dma_start3A_137 = arith.constant 0 : i32
            %dma_start3A_138 = tpu.memref_slice %arg2[%dma_start3A_137, %mul3A_103] : memref<2x320000xi32, #tpu.memory_space<hbm>> -> memref<2x64xi32, #tpu.memory_space<hbm>>
            %dma_start3A_139 = arith.constant 0 : i32
            %dma_start3A_140 = tpu.memref_slice %arg2[%dma_start3A_139, %mul3A_103] : memref<2x320000xi32, #tpu.memory_space<hbm>> -> memref<2x64xi32, #tpu.memory_space<hbm>>
            tpu.enqueue_dma source(%dma_start3A_140 : memref<2x64xi32, #tpu.memory_space<hbm>>) target(%arg11 : memref<2x64xi32, #tpu.memory_space<vmem>>) target_semaphore(%run_scoped3A : memref<!tpu.dma_semaphore, #tpu.memory_space<semaphore_mem>>)
            %dma_wait3A_141 = arith.constant 0 : i32
            %dma_wait3A_142 = tpu.memref_slice %arg2[%dma_wait3A_141, %mul3A_103] : memref<2x320000xi32, #tpu.memory_space<hbm>> -> memref<2x64xi32, #tpu.memory_space<hbm>>
            %dma_wait3A_143 = arith.constant 0 : i32
            %dma_wait3A_144 = tpu.memref_slice %arg2[%dma_wait3A_143, %mul3A_103] : memref<2x320000xi32, #tpu.memory_space<hbm>> -> memref<2x64xi32, #tpu.memory_space<hbm>>
            tpu.wait_dma2 semaphore(%run_scoped3A : memref<!tpu.dma_semaphore, #tpu.memory_space<semaphore_mem>>) src(%dma_wait3A_144 : memref<2x64xi32, #tpu.memory_space<hbm>>) dst(%arg11 : memref<2x64xi32, #tpu.memory_space<vmem>>)
            tpu.yield
          }) : () -> ()
          %dma_start3A = arith.constant 0 : i32
          %dma_start3A_104 = tpu.memref_slice %arg5[%mul3A_103, %dma_start3A] : memref<320000x128xf32, #tpu.memory_space<hbm>> -> memref<64x128xf32, #tpu.memory_space<hbm>>
          %dma_start3A_105 = arith.constant 0 : i32
          %dma_start3A_106 = tpu.memref_slice %arg5[%mul3A_103, %dma_start3A_105] : memref<320000x128xf32, #tpu.memory_space<hbm>> -> memref<64x128xf32, #tpu.memory_space<hbm>>
          tpu.enqueue_dma source(%dma_start3A_106 : memref<64x128xf32, #tpu.memory_space<hbm>>) target(%arg15 : memref<64x128xf32, #tpu.memory_space<vmem>>) target_semaphore(%arg21 : memref<!tpu.dma_semaphore, #tpu.memory_space<semaphore_mem>>)
          %add3A_107 = arith.constant 64 : i32
          %add3A_108 = arith.addi %mul3A_103, %add3A_107 : i32
          "tpu.region"() ({
            %run_scoped3A = tpu.sem_alloc : memref<!tpu.dma_semaphore, #tpu.memory_space<semaphore_mem>>
            %dma_start3A_137 = arith.constant 0 : i32
            %dma_start3A_138 = tpu.memref_slice %arg2[%dma_start3A_137, %add3A_108] : memref<2x320000xi32, #tpu.memory_space<hbm>> -> memref<2x64xi32, #tpu.memory_space<hbm>>
            %dma_start3A_139 = arith.constant 0 : i32
            %dma_start3A_140 = tpu.memref_slice %arg2[%dma_start3A_139, %add3A_108] : memref<2x320000xi32, #tpu.memory_space<hbm>> -> memref<2x64xi32, #tpu.memory_space<hbm>>
            tpu.enqueue_dma source(%dma_start3A_140 : memref<2x64xi32, #tpu.memory_space<hbm>>) target(%arg12 : memref<2x64xi32, #tpu.memory_space<vmem>>) target_semaphore(%run_scoped3A : memref<!tpu.dma_semaphore, #tpu.memory_space<semaphore_mem>>)
            %dma_wait3A_141 = arith.constant 0 : i32
            %dma_wait3A_142 = tpu.memref_slice %arg2[%dma_wait3A_141, %add3A_108] : memref<2x320000xi32, #tpu.memory_space<hbm>> -> memref<2x64xi32, #tpu.memory_space<hbm>>
            %dma_wait3A_143 = arith.constant 0 : i32
            %dma_wait3A_144 = tpu.memref_slice %arg2[%dma_wait3A_143, %add3A_108] : memref<2x320000xi32, #tpu.memory_space<hbm>> -> memref<2x64xi32, #tpu.memory_space<hbm>>
            tpu.wait_dma2 semaphore(%run_scoped3A : memref<!tpu.dma_semaphore, #tpu.memory_space<semaphore_mem>>) src(%dma_wait3A_144 : memref<2x64xi32, #tpu.memory_space<hbm>>) dst(%arg12 : memref<2x64xi32, #tpu.memory_space<vmem>>)
            tpu.yield
          }) : () -> ()
          %add3A_109 = arith.constant 64 : i32
          %add3A_110 = arith.addi %mul3A_103, %add3A_109 : i32
          %dma_start3A_111 = arith.constant 0 : i32
          %dma_start3A_112 = tpu.memref_slice %arg5[%add3A_110, %dma_start3A_111] : memref<320000x128xf32, #tpu.memory_space<hbm>> -> memref<64x128xf32, #tpu.memory_space<hbm>>
          %dma_start3A_113 = arith.constant 0 : i32
          %dma_start3A_114 = tpu.memref_slice %arg5[%add3A_110, %dma_start3A_113] : memref<320000x128xf32, #tpu.memory_space<hbm>> -> memref<64x128xf32, #tpu.memory_space<hbm>>
          tpu.enqueue_dma source(%dma_start3A_114 : memref<64x128xf32, #tpu.memory_space<hbm>>) target(%arg16 : memref<64x128xf32, #tpu.memory_space<vmem>>) target_semaphore(%arg24 : memref<!tpu.dma_semaphore, #tpu.memory_space<semaphore_mem>>)
          %dma_wait3A_115 = arith.constant 0 : i32
          %dma_wait3A_116 = tpu.memref_slice %arg5[%mul3A_103, %dma_wait3A_115] : memref<320000x128xf32, #tpu.memory_space<hbm>> -> memref<64x128xf32, #tpu.memory_space<hbm>>
          %dma_wait3A_117 = arith.constant 0 : i32
          %dma_wait3A_118 = tpu.memref_slice %arg5[%mul3A_103, %dma_wait3A_117] : memref<320000x128xf32, #tpu.memory_space<hbm>> -> memref<64x128xf32, #tpu.memory_space<hbm>>
          tpu.wait_dma2 semaphore(%arg21 : memref<!tpu.dma_semaphore, #tpu.memory_space<semaphore_mem>>) src(%dma_wait3A_118 : memref<64x128xf32, #tpu.memory_space<hbm>>) dst(%arg15 : memref<64x128xf32, #tpu.memory_space<vmem>>)
          %dma_start3A_119 = arith.constant 1 : i32
          %dma_start3A_120 = arith.constant 0 : i32
          %dma_start3A_121 = tpu.memref_slice %arg11[%dma_start3A_119, %dma_start3A_120] : memref<2x64xi32, #tpu.memory_space<vmem>> -> memref<1x64xi32, #tpu.memory_space<vmem>>
          %dma_start3A_122 = tpu.memref_squeeze %dma_start3A_121 : memref<1x64xi32, #tpu.memory_space<vmem>> -> memref<64xi32, #tpu.memory_space<vmem>>
          %dma_start3A_123 = arith.constant 0 : i32
          %dma_start3A_124 = arith.constant 0 : i32
          %dma_start3A_125 = tpu.memref_slice %arg8[%dma_start3A_123, %dma_start3A_124] : memref<10112x128xf32, #tpu.memory_space<vmem_shared>> -> memref<10112x128xf32, #tpu.memory_space<vmem_shared>>
          tpu.enqueue_indirect_dma source(%arg15 : memref<64x128xf32, #tpu.memory_space<vmem>>) target(%dma_start3A_125 : memref<10112x128xf32, #tpu.memory_space<vmem_shared>>) offsets(%dma_start3A_122 : memref<64xi32, #tpu.memory_space<vmem>>) semaphore(%arg25 : memref<!tpu.dma_semaphore, #tpu.memory_space<semaphore_mem>>) {add = true}
          %dma_wait3A_126 = arith.constant 0 : i32
          %dma_wait3A_127 = tpu.memref_slice %arg5[%add3A_110, %dma_wait3A_126] : memref<320000x128xf32, #tpu.memory_space<hbm>> -> memref<64x128xf32, #tpu.memory_space<hbm>>
          %dma_wait3A_128 = arith.constant 0 : i32
          %dma_wait3A_129 = tpu.memref_slice %arg5[%add3A_110, %dma_wait3A_128] : memref<320000x128xf32, #tpu.memory_space<hbm>> -> memref<64x128xf32, #tpu.memory_space<hbm>>
          tpu.wait_dma2 semaphore(%arg24 : memref<!tpu.dma_semaphore, #tpu.memory_space<semaphore_mem>>) src(%dma_wait3A_129 : memref<64x128xf32, #tpu.memory_space<hbm>>) dst(%arg16 : memref<64x128xf32, #tpu.memory_space<vmem>>)
          %dma_start3A_130 = arith.constant 1 : i32
          %dma_start3A_131 = arith.constant 0 : i32
          %dma_start3A_132 = tpu.memref_slice %arg12[%dma_start3A_130, %dma_start3A_131] : memref<2x64xi32, #tpu.memory_space<vmem>> -> memref<1x64xi32, #tpu.memory_space<vmem>>
          %dma_start3A_133 = tpu.memref_squeeze %dma_start3A_132 : memref<1x64xi32, #tpu.memory_space<vmem>> -> memref<64xi32, #tpu.memory_space<vmem>>
          %dma_start3A_134 = arith.constant 0 : i32
          %dma_start3A_135 = arith.constant 0 : i32
          %dma_start3A_136 = tpu.memref_slice %arg8[%dma_start3A_134, %dma_start3A_135] : memref<10112x128xf32, #tpu.memory_space<vmem_shared>> -> memref<10112x128xf32, #tpu.memory_space<vmem_shared>>
          tpu.enqueue_indirect_dma source(%arg16 : memref<64x128xf32, #tpu.memory_space<vmem>>) target(%dma_start3A_136 : memref<10112x128xf32, #tpu.memory_space<vmem_shared>>) offsets(%dma_start3A_133 : memref<64xi32, #tpu.memory_space<vmem>>) semaphore(%arg26 : memref<!tpu.dma_semaphore, #tpu.memory_space<semaphore_mem>>) {add = true}
        } else {
        }
      }
      %scan3A_75 = arith.constant 157 : i32
      %dma_wait3A = arith.constant 1 : i32
      %dma_wait3A_76 = arith.constant 0 : i32
      %dma_wait3A_77 = tpu.memref_slice %arg11[%dma_wait3A, %dma_wait3A_76] : memref<2x64xi32, #tpu.memory_space<vmem>> -> memref<1x64xi32, #tpu.memory_space<vmem>>
      %dma_wait3A_78 = tpu.memref_squeeze %dma_wait3A_77 : memref<1x64xi32, #tpu.memory_space<vmem>> -> memref<64xi32, #tpu.memory_space<vmem>>
      %dma_wait3A_79 = arith.constant 0 : i32
      %dma_wait3A_80 = arith.constant 0 : i32
      %dma_wait3A_81 = tpu.memref_slice %arg8[%dma_wait3A_79, %dma_wait3A_80] : memref<10112x128xf32, #tpu.memory_space<vmem_shared>> -> memref<10112x128xf32, #tpu.memory_space<vmem_shared>>
      tpu.wait_indirect_dma semaphore(%arg25 : memref<!tpu.dma_semaphore, #tpu.memory_space<semaphore_mem>>) src(%arg15 : memref<64x128xf32, #tpu.memory_space<vmem>>) dst(%dma_wait3A_81 : memref<10112x128xf32, #tpu.memory_space<vmem_shared>>)
      %dma_wait3A_82 = arith.constant 1 : i32
      %dma_wait3A_83 = arith.constant 0 : i32
      %dma_wait3A_84 = tpu.memref_slice %arg12[%dma_wait3A_82, %dma_wait3A_83] : memref<2x64xi32, #tpu.memory_space<vmem>> -> memref<1x64xi32, #tpu.memory_space<vmem>>
      %dma_wait3A_85 = tpu.memref_squeeze %dma_wait3A_84 : memref<1x64xi32, #tpu.memory_space<vmem>> -> memref<64xi32, #tpu.memory_space<vmem>>
      %dma_wait3A_86 = arith.constant 0 : i32
      %dma_wait3A_87 = arith.constant 0 : i32
      %dma_wait3A_88 = tpu.memref_slice %arg8[%dma_wait3A_86, %dma_wait3A_87] : memref<10112x128xf32, #tpu.memory_space<vmem_shared>> -> memref<10112x128xf32, #tpu.memory_space<vmem_shared>>
      tpu.wait_indirect_dma semaphore(%arg26 : memref<!tpu.dma_semaphore, #tpu.memory_space<semaphore_mem>>) src(%arg16 : memref<64x128xf32, #tpu.memory_space<vmem>>) dst(%dma_wait3A_88 : memref<10112x128xf32, #tpu.memory_space<vmem_shared>>)
    } else {
    }
    %barrier3A_64 = arith.constant 0 : index
    tpu.barrier barrier_id(%barrier3A_64)
    "tpu.region"() ({
      %run_scoped3A = tpu.sem_alloc : memref<!tpu.dma_semaphore, #tpu.memory_space<semaphore_mem>>
      %dma_start3A = arith.constant 0 : i32
      %dma_start3A_70 = tpu.memref_slice %arg6[%arg0, %mul3A_11, %dma_start3A] : memref<2x10112x128xf32, #tpu.memory_space<hbm>> -> memref<1x632x128xf32, #tpu.memory_space<hbm>>
      %dma_start3A_71 = tpu.memref_squeeze %dma_start3A_70 : memref<1x632x128xf32, #tpu.memory_space<hbm>> -> memref<632x128xf32, #tpu.memory_space<hbm>>
      %dma_start3A_72 = arith.constant 0 : i32
      %dma_start3A_73 = tpu.memref_slice %arg8[%mul3A_11, %dma_start3A_72] : memref<10112x128xf32, #tpu.memory_space<vmem_shared>> -> memref<632x128xf32, #tpu.memory_space<vmem_shared>>
      tpu.enqueue_dma source(%dma_start3A_73 : memref<632x128xf32, #tpu.memory_space<vmem_shared>>) target(%dma_start3A_71 : memref<632x128xf32, #tpu.memory_space<hbm>>) target_semaphore(%run_scoped3A : memref<!tpu.dma_semaphore, #tpu.memory_space<semaphore_mem>>)
      %dma_wait3A = arith.constant 0 : i32
      %dma_wait3A_74 = tpu.memref_slice %arg6[%arg0, %mul3A_11, %dma_wait3A] : memref<2x10112x128xf32, #tpu.memory_space<hbm>> -> memref<1x632x128xf32, #tpu.memory_space<hbm>>
      %dma_wait3A_75 = tpu.memref_squeeze %dma_wait3A_74 : memref<1x632x128xf32, #tpu.memory_space<hbm>> -> memref<632x128xf32, #tpu.memory_space<hbm>>
      %dma_wait3A_76 = arith.constant 0 : i32
      %dma_wait3A_77 = tpu.memref_slice %arg8[%mul3A_11, %dma_wait3A_76] : memref<10112x128xf32, #tpu.memory_space<vmem_shared>> -> memref<632x128xf32, #tpu.memory_space<vmem_shared>>
      tpu.wait_dma2 semaphore(%run_scoped3A : memref<!tpu.dma_semaphore, #tpu.memory_space<semaphore_mem>>) src(%dma_wait3A_77 : memref<632x128xf32, #tpu.memory_space<vmem_shared>>) dst(%dma_wait3A_75 : memref<632x128xf32, #tpu.memory_space<hbm>>)
      tpu.yield
    }) : () -> ()
    %eq3A_65 = arith.constant 0 : i32
    %eq3A_66 = arith.cmpi eq, %arg0, %eq3A_65 : i32
    %convert_element_type3A_67 = arith.extui %eq3A_66 : i1 to i32
    %cond3A_68 = arith.constant 0 : i32
    %cond3A_69 = arith.cmpi ne, %convert_element_type3A_67, %cond3A_68 : i32
    scf.if %cond3A_69 {
      "tpu.region"() ({
        %run_scoped3A = tpu.sem_alloc : memref<!tpu.dma_semaphore, #tpu.memory_space<semaphore_mem>>
        %dma_start3A = arith.constant 0 : i32
        %dma_start3A_70 = tpu.memref_slice %arg7[%mul3A_11, %dma_start3A] : memref<10112x16xf32, #tpu.memory_space<hbm>> -> memref<632x16xf32, #tpu.memory_space<hbm>>
        %dma_start3A_71 = arith.constant 0 : i32
        %dma_start3A_72 = tpu.memref_slice %arg9[%mul3A_11, %dma_start3A_71] : memref<10112x16xf32, #tpu.memory_space<vmem_shared>> -> memref<632x16xf32, #tpu.memory_space<vmem_shared>>
        tpu.enqueue_dma source(%dma_start3A_72 : memref<632x16xf32, #tpu.memory_space<vmem_shared>>) target(%dma_start3A_70 : memref<632x16xf32, #tpu.memory_space<hbm>>) target_semaphore(%run_scoped3A : memref<!tpu.dma_semaphore, #tpu.memory_space<semaphore_mem>>)
        %dma_wait3A = arith.constant 0 : i32
        %dma_wait3A_73 = tpu.memref_slice %arg7[%mul3A_11, %dma_wait3A] : memref<10112x16xf32, #tpu.memory_space<hbm>> -> memref<632x16xf32, #tpu.memory_space<hbm>>
        %dma_wait3A_74 = arith.constant 0 : i32
        %dma_wait3A_75 = tpu.memref_slice %arg9[%mul3A_11, %dma_wait3A_74] : memref<10112x16xf32, #tpu.memory_space<vmem_shared>> -> memref<632x16xf32, #tpu.memory_space<vmem_shared>>
        tpu.wait_dma2 semaphore(%run_scoped3A : memref<!tpu.dma_semaphore, #tpu.memory_space<semaphore_mem>>) src(%dma_wait3A_75 : memref<632x16xf32, #tpu.memory_space<vmem_shared>>) dst(%dma_wait3A_73 : memref<632x16xf32, #tpu.memory_space<hbm>>)
        tpu.yield
      }) : () -> ()
    } else {
    }
    return
  }
}

module attributes {stable_mosaic.version = 14 : i64} {
  func.func @_proj_body(%arg0: i32, %arg1: memref<1000x128xf32, #tpu.memory_space<vmem>>, %arg2: memref<128x128xf32, #tpu.memory_space<vmem>>, %arg3: memref<128x16xf32, #tpu.memory_space<vmem>>, %arg4: memref<1000x128xf32, #tpu.memory_space<vmem>>, %arg5: memref<1000x16xf32, #tpu.memory_space<vmem>>) attributes {dimension_semantics = [#tpu.dimension_semantics<arbitrary>], iteration_bounds = array<i64: 10>, scalar_prefetch = 0 : i64, scratch_operands = 0 : i64, tpu.core_type = #tpu.core_type<tc>, window_params = [{transform_indices = @transform_0, window_bounds = array<i64: 1000, 128>}, {pipeline_mode = #tpu.pipeline_mode<synchronous>, transform_indices = @transform_1, window_bounds = array<i64: 128, 128>}, {pipeline_mode = #tpu.pipeline_mode<synchronous>, transform_indices = @transform_2, window_bounds = array<i64: 128, 16>}, {transform_indices = @transform_3, window_bounds = array<i64: 1000, 128>}, {transform_indices = @transform_4, window_bounds = array<i64: 1000, 16>}]} {
    %get3A = arith.constant 0 : index
    %get3A_0 = arith.constant 0 : index
    %get3A_1 = vector.load %arg1[%get3A, %get3A_0] : memref<1000x128xf32, #tpu.memory_space<vmem>>, vector<1000x128xf32>
    %get3A_2 = arith.constant 0 : index
    %get3A_3 = arith.constant 0 : index
    %get3A_4 = vector.load %arg2[%get3A_2, %get3A_3] : memref<128x128xf32, #tpu.memory_space<vmem>>, vector<128x128xf32>
    %dot_general3A = arith.constant dense<0.000000e+00> : vector<1000x128xf32>
    %dot_general3A_5 = tpu.matmul %get3A_1, %get3A_4, %dot_general3A {dimension_numbers = #tpu.dot_dimension_numbers<[1], [0], [0], [1], [0, 0, 1, 1], [], []>, transpose_lhs_hint = false} : vector<1000x128xf32>, vector<128x128xf32>, vector<1000x128xf32> -> vector<1000x128xf32>
    %swap3A = arith.constant 0 : index
    %swap3A_6 = arith.constant 0 : index
    %swap3A_7 = vector.load %arg4[%swap3A, %swap3A_6] : memref<1000x128xf32, #tpu.memory_space<vmem>>, vector<1000x128xf32>
    tpu.vector_store %arg4[%swap3A, %swap3A_6], %dot_general3A_5 {strides = array<i32>} : memref<1000x128xf32, #tpu.memory_space<vmem>>, vector<1000x128xf32>,
    %get3A_8 = arith.constant 0 : index
    %get3A_9 = arith.constant 0 : index
    %get3A_10 = vector.load %arg3[%get3A_8, %get3A_9] : memref<128x16xf32, #tpu.memory_space<vmem>>, vector<128x16xf32>
    %dot_general3A_11 = arith.constant dense<0.000000e+00> : vector<1000x16xf32>
    %dot_general3A_12 = tpu.matmul %dot_general3A_5, %get3A_10, %dot_general3A_11 {dimension_numbers = #tpu.dot_dimension_numbers<[1], [0], [0], [1], [0, 0, 1, 1], [], []>, transpose_lhs_hint = false} : vector<1000x128xf32>, vector<128x16xf32>, vector<1000x16xf32> -> vector<1000x16xf32>
    %swap3A_13 = arith.constant 0 : index
    %swap3A_14 = arith.constant 0 : index
    %swap3A_15 = vector.load %arg5[%swap3A_13, %swap3A_14] : memref<1000x16xf32, #tpu.memory_space<vmem>>, vector<1000x16xf32>
    tpu.vector_store %arg5[%swap3A_13, %swap3A_14], %dot_general3A_12 {strides = array<i32>} : memref<1000x16xf32, #tpu.memory_space<vmem>>, vector<1000x16xf32>,
    return
  }
  func.func @transform_0(%arg0: i32) -> (i32, i32) {
    %c0_i32 = arith.constant 0 : i32
    %c0_i32_0 = arith.constant 0 : i32
    return %arg0, %c0_i32 : i32, i32
  }
  func.func @transform_1(%arg0: i32) -> (i32, i32) {
    %c0_i32 = arith.constant 0 : i32
    %c0_i32_0 = arith.constant 0 : i32
    %c0_i32_1 = arith.constant 0 : i32
    return %c0_i32, %c0_i32_0 : i32, i32
  }
  func.func @transform_2(%arg0: i32) -> (i32, i32) {
    %c0_i32 = arith.constant 0 : i32
    %c0_i32_0 = arith.constant 0 : i32
    %c0_i32_1 = arith.constant 0 : i32
    return %c0_i32, %c0_i32_0 : i32, i32
  }
  func.func @transform_3(%arg0: i32) -> (i32, i32) {
    %c0_i32 = arith.constant 0 : i32
    %c0_i32_0 = arith.constant 0 : i32
    return %arg0, %c0_i32 : i32, i32
  }
  func.func @transform_4(%arg0: i32) -> (i32, i32) {
    %c0_i32 = arith.constant 0 : i32
    %c0_i32_0 = arith.constant 0 : i32
    return %arg0, %c0_i32 : i32, i32
  }
}

module attributes {stable_mosaic.version = 14 : i64} {
  func.func @_comb_body(%arg0: i32, %arg1: memref<1000x128xf32, #tpu.memory_space<vmem>>, %arg2: memref<1000x128xf32, #tpu.memory_space<vmem>>, %arg3: memref<1000x16xf32, #tpu.memory_space<vmem>>, %arg4: memref<16x1xf32, #tpu.memory_space<vmem>>, %arg5: memref<1000x128xf32, #tpu.memory_space<vmem>>, %arg6: memref<128x128xf32, #tpu.memory_space<vmem>>, %arg7: memref<16x128xf32, #tpu.memory_space<vmem>>, %arg8: memref<1x128xf32, #tpu.memory_space<vmem>>, %arg9: memref<1x128xf32, #tpu.memory_space<vmem>>, %arg10: memref<1000x128xf32, #tpu.memory_space<vmem>>) attributes {dimension_semantics = [#tpu.dimension_semantics<arbitrary>], iteration_bounds = array<i64: 10>, scalar_prefetch = 0 : i64, scratch_operands = 0 : i64, tpu.core_type = #tpu.core_type<tc>, window_params = [{transform_indices = @transform_0, window_bounds = array<i64: 1000, 128>}, {transform_indices = @transform_1, window_bounds = array<i64: 1000, 128>}, {transform_indices = @transform_2, window_bounds = array<i64: 1000, 16>}, {pipeline_mode = #tpu.pipeline_mode<synchronous>, transform_indices = @transform_3, window_bounds = array<i64: 16, 1>}, {transform_indices = @transform_4, window_bounds = array<i64: 1000, 128>}, {pipeline_mode = #tpu.pipeline_mode<synchronous>, transform_indices = @transform_5, window_bounds = array<i64: 128, 128>}, {pipeline_mode = #tpu.pipeline_mode<synchronous>, transform_indices = @transform_6, window_bounds = array<i64: 16, 128>}, {pipeline_mode = #tpu.pipeline_mode<synchronous>, transform_indices = @transform_7, window_bounds = array<i64: 1, 128>}, {pipeline_mode = #tpu.pipeline_mode<synchronous>, transform_indices = @transform_8, window_bounds = array<i64: 1, 128>}, {transform_indices = @transform_9, window_bounds = array<i64: 1000, 128>}]} {
    %get3A = arith.constant 0 : index
    %get3A_0 = arith.constant 0 : index
    %get3A_1 = vector.load %arg3[%get3A, %get3A_0] : memref<1000x16xf32, #tpu.memory_space<vmem>>, vector<1000x16xf32>
    %get3A_2 = arith.constant 0 : index
    %get3A_3 = arith.constant 0 : index
    %get3A_4 = vector.load %arg7[%get3A_2, %get3A_3] : memref<16x128xf32, #tpu.memory_space<vmem>>, vector<16x128xf32>
    %dot_general3A = arith.constant dense<0.000000e+00> : vector<1000x128xf32>
    %dot_general3A_5 = tpu.matmul %get3A_1, %get3A_4, %dot_general3A {dimension_numbers = #tpu.dot_dimension_numbers<[1], [0], [0], [1], [0, 0, 1, 1], [], []>, transpose_lhs_hint = false} : vector<1000x16xf32>, vector<16x128xf32>, vector<1000x128xf32> -> vector<1000x128xf32>
    %get3A_6 = arith.constant 0 : index
    %get3A_7 = arith.constant 0 : index
    %get3A_8 = vector.load %arg4[%get3A_6, %get3A_7] : memref<16x1xf32, #tpu.memory_space<vmem>>, vector<16x1xf32>
    %dot_general3A_9 = arith.constant dense<0.000000e+00> : vector<1000x1xf32>
    %dot_general3A_10 = tpu.matmul %get3A_1, %get3A_8, %dot_general3A_9 {dimension_numbers = #tpu.dot_dimension_numbers<[1], [0], [0], [1], [0, 0, 1, 1], [], []>, transpose_lhs_hint = false} : vector<1000x16xf32>, vector<16x1xf32>, vector<1000x1xf32> -> vector<1000x1xf32>
    %get3A_11 = arith.constant 0 : index
    %get3A_12 = arith.constant 0 : index
    %get3A_13 = vector.load %arg1[%get3A_11, %get3A_12] : memref<1000x128xf32, #tpu.memory_space<vmem>>, vector<1000x128xf32>
    %max3A = arith.constant 9.99999971E-10 : f32
    %max3A_14 = vector.broadcast %max3A : f32 to vector<1000x128xf32>
    %max3A_15 = arith.maximumf %dot_general3A_5, %max3A_14 : vector<1000x128xf32>
    %div3A = arith.divf %get3A_13, %max3A_15 : vector<1000x128xf32>
    %get3A_16 = arith.constant 0 : index
    %get3A_17 = arith.constant 0 : index
    %get3A_18 = vector.load %arg2[%get3A_16, %get3A_17] : memref<1000x128xf32, #tpu.memory_space<vmem>>, vector<1000x128xf32>
    %get3A_19 = arith.constant 0 : index
    %get3A_20 = arith.constant 0 : index
    %get3A_21 = vector.load %arg6[%get3A_19, %get3A_20] : memref<128x128xf32, #tpu.memory_space<vmem>>, vector<128x128xf32>
    %dot_general3A_22 = arith.constant dense<0.000000e+00> : vector<1000x128xf32>
    %dot_general3A_23 = tpu.matmul %get3A_18, %get3A_21, %dot_general3A_22 {dimension_numbers = #tpu.dot_dimension_numbers<[1], [0], [0], [1], [0, 0, 1, 1], [], []>, transpose_lhs_hint = false} : vector<1000x128xf32>, vector<128x128xf32>, vector<1000x128xf32> -> vector<1000x128xf32>
    %max3A_24 = arith.constant 1.000000e+00 : f32
    %max3A_25 = vector.broadcast %max3A_24 : f32 to vector<1000x1xf32>
    %max3A_26 = arith.maximumf %dot_general3A_10, %max3A_25 : vector<1000x1xf32>
    %div3A_27 = vector.broadcast %max3A_26 : vector<1000x1xf32> to vector<1000x128xf32>
    %div3A_28 = arith.divf %dot_general3A_23, %div3A_27 : vector<1000x128xf32>
    %get3A_29 = arith.constant 0 : index
    %get3A_30 = arith.constant 0 : index
    %get3A_31 = vector.load %arg9[%get3A_29, %get3A_30] : memref<1x128xf32, #tpu.memory_space<vmem>>, vector<1x128xf32>
    %min3A = arith.constant 1.000000e+00 : f32
    %min3A_32 = vector.broadcast %min3A : f32 to vector<1000x1xf32>
    %min3A_33 = arith.minimumf %dot_general3A_10, %min3A_32 : vector<1000x1xf32>
    %mul3A = vector.broadcast %get3A_31 : vector<1x128xf32> to vector<1000x128xf32>
    %mul3A_34 = vector.broadcast %min3A_33 : vector<1000x1xf32> to vector<1000x128xf32>
    %mul3A_35 = arith.mulf %mul3A, %mul3A_34 : vector<1000x128xf32>
    %add3A = arith.addf %div3A_28, %mul3A_35 : vector<1000x128xf32>
    %get3A_36 = arith.constant 0 : index
    %get3A_37 = arith.constant 0 : index
    %get3A_38 = vector.load %arg8[%get3A_36, %get3A_37] : memref<1x128xf32, #tpu.memory_space<vmem>>, vector<1x128xf32>
    %add3A_39 = vector.broadcast %get3A_38 : vector<1x128xf32> to vector<1000x128xf32>
    %add3A_40 = arith.addf %div3A, %add3A_39 : vector<1000x128xf32>
    %get3A_41 = arith.constant 0 : index
    %get3A_42 = arith.constant 0 : index
    %get3A_43 = vector.load %arg5[%get3A_41, %get3A_42] : memref<1000x128xf32, #tpu.memory_space<vmem>>, vector<1000x128xf32>
    %add3A_44 = arith.constant 1.000000e+00 : f32
    %add3A_45 = vector.broadcast %add3A_44 : f32 to vector<1000x1xf32>
    %add3A_46 = arith.addf %dot_general3A_10, %add3A_45 : vector<1000x1xf32>
    %div3A_47 = vector.broadcast %add3A_46 : vector<1000x1xf32> to vector<1000x128xf32>
    %div3A_48 = arith.divf %get3A_43, %div3A_47 : vector<1000x128xf32>
    %add3A_49 = arith.addf %add3A_40, %div3A_48 : vector<1000x128xf32>
    %add3A_50 = arith.addf %add3A_49, %add3A : vector<1000x128xf32>
    %swap3A = arith.constant 0 : index
    %swap3A_51 = arith.constant 0 : index
    %swap3A_52 = vector.load %arg10[%swap3A, %swap3A_51] : memref<1000x128xf32, #tpu.memory_space<vmem>>, vector<1000x128xf32>
    tpu.vector_store %arg10[%swap3A, %swap3A_51], %add3A_50 {strides = array<i32>} : memref<1000x128xf32, #tpu.memory_space<vmem>>, vector<1000x128xf32>,
    return
  }
  func.func @transform_0(%arg0: i32) -> (i32, i32) {
    %c0_i32 = arith.constant 0 : i32
    %c0_i32_0 = arith.constant 0 : i32
    return %arg0, %c0_i32 : i32, i32
  }
  func.func @transform_1(%arg0: i32) -> (i32, i32) {
    %c0_i32 = arith.constant 0 : i32
    %c0_i32_0 = arith.constant 0 : i32
    return %arg0, %c0_i32 : i32, i32
  }
  func.func @transform_2(%arg0: i32) -> (i32, i32) {
    %c0_i32 = arith.constant 0 : i32
    %c0_i32_0 = arith.constant 0 : i32
    return %arg0, %c0_i32 : i32, i32
  }
  func.func @transform_3(%arg0: i32) -> (i32, i32) {
    %c0_i32 = arith.constant 0 : i32
    %c0_i32_0 = arith.constant 0 : i32
    %c0_i32_1 = arith.constant 0 : i32
    return %c0_i32, %c0_i32_0 : i32, i32
  }
  func.func @transform_4(%arg0: i32) -> (i32, i32) {
    %c0_i32 = arith.constant 0 : i32
    %c0_i32_0 = arith.constant 0 : i32
    return %arg0, %c0_i32 : i32, i32
  }
  func.func @transform_5(%arg0: i32) -> (i32, i32) {
    %c0_i32 = arith.constant 0 : i32
    %c0_i32_0 = arith.constant 0 : i32
    %c0_i32_1 = arith.constant 0 : i32
    return %c0_i32, %c0_i32_0 : i32, i32
  }
  func.func @transform_6(%arg0: i32) -> (i32, i32) {
    %c0_i32 = arith.constant 0 : i32
    %c0_i32_0 = arith.constant 0 : i32
    %c0_i32_1 = arith.constant 0 : i32
    return %c0_i32, %c0_i32_0 : i32, i32
  }
  func.func @transform_7(%arg0: i32) -> (i32, i32) {
    %c0_i32 = arith.constant 0 : i32
    %c0_i32_0 = arith.constant 0 : i32
    %c0_i32_1 = arith.constant 0 : i32
    return %c0_i32, %c0_i32_0 : i32, i32
  }
  func.func @transform_8(%arg0: i32) -> (i32, i32) {
    %c0_i32 = arith.constant 0 : i32
    %c0_i32_0 = arith.constant 0 : i32
    %c0_i32_1 = arith.constant 0 : i32
    return %c0_i32, %c0_i32_0 : i32, i32
  }
  func.func @transform_9(%arg0: i32) -> (i32, i32) {
    %c0_i32 = arith.constant 0 : i32
    %c0_i32_0 = arith.constant 0 : i32
    return %arg0, %c0_i32 : i32, i32
  }
}

</mosaic_0001>

<sc_bundles>
// kernel: kernel.5.cloned.1.call-start
scs
__scs_entry_jumppad:
0x0: {  	(pc) =	sbr.rel $0x88, $3  }
0x1: {  	(tag) =	ssettag $0x0;
	lr =	simm.s32 $0x1  }
0x2: {  	[smem:$0x3F98] =	sst lr;
	_ =	strace $0xD0000000  }
0x3: {  	_ = 	snop  }
0x4: {  	_ = 	snop  }
0x5: {  	_ = 	snop  }
0x6: {  	_ = 	snop  }
0x7: {  	_ = 	snop  }
__scs_overlays_trampoline_lowered:
0x8: {  	[smem:$0x3FA7] =	sst s0  }
0x9: {  	[smem:$0x3FA8] =	sst s1  }
0xa: {  	[smem:$0x3FA9] =	sst s2  }
0xb: {  	[smem:$0x3FAA] =	sst s3  }
0xc: {  	[smem:$0x3FAB] =	sst s4  }
0xd: {  	[smem:$0x3FAC] =	sst s5  }
0xe: {  	[smem:$0x3FAD] =	sst s6  }
0xf: {  	[smem:$0x3FAE] =	sst s7  }
0x10: {  	[smem:$0x3FAF] =	sst s8  }
0x11: {  	[smem:$0x3FB0] =	sst s9;
	s0 =	simm.s32 @!p0 $0x0  }
0x12: {  	s1 =	sld [smem:$0x3F96];
	s0 =	simm.s32 @p0 $0x1  }
0x13: {  	[smem:$0x3FB1] =	sst s0;
	s0 =	simm.s32 @!p1 $0x0  }
0x14: {  	s2 =	sld [smem:$0x3F95];
	s0 =	simm.s32 @p1 $0x1  }
0x15: {  	[smem:$0x3FB2] =	sst s0;
	s0 =	simm.s32 @!p2 $0x0  }
0x16: {  	s3 =	sld [smem:$0x3FDB];
	s0 =	simm.s32 @p2 $0x1  }
0x17: {  	s4 =	simm.s32 $0x1BF5;
	[smem:$0x3FB4] =	sst s0  }
0x18: {  	s0 =	sld [smem:$0x3F97];
	_ =	swait.ge [sflag:s4], $0x0  }
0x19: {  	s7 =	sld [smem:$0x3F98]  }
0x1a: {  	s8 =	sadd.s32 $0xFFFFE003, lr  }
0x1b: {  	s9 =	sadd.s32 $0xFFFFFEF7, lr;
	s5 =	simm.s32 $0xFFFFFFFF;
	p2 =	slt.u32 s8, $0xFFFFF086  }
0x1c: {  	p1 =	slt.u32 s9, $0xF7A;
	s5 =	simm.s32 @!p2 $0x0  }
0x1d: {  	s5 =	simm.s32 @p1 $0x1;
	p0 =	seq.s32 s7, s2  }
0x1e: {  	s7 =	smul.u32 @!p0 $0xF7A, s2;
	p2 =	seq.s32 @!p0 s5, $0x0  }
0x1f: {  	s9 =	smul.u32 $0xF7A, s1;
	s8 =	simm.s32 @!p0 $0x1BF5;
	p2 =	por !p2, p0  }
0x20: {  	[sflag:s8] =	ssyncset.s32 @!p0 $0xFFFFF086;
	s6 =	sadd.s32 @!p0 s3, s7;
	s7 =	simm.s32 @!p0 $0x108  }
0x21: {  	s3 =	sadd.s32 s3, s9;
	s6 =	sadd.s32 @!p0 $0x88, s6;
	s7 =	simm.s32 @p2 $0x1082  }
0x22: {  	[simem:s7], [sflag:s8] =	dma.local @!p0 [hbm:s6], $0xF7A  }
0x23: {  	s9 =	sor.u32 $0xD0000000, s2;
	s6 =	simm.s32 $0x108;
	_ =	swait.ge @!p0 [sflag:s8], $0x0  }
0x24: {  	s3 =	sadd.s32 $0x88, s3;
	s6 =	simm.s32 @!p1 $0x1082;
	[sflag:s4] =	ssyncset.s32 $0xFFFFF086  }
0x25: {  	[simem:s6], [sflag:s4] =	dma.local [hbm:s3], $0xF7A  }
0x26: {  	[smem:$0x3F98] =	sst s1;
	(tag) =	ssettag s2;
	_ =	strace s9  }
0x27: {  	s1 =	sld [smem:$0x3FA8]  }
0x28: {  	s2 =	sld [smem:$0x3FA9]  }
0x29: {  	s4 =	sld [smem:$0x3FAB]  }
0x2a: {  	p0 =	seq.s32 s5, $0x0;
	s5 =	sld [smem:$0x3FAC]  }
0x2b: {  	s6 =	sld [smem:$0x3FAD]  }
0x2c: {  	s7 =	sld [smem:$0x3FAE]  }
0x2d: {  	s3 =	simm.s32 $0x108;
	s8 =	sld [smem:$0x3FAF]  }
0x2e: {  	s3 =	simm.s32 @!p0 $0x1082;
	s9 =	sld [smem:$0x3FB0]  }
0x2f: {  	lr =	sadd.s32 s0, s3;
	s0 =	sld [smem:$0x3FA7]  }
0x30: {  	s3 =	sld [smem:$0x3FAA]  }
0x31: {  	[smem:$0x3FB3] =	sst s10  }
0x32: {  	s10 =	sld [smem:$0x3FB1];
	_ =	sdelay $0x3  }
0x33: {  	p0 =	seq.s32 s10, $0x1;
	s10 =	sld [smem:$0x3FB3];
	_ =	sdelay $0x3  }
0x34: {  	[smem:$0x3FB3] =	sst s10  }
0x35: {  	s10 =	sld [smem:$0x3FB2];
	_ =	sdelay $0x3  }
0x36: {  	p1 =	seq.s32 s10, $0x1;
	s10 =	sld [smem:$0x3FB3];
	_ =	sdelay $0x3  }
0x37: {  	[smem:$0x3FB3] =	sst s10  }
0x38: {  	s10 =	sld [smem:$0x3FB4]  }
0x39: {  	_ = 	snop;
	(pc) =	sbr.ind lr, $3  }
0x3a: {  	_ = 	snop  }
0x3b: {  	_ = 	snop  }
0x3c: {  	p2 =	seq.s32 s10, $0x1;
	s10 =	sld [smem:$0x3FB3]  }
0x3d: {  	_ =	shalt  }
0x3e: {  	_ =	shalt  }
0x3f: {  	_ =	shalt  }
0x40: {  	_ =	shalt  }
0x41: {  	_ =	shalt  }
0x42: {  	_ =	shalt  }
0x43: {  	_ =	shalt  }
0x44: {  	_ =	shalt  }
0x45: {  	_ =	shalt  }
0x46: {  	_ =	shalt  }
0x47: {  	_ =	shalt  }
0x48: {  	_ =	shalt  }
0x49: {  	_ =	shalt  }
0x4a: {  	_ =	shalt  }
0x4b: {  	_ =	shalt  }
0x4c: {  	_ =	shalt  }
0x4d: {  	_ =	shalt  }
0x4e: {  	_ =	shalt  }
0x4f: {  	_ =	shalt  }
0x50: {  	_ =	shalt  }
0x51: {  	_ =	shalt  }
0x52: {  	_ =	shalt  }
0x53: {  	_ =	shalt  }
0x54: {  	_ =	shalt  }
0x55: {  	_ =	shalt  }
0x56: {  	_ =	shalt  }
0x57: {  	_ =	shalt  }
0x58: {  	_ =	shalt  }
0x59: {  	_ =	shalt  }
0x5a: {  	_ =	shalt  }
0x5b: {  	_ =	shalt  }
0x5c: {  	_ =	shalt  }
0x5d: {  	_ =	shalt  }
0x5e: {  	_ =	shalt  }
0x5f: {  	_ =	shalt  }
0x60: {  	_ =	shalt  }
0x61: {  	_ =	shalt  }
0x62: {  	_ =	shalt  }
0x63: {  	_ =	shalt  }
0x64: {  	_ =	shalt  }
0x65: {  	_ =	shalt  }
0x66: {  	_ =	shalt  }
0x67: {  	_ =	shalt  }
0x68: {  	_ =	shalt  }
0x69: {  	_ =	shalt  }
0x6a: {  	_ =	shalt  }
0x6b: {  	_ =	shalt  }
0x6c: {  	_ =	shalt  }
0x6d: {  	_ =	shalt  }
0x6e: {  	_ =	shalt  }
0x6f: {  	_ =	shalt  }
0x70: {  	_ =	shalt  }
0x71: {  	_ =	shalt  }
0x72: {  	_ =	shalt  }
0x73: {  	_ =	shalt  }
0x74: {  	_ =	shalt  }
0x75: {  	_ =	shalt  }
0x76: {  	_ =	shalt  }
0x77: {  	_ =	shalt  }
0x78: {  	_ =	shalt  }
0x79: {  	_ =	shalt  }
0x7a: {  	_ =	shalt  }
0x7b: {  	_ =	shalt  }
0x7c: {  	_ =	shalt  }
0x7d: {  	_ =	shalt  }
0x7e: {  	_ =	shalt  }
0x7f: {  	_ =	shalt  }
0x80: {  	_ =	shalt  }
0x81: {  	_ =	shalt  }
0x82: {  	_ =	shalt  }
0x83: {  	_ =	shalt  }
0x84: {  	_ =	shalt  }
0x85: {  	_ =	shalt  }
0x86: {  	_ =	shalt  }
0x87: {  	_ =	shalt  }
.Lfunc_end0:
.L_simem_size_0:
called_computation_lowered:
.L_overlay_start_0:
0x88: {  	s2 =	sld [smem:$0x3FD9]  }
0x89: {  	s3 =	sld [smem:$0x3FFE];
	_ =	sdelay $0x1  }
0x8a: {  	s1 =	srdreg.scid  }
0x8b: {  	s0 =	sand.u32 $0x1, s1  }
0x8c: {  	s17 =	sshll.u32 s0, $0xA;
	s2 =	sadd.s32 s3, s2  }
0x8d: {  	s2 =	sadd.s32 s2, s17  }
0x8e: {  	[smem:$0x3FBF] =	sst s2  }
0x8f: {  	_ = 	snop  }
0x90: {  	s2 =	sld [smem:$0x3FC7]  }
0x91: {  	s18 =	sld [smem:$0x3FD0];
	(tm) =	ssettm $0x1  }
0x92: {  	s4 =	sld [smem:$0x3FFB];
	_ =	sdelay $0x3  }
0x93: {  	_ =	strace s4  }
0x94: {  	s4 =	sld [smem:$0x3FFC];
	_ =	sdelay $0x3  }
0x95: {  	_ =	strace s4  }
0x96: {  	s4 =	sld [smem:$0x3FFD];
	_ =	sdelay $0x3  }
0x97: {  	_ =	strace s4  }
0x98: {  	_ =	strace $0x8FFFFFFF  }
0x99: {  	s19 =	sld [smem:$0x3FDB];
	_ =	sdelay $0x1  }
0x9a: {  	s5 =	simm.s32 $_scs_section_size  }
0x9b: {  	s6 =	simm.s32 $_size__tile_overlayer_lowered;
	s7 =	simm.s32 $_tile_overlayer_lowered  }
0x9c: {  	s22 =	simm.s32 $0x1BFF;
	s21 =	sshll.u32 s7, $0x1;
	s4 =	sadd.s32 s5, s19  }
0x9d: {  	s8 =	simm.s32 $0x0;
	s20 =	sshll.u32 s6, $0x1;
	s6 =	sadd.s32 s21, s4  }
0x9e: {  	[timem:s8], [sflag:s22] =	dma.local [hbm:s6], s20  }
0x9f: {  	_ =	swait.ge [sflag:s22], s20  }
0xa0: {  	s5 =	ssub.s32 $0x0, s20;
	[sflag:s22] =	ssyncset.done $0x0  }
0xa1: {  	[sflag:s22] =	ssyncadd.s32 s5;
	_ =	sdelay $0x1  }
0xa2: {  	s23 =	simm.s32 $0x1B8B  }
0xa3: {  	_ =	swait.ge [sflag:s23], $0x1  }
0xa4: {  	[sflag:s23] =	ssyncset.done $0x0  }
0xa5: {  	s25 =	simm.s32 $0x1B8E;
	s24 =	sld [smem:$0x3FFE];
	[sflag:s23] =	ssyncadd.s32 $0xFFFFFFFF  }
0xa6: {  	s26 =	simm.s32 $execute0_lowered;
	[smem:$0x3FD2] =	sst s25  }
0xa7: {  	s6 =	sshll.u32 s26, $0x1;
	_ =	strace $0x80000046;
	[dreg:$0x1] =	wrdreg $0xFFFFFFFF  }
0xa8: {  	s28 =	simm.s32 $_size_execute0_lowered;
	s4 =	sadd.s32 s4, s6;
	[dreg:$0x0] =	wrdreg $0x0  }
0xa9: {  	s6 =	sshll.u32 s28, $0x1;
	[dreg:$0x2] =	wrdreg s4  }
0xaa: {  	[dreg:$0x3] =	wrdreg s6  }
0xab: {  	[dreg:$0x4] =	wrdreg $0xC0  }
0xac: {  	_ =	task [dreg:s8], $0x5FFFF  }
0xad: {  	[dreg:$0x1] =	wrdreg $0xFFFFFFFF  }
0xae: {  	[dreg:$0x0] =	wrdreg $0x60  }
0xaf: {  	[dreg:$0x2] =	wrdreg s24  }
0xb0: {  	[dreg:$0x3] =	wrdreg s18  }
0xb1: {  	[dreg:$0x4] =	wrdreg s2  }
0xb2: {  	[dreg:$0x5] =	wrdreg $0x0  }
0xb3: {  	[dreg:$0x6] =	wrdreg $0x13C000  }
0xb4: {  	[dreg:$0x7] =	wrdreg $0x163800  }
0xb5: {  	[dreg:$0x8] =	wrdreg $0x9  }
0xb6: {  	_ =	task.clear_ibuf [dreg:s8], $0x9FFFF;
	_ =	strace $0x90000046  }
0xb7: {  	s29 =	simm.s32 $0x9;
	_ =	strace $0x80000048  }
0xb8: {  	_ =	swait.ge [sflag:s29], $0x1  }
0xb9: {  	[sflag:s29] =	ssyncadd.s32 $0xFFFFFFFF  }
0xba: {  	_ =	strace $0x90000048  }
0xbb: {  	_ =	sfence  }
0xbc: {  	s30 =	sld [smem:$0x0];
	_ =	sdelay $0x2  }
0xbd: {  	s31 =	sshll.u32 s1, $0xD;
	s1 =	sshrl.u32 s1, $0x2  }
0xbe: {  	s3 =	sand.u32 $0x4000, s31;
	s1 =	sadd.s32 s1, s30  }
0xbf: {  	s0 =	sor.u32 s3, s0;
	s1 =	sshll.u32 s1, $0x11  }
0xc0: {  	s0 =	sor.u32 s1, s0  }
0xc1: {  	s0 =	sadd.s32 $0x8F2B, s0  }
0xc2: {  	[sflag:s0] =	ssyncadd.remote.s32 $0x1  }
0xc3: {  	_ =	sfence.sel $0xFFFF  }
0xc4: {  	[dreg:$0x0] =	wrdreg $0xFFFFFFFF;
	(pc) =	sbr.abs _section_cstart, $3  }
0xc5: {  	[dreg:$0x1] =	wrdreg $0xFFFFFFFF  }
0xc6: {  	_ =	task.clear_ibuf [dreg:s8], $0x2FFFF;
	_ =	strace $0x9FFFFFFF  }
0xc7: {  	(tm) =	ssettm $0x7FFFFFFF  }
tec
execute0_lowered:
.L_overlay_start_1:
0x0: {  	(tag) =	ssettag $0x1  }
0x1: {  	s0 =	rddreg [dreg:$0x0]  }
0x2: {  	s2 =	rddreg [dreg:$0x1]  }
0x3: {  	s1 =	rddreg [dreg:$0x2]  }
0x4: {  	s3 =	rddreg [dreg:$0x3];
	s4 =	stileid.u32  }
0x5: {  	s18 =	rddreg [dreg:$0x4];
	s6 =	smul.u32 $0x280, s4  }
0x6: {  	s5 =	rddreg [dreg:$0x5];
	s10 =	smul.u32 $0x13C00, s4  }
0x7: {  	s7 =	srdreg.scid;
	s11 =	smul.u32 $0x2780, s4  }
0x8: {  	s23 =	simm.s32 $0x0;
	s9 =	sand.u32 $0x1, s7;
	s13 =	smul.u32 $0x278, s4  }
0x9: {  	[smem:$0x7FF] =	sst s23;
	s26 =	sshll.u32 s4, $0x7;
	s8 =	smul.u32 $0x13C000, s9  }
0xa: {  	_ =	strace $0x80000047;
	s12 =	ssub.s32 $0x2, s9;
	p0 =	sne.s32 s9, $0x0  }
0xb: {  	s6 =	smin.u32 s6, $0x2490;
	s14 =	sshrl.u32 s11, $0x3;
	s15 =	sshrl.u32 s12, $0x1  }
0xc: {  	s19 =	sadd.s32 $0x40, s13;
	s31 =	sadd.s32 s10, s3;
	s28 =	sadd.s32 s11, s18  }
0xd: {  	s22 =	sadd.s32 $0x80, s13;
	s11 =	sor.u32 $0x40, s26;
	s16 =	sadd.s32 $0xC0, s13  }
0xe: {  	s17 =	sshll.u32 s6, $0x1;
	s8 =	sadd.s32 s10, s8;
	s14 =	sadd.s32 s14, s0  }
0xf: {  	s15 =	ssub.s32 s12, s15;
	s20 =	sshll.u32 s19, $0x7;
	s21 =	sshll.u32 s19, $0x4  }
0x10: {  	s25 =	sshll.u32 s22, $0x7;
	s29 =	sshll.u32 s22, $0x4;
	s19 =	sshll.u32 s4, $0xB  }
0x11: {  	s22 =	sshll.u32 s16, $0x4;
	s7 =	sadd.s32 s17, s0;
	s8 =	sshrl.u32 s8, $0x3  }
0x12: {  	s20 =	sadd.s32 s20, s3;
	s24 =	sadd.s32 s21, s18;
	s10 =	sadd.s32 s25, s3  }
0x13: {  	s17 =	sshll.u32 s11, $0x4;
	s12 =	sadd.s32 s1, s19;
	s21 =	sshll.u32 s16, $0x7  }
0x14: {  	s16 =	sadd.s32 s22, s18;
	s25 =	sadd.s32 $0x100, s13;
	[dreg:$0x7] =	wrdreg s10  }
0x15: {  	s8 =	sadd.s32 s8, s0;
	s1 =	sadd.s32 s1, s17;
	[smem:$0x7FC] =	sst s20  }
0x16: {  	s10 =	sadd.s32 s29, s18;
	s26 =	sshll.u32 s25, $0x7;
	[smem:$0x7FD] =	sst s24  }
0x17: {  	s29 =	sadd.s32 $0x140, s13;
	s17 =	sadd.s32 $0x180, s13;
	[dreg:$0x8] =	wrdreg s1  }
0x18: {  	[dreg:$0x9] =	wrdreg s10;
	s1 =	sadd.s32 s21, s3;
	s19 =	sadd.s32 s26, s3  }
0x19: {  	s9 =	sshll.u32 s29, $0x7;
	[dreg:$0xa] =	wrdreg s1;
	s1 =	sshll.u32 s25, $0x4  }
0x1a: {  	[smem:$0x7FB] =	sst s19;
	s30 =	sadd.s32 s1, s18;
	s1 =	sadd.s32 s9, s3  }
0x1b: {  	s10 =	sshll.u32 s29, $0x4;
	s25 =	sadd.s32 $0x1C0, s13;
	[dreg:$0xc] =	wrdreg s1  }
0x1c: {  	s9 =	sshll.u32 s17, $0x4;
	s1 =	sadd.s32 s10, s18;
	[dreg:$0xb] =	wrdreg s30  }
0x1d: {  	s26 =	sshll.u32 s25, $0x7;
	s22 =	sadd.s32 s9, s18;
	[dreg:$0xd] =	wrdreg s1  }
0x1e: {  	s9 =	sadd.s32 s26, s3;
	s26 =	sshll.u32 s6, $0x4;
	[dreg:$0xf] =	wrdreg s22  }
0x1f: {  	s6 =	sadd.s32 $0x6C00, s0;
	s0 =	sadd.s32 $0x6C08, s0;
	[dreg:$0x10] =	wrdreg s9  }
0x20: {  	s21 =	sshll.u32 s17, $0x7;
	s29 =	sadd.s32 $0x200, s13;
	[dreg:$0x18] =	wrdreg s0  }
0x21: {  	s17 =	sshll.u32 s29, $0x7;
	s1 =	sadd.s32 s21, s3;
	[dreg:$0x17] =	wrdreg s6  }
0x22: {  	s21 =	sshll.u32 s29, $0x4;
	s29 =	sadd.s32 $0x1C00, s7;
	[dreg:$0xe] =	wrdreg s1  }
0x23: {  	s22 =	sadd.s32 $0x240, s13;
	s13 =	sadd.s32 $0x1A600, s8;
	[dreg:$0x16] =	wrdreg s29  }
0x24: {  	s1 =	sshll.u32 s25, $0x4;
	[dreg:$0x19] =	wrdreg s13;
	s29 =	sor.u32 $0x10, s4  }
0x25: {  	s9 =	sshll.u32 s22, $0x4;
	s1 =	sadd.s32 s1, s18;
	[smem:$0x7FA] =	sst s29  }
0x26: {  	s9 =	sadd.s32 s9, s18;
	[dreg:$0x11] =	wrdreg s1  }
0x27: {  	s1 =	sadd.s32 s17, s3;
	[dreg:$0x15] =	wrdreg s9  }
0x28: {  	s25 =	sshll.u32 s22, $0x7;
	s17 =	sadd.s32 $0x69600, s14;
	[dreg:$0x12] =	wrdreg s1  }
0x29: {  	v0 =	vimm.s32 $0xFEDCBA98;
	s22 =	sshrl.u32 s11, $0x3;
	s1 =	sadd.s32 s21, s18;
	[dreg:$0x1a] =	wrdreg s17  }
0x2a: {  	v1 =	vimm.s32 $0x76543210;
	v0 =	vunpack.c.l.s4.s8 v0;
	s13 =	simm.s32 $0x3;
	s21 =	smax.u32 s15, $0x1;
	[dreg:$0x13] =	wrdreg s1  }
0x2b: {  	v1 =	vunpack.c.l.s4.s8 v1;
	s11 =	simm.s32 $0x6;
	s1 =	sadd.s32 s25, s3;
	[dreg:$0x1b] =	wrdreg s21  }
0x2c: {  	v0 =	vunpack.c.0.s8.s32 v0;
	s25 =	sshll.u32 s4, $0x4;
	[dreg:$0x14] =	wrdreg s1;
	s1 =	sadd.s32 s26, s5  }
.Ltmp0:
0x2d: {  	v2 =	vimm.f32 $0.0e+00;
	vm0 =	vcmask $0x2320;
	v1 =	vunpack.c.0.s8.s32 v1;
	s26 =	sadd.s32 s6, s25;
	s6 =	sadd.s32 s6, s22;
	(pc) =	sbr.rel .LBB2_1-.Ltmp0, $4  }
0x2e: {  	v35 =	vimm.s32 $0x0;
	v39 =	vimm.s32 $0x1;
	v0 =	vand.u32 $0xF, v0;
	s14 =	simm.s32 $0x19B90;
	s15 =	simm.s32 $0x9;
	[dreg:$0x1d] =	wrdreg s6  }
0x2f: {  	v36 =	vimm.s32 $0x2;
	v34 =	vsel vm0, $0x3F800000, v2;
	v11 =	vcombine.low v0, v1;
	s17 =	simm.s32 $0x40;
	s1 =	sshrl.u32 s1, $0x3;
	[dreg:$0x1c] =	wrdreg s26  }
0x30: {  	v12 =	vimm.s32 $0x3;
	v13 =	vimm.s32 $0x4;
	v14 =	vimm.s32 $0x5;
	[tilespmem:$0x1FFE0] =	vst v34;
	s21 =	simm.s32 $0x1BB90;
	s0 =	sadd.s32 $0x108, s26;
	[dreg:$0x1e] =	wrdreg s1  }
0x31: {  	v24 =	vimm.s32 $0x6;
	v23 =	vimm.s32 $0x7;
	vm0 =	vmmov $0xff;
	[tilespmem:$0x1FFF0] =	vst v11;
	s22 =	simm.s32 $0x18AD0;
	s25 =	simm.s32 $0x18B50;
	[dreg:$0x1f] =	wrdreg s0  }
.LBB2_12:
0x32: {  	s0 =	simm.s32 $0x7  }
0x33: {  	_ =	swait.ge [sflag:s0], $0x2000  }
0x34: {  	[sflag:s0] =	ssyncset.done $0x0  }
0x35: {  	[sflag:s0] =	ssyncadd.s32 $0xFFFFE000  }
0x36: {  	_ =	swait.ge [sflag:s0], $0x400  }
0x37: {  	[sflag:s0] =	ssyncset.done $0x0  }
0x38: {  	s29 =	simm.s32 $0x8;
	[sflag:s0] =	ssyncadd.s32 $0xFFFFFC00  }
0x39: {  	_ =	swait.ge [sflag:s29], $0x2000  }
0x3a: {  	[sflag:s29] =	ssyncset.done $0x0  }
0x3b: {  	[sflag:s29] =	ssyncadd.s32 $0xFFFFE000  }
0x3c: {  	_ =	swait.ge [sflag:s29], $0x400  }
0x3d: {  	[sflag:s29] =	ssyncset.done $0x0;
	s20 =	sld [smem:$0x7FC]  }
0x3e: {  	s24 =	sld [smem:$0x7FD];
	[sflag:s29] =	ssyncadd.s32 $0xFFFFFC00  }
.LBB2_16:
0x3f: {  	[bflag:$0x0] =	sbarrier.arrive $0xFFFF  }
0x40: {  	s6 =	sld [smem:$0x7F9];
	_ =	sdelay $0x1  }
0x41: {  	s0 =	sshrl.u32 s31, $0x3;
	s1 =	rddreg [dreg:$0x19]  }
0x42: {  	[hbm:s1], [sflag:s6] =	dma.local [spmem:s0], $0x2780  }
0x43: {  	_ =	swait.ge [sflag:s15], $0x2780  }
0x44: {  	[sflag:s15] =	ssyncset.done $0x0  }
0x45: {  	s0 =	sshrl.u32 @!p0 s28, $0x3;
	s1 =	rddreg [dreg:$0x1a];
	[sflag:s15] =	ssyncadd.s32 $0xFFFFD880  }
0x46: {  	[hbm:s1], [sflag:s6] =	dma.local @!p0 [spmem:s0], $0x4F0  }
0x47: {  	s0 =	simm.s32 @!p0 $0x9  }
0x48: {  	_ =	swait.ge @!p0 [sflag:s0], $0x4F0  }
0x49: {  	s23 =	sadd.s32 $0x1, s23;
	s29 =	rddreg [dreg:$0x1b]  }
0x4a: {  	p1 =	sne.s32 s23, s29  }
.Ltmp1:
0x4b: {  	_ = 	snop;
	(pc) =	sbr.rel @!p1 .LBB2_17-.Ltmp1, $3  }
0x4c: {  	_ =	sdelay $0x1  }
0x4d: {  	[sflag:s0] =	ssyncset.done @!p0 $0x0  }
0x4e: {  	[sflag:s0] =	ssyncadd.s32 @!p0 $0xFFFFFB10  }
.LBB2_1:
0x4f: {  	s6 =	simm.s32 $0x19BD0  }
0x50: {  	[tilespmem:s6+$0xFFFFFFD0] =	vst v2  }
0x51: {  	[tilespmem:s6+$0xFFFFFFE0] =	vst v2  }
0x52: {  	[tilespmem:s6+$0xFFFFFFF0] =	vst v2  }
0x53: {  	[tilespmem:s6+$0x0] =	vst v2  }
0x54: {  	[tilespmem:s6+$0x10] =	vst v2  }
0x55: {  	[tilespmem:s6+$0x20] =	vst v2  }
0x56: {  	[tilespmem:s6+$0x30] =	vst v2  }
0x57: {  	s1 =	simm.s32 $0x0;
	s7 =	simm.s32 $0x40;
	[tilespmem:s6+$0xFFFFFFC0] =	vst v2  }
.LBB2_2:
0x58: {  	p1 =	sne.s32 s7, $0xFC0;
	[tilespmem:s1+$0x1DB90] =	vst v2;
	s6 =	sadd.s32 $0x80, s6  }
0x59: {  	[tilespmem:s6+$0xFFFFFFD0] =	vst v2  }
0x5a: {  	[tilespmem:s6+$0xFFFFFFE0] =	vst v2  }
0x5b: {  	[tilespmem:s6+$0xFFFFFFF0] =	vst v2  }
.Ltmp2:
0x5c: {  	[tilespmem:s6+$0x0] =	vst v2;
	(pc) =	sbr.rel @p1 .LBB2_2-.Ltmp2, $4  }
0x5d: {  	[tilespmem:s6+$0x10] =	vst v2  }
0x5e: {  	[tilespmem:s6+$0x20] =	vst v2  }
0x5f: {  	[tilespmem:s6+$0x30] =	vst v2  }
0x60: {  	s1 =	sshra.s32 s7, $0x2;
	s7 =	sadd.s32 $0x40, s7;
	[tilespmem:s6+$0xFFFFFFC0] =	vst v2  }
0x61: {  	[tilespmem:s1+$0x1DB90] =	vst v2  }
0x62: {  	[spmem:s31] =	stream.linear.scatter [tilespmem:s14], [sflag:$0x9], $0x2000, $0x38;
	[tilespmem:$0x1E390] =	vst v63  }
0x63: {  	_ =	swait.ge [sflag:s15], $0x2000  }
0x64: {  	[sflag:s15] =	ssyncset.done $0x0  }
0x65: {  	s1 =	simm.s32 $0x1DB90;
	[sflag:s15] =	ssyncadd.s32 $0xFFFFE000  }
0x66: {  	[spmem:s28] =	stream.linear.scatter [tilespmem:s1], [sflag:$0x9], $0x400, $0x38;
	[tilespmem:$0x1E390] =	vst v63  }
0x67: {  	_ =	swait.ge [sflag:s15], $0x400  }
0x68: {  	[sflag:s15] =	ssyncset.done $0x0  }
0x69: {  	[sflag:s15] =	ssyncadd.s32 $0xFFFFFC00  }
0x6a: {  	[spmem:s20] =	stream.linear.scatter [tilespmem:s14], [sflag:$0x9], $0x2000, $0x38;
	[tilespmem:$0x1E390] =	vst v63  }
0x6b: {  	_ =	swait.ge [sflag:s15], $0x2000  }
0x6c: {  	[sflag:s15] =	ssyncset.done $0x0  }
0x6d: {  	[sflag:s15] =	ssyncadd.s32 $0xFFFFE000  }
0x6e: {  	[spmem:s24] =	stream.linear.scatter [tilespmem:s1], [sflag:$0x9], $0x400, $0x38;
	[tilespmem:$0x1E390] =	vst v63  }
0x6f: {  	_ =	swait.ge [sflag:s15], $0x400  }
0x70: {  	[sflag:s15] =	ssyncset.done $0x0  }
0x71: {  	s0 =	rddreg [dreg:$0x7];
	[sflag:s15] =	ssyncadd.s32 $0xFFFFFC00  }
0x72: {  	[spmem:s0] =	stream.linear.scatter [tilespmem:s14], [sflag:$0x9], $0x2000, $0x38;
	[tilespmem:$0x1E390] =	vst v63  }
0x73: {  	_ =	swait.ge [sflag:s15], $0x2000  }
0x74: {  	[sflag:s15] =	ssyncset.done $0x0  }
0x75: {  	s10 =	rddreg [dreg:$0x9];
	[sflag:s15] =	ssyncadd.s32 $0xFFFFE000  }
0x76: {  	[spmem:s10] =	stream.linear.scatter [tilespmem:s1], [sflag:$0x9], $0x400, $0x38;
	[tilespmem:$0x1E390] =	vst v63  }
0x77: {  	_ =	swait.ge [sflag:s15], $0x400  }
0x78: {  	[sflag:s15] =	ssyncset.done $0x0  }
0x79: {  	s26 =	rddreg [dreg:$0xa];
	[sflag:s15] =	ssyncadd.s32 $0xFFFFFC00  }
0x7a: {  	[spmem:s26] =	stream.linear.scatter [tilespmem:s14], [sflag:$0x9], $0x2000, $0x38;
	[tilespmem:$0x1E390] =	vst v63  }
0x7b: {  	_ =	swait.ge [sflag:s15], $0x2000  }
0x7c: {  	[sflag:s15] =	ssyncset.done $0x0  }
0x7d: {  	[sflag:s15] =	ssyncadd.s32 $0xFFFFE000  }
0x7e: {  	[spmem:s16] =	stream.linear.scatter [tilespmem:s1], [sflag:$0x9], $0x400, $0x38;
	[tilespmem:$0x1E390] =	vst v63  }
0x7f: {  	_ =	swait.ge [sflag:s15], $0x400  }
0x80: {  	[sflag:s15] =	ssyncset.done $0x0  }
0x81: {  	[sflag:s15] =	ssyncadd.s32 $0xFFFFFC00  }
0x82: {  	[spmem:s19] =	stream.linear.scatter [tilespmem:s14], [sflag:$0x9], $0x2000, $0x38;
	[tilespmem:$0x1E390] =	vst v63  }
0x83: {  	_ =	swait.ge [sflag:s15], $0x2000  }
0x84: {  	[sflag:s15] =	ssyncset.done $0x0  }
0x85: {  	[sflag:s15] =	ssyncadd.s32 $0xFFFFE000  }
0x86: {  	[spmem:s30] =	stream.linear.scatter [tilespmem:s1], [sflag:$0x9], $0x400, $0x38;
	[tilespmem:$0x1E390] =	vst v63  }
0x87: {  	_ =	swait.ge [sflag:s15], $0x400  }
0x88: {  	[sflag:s15] =	ssyncset.done $0x0  }
0x89: {  	s6 =	rddreg [dreg:$0xc];
	[sflag:s15] =	ssyncadd.s32 $0xFFFFFC00  }
0x8a: {  	[spmem:s6] =	stream.linear.scatter [tilespmem:s14], [sflag:$0x9], $0x2000, $0x38;
	[tilespmem:$0x1E390] =	vst v63  }
0x8b: {  	_ =	swait.ge [sflag:s15], $0x2000  }
0x8c: {  	[sflag:s15] =	ssyncset.done $0x0  }
0x8d: {  	s7 =	rddreg [dreg:$0xd];
	[sflag:s15] =	ssyncadd.s32 $0xFFFFE000  }
0x8e: {  	[spmem:s7] =	stream.linear.scatter [tilespmem:s1], [sflag:$0x9], $0x400, $0x38;
	[tilespmem:$0x1E390] =	vst v63  }
0x8f: {  	_ =	swait.ge [sflag:s15], $0x400  }
0x90: {  	[sflag:s15] =	ssyncset.done $0x0  }
0x91: {  	s8 =	rddreg [dreg:$0xe];
	[sflag:s15] =	ssyncadd.s32 $0xFFFFFC00  }
0x92: {  	[spmem:s8] =	stream.linear.scatter [tilespmem:s14], [sflag:$0x9], $0x2000, $0x38;
	[tilespmem:$0x1E390] =	vst v63  }
0x93: {  	_ =	swait.ge [sflag:s15], $0x2000  }
0x94: {  	[sflag:s15] =	ssyncset.done $0x0  }
0x95: {  	s10 =	rddreg [dreg:$0xf];
	[sflag:s15] =	ssyncadd.s32 $0xFFFFE000  }
0x96: {  	[spmem:s10] =	stream.linear.scatter [tilespmem:s1], [sflag:$0x9], $0x400, $0x38;
	[tilespmem:$0x1E390] =	vst v63  }
0x97: {  	_ =	swait.ge [sflag:s15], $0x400  }
0x98: {  	[sflag:s15] =	ssyncset.done $0x0  }
0x99: {  	s26 =	rddreg [dreg:$0x10];
	[sflag:s15] =	ssyncadd.s32 $0xFFFFFC00  }
0x9a: {  	[spmem:s26] =	stream.linear.scatter [tilespmem:s14], [sflag:$0x9], $0x2000, $0x38;
	[tilespmem:$0x1E390] =	vst v63  }
0x9b: {  	_ =	swait.ge [sflag:s15], $0x2000  }
0x9c: {  	[sflag:s15] =	ssyncset.done $0x0  }
0x9d: {  	s6 =	rddreg [dreg:$0x11];
	[sflag:s15] =	ssyncadd.s32 $0xFFFFE000  }
0x9e: {  	[spmem:s6] =	stream.linear.scatter [tilespmem:s1], [sflag:$0x9], $0x400, $0x38;
	[tilespmem:$0x1E390] =	vst v63  }
0x9f: {  	_ =	swait.ge [sflag:s15], $0x400  }
0xa0: {  	[sflag:s15] =	ssyncset.done $0x0  }
0xa1: {  	s7 =	rddreg [dreg:$0x12];
	[sflag:s15] =	ssyncadd.s32 $0xFFFFFC00  }
0xa2: {  	[spmem:s7] =	stream.linear.scatter [tilespmem:s14], [sflag:$0x9], $0x2000, $0x38;
	[tilespmem:$0x1E390] =	vst v63  }
0xa3: {  	_ =	swait.ge [sflag:s15], $0x2000  }
0xa4: {  	[sflag:s15] =	ssyncset.done $0x0  }
0xa5: {  	s8 =	rddreg [dreg:$0x13];
	[sflag:s15] =	ssyncadd.s32 $0xFFFFE000  }
0xa6: {  	[spmem:s8] =	stream.linear.scatter [tilespmem:s1], [sflag:$0x9], $0x400, $0x38;
	[tilespmem:$0x1E390] =	vst v63  }
0xa7: {  	_ =	swait.ge [sflag:s15], $0x400  }
0xa8: {  	[sflag:s15] =	ssyncset.done $0x0  }
0xa9: {  	s10 =	rddreg [dreg:$0x14];
	[sflag:s15] =	ssyncadd.s32 $0xFFFFFC00  }
0xaa: {  	[spmem:s10] =	stream.linear.scatter [tilespmem:s14], [sflag:$0x9], $0x1C00, $0x38;
	[tilespmem:$0x1E390] =	vst v63  }
0xab: {  	_ =	swait.ge [sflag:s15], $0x1C00  }
0xac: {  	[sflag:s15] =	ssyncset.done $0x0  }
.Ltmp3:
0xad: {  	[sflag:s15] =	ssyncadd.s32 $0xFFFFE400;
	(pc) =	sbr.rel @p0 .LBB2_13-.Ltmp3, $4  }
0xae: {  	[spmem:s9] =	stream.linear.scatter [tilespmem:s1], [sflag:$0x9], $0x380, $0x38;
	[tilespmem:$0x1E390] =	vst v63  }
0xaf: {  	s26 =	sshll.u32 s4, $0x6;
	_ =	swait.ge [sflag:s15], $0x380  }
0xb0: {  	s6 =	sor.u32 $0x1C09, s26;
	[sflag:s15] =	ssyncset.done $0x0  }
0xb1: {  	s29 =	simm.s32 $0x1DB90;
	[smem:$0x7F9] =	sst s6;
	[sflag:s15] =	ssyncadd.s32 $0xFFFFFC80  }
0xb2: {  	s0 =	rddreg [dreg:$0x16]  }
0xb3: {  	s1 =	rddreg [dreg:$0x1e]  }
0xb4: {  	[spmem:s1], [sflag:s6] =	dma.local [hbm:s0], $0x500  }
.Ltmp4:
0xb5: {  	_ =	swait.ge [sflag:s15], $0x500;
	(pc) =	sbr.rel .LBB2_5-.Ltmp4, $4  }
0xb6: {  	[sflag:s15] =	ssyncset.done $0x0  }
0xb7: {  	[sflag:s15] =	ssyncadd.s32 $0xFFFFFB00  }
0xb8: {  	[bflag:$0x0] =	sbarrier.arrive $0xFFFF  }
0xb9: {  	s8 =	simm.s32 $0x0;
	s0 =	rddreg [dreg:$0x17]  }
.LBB2_11:
0xba: {  	s8 =	sadd.s32 $0x1, s8  }
0xbb: {  	p1 =	seq.s32 s8, $0x9D  }
.Ltmp5:
0xbc: {  	_ = 	snop;
	(pc) =	sbr.rel @p1 .LBB2_12-.Ltmp5, $1  }
0xbd: {  	_ =	sdelay $0x3  }
.LBB2_5:
0xbe: {  	s1 =	sshll.u32 s8, $0x4  }
0xbf: {  	s6 =	sor.u32 s4, s1  }
0xc0: {  	p1 =	sgt.u32 s6, $0x9C3  }
.Ltmp6:
0xc1: {  	_ = 	snop;
	(pc) =	sbr.rel @p1 .LBB2_11-.Ltmp6, $1  }
0xc2: {  	_ =	sdelay $0x3  }
0xc3: {  	p1 =	seq.s32 s8, $0x0  }
0xc4: {  	s1 =	simm.s32 @!p1 $0x7  }
0xc5: {  	_ =	swait.ge @!p1 [sflag:s1], $0x2000  }
0xc6: {  	[sflag:s1] =	ssyncset.done @!p1 $0x0  }
0xc7: {  	[sflag:s1] =	ssyncadd.s32 @!p1 $0xFFFFE000  }
0xc8: {  	_ =	swait.ge @!p1 [sflag:s1], $0x400  }
0xc9: {  	[sflag:s1] =	ssyncset.done @!p1 $0x0  }
0xca: {  	[sflag:s1] =	ssyncadd.s32 @!p1 $0xFFFFFC00;
	s1 =	simm.s32 @!p1 $0x8  }
0xcb: {  	_ =	swait.ge @!p1 [sflag:s1], $0x2000  }
0xcc: {  	[sflag:s1] =	ssyncset.done @!p1 $0x0  }
0xcd: {  	[sflag:s1] =	ssyncadd.s32 @!p1 $0xFFFFE000  }
0xce: {  	_ =	swait.ge @!p1 [sflag:s1], $0x400  }
0xcf: {  	s6 =	sshll.u32 s6, $0x4;
	s10 =	simm.s32 $0x4E200;
	[sflag:s1] =	ssyncset.done @!p1 $0x0  }
0xd0: {  	s7 =	simm.s32 $0x18A90;
	s26 =	sadd.s32 s0, s6;
	[sflag:s1] =	ssyncadd.s32 @!p1 $0xFFFFFC00  }
0xd1: {  	[tilespmem:s7], [sflag:$0x9] =	stream.strided.gather [hbm4b:s26+s17], $0x80, s10, s17, $0x38;
	[tilespmem:$0x1E390] =	vst v63  }
0xd2: {  	_ =	swait.ge [sflag:s15], $0x80  }
0xd3: {  	[sflag:s15] =	ssyncset.done $0x0  }
0xd4: {  	[sflag:s15] =	ssyncadd.s32 $0xFFFFFF80  }
0xd5: {  	[tilespmem:s14], [sflag:$0x3] =	stream.indirect.gather [hbm4b:s2+s17], $0x80, s7, s17, $0xb8;
	[tilespmem:$0x1E390] =	vst v63  }
0xd6: {  	s20 =	simm.s32 $0x18B90  }
0xd7: {  	[tilespmem:s20], [sflag:$0x1] =	stream.indirect.gather [spmem:s5], $0x10, s7, s17, $0xb8;
	[tilespmem:$0x1E390] =	vst v63  }
0xd8: {  	s1 =	simm.s32 $0x18F90  }
0xd9: {  	[tilespmem:s1], [sflag:$0x2] =	stream.indirect.gather [spmem:s5], $0x10, s22, s17, $0xb8;
	[tilespmem:$0x1E390] =	vst v63  }
0xda: {  	s22 =	rddreg [dreg:$0x18]  }
0xdb: {  	s24 =	simm.s32 $0x18B10;
	s6 =	sadd.s32 s6, s22  }
0xdc: {  	[tilespmem:s24], [sflag:$0x9] =	stream.strided.gather [hbm4b:s6+s17], $0x80, s10, s17, $0x38;
	[tilespmem:$0x1E390] =	vst v63  }
0xdd: {  	_ =	swait.ge [sflag:s15], $0x80  }
0xde: {  	[sflag:s15] =	ssyncset.done $0x0  }
0xdf: {  	[sflag:s15] =	ssyncadd.s32 $0xFFFFFF80  }
0xe0: {  	[tilespmem:s21], [sflag:$0x6] =	stream.indirect.gather [hbm4b:s2+s17], $0x80, s24, s17, $0xb8;
	[tilespmem:$0x1E390] =	vst v63  }
0xe1: {  	s26 =	simm.s32 $0x19390  }
0xe2: {  	[tilespmem:s26], [sflag:$0x4] =	stream.indirect.gather [spmem:s5], $0x10, s24, s17, $0xb8;
	[tilespmem:$0x1E390] =	vst v63  }
0xe3: {  	s20 =	simm.s32 $0x1;
	s10 =	simm.s32 $0x19790  }
0xe4: {  	[tilespmem:s10], [sflag:$0x5] =	stream.indirect.gather [spmem:s5], $0x10, s25, s17, $0xb8;
	[tilespmem:$0x1E390] =	vst v63  }
0xe5: {  	_ =	swait.ge [sflag:s20], $0x400  }
0xe6: {  	[sflag:s20] =	ssyncset.done $0x0  }
0xe7: {  	s22 =	simm.s32 $0x2;
	[sflag:s20] =	ssyncadd.s32 $0xFFFFFC00  }
0xe8: {  	_ =	swait.ge [sflag:s22], $0x400  }
0xe9: {  	[sflag:s22] =	ssyncset.done $0x0  }
0xea: {  	[sflag:s22] =	ssyncadd.s32 $0xFFFFFC00  }
0xeb: {  	_ =	swait.ge [sflag:s13], $0x2000  }
0xec: {  	[sflag:s13] =	ssyncset.done $0x0  }
0xed: {  	[sflag:s13] =	ssyncadd.s32 $0xFFFFE000  }
0xee: {  	v0 =	vld [tilespmem:s1+$0x70];
	_ =	sdelay $0x1  }
0xef: {  	v1 =	vld [tilespmem:s1+$0xFFFFFC70];
	_ =	sdelay $0x2  }
0xf0: {  	v2 =	vld [tilespmem:s1+$0x0];
	v0 =	vperm.xlane v0, v11;
	_ =	sdelay $0x1  }
0xf1: {  	v0 =	vadd.f32 v1, v0;
	v1 =	vld [tilespmem:s1+$0xFFFFFC00];
	_ =	sdelay $0x1  }
0xf2: {  	v3 =	vld [tilespmem:s1+$0x10];
	v5 =	vmul.f32 $2.000000030e-01, v0  }
0xf3: {  	v4 =	vld [tilespmem:s1+$0x20];
	v2 =	vperm.xlane v2, v11  }
0xf4: {  	v6 =	vld [tilespmem:s1+$0x30];
	v0 =	vmax.f32 v0, v5  }
0xf5: {  	v0 =	vmul.f32 $1.442695020e+00, v0;
	v1 =	vadd.f32 v1, v2;
	v2 =	vld [tilespmem:s1+$0xFFFFFC10]  }
0xf6: {  	v8 =	vld [tilespmem:s1+$0x60]  }
0xf7: {  	(erf) = vpow2.f32 v0;
	v0 =	vld [tilespmem:s1+$0xFFFFFC20]  }
0xf8: {  	v3 =	vperm.xlane v3, v11;
	v5 =	vld [tilespmem:s1+$0x50];
	v9 =	vmul.f32 $2.000000030e-01, v1  }
0xf9: {  	v10 =	vld [tilespmem:s1+$0xFFFFFC30]  }
0xfa: {  	v4 =	vperm.xlane v4, v11;
	v1 =	vmax.f32 v1, v9;
	v9 =	vld [tilespmem:s1+$0xFFFFFC50];
	v2 =	vadd.f32 v2, v3  }
0xfb: {  	v1 =	vmul.f32 $1.442695020e+00, v1;
	v3 =	vld [tilespmem:s1+$0xFFFFFC60]  }
0xfc: {  	v6 =	vperm.xlane v6, v11;
	v0 =	vadd.f32 v0, v4;
	v4 =	vmul.f32 $2.000000030e-01, v2  }
0xfd: {  	v7 =	vld [tilespmem:s1+$0x40];
	(erf) = vpow2.f32 v1;
	v1 =	vperm.xlane v5, v11  }
0xfe: {  	v5 =	vadd.f32 v10, v6;
	v6 =	vperm.xlane v8, v11  }
0xff: {  	v17 =	vld [tilespmem:s1+$0xFFFFFC40];
	v8 =	vmul.f32 $2.000000030e-01, v0;
	v1 =	vadd.f32 v9, v1  }
0x100: {  	v2 =	vmax.f32 v2, v4;
	v3 =	vadd.f32 v3, v6;
	v4 =	vpop (erf)  }
0x101: {  	s24 =	simm.s32 $0x1DBD0;
	v0 =	vmax.f32 v0, v8;
	v8 =	vmul.f32 $2.000000030e-01, v1;
	v6 =	vsel vm0, v4, v34  }
0x102: {  	s7 =	simm.s32 $0x19D90;
	v7 =	vperm.xlane v7, v11;
	[tilespmem:s24+$0x30] =	vst v6  }
0x103: {  	v1 =	vmax.f32 v1, v8;
	v8 =	vld [tilespmem:s7+$0x180]  }
0x104: {  	v7 =	vadd.f32 v17, v7;
	_ =	sdelay $0x1  }
0x105: {  	v9 =	vmul.f32 $2.000000030e-01, v7  }
0x106: {  	v2 =	vmul.f32 $1.442695020e+00, v2  }
0x107: {  	v6 =	vmax.f32 v7, v9;
	v9 =	vld [tilespmem:s7+$0x1F0];
	[tilespmem:$0x1FD60] =	vst v8  }
0x108: {  	(erf) = vpow2.f32 v2;
	v2 =	vld [tilespmem:s7+$0x190];
	_ =	sdelay $0x2  }
0x109: {  	v7 =	vmul.f32 $2.000000030e-01, v3;
	_ =	sdelay $0x1  }
0x10a: {  	v3 =	vmax.f32 v3, v7;
	[tilespmem:$0x1FDA0] =	vst v2  }
0x10b: {  	v7 =	vperm.xlane v4, v35;
	v2 =	vmul.f32 $1.442695020e+00, v3;
	v3 =	vld [tilespmem:s7+$0x1A0];
	_ =	sdelay $0x1  }
0x10c: {  	[tilespmem:$0x1FD70] =	vst v7;
	v7 =	vperm.xlane v4, v39;
	_ =	sdelay $0x1  }
0x10d: {  	[tilespmem:$0x1FDB0] =	vst v7  }
0x10e: {  	[tilespmem:$0x1FDD0] =	vst v3  }
0x10f: {  	v7 =	vld [tilespmem:s7+$0x1B0];
	_ =	sdelay $0x4  }
0x110: {  	[tilespmem:$0x1FE30] =	vst v7  }
0x111: {  	v10 =	vmul.f32 $2.000000030e-01, v5;
	v8 =	vld [tilespmem:s7+$0x1C0];
	_ =	sdelay $0x1  }
0x112: {  	v5 =	vmax.f32 v5, v10;
	v0 =	vmul.f32 $1.442695020e+00, v0  }
0x113: {  	v5 =	vmul.f32 $1.442695020e+00, v5;
	v6 =	vmul.f32 $1.442695020e+00, v6  }
0x114: {  	v1 =	vmul.f32 $1.442695020e+00, v1;
	(erf) = vpow2.f32 v0;
	v3 =	vpop (erf)  }
0x115: {  	(erf) = vpow2.f32 v5;
	v5 =	vperm.xlane v4, v36;
	v7 =	vsel vm0, v3, v34;
	[tilespmem:$0x1FE50] =	vst v8  }
0x116: {  	v0 =	vperm.xlane v4, v23;
	(erf) = vpow2.f32 v6;
	[tilespmem:s24+$0xFFFFFFC0] =	vst v7  }
0x117: {  	(erf) = vpow2.f32 v1;
	v1 =	vperm.xlane v4, v12;
	[tilespmem:$0x1FDE0] =	vst v5  }
0x118: {  	(erf) = vpow2.f32 v2;
	v2 =	vperm.xlane v4, v13;
	v5 =	vld [tilespmem:s7+$0xFFFFFE00]  }
0x119: {  	v6 =	vperm.xlane v4, v14;
	v22 =	vmul.f32 v9, v0;
	v0 =	vld [tilespmem:s7+$0xFFFFFE10];
	[tilespmem:$0x1FE40] =	vst v1  }
0x11a: {  	v4 =	vperm.xlane v4, v24;
	v1 =	vld [tilespmem:s7+$0xFFFFFE20];
	[tilespmem:$0x1FE60] =	vst v2  }
0x11b: {  	v2 =	vld [tilespmem:s7+$0xFFFFFE30];
	[tilespmem:$0x1FE70] =	vst v6  }
0x11c: {  	[tilespmem:$0x1FE80] =	vst v4  }
0x11d: {  	v15 =	vld [tilespmem:s7+$0xFFFFFE40]  }
0x11e: {  	v8 =	vpop (erf);
	v9 =	vld [tilespmem:s7+$0xFFFFFE50]  }
0x11f: {  	v25 =	vsel vm0, v8, v34;
	v26 =	vld [tilespmem:s7+$0xFFFFFE60]  }
0x120: {  	v33 =	vperm.xlane v3, v12;
	v31 =	vperm.xlane v8, v35;
	[tilespmem:s24+$0xFFFFFFD0] =	vst v25;
	v25 =	vld [tilespmem:s7+$0xFFFFFE70]  }
0x121: {  	v40 =	vpop (erf);
	v6 =	vperm.xlane v3, v35;
	v35 =	vperm.xlane v8, v12;
	v12 =	vimm.s32 $0x0;
	v30 =	vld [tilespmem:s7+$0xFFFFFE80]  }
0x122: {  	v43 =	vperm.xlane v40, v12;
	v12 =	vimm.s32 $0x1;
	v17 =	vld [tilespmem:s7+$0xFFFFFE90]  }
0x123: {  	v44 =	vperm.xlane v40, v12;
	v12 =	vld [tilespmem:$0x1FFE0]  }
0x124: {  	v10 =	vperm.xlane v3, v36;
	v34 =	vperm.xlane v8, v36;
	v36 =	vld [tilespmem:s7+$0xFFFFFEA0]  }
0x125: {  	v7 =	vperm.xlane v3, v39;
	v32 =	vperm.xlane v8, v39;
	v39 =	vld [tilespmem:s7+$0xFFFFFEB0]  }
0x126: {  	v42 =	vld [tilespmem:s7+$0xFFFFFEC0]  }
0x127: {  	v27 =	vperm.xlane v3, v13;
	v28 =	vperm.xlane v3, v14;
	v45 =	vld [tilespmem:s7+$0xFFFFFED0]  }
0x128: {  	v29 =	vperm.xlane v3, v24;
	v49 =	vld [tilespmem:s7+$0xFFFFFEE0];
	v46 =	vsel vm0, v40, v12;
	v12 =	vimm.s32 $0x2  }
0x129: {  	v37 =	vperm.xlane v8, v13;
	v52 =	vpop (erf);
	v51 =	vld [tilespmem:s7+$0xFFFFFEF0];
	v47 =	vperm.xlane v40, v12;
	[tilespmem:s24+$0xFFFFFFE0] =	vst v46;
	v12 =	vimm.s32 $0x0  }
0x12a: {  	v38 =	vperm.xlane v8, v14;
	v54 =	vld [tilespmem:s7+$0xFFFFFF00];
	v55 =	vperm.xlane v52, v12;
	v12 =	vimm.s32 $0x1  }
0x12b: {  	v41 =	vperm.xlane v8, v24;
	v57 =	vld [tilespmem:s7+$0xFFFFFF10];
	v56 =	vperm.xlane v52, v12;
	v12 =	vimm.s32 $0x2  }
0x12c: {  	v58 =	vperm.xlane v52, v12;
	v12 =	vmul.f32 v0, v7;
	v0 =	vld [tilespmem:$0x1FFE0]  }
0x12d: {  	v50 =	vperm.xlane v40, v14;
	v53 =	vperm.xlane v40, v24;
	v4 =	vimm.s32 $0x3;
	v60 =	vld [tilespmem:s7+$0xFFFFFF20]  }
0x12e: {  	v61 =	vperm.xlane v52, v13;
	v48 =	vperm.xlane v40, v4;
	v63 =	vld [tilespmem:s7+$0xFFFFFF30]  }
0x12f: {  	v4 =	vperm.xlane v52, v24;
	v5 =	vmul.f32 v5, v6;
	v6 =	vld [tilespmem:s7+$0xFFFFFF40]  }
0x130: {  	v16 =	vimm.s32 $0x3;
	v46 =	vperm.xlane v40, v13;
	v13 =	vmul.f32 v2, v33;
	v2 =	vld [tilespmem:s7+$0xFFFFFF60]  }
0x131: {  	v10 =	vmul.f32 v1, v10;
	v24 =	vmul.f32 v15, v27;
	v27 =	vld [tilespmem:s7+$0xFFFFFF70];
	v1 =	vsel vm0, v52, v0  }
0x132: {  	v59 =	vperm.xlane v52, v16;
	v3 =	vperm.xlane v3, v23;
	v7 =	vld [tilespmem:s7+$0xFFFFFF50];
	[tilespmem:s24+$0xFFFFFFF0] =	vst v1  }
0x133: {  	v62 =	vperm.xlane v52, v14;
	v8 =	vperm.xlane v8, v23;
	v33 =	vld [tilespmem:s7+$0xFFFFFF80]  }
0x134: {  	v9 =	vmul.f32 v9, v28;
	v15 =	vmul.f32 v25, v3;
	v1 =	vld [tilespmem:s7+$0xFFFFFF90]  }
0x135: {  	v17 =	vmul.f32 v17, v32;
	v36 =	vmul.f32 v36, v34;
	v32 =	vld [tilespmem:s7+$0xFFFFFFA0]  }
0x136: {  	v28 =	vpop (erf);
	v35 =	vmul.f32 v39, v35;
	v39 =	vmul.f32 v51, v8;
	v0 =	vimm.s32 $0x0;
	v8 =	vld [tilespmem:$0x1FFE0]  }
0x137: {  	v37 =	vmul.f32 v42, v37;
	v3 =	vperm.xlane v28, v0;
	v0 =	vimm.s32 $0x1;
	v42 =	vld [tilespmem:s7+$0xFFFFFFC0]  }
0x138: {  	v38 =	vmul.f32 v45, v38;
	v34 =	vperm.xlane v28, v0;
	v0 =	vld [tilespmem:s7+$0xFFFFFFB0]  }
0x139: {  	v40 =	vperm.xlane v40, v23;
	v52 =	vperm.xlane v52, v23;
	v45 =	vld [tilespmem:s7+$0xFFFFFFD0]  }
0x13a: {  	v23 =	vmul.f32 v30, v31;
	v30 =	vmul.f32 v54, v43;
	v43 =	vld [tilespmem:s7+$0xFFFFFFE0]  }
0x13b: {  	v14 =	vmul.f32 v26, v29;
	v31 =	vmul.f32 v57, v44;
	v44 =	vld [tilespmem:s7+$0xFFFFFFF0];
	v8 =	vsel vm0, v28, v8  }
0x13c: {  	[tilespmem:s24+$0x0] =	vst v8;
	v8 =	vmul.f32 v32, v58;
	v58 =	vmul.f32 v42, v61;
	v61 =	vld [tilespmem:s7+$0x1D0]  }
0x13d: {  	v41 =	vmul.f32 v49, v41;
	v29 =	vmul.f32 v60, v47;
	v47 =	vld [tilespmem:s7+$0x0]  }
0x13e: {  	v25 =	vimm.s32 $0x2;
	v26 =	vmul.f32 v7, v50;
	v7 =	vmul.f32 v0, v59;
	v0 =	vld [tilespmem:$0x1FFE0]  }
0x13f: {  	v49 =	vperm.xlane v28, v25;
	v60 =	vmul.f32 v6, v46;
	v46 =	vld [tilespmem:s7+$0x10]  }
0x140: {  	v21 =	vimm.s32 $0x4;
	v51 =	vperm.xlane v28, v16;
	v63 =	vmul.f32 v63, v48;
	v50 =	vld [tilespmem:s7+$0x20]  }
0x141: {  	v48 =	vperm.xlane v28, v21;
	v57 =	vmul.f32 v27, v40;
	v40 =	vld [tilespmem:s7+$0x30]  }
0x142: {  	v19 =	vimm.s32 $0x5;
	v33 =	vmul.f32 v33, v55;
	v27 =	vmul.f32 v1, v56;
	v1 =	vpop (erf);
	v55 =	vld [tilespmem:s7+$0x40]  }
0x143: {  	v25 =	vmul.f32 v2, v53;
	v54 =	vperm.xlane v28, v19;
	v59 =	vld [tilespmem:s7+$0x60];
	v0 =	vsel vm0, v1, v0  }
0x144: {  	v20 =	vimm.s32 $0x6;
	v6 =	vmul.f32 v45, v62;
	v2 =	vmul.f32 v44, v52;
	v45 =	vld [tilespmem:s7+$0x70];
	[tilespmem:s24+$0x10] =	vst v0  }
0x145: {  	v18 =	vimm.s32 $0x7;
	v42 =	vperm.xlane v28, v20;
	v32 =	vmul.f32 v47, v3;
	v3 =	vld [tilespmem:s7+$0x90]  }
0x146: {  	v28 =	vperm.xlane v28, v18;
	[tilespmem:s7+$0x1F0] =	vst v22;
	v0 =	vmul.f32 v43, v4;
	v4 =	vld [tilespmem:s7+$0x80]  }
0x147: {  	v53 =	vmul.f32 v46, v34;
	v52 =	vmul.f32 v50, v49;
	v50 =	vimm.s32 $0x1;
	v18 =	vld [tilespmem:$0x1FFE0]  }
0x148: {  	v49 =	vmul.f32 v55, v48;
	v55 =	vperm.xlane v1, v50;
	v34 =	vld [tilespmem:s7+$0xA0]  }
0x149: {  	s26 =	simm.s32 $0x19010;
	v44 =	vimm.s32 $0x0;
	v56 =	vld [tilespmem:s7+$0x50];
	v51 =	vmul.f32 v40, v51;
	v62 =	vmul.f32 v45, v28  }
0x14a: {  	v40 =	vld [tilespmem:s26+$0x70];
	v47 =	vimm.s32 $0x2;
	v43 =	vperm.xlane v1, v44;
	v3 =	vmul.f32 v3, v55  }
0x14b: {  	v28 =	vld [tilespmem:s26+$0xFFFFFC70];
	v44 =	vmul.f32 v59, v42;
	v59 =	vpop (erf);
	v42 =	vperm.xlane v1, v47  }
0x14c: {  	v43 =	vmul.f32 v4, v43;
	v4 =	vld [tilespmem:s7+$0xB0];
	v18 =	vsel vm0, v59, v18;
	[tilespmem:$0x1FF90] =	vst v3  }
0x14d: {  	[tilespmem:s24+$0x20] =	vst v18;
	v18 =	vmul.f32 v34, v42  }
0x14e: {  	v22 =	vimm.s32 $0x7;
	v50 =	vmul.f32 v56, v54;
	v54 =	vperm.xlane v1, v19  }
0x14f: {  	v56 =	vperm.xlane v1, v22;
	v55 =	vperm.xlane v1, v20;
	v48 =	vld [tilespmem:s7+$0xC0];
	[tilespmem:$0x1FFA0] =	vst v18  }
0x150: {  	v3 =	vperm.xlane v1, v16;
	[tilespmem:s7+$0xFFFFFE00] =	vst v5;
	v5 =	vperm.xlane v1, v21;
	v1 =	vimm.s32 $0x0  }
0x151: {  	v18 =	vperm.xlane v40, v11;
	[tilespmem:s7+$0xFFFFFE10] =	vst v12;
	v1 =	vperm.xlane v59, v1  }
0x152: {  	v34 =	vld [tilespmem:s7+$0x1E0];
	[tilespmem:s7+$0xFFFFFE20] =	vst v10  }
0x153: {  	v12 =	vadd.f32 v28, v18;
	v18 =	vld [tilespmem:s26+$0x10];
	[tilespmem:$0x1FD50] =	vst v1  }
0x154: {  	[tilespmem:s7+$0xFFFFFE30] =	vst v13  }
0x155: {  	[tilespmem:s7+$0xFFFFFE40] =	vst v24  }
0x156: {  	v42 =	vmul.f32 v4, v3;
	v3 =	vld [tilespmem:$0x1FD60]  }
0x157: {  	v4 =	vld [tilespmem:$0x1FD70];
	_ =	sdelay $0x4  }
0x158: {  	v1 =	vmul.f32 $2.000000030e-01, v12;
	v3 =	vmul.f32 v3, v4;
	v4 =	vimm.s32 $0x1  }
0x159: {  	v4 =	vperm.xlane v59, v4  }
0x15a: {  	v47 =	vmul.f32 v48, v5;
	v10 =	vld [tilespmem:s26+$0x20];
	v5 =	vmax.f32 v12, v1;
	v1 =	vimm.s32 $0x2  }
0x15b: {  	v28 =	vld [tilespmem:s26+$0x30];
	v1 =	vperm.xlane v59, v1;
	[tilespmem:$0x1FD80] =	vst v4  }
0x15c: {  	v4 =	vld [tilespmem:s26+$0x0];
	[tilespmem:s7+$0xFFFFFE50] =	vst v9  }
0x15d: {  	[tilespmem:$0x1FD90] =	vst v1;
	v1 =	vld [tilespmem:$0x1FDA0]  }
0x15e: {  	v9 =	vld [tilespmem:$0x1FDB0];
	_ =	sdelay $0x2  }
0x15f: {  	v12 =	vperm.xlane v59, v16  }
0x160: {  	[tilespmem:s7+$0xFFFFFE60] =	vst v14  }
0x161: {  	v1 =	vmul.f32 v1, v9;
	v9 =	vld [tilespmem:s26+$0x40];
	[tilespmem:$0x1FDC0] =	vst v12  }
0x162: {  	[tilespmem:s7+$0xFFFFFE70] =	vst v15  }
0x163: {  	v12 =	vmul.f32 $1.442695020e+00, v5;
	v5 =	vld [tilespmem:$0x1FDD0]  }
0x164: {  	v14 =	vld [tilespmem:$0x1FDE0];
	_ =	sdelay $0x4  }
0x165: {  	v5 =	vmul.f32 v5, v14;
	v14 =	vperm.xlane v59, v21;
	_ =	sdelay $0x1  }
0x166: {  	v13 =	vld [tilespmem:s26+$0xFFFFFC00];
	(erf) = vpow2.f32 v12;
	v12 =	vperm.xlane v59, v19;
	[tilespmem:$0x1FDF0] =	vst v14  }
0x167: {  	[tilespmem:s7+$0xFFFFFE80] =	vst v23  }
0x168: {  	v15 =	vperm.xlane v59, v20;
	v14 =	vld [tilespmem:s26+$0x50];
	[tilespmem:$0x1FE00] =	vst v12  }
0x169: {  	[tilespmem:s7+$0xFFFFFE90] =	vst v17  }
0x16a: {  	v16 =	vperm.xlane v59, v22;
	v12 =	vld [tilespmem:s26+$0x60];
	[tilespmem:$0x1FE10] =	vst v15  }
0x16b: {  	[tilespmem:s7+$0xFFFFFEA0] =	vst v36  }
0x16c: {  	v15 =	vld [tilespmem:s26+$0xFFFFFC10];
	[tilespmem:$0x1FE20] =	vst v16  }
0x16d: {  	[tilespmem:s7+$0xFFFFFEB0] =	vst v35  }
0x16e: {  	[tilespmem:s7+$0xFFFFFEC0] =	vst v37  }
0x16f: {  	v10 =	vperm.xlane v10, v11;
	[tilespmem:s7+$0xFFFFFED0] =	vst v38  }
0x170: {  	v4 =	vperm.xlane v4, v11;
	v9 =	vperm.xlane v9, v11;
	v19 =	vld [tilespmem:$0x1FE30]  }
0x171: {  	v21 =	vperm.xlane v28, v11;
	v16 =	vperm.xlane v18, v11;
	v20 =	vld [tilespmem:$0x1FE40];
	[tilespmem:s7+$0xFFFFFEE0] =	vst v41  }
0x172: {  	v14 =	vperm.xlane v14, v11;
	v12 =	vperm.xlane v12, v11;
	v11 =	vld [tilespmem:$0x1FE50]  }
0x173: {  	v22 =	vld [tilespmem:$0x1FE60];
	_ =	sdelay $0x3  }
0x174: {  	[tilespmem:s7+$0xFFFFFEF0] =	vst v39  }
0x175: {  	v41 =	vmul.f32 v11, v22;
	v11 =	vld [tilespmem:$0x1FE70];
	_ =	sdelay $0x3  }
0x176: {  	[tilespmem:s7+$0xFFFFFF00] =	vst v30  }
0x177: {  	v39 =	vmul.f32 v61, v11;
	v11 =	vld [tilespmem:$0x1FE80];
	_ =	sdelay $0x2  }
0x178: {  	v15 =	vadd.f32 v15, v16;
	v16 =	vld [tilespmem:s26+$0xFFFFFC60]  }
0x179: {  	v17 =	vld [tilespmem:s26+$0xFFFFFC20]  }
0x17a: {  	v4 =	vadd.f32 v13, v4;
	v13 =	vld [tilespmem:s26+$0xFFFFFC30];
	v11 =	vmul.f32 v34, v11  }
0x17b: {  	v18 =	vld [tilespmem:s26+$0xFFFFFC40]  }
0x17c: {  	v59 =	vmul.f32 v19, v20;
	v19 =	vld [tilespmem:s26+$0xFFFFFC50];
	[tilespmem:$0x1FFB0] =	vst v11  }
0x17d: {  	v20 =	vmul.f32 $2.000000030e-01, v4;
	v12 =	vadd.f32 v16, v12;
	v16 =	vld [tilespmem:s7+$0x100]  }
0x17e: {  	v34 =	vld [tilespmem:$0x1FFE0];
	[tilespmem:s7+$0xFFFFFF10] =	vst v31  }
0x17f: {  	v10 =	vadd.f32 v17, v10;
	v4 =	vmax.f32 v4, v20;
	[tilespmem:s7+$0xFFFFFF20] =	vst v29  }
0x180: {  	v4 =	vmul.f32 $1.442695020e+00, v4;
	v11 =	vadd.f32 v13, v21;
	v13 =	vld [tilespmem:s7+$0xD0];
	[tilespmem:s7+$0xFFFFFF30] =	vst v63  }
0x181: {  	v9 =	vadd.f32 v18, v9;
	v20 =	vmul.f32 $2.000000030e-01, v10;
	v18 =	vld [tilespmem:s7+$0xE0];
	[tilespmem:s7+$0xFFFFFF40] =	vst v60  }
0x182: {  	(erf) = vpow2.f32 v4;
	v4 =	vld [tilespmem:s7+$0xF0];
	[tilespmem:$0x1FE90] =	vst v16  }
0x183: {  	v10 =	vmax.f32 v10, v20;
	v20 =	vld [tilespmem:s7+$0x110];
	_ =	sdelay $0x3  }
0x184: {  	v21 =	vmul.f32 $2.000000030e-01, v11;
	[tilespmem:s7+$0xFFFFFF50] =	vst v26  }
0x185: {  	[tilespmem:$0x1FEA0] =	vst v20  }
0x186: {  	v11 =	vmax.f32 v11, v21;
	v21 =	vld [tilespmem:s7+$0x120]  }
0x187: {  	v17 =	vmul.f32 $2.000000030e-01, v15;
	_ =	sdelay $0x1  }
0x188: {  	v15 =	vmax.f32 v15, v17;
	v17 =	vmul.f32 $2.000000030e-01, v9  }
0x189: {  	v14 =	vadd.f32 v19, v14;
	v19 =	vpop (erf)  }
0x18a: {  	s24 =	simm.s32 $0x1DC50;
	v9 =	vmax.f32 v9, v17;
	v17 =	vmul.f32 $2.000000030e-01, v12;
	v20 =	vsel vm0, v19, v34;
	[tilespmem:$0x1FEB0] =	vst v21  }
0x18b: {  	s20 =	simm.s32 $0x1A190;
	[tilespmem:s24+$0x30] =	vst v20  }
0x18c: {  	v12 =	vmax.f32 v12, v17;
	v17 =	vld [tilespmem:s20+$0x180];
	_ =	sdelay $0x2  }
0x18d: {  	v16 =	vmul.f32 $2.000000030e-01, v14;
	[tilespmem:s7+$0xFFFFFF60] =	vst v25  }
0x18e: {  	[tilespmem:s7+$0xFFFFFF70] =	vst v57  }
0x18f: {  	v14 =	vmax.f32 v14, v16;
	v16 =	vld [tilespmem:s20+$0x1F0];
	[tilespmem:$0x1FEC0] =	vst v17;
	v17 =	vimm.s32 $0x0  }
0x190: {  	v17 =	vperm.xlane v19, v17  }
0x191: {  	v15 =	vmul.f32 $1.442695020e+00, v15;
	[tilespmem:s7+$0xFFFFFF80] =	vst v33  }
0x192: {  	[tilespmem:$0x1FED0] =	vst v17  }
0x193: {  	(erf) = vpow2.f32 v15;
	v15 =	vld [tilespmem:s20+$0x190];
	_ =	sdelay $0x4  }
0x194: {  	[tilespmem:$0x1FEE0] =	vst v15;
	v15 =	vimm.s32 $0x1  }
0x195: {  	v15 =	vperm.xlane v19, v15  }
0x196: {  	v10 =	vmul.f32 $1.442695020e+00, v10;
	[tilespmem:s7+$0xFFFFFF90] =	vst v27  }
0x197: {  	[tilespmem:$0x1FEF0] =	vst v15  }
0x198: {  	(erf) = vpow2.f32 v10;
	v10 =	vld [tilespmem:s20+$0x1A0];
	_ =	sdelay $0x4  }
0x199: {  	[tilespmem:$0x1FF00] =	vst v10  }
0x19a: {  	v10 =	vld [tilespmem:s20+$0x1B0];
	_ =	sdelay $0x3  }
0x19b: {  	[tilespmem:s7+$0xFFFFFFA0] =	vst v8  }
0x19c: {  	[tilespmem:$0x1FF10] =	vst v10  }
0x19d: {  	[tilespmem:s7+$0xFFFFFFB0] =	vst v7;
	v7 =	vimm.s32 $0x2  }
0x19e: {  	v7 =	vperm.xlane v19, v7;
	_ =	sdelay $0x1  }
0x19f: {  	[tilespmem:$0x1FF20] =	vst v7  }
0x1a0: {  	v7 =	vld [tilespmem:s20+$0x1C0];
	_ =	sdelay $0x2  }
0x1a1: {  	v11 =	vmul.f32 $1.442695020e+00, v11  }
0x1a2: {  	v9 =	vmul.f32 $1.442695020e+00, v9  }
0x1a3: {  	(erf) = vpow2.f32 v11;
	[tilespmem:$0x1FF30] =	vst v7  }
0x1a4: {  	v10 =	vpop (erf);
	(erf) = vpow2.f32 v9;
	v9 =	vld [tilespmem:s20+$0x1D0];
	_ =	sdelay $0x4  }
0x1a5: {  	v17 =	vimm.s32 $0x3;
	v7 =	vsel vm0, v10, v34;
	[tilespmem:$0x1FF40] =	vst v9  }
0x1a6: {  	[tilespmem:s24+$0xFFFFFFC0] =	vst v7;
	v7 =	vperm.xlane v19, v17  }
0x1a7: {  	[tilespmem:s7+$0xFFFFFFC0] =	vst v58  }
0x1a8: {  	v20 =	vimm.s32 $0x4;
	[tilespmem:$0x1FF50] =	vst v7  }
0x1a9: {  	[tilespmem:s7+$0xFFFFFFD0] =	vst v6;
	v6 =	vperm.xlane v19, v20  }
0x1aa: {  	v21 =	vimm.s32 $0x5  }
0x1ab: {  	v7 =	vld [tilespmem:s20+$0xFFFFFE00];
	[tilespmem:$0x1FF60] =	vst v6;
	v6 =	vperm.xlane v19, v21;
	_ =	sdelay $0x1  }
0x1ac: {  	v23 =	vimm.s32 $0x6;
	[tilespmem:$0x1FF70] =	vst v6  }
0x1ad: {  	[tilespmem:s7+$0xFFFFFFE0] =	vst v0;
	v0 =	vperm.xlane v19, v23;
	_ =	sdelay $0x1  }
0x1ae: {  	v6 =	vld [tilespmem:s20+$0xFFFFFE10];
	[tilespmem:$0x1FF80] =	vst v0  }
0x1af: {  	[tilespmem:s7+$0xFFFFFFF0] =	vst v2  }
0x1b0: {  	[tilespmem:s7+$0x0] =	vst v32  }
0x1b1: {  	v48 =	vimm.s32 $0x7;
	v15 =	vpop (erf);
	[tilespmem:s7+$0x10] =	vst v53  }
0x1b2: {  	v8 =	vperm.xlane v19, v48;
	v19 =	vsel vm0, v15, v34;
	[tilespmem:s7+$0x20] =	vst v52  }
0x1b3: {  	[tilespmem:s24+$0xFFFFFFD0] =	vst v19  }
0x1b4: {  	v14 =	vmul.f32 $1.442695020e+00, v14;
	v9 =	vld [tilespmem:s20+$0xFFFFFE20];
	[tilespmem:s7+$0x30] =	vst v51  }
0x1b5: {  	v11 =	vld [tilespmem:s20+$0xFFFFFE30];
	[tilespmem:s7+$0x40] =	vst v49  }
0x1b6: {  	v12 =	vmul.f32 $1.442695020e+00, v12;
	(erf) = vpow2.f32 v14;
	v14 =	vld [tilespmem:s20+$0xFFFFFE40];
	[tilespmem:s7+$0x50] =	vst v50  }
0x1b7: {  	v24 =	vimm.s32 $0x0;
	v4 =	vmul.f32 v4, v56;
	v2 =	vmul.f32 v18, v55;
	v18 =	vld [tilespmem:s20+$0xFFFFFE50];
	[tilespmem:s7+$0x60] =	vst v44  }
0x1b8: {  	v8 =	vmul.f32 v16, v8;
	v16 =	vimm.s32 $0x2;
	v17 =	vperm.xlane v10, v17;
	v22 =	vld [tilespmem:s20+$0xFFFFFE60];
	[tilespmem:s7+$0x70] =	vst v62  }
0x1b9: {  	v25 =	vimm.s32 $0x1;
	v16 =	vperm.xlane v10, v16;
	v19 =	vperm.xlane v10, v23;
	v23 =	vld [tilespmem:s20+$0xFFFFFE70];
	[tilespmem:s7+$0x80] =	vst v43  }
0x1ba: {  	v27 =	vimm.s32 $0x2;
	(erf) = vpow2.f32 v12;
	v31 =	vmul.f32 v11, v17;
	v17 =	vld [tilespmem:$0x1FF90]  }
0x1bb: {  	v12 =	vimm.s32 $0x0;
	v24 =	vperm.xlane v15, v24;
	v25 =	vperm.xlane v15, v25;
	v32 =	vld [tilespmem:s7+$0x140]  }
0x1bc: {  	v12 =	vperm.xlane v10, v12;
	v0 =	vmul.f32 v13, v54;
	v13 =	vimm.s32 $0x1;
	v37 =	vld [tilespmem:s20+$0x1E0]  }
0x1bd: {  	v40 =	vimm.s32 $0x4;
	v27 =	vperm.xlane v15, v27;
	v13 =	vperm.xlane v10, v13;
	v26 =	vld [tilespmem:s20+$0xFFFFFE80]  }
0x1be: {  	v38 =	vimm.s32 $0x5;
	v29 =	vperm.xlane v15, v40;
	v63 =	vpop (erf);
	v28 =	vmul.f32 v7, v12;
	v7 =	vld [tilespmem:s20+$0xFFFFFE90]  }
0x1bf: {  	v30 =	vperm.xlane v15, v38;
	v6 =	vmul.f32 v6, v13;
	v13 =	vld [tilespmem:s20+$0xFFFFFEA0];
	[tilespmem:s7+$0x90] =	vst v17;
	v17 =	vsel vm0, v63, v34  }
0x1c0: {  	v45 =	vimm.s32 $0x3;
	v20 =	vperm.xlane v10, v20;
	v9 =	vmul.f32 v9, v16;
	v16 =	vld [tilespmem:s20+$0xFFFFFEB0];
	[tilespmem:s24+$0xFFFFFFE0] =	vst v17  }
0x1c1: {  	v21 =	vperm.xlane v10, v21;
	v12 =	vperm.xlane v15, v45;
	v35 =	vld [tilespmem:$0x1FFA0];
	[tilespmem:s7+$0xB0] =	vst v42  }
0x1c2: {  	v46 =	vimm.s32 $0x6;
	v10 =	vperm.xlane v10, v48;
	v11 =	vld [tilespmem:s20+$0xFFFFFEC0];
	v20 =	vmul.f32 v14, v20;
	[tilespmem:s7+$0xC0] =	vst v47  }
0x1c3: {  	v14 =	vld [tilespmem:s20+$0xFFFFFED0];
	v18 =	vmul.f32 v18, v21;
	v21 =	vperm.xlane v15, v46;
	[tilespmem:s20+$0x1F0] =	vst v8  }
0x1c4: {  	v19 =	vmul.f32 v22, v19;
	v22 =	vld [tilespmem:s20+$0xFFFFFEF0];
	v10 =	vmul.f32 v23, v10;
	v23 =	vimm.s32 $0x1;
	[tilespmem:s7+$0xD0] =	vst v0  }
0x1c5: {  	v15 =	vperm.xlane v15, v48;
	v23 =	vperm.xlane v63, v23;
	v53 =	vld [tilespmem:s20+$0xFFFFFF00];
	[tilespmem:s7+$0xE0] =	vst v2  }
0x1c6: {  	v24 =	vmul.f32 v26, v24;
	v26 =	vimm.s32 $0x2;
	v25 =	vmul.f32 v7, v25;
	v54 =	vld [tilespmem:s20+$0xFFFFFF10];
	v8 =	vpop (erf);
	[tilespmem:s7+$0xF0] =	vst v4  }
0x1c7: {  	v26 =	vperm.xlane v63, v26;
	v27 =	vmul.f32 v13, v27;
	v13 =	vld [tilespmem:s20+$0xFFFFFF30];
	[tilespmem:s7+$0x180] =	vst v3;
	v0 =	vsel vm0, v8, v34;
	v55 =	vpop (erf)  }
0x1c8: {  	v29 =	vmul.f32 v11, v29;
	v30 =	vmul.f32 v14, v30;
	v14 =	vld [tilespmem:s20+$0xFFFFFF50];
	[tilespmem:s24+$0xFFFFFFF0] =	vst v0;
	v0 =	vsel vm0, v55, v34;
	v33 =	vpop (erf)  }
0x1c9: {  	v22 =	vmul.f32 v22, v15;
	v17 =	vimm.s32 $0x0;
	v7 =	vld [tilespmem:s20+$0xFFFFFF20];
	[tilespmem:s24+$0x0] =	vst v0;
	v0 =	vsel vm0, v33, v34;
	v44 =	vpop (erf)  }
0x1ca: {  	v17 =	vperm.xlane v63, v17;
	v47 =	vmul.f32 v16, v12;
	v57 =	vld [tilespmem:s20+$0xFFFFFF40];
	[tilespmem:s24+$0x10] =	vst v0;
	v0 =	vsel vm0, v44, v34  }
0x1cb: {  	v12 =	vperm.xlane v63, v45;
	v15 =	vld [tilespmem:s20+$0xFFFFFF60];
	[tilespmem:s24+$0x20] =	vst v0;
	v0 =	vperm.xlane v63, v38  }
0x1cc: {  	v2 =	vperm.xlane v63, v46;
	v4 =	vperm.xlane v63, v48;
	[tilespmem:s7+$0x190] =	vst v1;
	v58 =	vld [tilespmem:s20+$0xFFFFFF90]  }
0x1cd: {  	v3 =	vimm.s32 $0x0;
	[tilespmem:s7+$0x1A0] =	vst v5;
	v12 =	vmul.f32 v13, v12;
	v13 =	vmul.f32 v14, v0;
	v0 =	vld [tilespmem:s20+$0xFFFFFFA0]  }
0x1ce: {  	v36 =	vimm.s32 $0x2;
	[tilespmem:s7+$0x1B0] =	vst v59;
	v3 =	vperm.xlane v8, v3;
	v11 =	vmul.f32 v54, v23;
	v23 =	vld [tilespmem:s20+$0xFFFFFF70]  }
0x1cf: {  	[tilespmem:s7+$0x1C0] =	vst v41;
	v5 =	vperm.xlane v8, v36;
	v16 =	vmul.f32 v7, v26;
	v26 =	vld [tilespmem:s20+$0xFFFFFF80]  }
0x1d0: {  	v42 =	vimm.s32 $0x1;
	[tilespmem:s7+$0x1D0] =	vst v39;
	v7 =	vperm.xlane v63, v40;
	v14 =	vmul.f32 v15, v2;
	v2 =	vld [tilespmem:s20+$0xFFFFFFB0]  }
0x1d1: {  	v1 =	vperm.xlane v8, v42;
	[tilespmem:s7+$0xA0] =	vst v35;
	v49 =	vmul.f32 v53, v17;
	v15 =	vld [tilespmem:s20+$0xFFFFFFC0]  }
0x1d2: {  	v17 =	vmul.f32 v57, v7;
	v61 =	vmul.f32 v0, v5;
	v5 =	vld [tilespmem:$0x1FFB0]  }
0x1d3: {  	v52 =	vld [tilespmem:s20+$0xFFFFFEE0];
	v4 =	vmul.f32 v23, v4;
	v23 =	vperm.xlane v8, v45  }
0x1d4: {  	v39 =	vld [tilespmem:s7+$0x130];
	v63 =	vmul.f32 v58, v1;
	v7 =	vmul.f32 v26, v3;
	[tilespmem:s20+$0xFFFFFE00] =	vst v28  }
0x1d5: {  	v26 =	vperm.xlane v8, v40;
	v59 =	vmul.f32 v2, v23;
	v2 =	vld [tilespmem:s20+$0x0];
	[tilespmem:s20+$0xFFFFFE10] =	vst v6  }
0x1d6: {  	v41 =	vld [tilespmem:s7+$0x150];
	v0 =	vperm.xlane v8, v38;
	v23 =	vperm.xlane v8, v48;
	[tilespmem:s20+$0xFFFFFE20] =	vst v9  }
0x1d7: {  	v1 =	vld [tilespmem:s20+$0xFFFFFFE0];
	[tilespmem:s7+$0x1E0] =	vst v5;
	v5 =	vperm.xlane v8, v46;
	v8 =	vmul.f32 v15, v26;
	v15 =	vimm.s32 $0x0  }
0x1d8: {  	v21 =	vmul.f32 v52, v21;
	v60 =	vld [tilespmem:s20+$0xFFFFFFF0];
	[tilespmem:s20+$0xFFFFFE30] =	vst v31;
	v15 =	vperm.xlane v55, v15  }
0x1d9: {  	v56 =	vperm.xlane v55, v48;
	v52 =	vperm.xlane v33, v40;
	v62 =	vld [tilespmem:s20+$0x10];
	[tilespmem:s20+$0xFFFFFE40] =	vst v20  }
0x1da: {  	v43 =	vperm.xlane v44, v42;
	[tilespmem:s20+$0xFFFFFE50] =	vst v18;
	v15 =	vmul.f32 v2, v15;
	v2 =	vld [tilespmem:s20+$0x50]  }
0x1db: {  	v50 =	vperm.xlane v44, v40;
	v28 =	vld [tilespmem:s20+$0x30];
	[tilespmem:s20+$0xFFFFFE60] =	vst v19;
	v18 =	vperm.xlane v55, v38  }
0x1dc: {  	v31 =	vld [tilespmem:s20+$0x40];
	[tilespmem:s20+$0xFFFFFE70] =	vst v10;
	v5 =	vmul.f32 v1, v5;
	v1 =	vperm.xlane v55, v42  }
0x1dd: {  	v3 =	vld [tilespmem:s20+$0xFFFFFFD0];
	[tilespmem:s20+$0xFFFFFE80] =	vst v24;
	v9 =	vmul.f32 v60, v23;
	v23 =	vperm.xlane v55, v45  }
0x1de: {  	v48 =	vld [tilespmem:s7+$0x170];
	[tilespmem:s20+$0xFFFFFE90] =	vst v25;
	v6 =	vmul.f32 v62, v1;
	v1 =	vperm.xlane v55, v40  }
0x1df: {  	[tilespmem:s20+$0xFFFFFEA0] =	vst v27;
	v26 =	vld [tilespmem:s20+$0x20];
	v60 =	vmul.f32 v2, v18;
	v2 =	vperm.xlane v33, v38  }
0x1e0: {  	v54 =	vperm.xlane v33, v36;
	[tilespmem:s20+$0xFFFFFEB0] =	vst v47;
	v62 =	vmul.f32 v28, v23;
	v28 =	vld [tilespmem:s7+$0x160]  }
0x1e1: {  	v35 =	vimm.s32 $0x0;
	v10 =	vmul.f32 v31, v1;
	v1 =	vld [tilespmem:s20+$0x60];
	v18 =	vperm.xlane v33, v46;
	[tilespmem:$0x1FFC0] =	vst v2  }
0x1e2: {  	v53 =	vperm.xlane v33, v45;
	v51 =	vperm.xlane v44, v35;
	[tilespmem:s20+$0xFFFFFEC0] =	vst v29  }
0x1e3: {  	v57 =	vperm.xlane v33, v42;
	v58 =	vperm.xlane v55, v46;
	v2 =	vld [tilespmem:s20+$0x70];
	[tilespmem:$0x1FFD0] =	vst v18  }
0x1e4: {  	v0 =	vmul.f32 v3, v0;
	v3 =	vperm.xlane v55, v36;
	v18 =	vld [tilespmem:s20+$0x80]  }
0x1e5: {  	v24 =	vperm.xlane v44, v36;
	v55 =	vperm.xlane v33, v35;
	v23 =	vimm.s32 $0x7;
	[tilespmem:s20+$0xFFFFFED0] =	vst v30;
	v19 =	vld [tilespmem:s20+$0x90]  }
0x1e6: {  	v3 =	vmul.f32 v26, v3;
	v47 =	vperm.xlane v33, v23;
	[tilespmem:s20+$0xFFFFFEE0] =	vst v21;
	v20 =	vld [tilespmem:s20+$0xA0]  }
0x1e7: {  	v26 =	vperm.xlane v44, v45;
	v31 =	vperm.xlane v44, v46;
	[tilespmem:s20+$0xFFFFFEF0] =	vst v22;
	v21 =	vld [tilespmem:s20+$0xB0]  }
0x1e8: {  	s6 =	simm.s32 $0x19090;
	s10 =	simm.s32 $0x8;
	s26 =	simm.s32 $0x1A190;
	v29 =	vperm.xlane v44, v38;
	[tilespmem:s20+$0xFFFFFF00] =	vst v49;
	v49 =	vperm.xlane v44, v23;
	v22 =	vld [tilespmem:s20+$0xC0]  }
.LBB2_7:
0x1e9: {  	[tilespmem:s20+$0xFFFFFF10] =	vst v11  }
0x1ea: {  	[tilespmem:s20+$0xFFFFFF30] =	vst v12  }
0x1eb: {  	[tilespmem:s20+$0xFFFFFF20] =	vst v16  }
0x1ec: {  	v45 =	vmul.f32 v19, v57;
	v19 =	vld [tilespmem:s6+$0x20]  }
0x1ed: {  	[tilespmem:s20+$0xFFFFFF50] =	vst v13;
	v13 =	vld [tilespmem:$0x1FD90]  }
0x1ee: {  	[tilespmem:s20+$0xFFFFFF40] =	vst v17;
	v17 =	vmul.f32 v21, v53;
	v21 =	vld [tilespmem:$0x1FEB0];
	_ =	sdelay $0x1  }
0x1ef: {  	v23 =	vld [tilespmem:s6+$0x70]  }
0x1f0: {  	v11 =	vld [tilespmem:$0x1FD50]  }
0x1f1: {  	v12 =	vld [tilespmem:$0x1FE90]  }
0x1f2: {  	v13 =	vmul.f32 v21, v13;
	v21 =	vmov v24;
	v24 =	vld [tilespmem:$0x1FFF0];
	_ =	sdelay $0x1  }
0x1f3: {  	v33 =	vmul.f32 v1, v58;
	v1 =	vmul.f32 v18, v55;
	v18 =	vld [tilespmem:s6+$0xFFFFFC70];
	_ =	sdelay $0x1  }
0x1f4: {  	v16 =	vmul.f32 v20, v54;
	v20 =	vld [tilespmem:$0x1FEA0];
	v11 =	vmul.f32 v12, v11;
	v12 =	vmov v51  }
0x1f5: {  	v46 =	vmul.f32 v22, v52;
	[tilespmem:$0x1FD50] =	vst v12;
	v12 =	vld [tilespmem:$0x1FD80];
	v22 =	vperm.xlane v23, v24  }
0x1f6: {  	v25 =	vld [tilespmem:s6+$0x10]  }
0x1f7: {  	v18 =	vadd.f32 v18, v22;
	v22 =	vld [tilespmem:$0x1FE10]  }
0x1f8: {  	v27 =	vld [tilespmem:$0x1FE20]  }
0x1f9: {  	v30 =	vld [tilespmem:$0x1FED0];
	[tilespmem:s20+$0xFFFFFF60] =	vst v14  }
0x1fa: {  	v14 =	vld [tilespmem:$0x1FDC0];
	[tilespmem:s20+$0xFFFFFF70] =	vst v4;
	v12 =	vmul.f32 v20, v12;
	v20 =	vmov v43  }
0x1fb: {  	v4 =	vld [tilespmem:$0x1FDF0];
	[tilespmem:$0x1FD80] =	vst v20  }
0x1fc: {  	v20 =	vld [tilespmem:s6+$0x30];
	[tilespmem:s20+$0xFFFFFF80] =	vst v7;
	v43 =	vmul.f32 v28, v22;
	v28 =	vmov v29  }
0x1fd: {  	v7 =	vld [tilespmem:$0x1FE00];
	[tilespmem:$0x1FE00] =	vst v28;
	v28 =	vmul.f32 $2.000000030e-01, v18  }
0x1fe: {  	[tilespmem:s20+$0xFFFFFFC0] =	vst v8;
	v8 =	vld [tilespmem:$0x1FEF0]  }
0x1ff: {  	v18 =	vmax.f32 v18, v28;
	v28 =	vld [tilespmem:$0x1FEE0]  }
0x200: {  	v48 =	vmul.f32 v48, v27;
	v27 =	vmov v31;
	v31 =	vld [tilespmem:$0x1FEC0];
	[tilespmem:s20+$0xFFFFFF90] =	vst v63  }
0x201: {  	[tilespmem:s20+$0xFFFFFFA0] =	vst v61;
	v22 =	vld [tilespmem:s6+$0x0];
	v29 =	vmov v49;
	v18 =	vmul.f32 $1.442695020e+00, v18  }
0x202: {  	[tilespmem:$0x1FE20] =	vst v29;
	v29 =	vld [tilespmem:s6+$0xFFFFFC10]  }
0x203: {  	[tilespmem:s20+$0xFFFFFFB0] =	vst v59;
	(erf) = vpow2.f32 v18;
	v18 =	vld [tilespmem:$0x1FF50]  }
0x204: {  	v28 =	vmul.f32 v28, v8;
	v8 =	vld [tilespmem:s6+$0xFFFFFC30]  }
0x205: {  	[tilespmem:s20+$0xFFFFFFF0] =	vst v9;
	v9 =	vld [tilespmem:$0x1FF10]  }
0x206: {  	[tilespmem:$0x1FD90] =	vst v21;
	v21 =	vld [tilespmem:s6+$0x40];
	v23 =	vmov v26  }
0x207: {  	v4 =	vmul.f32 v32, v4;
	v32 =	vmul.f32 v31, v30;
	v30 =	vld [tilespmem:s6+$0xFFFFFC20];
	[tilespmem:$0x1FDC0] =	vst v23  }
0x208: {  	v23 =	vperm.xlane v25, v24;
	[tilespmem:s20+$0xFFFFFFD0] =	vst v0;
	v0 =	vperm.xlane v22, v24;
	v22 =	vld [tilespmem:s6+$0xFFFFFC40]  }
0x209: {  	[tilespmem:s20+$0x0] =	vst v15;
	v15 =	vld [tilespmem:$0x1FF30]  }
0x20a: {  	v2 =	vmul.f32 v2, v56;
	v56 =	vmul.f32 v9, v18;
	v9 =	vadd.f32 v29, v23;
	v23 =	vld [tilespmem:$0x1FF60];
	_ =	sdelay $0x2  }
0x20b: {  	v26 =	vmov v50;
	v19 =	vperm.xlane v19, v24;
	v25 =	vld [tilespmem:s6+$0x50]  }
0x20c: {  	[tilespmem:$0x1FDF0] =	vst v26;
	v26 =	vld [tilespmem:s6+$0x60]  }
0x20d: {  	v51 =	vmul.f32 v15, v23;
	v15 =	vadd.f32 v30, v19;
	v19 =	vld [tilespmem:$0x1FF40]  }
0x20e: {  	v23 =	vld [tilespmem:$0x1FF70];
	_ =	sdelay $0x1  }
0x20f: {  	[tilespmem:$0x1FE10] =	vst v27;
	v27 =	vld [tilespmem:s6+$0xFFFFFC00]  }
0x210: {  	v21 =	vperm.xlane v21, v24;
	v20 =	vperm.xlane v20, v24;
	[tilespmem:s20+$0xFFFFFFE0] =	vst v5;
	v5 =	vld [tilespmem:$0x1FF00]  }
0x211: {  	v25 =	vperm.xlane v25, v24;
	v26 =	vperm.xlane v26, v24;
	v24 =	vld [tilespmem:$0x1FF20]  }
0x212: {  	v52 =	vmul.f32 v19, v23;
	v23 =	vmul.f32 $2.000000030e-01, v9  }
0x213: {  	v19 =	vld [tilespmem:$0x1FF80]  }
0x214: {  	[tilespmem:s20+$0x10] =	vst v6;
	v9 =	vmax.f32 v9, v23;
	v23 =	vld [tilespmem:s20+$0x110]  }
0x215: {  	[tilespmem:s20+$0x70] =	vst v2;
	v2 =	vld [tilespmem:s20+$0x130]  }
0x216: {  	[tilespmem:s20+$0x20] =	vst v3;
	v0 =	vadd.f32 v27, v0;
	v24 =	vmul.f32 v5, v24;
	v5 =	vld [tilespmem:s6+$0xFFFFFC50]  }
0x217: {  	[tilespmem:s20+$0x30] =	vst v62;
	v18 =	vld [tilespmem:s6+$0xFFFFFC60];
	v8 =	vadd.f32 v8, v20;
	v20 =	vmul.f32 $2.000000030e-01, v15  }
0x218: {  	[tilespmem:s20+$0x80] =	vst v1;
	v1 =	vld [tilespmem:s20+$0x140];
	v54 =	vmul.f32 v37, v19;
	v19 =	vmul.f32 $2.000000030e-01, v0  }
0x219: {  	[tilespmem:$0x1FEA0] =	vst v23;
	v23 =	vmax.f32 v15, v20;
	v20 =	vld [tilespmem:s20+$0x120]  }
0x21a: {  	[tilespmem:s20+$0x40] =	vst v10;
	v0 =	vmax.f32 v0, v19  }
0x21b: {  	[tilespmem:s20+$0x50] =	vst v60;
	v19 =	vmul.f32 $2.000000030e-01, v8;
	v0 =	vmul.f32 $1.442695020e+00, v0  }
0x21c: {  	[tilespmem:$0x1FC80] =	vst v2;
	v18 =	vadd.f32 v18, v26;
	v2 =	vmul.f32 $1.442695020e+00, v9;
	v15 =	vpop (erf);
	v9 =	vmul.f32 $1.442695020e+00, v23  }
0x21d: {  	v6 =	vld [tilespmem:s20+$0xD0];
	[tilespmem:$0x1FD20] =	vst v1;
	v8 =	vmax.f32 v8, v19;
	(erf) = vpow2.f32 v0;
	v0 =	vperm.xlane v15, v35  }
0x21e: {  	v3 =	vld [tilespmem:s20+$0xE0];
	v5 =	vadd.f32 v5, v25;
	v1 =	vmul.f32 $1.442695020e+00, v8;
	(erf) = vpow2.f32 v2;
	[tilespmem:$0x1FEB0] =	vst v20  }
0x21f: {  	v20 =	vmul.f32 $2.000000030e-01, v18;
	[tilespmem:$0x1FED0] =	vst v0;
	v0 =	vld [tilespmem:s26+$0x170];
	(erf) = vpow2.f32 v9  }
0x220: {  	v10 =	vld [tilespmem:s20+$0x100];
	[tilespmem:s20+$0x60] =	vst v33;
	v21 =	vadd.f32 v22, v21;
	v19 =	vmul.f32 $2.000000030e-01, v5;
	(erf) = vpow2.f32 v1  }
0x221: {  	s24 =	sadd.s32 $0x80, s24;
	v22 =	vld [tilespmem:s20+$0xF0];
	[tilespmem:s20+$0x90] =	vst v45;
	v1 =	vperm.xlane v15, v36;
	v8 =	vmax.f32 v18, v20;
	v18 =	vsel vm0, v15, v34  }
0x222: {  	v5 =	vmax.f32 v5, v19;
	v19 =	vld [tilespmem:s20+$0x150];
	s20 =	sadd.s32 $0x400, s20;
	[tilespmem:s24+$0x30] =	vst v18  }
0x223: {  	[tilespmem:$0x1FF20] =	vst v1;
	v1 =	vld [tilespmem:s20+$0x1A0]  }
0x224: {  	[tilespmem:$0x1FCD0] =	vst v0;
	v0 =	vld [tilespmem:s20+$0x180];
	_ =	sdelay $0x2  }
0x225: {  	v18 =	vld [tilespmem:s26+$0x160]  }
0x226: {  	[tilespmem:$0x1FF00] =	vst v1;
	v1 =	vld [tilespmem:s20+$0x1B0]  }
0x227: {  	[tilespmem:$0x1FEC0] =	vst v0;
	v0 =	vperm.xlane v15, v42;
	_ =	sdelay $0x1  }
0x228: {  	[tilespmem:$0x1FEF0] =	vst v0;
	v0 =	vld [tilespmem:s20+$0x190]  }
0x229: {  	v26 =	vimm.s32 $0x3;
	[tilespmem:$0x1FD10] =	vst v18  }
0x22a: {  	v18 =	vld [tilespmem:s20+$0x1F0];
	[tilespmem:$0x1FF10] =	vst v1;
	v1 =	vperm.xlane v15, v26;
	_ =	sdelay $0x1  }
0x22b: {  	v49 =	vimm.s32 $0x7;
	[tilespmem:$0x1FF50] =	vst v1  }
0x22c: {  	v1 =	vld [tilespmem:s20+$0x1C0];
	[tilespmem:$0x1FEE0] =	vst v0;
	v0 =	vperm.xlane v15, v49;
	_ =	sdelay $0x1  }
0x22d: {  	[tilespmem:$0x1FE90] =	vst v10;
	v0 =	vmul.f32 v18, v0  }
0x22e: {  	[tilespmem:s26+$0xA0] =	vst v16;
	v37 =	vimm.s32 $0x6  }
0x22f: {  	[tilespmem:s20+$0x1F0] =	vst v0;
	v0 =	vperm.xlane v15, v37  }
0x230: {  	v31 =	vimm.s32 $0x4;
	[tilespmem:$0x1FF30] =	vst v1  }
0x231: {  	v1 =	vperm.xlane v15, v31;
	[tilespmem:$0x1FF80] =	vst v0;
	v0 =	vld [tilespmem:s20+$0x1E0]  }
0x232: {  	[tilespmem:s7+$0x110] =	vst v12;
	v12 =	vimm.s32 $0x5  }
0x233: {  	[tilespmem:$0x1FF60] =	vst v1;
	v1 =	vperm.xlane v15, v12  }
0x234: {  	[tilespmem:s26+$0xB0] =	vst v17  }
0x235: {  	[tilespmem:$0x1FF70] =	vst v1;
	v1 =	vld [tilespmem:s20+$0x1D0]  }
0x236: {  	[tilespmem:$0x1FCC0] =	vst v0;
	v0 =	vld [tilespmem:$0x1FFC0]  }
0x237: {  	[tilespmem:s26+$0xC0] =	vst v46;
	v10 =	vmul.f32 $2.000000030e-01, v21  }
0x238: {  	v14 =	vmul.f32 v39, v14;
	[tilespmem:s7+$0x100] =	vst v11  }
0x239: {  	v10 =	vmax.f32 v21, v10;
	[tilespmem:s7+$0x120] =	vst v13  }
0x23a: {  	v10 =	vmul.f32 $1.442695020e+00, v10;
	[tilespmem:s7+$0x130] =	vst v14  }
0x23b: {  	v7 =	vmul.f32 v41, v7;
	[tilespmem:$0x1FF40] =	vst v1;
	v1 =	vmul.f32 v6, v0;
	v0 =	vld [tilespmem:$0x1FFD0]  }
0x23c: {  	v5 =	vmul.f32 $1.442695020e+00, v5;
	(erf) = vpow2.f32 v10;
	[tilespmem:s7+$0x140] =	vst v4  }
0x23d: {  	v8 =	vmul.f32 $1.442695020e+00, v8;
	[tilespmem:s7+$0x150] =	vst v7;
	v2 =	vpop (erf)  }
0x23e: {  	(erf) = vpow2.f32 v5;
	[tilespmem:$0x1FC90] =	vst v19;
	v4 =	vsel vm0, v2, v34  }
0x23f: {  	(erf) = vpow2.f32 v8;
	v20 =	vpop (erf);
	[tilespmem:s24+$0xFFFFFFC0] =	vst v4  }
0x240: {  	[tilespmem:s26+$0xD0] =	vst v1;
	v1 =	vsel vm0, v20, v34;
	v18 =	vmul.f32 v3, v0;
	v0 =	vperm.xlane v2, v35  }
0x241: {  	v50 =	vimm.s32 $0x1;
	v21 =	vpop (erf);
	[tilespmem:s24+$0xFFFFFFD0] =	vst v1  }
0x242: {  	v1 =	vsel vm0, v21, v34;
	[tilespmem:$0x1FBB0] =	vst v0;
	v0 =	vperm.xlane v2, v50  }
0x243: {  	v27 =	vpop (erf);
	[tilespmem:s24+$0xFFFFFFE0] =	vst v1  }
0x244: {  	v1 =	vsel vm0, v27, v34;
	[tilespmem:$0x1FBC0] =	vst v0;
	v0 =	vperm.xlane v2, v36  }
0x245: {  	v55 =	vpop (erf);
	[tilespmem:s24+$0xFFFFFFF0] =	vst v1  }
0x246: {  	v1 =	vsel vm0, v55, v34;
	[tilespmem:$0x1FBD0] =	vst v0;
	v0 =	vperm.xlane v2, v26  }
0x247: {  	v19 =	vmul.f32 v22, v47;
	v47 =	vpop (erf);
	[tilespmem:s24+$0x0] =	vst v1  }
0x248: {  	v1 =	vsel vm0, v47, v34;
	[tilespmem:$0x1FBE0] =	vst v0;
	v0 =	vperm.xlane v2, v31  }
0x249: {  	v44 =	vpop (erf);
	[tilespmem:s24+$0x10] =	vst v1  }
0x24a: {  	v1 =	vsel vm0, v44, v34;
	[tilespmem:$0x1FBF0] =	vst v0;
	v0 =	vperm.xlane v2, v12  }
0x24b: {  	v5 =	vld [tilespmem:s20+$0xFFFFFE10];
	[tilespmem:s24+$0x20] =	vst v1  }
0x24c: {  	v4 =	vld [tilespmem:s20+$0xFFFFFE20];
	[tilespmem:$0x1FC00] =	vst v0;
	v0 =	vperm.xlane v2, v37  }
0x24d: {  	v16 =	vperm.xlane v20, v12;
	v38 =	vld [tilespmem:s20+$0xFFFFFE50];
	[tilespmem:s26+$0xF0] =	vst v19;
	v1 =	vperm.xlane v27, v49  }
0x24e: {  	v39 =	vld [tilespmem:s20+$0xFFFFFE60];
	v63 =	vperm.xlane v21, v26;
	[tilespmem:$0x1FC10] =	vst v0;
	v0 =	vperm.xlane v2, v49  }
0x24f: {  	v40 =	vld [tilespmem:s20+$0xFFFFFE70];
	v13 =	vperm.xlane v21, v12;
	[tilespmem:$0x1FCE0] =	vst v1;
	v1 =	vperm.xlane v55, v35  }
0x250: {  	v25 =	vperm.xlane v27, v12;
	v6 =	vld [tilespmem:s20+$0xFFFFFE00];
	[tilespmem:$0x1FC20] =	vst v0;
	v0 =	vperm.xlane v20, v35  }
0x251: {  	v62 =	vperm.xlane v55, v26;
	v42 =	vld [tilespmem:s20+$0xFFFFFE80];
	[tilespmem:$0x1FCF0] =	vst v1;
	v1 =	vperm.xlane v55, v50  }
0x252: {  	v53 =	vperm.xlane v47, v26;
	v45 =	vld [tilespmem:s20+$0xFFFFFEB0];
	[tilespmem:$0x1FC30] =	vst v0;
	v0 =	vperm.xlane v20, v50  }
0x253: {  	v10 =	vperm.xlane v47, v12;
	v46 =	vld [tilespmem:s20+$0xFFFFFEC0];
	[tilespmem:$0x1FD00] =	vst v1;
	v1 =	vperm.xlane v55, v31  }
0x254: {  	v22 =	vperm.xlane v44, v26;
	v3 =	vld [tilespmem:s20+$0xFFFFFE30];
	[tilespmem:$0x1FC40] =	vst v0;
	v0 =	vperm.xlane v20, v36  }
0x255: {  	v29 =	vld [tilespmem:s20+$0xFFFFFF00];
	v19 =	vperm.xlane v27, v26;
	[tilespmem:$0x1FD30] =	vst v1;
	v1 =	vperm.xlane v55, v12  }
0x256: {  	[tilespmem:$0x1FC50] =	vst v0;
	v0 =	vperm.xlane v20, v26;
	v26 =	vperm.xlane v44, v12;
	v12 =	vld [tilespmem:$0x1FBB0]  }
0x257: {  	v30 =	vld [tilespmem:s20+$0xFFFFFF10]  }
0x258: {  	v41 =	vld [tilespmem:s20+$0xFFFFFF20]  }
0x259: {  	v33 =	vld [tilespmem:s20+$0xFFFFFF40]  }
0x25a: {  	v34 =	vld [tilespmem:s20+$0xFFFFFF50]  }
0x25b: {  	[tilespmem:$0x1FFC0] =	vst v10;
	v12 =	vmul.f32 v6, v12;
	v6 =	vld [tilespmem:$0x1FBC0]  }
0x25c: {  	v59 =	vperm.xlane v20, v49;
	[tilespmem:s7+$0x160] =	vst v43;
	v43 =	vld [tilespmem:s20+$0xFFFFFE90]  }
0x25d: {  	v11 =	vperm.xlane v21, v35;
	v61 =	vperm.xlane v21, v50;
	[tilespmem:s7+$0x170] =	vst v48;
	s7 =	smov.u32 s26;
	v48 =	vld [tilespmem:s20+$0xFFFFFED0]  }
0x25e: {  	v7 =	vperm.xlane v21, v36;
	v10 =	vperm.xlane v47, v37;
	[tilespmem:s7+$0x190] =	vst v28;
	v28 =	vld [tilespmem:s20+$0xFFFFFEF0]  }
0x25f: {  	v14 =	vperm.xlane v21, v37;
	v60 =	vperm.xlane v55, v36;
	[tilespmem:s7+$0x180] =	vst v32;
	v32 =	vld [tilespmem:s20+$0xFFFFFF30]  }
0x260: {  	v58 =	vperm.xlane v55, v37;
	[tilespmem:$0x1FFD0] =	vst v10;
	v5 =	vmul.f32 v5, v6;
	v6 =	vld [tilespmem:$0x1FBD0]  }
0x261: {  	v57 =	vperm.xlane v47, v50;
	v10 =	vperm.xlane v47, v49;
	[tilespmem:s7+$0x1A0] =	vst v24;
	v24 =	vld [tilespmem:s20+$0xFFFFFF60]  }
0x262: {  	v29 =	vmul.f32 v29, v11;
	v11 =	vmul.f32 v30, v61;
	v30 =	vld [tilespmem:s20+$0x20]  }
0x263: {  	[tilespmem:s7+$0x1B0] =	vst v56;
	v56 =	vperm.xlane v55, v49;
	v13 =	vmul.f32 v34, v13;
	v34 =	vld [tilespmem:$0x1FFE0]  }
0x264: {  	v48 =	vmul.f32 v48, v16;
	v16 =	vmul.f32 v41, v7;
	v41 =	vld [tilespmem:$0x1FC90]  }
0x265: {  	[tilespmem:s7+$0x1E0] =	vst v54;
	v54 =	vperm.xlane v47, v36;
	v4 =	vmul.f32 v4, v6;
	v6 =	vld [tilespmem:$0x1FBE0]  }
0x266: {  	[tilespmem:s7+$0x1D0] =	vst v52;
	v52 =	vperm.xlane v47, v31;
	v14 =	vmul.f32 v24, v14;
	v24 =	vld [tilespmem:s20+$0x50]  }
0x267: {  	[tilespmem:s26+$0xE0] =	vst v18;
	v28 =	vmul.f32 v28, v59;
	v55 =	vperm.xlane v47, v35;
	v47 =	vld [tilespmem:s20+$0x10]  }
0x268: {  	[tilespmem:s20+$0xFFFFFED0] =	vst v48;
	v48 =	vld [tilespmem:$0x1FCD0]  }
0x269: {  	[tilespmem:s20+$0xFFFFFEF0] =	vst v28;
	v2 =	vld [tilespmem:s20+$0xFFFFFE40]  }
0x26a: {  	[tilespmem:$0x1FC60] =	vst v0;
	v0 =	vperm.xlane v20, v31;
	v3 =	vmul.f32 v3, v6;
	v6 =	vld [tilespmem:$0x1FBF0]  }
0x26b: {  	v17 =	vperm.xlane v20, v37;
	v28 =	vld [tilespmem:$0x1FD10];
	[tilespmem:$0x1FD40] =	vst v1  }
0x26c: {  	v23 =	vperm.xlane v44, v36;
	v1 =	vld [tilespmem:s20+$0xFFFFFF90];
	[tilespmem:$0x1FC70] =	vst v0;
	v0 =	vperm.xlane v21, v31  }
0x26d: {  	v18 =	vperm.xlane v27, v36;
	[tilespmem:s7+$0x1C0] =	vst v51;
	v51 =	vperm.xlane v44, v35;
	v36 =	vld [tilespmem:s20+$0xFFFFFF80]  }
0x26e: {  	v20 =	vperm.xlane v27, v35;
	v35 =	vld [tilespmem:s20+$0xFFFFFF70];
	[tilespmem:$0x1FCA0] =	vst v0;
	v0 =	vperm.xlane v21, v49  }
0x26f: {  	v2 =	vmul.f32 v2, v6;
	v6 =	vld [tilespmem:$0x1FC00]  }
0x270: {  	[tilespmem:$0x1FCB0] =	vst v0;
	v0 =	vld [tilespmem:s20+$0xFFFFFEA0]  }
0x271: {  	[tilespmem:s20+$0xFFFFFE30] =	vst v3;
	v3 =	vld [tilespmem:$0x1FC50]  }
0x272: {  	v7 =	vmul.f32 v36, v20;
	v20 =	vld [tilespmem:s20+$0xA0]  }
0x273: {  	[tilespmem:s20+$0xFFFFFE10] =	vst v5;
	v5 =	vld [tilespmem:$0x1FC10]  }
0x274: {  	[tilespmem:s20+$0xFFFFFE00] =	vst v12;
	v12 =	vmul.f32 v38, v6;
	v6 =	vld [tilespmem:$0x1FC20]  }
0x275: {  	[tilespmem:s20+$0xFFFFFF00] =	vst v29;
	v29 =	vmov v26;
	v26 =	vmov v22;
	v22 =	vld [tilespmem:$0x1FD40]  }
0x276: {  	v8 =	vperm.xlane v27, v31;
	v0 =	vmul.f32 v0, v3;
	v3 =	vld [tilespmem:$0x1FC60]  }
0x277: {  	v15 =	vperm.xlane v27, v37;
	v21 =	vperm.xlane v27, v50;
	v27 =	vld [tilespmem:s20+$0xFFFFFEE0]  }
0x278: {  	v9 =	vperm.xlane v44, v50;
	[tilespmem:s20+$0xFFFFFE20] =	vst v4;
	v4 =	vld [tilespmem:$0x1FC30]  }
0x279: {  	v5 =	vmul.f32 v39, v5;
	v39 =	vmul.f32 v40, v6;
	v6 =	vld [tilespmem:$0x1FC40]  }
0x27a: {  	v50 =	vperm.xlane v44, v31;
	v31 =	vperm.xlane v44, v37;
	v37 =	vld [tilespmem:s20+$0xFFFFFFB0]  }
0x27b: {  	v49 =	vperm.xlane v44, v49;
	v44 =	vld [tilespmem:s20+$0xFFFFFFA0];
	v3 =	vmul.f32 v45, v3  }
0x27c: {  	v45 =	vld [tilespmem:s20+$0xFFFFFFF0]  }
0x27d: {  	[tilespmem:s20+$0xFFFFFEB0] =	vst v3;
	v3 =	vld [tilespmem:$0x1FCE0]  }
0x27e: {  	v4 =	vmul.f32 v42, v4;
	v42 =	vmul.f32 v43, v6;
	v43 =	vld [tilespmem:s20+$0xFFFFFFE0]  }
0x27f: {  	v59 =	vmul.f32 v37, v19;
	v37 =	vld [tilespmem:$0x1FCC0]  }
0x280: {  	v61 =	vmul.f32 v44, v18;
	v18 =	vld [tilespmem:s20+$0x80]  }
0x281: {  	[tilespmem:s20+$0xFFFFFE40] =	vst v2;
	v2 =	vld [tilespmem:$0x1FC70]  }
0x282: {  	v6 =	vld [tilespmem:s20+$0x0]  }
0x283: {  	[tilespmem:s20+$0xFFFFFE60] =	vst v5;
	v5 =	vmul.f32 v43, v15;
	v43 =	vmov v9;
	v9 =	vmul.f32 v45, v3;
	v3 =	vld [tilespmem:$0x1FCF0]  }
0x284: {  	v19 =	vld [tilespmem:s20+$0x90]  }
0x285: {  	v38 =	vld [tilespmem:s20+$0xFFFFFFC0]  }
0x286: {  	v46 =	vmul.f32 v46, v2;
	v2 =	vld [tilespmem:$0x1FCA0]  }
0x287: {  	[tilespmem:s20+$0xFFFFFE50] =	vst v12;
	v12 =	vmul.f32 v32, v63;
	v32 =	vld [tilespmem:s20+$0x30]  }
0x288: {  	v15 =	vmul.f32 v6, v3;
	v3 =	vld [tilespmem:$0x1FD00]  }
0x289: {  	v63 =	vmul.f32 v1, v21;
	v1 =	vld [tilespmem:s20+$0x60]  }
0x28a: {  	v40 =	vld [tilespmem:s20+$0xFFFFFFD0]  }
0x28b: {  	v27 =	vmul.f32 v27, v17;
	v17 =	vmul.f32 v33, v2;
	v33 =	vld [tilespmem:s20+$0x40]  }
0x28c: {  	s10 =	sadd.s32 $0x8, s10;
	v2 =	vld [tilespmem:$0x1FCB0]  }
0x28d: {  	p1 =	slt.u32 s10, $0x38;
	[tilespmem:s20+$0xFFFFFEE0] =	vst v27;
	v6 =	vmul.f32 v47, v3;
	v47 =	vmov v10;
	v10 =	vld [tilespmem:$0x1FD30]  }
.Ltmp7:
0x28e: {  	[tilespmem:s20+$0xFFFFFE80] =	vst v4;
	v21 =	vld [tilespmem:s20+$0xB0];
	(pc) =	sbr.rel @p1 .LBB2_7-.Ltmp7, $4  }
0x28f: {  	v8 =	vmul.f32 v38, v8;
	[tilespmem:s20+$0xFFFFFE70] =	vst v39;
	v39 =	vld [tilespmem:$0x1FC80]  }
0x290: {  	v36 =	vimm.s32 $0x2;
	[tilespmem:s20+$0xFFFFFEA0] =	vst v0;
	v62 =	vmul.f32 v32, v62;
	v32 =	vld [tilespmem:$0x1FD20];
	v0 =	vmul.f32 v40, v25  }
0x291: {  	[tilespmem:s20+$0xFFFFFEC0] =	vst v46;
	v4 =	vmul.f32 v35, v2;
	v35 =	vimm.s32 $0x0;
	v2 =	vld [tilespmem:s20+$0x70];
	v3 =	vmul.f32 v30, v60  }
0x292: {  	s6 =	sadd.s32 $0x80, s6;
	s26 =	smov.u32 s20;
	[tilespmem:s20+$0xFFFFFE90] =	vst v42;
	v42 =	vimm.s32 $0x1;
	v60 =	vmul.f32 v24, v22;
	v24 =	vmovc v23;
	v22 =	vld [tilespmem:s20+$0xC0];
	v10 =	vmul.f32 v33, v10  }
0x293: {  	[tilespmem:s20+$0xFFFFFF10] =	vst v11  }
0x294: {  	[tilespmem:s20+$0xFFFFFF20] =	vst v16  }
0x295: {  	[tilespmem:s20+$0xFFFFFF30] =	vst v12  }
0x296: {  	[tilespmem:s20+$0xFFFFFF40] =	vst v17  }
0x297: {  	[tilespmem:s20+$0xFFFFFF50] =	vst v13  }
0x298: {  	[tilespmem:s20+$0xFFFFFF60] =	vst v14  }
0x299: {  	[tilespmem:s20+$0xFFFFFF70] =	vst v4  }
0x29a: {  	[tilespmem:s20+$0xFFFFFF80] =	vst v7  }
0x29b: {  	[tilespmem:s20+$0xFFFFFF90] =	vst v63  }
0x29c: {  	[tilespmem:s20+$0xFFFFFFA0] =	vst v61  }
0x29d: {  	[tilespmem:s20+$0xFFFFFFB0] =	vst v59  }
0x29e: {  	[tilespmem:s20+$0xFFFFFFC0] =	vst v8  }
0x29f: {  	[tilespmem:s20+$0xFFFFFFD0] =	vst v0  }
0x2a0: {  	[tilespmem:s20+$0xFFFFFFE0] =	vst v5  }
0x2a1: {  	[tilespmem:s20+$0xFFFFFFF0] =	vst v9  }
0x2a2: {  	[tilespmem:s20+$0x0] =	vst v15  }
0x2a3: {  	[tilespmem:s20+$0x10] =	vst v6  }
0x2a4: {  	[tilespmem:s20+$0x20] =	vst v3  }
0x2a5: {  	[tilespmem:s20+$0x30] =	vst v62  }
0x2a6: {  	v0 =	vmul.f32 v1, v58;
	[tilespmem:s20+$0x40] =	vst v10  }
0x2a7: {  	v3 =	vmul.f32 v18, v55;
	[tilespmem:s20+$0x50] =	vst v60  }
0x2a8: {  	[tilespmem:s20+$0x60] =	vst v0;
	v1 =	vmul.f32 v2, v56  }
0x2a9: {  	v0 =	vmul.f32 v19, v57;
	[tilespmem:s20+$0x80] =	vst v3  }
0x2aa: {  	v4 =	vld [tilespmem:s20+$0xE0];
	[tilespmem:s20+$0x70] =	vst v1;
	v1 =	vmul.f32 v20, v54  }
0x2ab: {  	v5 =	vld [tilespmem:s20+$0xF0];
	[tilespmem:s20+$0x90] =	vst v0  }
0x2ac: {  	v2 =	vld [tilespmem:s20+$0xD0];
	[tilespmem:s26+$0xA0] =	vst v1  }
0x2ad: {  	v1 =	vld [tilespmem:$0x1FD50]  }
0x2ae: {  	v6 =	vld [tilespmem:$0x1FE90]  }
0x2af: {  	v3 =	vmul.f32 v21, v53;
	_ =	sdelay $0x1  }
0x2b0: {  	[tilespmem:s26+$0xB0] =	vst v3  }
0x2b1: {  	v3 =	vld [tilespmem:$0x1FD80]  }
0x2b2: {  	v1 =	vmul.f32 v6, v1;
	v6 =	vld [tilespmem:$0x1FEA0]  }
0x2b3: {  	v0 =	vmul.f32 v22, v52;
	_ =	sdelay $0x1  }
0x2b4: {  	[tilespmem:s26+$0xC0] =	vst v0  }
0x2b5: {  	v0 =	vld [tilespmem:$0x1FD90]  }
0x2b6: {  	v3 =	vmul.f32 v6, v3;
	v6 =	vld [tilespmem:$0x1FEB0];
	[tilespmem:s7+$0x100] =	vst v1  }
0x2b7: {  	v1 =	vld [tilespmem:$0x1FDC0];
	_ =	sdelay $0x3  }
0x2b8: {  	[tilespmem:s7+$0x110] =	vst v3;
	v0 =	vmul.f32 v6, v0  }
0x2b9: {  	v3 =	vld [tilespmem:$0x1FDF0];
	v1 =	vmul.f32 v39, v1  }
0x2ba: {  	[tilespmem:s7+$0x120] =	vst v0  }
0x2bb: {  	v0 =	vld [tilespmem:$0x1FE00];
	[tilespmem:s7+$0x130] =	vst v1  }
0x2bc: {  	v1 =	vld [tilespmem:$0x1FFC0];
	_ =	sdelay $0x1  }
0x2bd: {  	v3 =	vmul.f32 v32, v3;
	_ =	sdelay $0x1  }
0x2be: {  	[tilespmem:s7+$0x140] =	vst v3  }
0x2bf: {  	v1 =	vmul.f32 v2, v1;
	v2 =	vld [tilespmem:$0x1FFD0];
	_ =	sdelay $0x1  }
0x2c0: {  	v0 =	vmul.f32 v41, v0;
	_ =	sdelay $0x1  }
0x2c1: {  	[tilespmem:s7+$0x150] =	vst v0  }
0x2c2: {  	[tilespmem:s26+$0xD0] =	vst v1;
	v2 =	vmul.f32 v4, v2  }
0x2c3: {  	v0 =	vmul.f32 v5, v47;
	v1 =	vld [tilespmem:$0x1FE10]  }
0x2c4: {  	[tilespmem:s26+$0xE0] =	vst v2  }
0x2c5: {  	v2 =	vld [tilespmem:$0x1FE20];
	[tilespmem:s26+$0xF0] =	vst v0  }
0x2c6: {  	v0 =	vld [tilespmem:$0x1FED0]  }
0x2c7: {  	v3 =	vld [tilespmem:$0x1FEC0]  }
0x2c8: {  	v1 =	vmul.f32 v28, v1;
	_ =	sdelay $0x1  }
0x2c9: {  	[tilespmem:s7+$0x160] =	vst v1;
	v2 =	vmul.f32 v48, v2  }
0x2ca: {  	v1 =	vld [tilespmem:$0x1FEF0]  }
0x2cb: {  	v0 =	vmul.f32 v3, v0;
	v3 =	vld [tilespmem:$0x1FEE0];
	[tilespmem:s7+$0x170] =	vst v2  }
0x2cc: {  	v2 =	vld [tilespmem:$0x1FF00]  }
0x2cd: {  	v4 =	vld [tilespmem:$0x1FF20];
	[tilespmem:s26+$0x180] =	vst v0  }
0x2ce: {  	v0 =	vld [tilespmem:$0x1FF10]  }
0x2cf: {  	v5 =	vld [tilespmem:$0x1FF50]  }
0x2d0: {  	v1 =	vmul.f32 v3, v1;
	_ =	sdelay $0x1  }
0x2d1: {  	v2 =	vmul.f32 v2, v4;
	[tilespmem:s26+$0x190] =	vst v1  }
0x2d2: {  	v1 =	vld [tilespmem:$0x1FF30]  }
0x2d3: {  	v0 =	vmul.f32 v0, v5;
	v6 =	vld [tilespmem:$0x1FF60];
	[tilespmem:s26+$0x1A0] =	vst v2  }
0x2d4: {  	v2 =	vld [tilespmem:$0x1FF40]  }
0x2d5: {  	v7 =	vld [tilespmem:$0x1FF70];
	[tilespmem:s26+$0x1B0] =	vst v0  }
0x2d6: {  	v0 =	vld [tilespmem:$0x1FF80]  }
0x2d7: {  	v3 =	vld [tilespmem:s20+$0x100]  }
0x2d8: {  	v4 =	vld [tilespmem:s20+$0x110]  }
0x2d9: {  	v5 =	vld [tilespmem:s20+$0x120];
	v1 =	vmul.f32 v1, v6  }
0x2da: {  	v6 =	vld [tilespmem:s20+$0x130];
	v2 =	vmul.f32 v2, v7  }
0x2db: {  	v7 =	vld [tilespmem:s20+$0x140];
	[tilespmem:s26+$0x1C0] =	vst v1;
	v0 =	vmul.f32 v37, v0  }
0x2dc: {  	v8 =	vld [tilespmem:s20+$0x150];
	[tilespmem:s26+$0x1D0] =	vst v2;
	v2 =	vmul.f32 v3, v51  }
0x2dd: {  	v1 =	vld [tilespmem:s26+$0x160];
	[tilespmem:s26+$0x1E0] =	vst v0;
	v0 =	vmul.f32 v4, v43  }
0x2de: {  	v3 =	vld [tilespmem:s26+$0x170];
	v4 =	vmul.f32 v5, v24;
	[tilespmem:s26+$0x100] =	vst v2  }
0x2df: {  	v2 =	vmul.f32 v6, v26;
	[tilespmem:s26+$0x110] =	vst v0  }
0x2e0: {  	v0 =	vmul.f32 v7, v50;
	[tilespmem:s26+$0x120] =	vst v4  }
0x2e1: {  	v4 =	vmul.f32 v8, v29;
	[tilespmem:s26+$0x130] =	vst v2  }
0x2e2: {  	v1 =	vmul.f32 v1, v31;
	[tilespmem:s26+$0x140] =	vst v0  }
0x2e3: {  	v0 =	vmul.f32 v3, v49;
	[tilespmem:s26+$0x150] =	vst v4  }
0x2e4: {  	[tilespmem:s26+$0x160] =	vst v1  }
0x2e5: {  	s1 =	simm.s32 $0x18AD0;
	[tilespmem:s26+$0x170] =	vst v0  }
0x2e6: {  	[spmem:s3] =	stream.indirect.scatter.add.f32 [tilespmem:s14], [sflag:$0x7], $0x80, s1, s17, $0xb8;
	[tilespmem:$0x1E390] =	vst v63  }
0x2e7: {  	s20 =	simm.s32 $0x4  }
0x2e8: {  	[spmem:s18] =	stream.indirect.scatter.add.f32 [tilespmem:s29], [sflag:$0x7], $0x10, s1, s17, $0xb8;
	[tilespmem:$0x1E390] =	vst v63  }
0x2e9: {  	_ =	swait.ge [sflag:s20], $0x400  }
0x2ea: {  	[sflag:s20] =	ssyncset.done $0x0  }
0x2eb: {  	s24 =	simm.s32 $0x5;
	[sflag:s20] =	ssyncadd.s32 $0xFFFFFC00  }
0x2ec: {  	_ =	swait.ge [sflag:s24], $0x400  }
0x2ed: {  	[sflag:s24] =	ssyncset.done $0x0  }
0x2ee: {  	[sflag:s24] =	ssyncadd.s32 $0xFFFFFC00  }
0x2ef: {  	_ =	swait.ge [sflag:s11], $0x2000  }
0x2f0: {  	[sflag:s11] =	ssyncset.done $0x0  }
0x2f1: {  	s26 =	simm.s32 $0x19790;
	v11 =	vld [tilespmem:$0x1FFF0];
	[sflag:s11] =	ssyncadd.s32 $0xFFFFE000  }
0x2f2: {  	v0 =	vld [tilespmem:s26+$0x70];
	_ =	sdelay $0x1  }
0x2f3: {  	v1 =	vld [tilespmem:s26+$0xFFFFFC70];
	_ =	sdelay $0x2  }
0x2f4: {  	v2 =	vld [tilespmem:s26+$0x0];
	v0 =	vperm.xlane v0, v11;
	_ =	sdelay $0x1  }
0x2f5: {  	v0 =	vadd.f32 v1, v0;
	v1 =	vld [tilespmem:s26+$0xFFFFFC00];
	_ =	sdelay $0x1  }
0x2f6: {  	v3 =	vld [tilespmem:s26+$0x10];
	v5 =	vmul.f32 $2.000000030e-01, v0  }
0x2f7: {  	v4 =	vld [tilespmem:s26+$0x20];
	v2 =	vperm.xlane v2, v11  }
0x2f8: {  	v6 =	vld [tilespmem:s26+$0x30];
	v0 =	vmax.f32 v0, v5  }
0x2f9: {  	v0 =	vmul.f32 $1.442695020e+00, v0;
	v1 =	vadd.f32 v1, v2;
	v2 =	vld [tilespmem:s26+$0xFFFFFC10]  }
0x2fa: {  	v8 =	vld [tilespmem:s26+$0x60]  }
0x2fb: {  	(erf) = vpow2.f32 v0;
	v0 =	vld [tilespmem:s26+$0xFFFFFC20]  }
0x2fc: {  	v3 =	vperm.xlane v3, v11;
	v5 =	vld [tilespmem:s26+$0x50];
	v9 =	vmul.f32 $2.000000030e-01, v1  }
0x2fd: {  	v10 =	vld [tilespmem:s26+$0xFFFFFC30]  }
0x2fe: {  	v4 =	vperm.xlane v4, v11;
	v1 =	vmax.f32 v1, v9;
	v9 =	vld [tilespmem:s26+$0xFFFFFC50];
	v2 =	vadd.f32 v2, v3  }
0x2ff: {  	v1 =	vmul.f32 $1.442695020e+00, v1;
	v3 =	vld [tilespmem:s26+$0xFFFFFC60]  }
0x300: {  	v6 =	vperm.xlane v6, v11;
	v0 =	vadd.f32 v0, v4;
	v4 =	vmul.f32 $2.000000030e-01, v2  }
0x301: {  	v7 =	vld [tilespmem:s26+$0x40];
	(erf) = vpow2.f32 v1;
	v1 =	vperm.xlane v5, v11  }
0x302: {  	v5 =	vadd.f32 v10, v6;
	v6 =	vperm.xlane v8, v11  }
0x303: {  	v12 =	vld [tilespmem:s26+$0xFFFFFC40];
	v8 =	vmul.f32 $2.000000030e-01, v0;
	v1 =	vadd.f32 v9, v1  }
0x304: {  	v2 =	vmax.f32 v2, v4;
	v3 =	vadd.f32 v3, v6;
	v4 =	vpop (erf)  }
0x305: {  	s6 =	simm.s32 $0x1DFD0;
	v0 =	vmax.f32 v0, v8;
	v8 =	vmul.f32 $2.000000030e-01, v1;
	v6 =	vsel vm0, v4, v34  }
0x306: {  	s7 =	simm.s32 $0x1BD90;
	v7 =	vperm.xlane v7, v11;
	[tilespmem:s6+$0x30] =	vst v6  }
0x307: {  	v1 =	vmax.f32 v1, v8;
	v8 =	vld [tilespmem:s7+$0x180]  }
0x308: {  	v7 =	vadd.f32 v12, v7;
	_ =	sdelay $0x1  }
0x309: {  	v9 =	vmul.f32 $2.000000030e-01, v7  }
0x30a: {  	v2 =	vmul.f32 $1.442695020e+00, v2  }
0x30b: {  	v6 =	vmax.f32 v7, v9;
	v9 =	vld [tilespmem:s7+$0x1F0];
	[tilespmem:$0x1F920] =	vst v8  }
0x30c: {  	(erf) = vpow2.f32 v2;
	v2 =	vld [tilespmem:s7+$0x190];
	_ =	sdelay $0x2  }
0x30d: {  	v7 =	vmul.f32 $2.000000030e-01, v3;
	_ =	sdelay $0x1  }
0x30e: {  	v3 =	vmax.f32 v3, v7;
	[tilespmem:$0x1F960] =	vst v2  }
0x30f: {  	v7 =	vperm.xlane v4, v35;
	v2 =	vmul.f32 $1.442695020e+00, v3;
	v3 =	vld [tilespmem:s7+$0x1A0];
	_ =	sdelay $0x1  }
0x310: {  	[tilespmem:$0x1F930] =	vst v7;
	v7 =	vperm.xlane v4, v42;
	_ =	sdelay $0x1  }
0x311: {  	[tilespmem:$0x1F970] =	vst v7  }
0x312: {  	[tilespmem:$0x1F990] =	vst v3  }
0x313: {  	v7 =	vld [tilespmem:s7+$0x1B0];
	_ =	sdelay $0x4  }
0x314: {  	v10 =	vmul.f32 $2.000000030e-01, v5;
	[tilespmem:$0x1F9F0] =	vst v7  }
0x315: {  	v8 =	vld [tilespmem:s7+$0x1C0]  }
0x316: {  	v5 =	vmax.f32 v5, v10;
	v0 =	vmul.f32 $1.442695020e+00, v0  }
0x317: {  	v5 =	vmul.f32 $1.442695020e+00, v5  }
0x318: {  	v6 =	vmul.f32 $1.442695020e+00, v6;
	(erf) = vpow2.f32 v0  }
0x319: {  	v1 =	vmul.f32 $1.442695020e+00, v1;
	v0 =	vimm.s32 $0x7;
	(erf) = vpow2.f32 v5;
	v3 =	vpop (erf)  }
0x31a: {  	v5 =	vperm.xlane v4, v36;
	(erf) = vpow2.f32 v6;
	v7 =	vsel vm0, v3, v34;
	[tilespmem:$0x1FA10] =	vst v8  }
0x31b: {  	v0 =	vperm.xlane v4, v0;
	(erf) = vpow2.f32 v1;
	v1 =	vimm.s32 $0x3;
	[tilespmem:s6+$0xFFFFFFC0] =	vst v7  }
0x31c: {  	v1 =	vperm.xlane v4, v1;
	(erf) = vpow2.f32 v2;
	v2 =	vimm.s32 $0x4;
	[tilespmem:$0x1F9A0] =	vst v5  }
0x31d: {  	v6 =	vimm.s32 $0x5;
	v2 =	vperm.xlane v4, v2;
	v5 =	vld [tilespmem:s7+$0xFFFFFE00]  }
0x31e: {  	v6 =	vperm.xlane v4, v6;
	v24 =	vmul.f32 v9, v0;
	v0 =	vld [tilespmem:s7+$0xFFFFFE10];
	[tilespmem:$0x1FA00] =	vst v1  }
0x31f: {  	v1 =	vld [tilespmem:s7+$0xFFFFFE20];
	[tilespmem:$0x1FA20] =	vst v2  }
0x320: {  	v2 =	vld [tilespmem:s7+$0xFFFFFE30];
	[tilespmem:$0x1FA30] =	vst v6;
	v6 =	vimm.s32 $0x6  }
0x321: {  	v4 =	vperm.xlane v4, v6;
	_ =	sdelay $0x1  }
0x322: {  	[tilespmem:$0x1FA40] =	vst v4  }
0x323: {  	v14 =	vld [tilespmem:s7+$0xFFFFFE40]  }
0x324: {  	v8 =	vpop (erf);
	v9 =	vld [tilespmem:s7+$0xFFFFFE50]  }
0x325: {  	v25 =	vsel vm0, v8, v34;
	v26 =	vld [tilespmem:s7+$0xFFFFFE60]  }
0x326: {  	v15 =	vimm.s32 $0x4;
	v19 =	vimm.s32 $0x5;
	v12 =	vimm.s32 $0x3;
	[tilespmem:s6+$0xFFFFFFD0] =	vst v25;
	v25 =	vld [tilespmem:s7+$0xFFFFFE70]  }
0x327: {  	v10 =	vperm.xlane v3, v36;
	v13 =	vperm.xlane v3, v12;
	v12 =	vimm.s32 $0x0;
	v40 =	vpop (erf);
	v30 =	vld [tilespmem:s7+$0xFFFFFE80]  }
0x328: {  	v27 =	vperm.xlane v3, v15;
	v43 =	vperm.xlane v40, v12;
	v12 =	vimm.s32 $0x1;
	v17 =	vld [tilespmem:s7+$0xFFFFFE90]  }
0x329: {  	v20 =	vimm.s32 $0x6;
	v28 =	vperm.xlane v3, v19;
	v44 =	vperm.xlane v40, v12;
	v12 =	vld [tilespmem:$0x1FFE0]  }
0x32a: {  	v29 =	vperm.xlane v3, v20;
	v34 =	vperm.xlane v8, v36;
	v36 =	vld [tilespmem:s7+$0xFFFFFEA0]  }
0x32b: {  	v7 =	vperm.xlane v3, v42;
	v31 =	vperm.xlane v8, v35;
	v39 =	vld [tilespmem:s7+$0xFFFFFEB0]  }
0x32c: {  	v16 =	vimm.s32 $0x3;
	v32 =	vperm.xlane v8, v42;
	v37 =	vperm.xlane v8, v15;
	v42 =	vld [tilespmem:s7+$0xFFFFFEC0]  }
0x32d: {  	v21 =	vimm.s32 $0x3;
	v38 =	vperm.xlane v8, v19;
	v41 =	vperm.xlane v8, v20;
	v45 =	vld [tilespmem:s7+$0xFFFFFED0]  }
0x32e: {  	v48 =	vperm.xlane v40, v16;
	v49 =	vld [tilespmem:s7+$0xFFFFFEE0];
	v46 =	vsel vm0, v40, v12;
	v12 =	vimm.s32 $0x2  }
0x32f: {  	v50 =	vperm.xlane v40, v19;
	v33 =	vpop (erf);
	v51 =	vld [tilespmem:s7+$0xFFFFFEF0];
	v47 =	vperm.xlane v40, v12;
	[tilespmem:s6+$0xFFFFFFE0] =	vst v46;
	v12 =	vimm.s32 $0x0  }
0x330: {  	v53 =	vperm.xlane v40, v20;
	v54 =	vld [tilespmem:s7+$0xFFFFFF00];
	v55 =	vperm.xlane v33, v12;
	v12 =	vimm.s32 $0x1  }
0x331: {  	v59 =	vperm.xlane v33, v21;
	v57 =	vld [tilespmem:s7+$0xFFFFFF10];
	v56 =	vperm.xlane v33, v12;
	v12 =	vimm.s32 $0x2  }
0x332: {  	v58 =	vperm.xlane v33, v12;
	v12 =	vmul.f32 v0, v7;
	v0 =	vld [tilespmem:$0x1FFE0]  }
0x333: {  	v22 =	vimm.s32 $0x7;
	v61 =	vperm.xlane v33, v15;
	v6 =	vperm.xlane v3, v35;
	v60 =	vld [tilespmem:s7+$0xFFFFFF20]  }
0x334: {  	v62 =	vperm.xlane v33, v19;
	v52 =	vperm.xlane v33, v22;
	v63 =	vld [tilespmem:s7+$0xFFFFFF30]  }
0x335: {  	v35 =	vperm.xlane v8, v16;
	v4 =	vimm.s32 $0x7;
	v5 =	vmul.f32 v5, v6;
	v6 =	vld [tilespmem:s7+$0xFFFFFF40]  }
0x336: {  	v3 =	vperm.xlane v3, v4;
	v16 =	vmul.f32 v2, v13;
	v2 =	vld [tilespmem:s7+$0xFFFFFF60]  }
0x337: {  	v10 =	vmul.f32 v1, v10;
	v13 =	vmul.f32 v14, v27;
	v27 =	vld [tilespmem:s7+$0xFFFFFF70];
	v1 =	vsel vm0, v33, v0  }
0x338: {  	v8 =	vperm.xlane v8, v4;
	v4 =	vimm.s32 $0x7;
	v46 =	vperm.xlane v40, v15;
	v7 =	vld [tilespmem:s7+$0xFFFFFF50];
	[tilespmem:s6+$0xFFFFFFF0] =	vst v1  }
0x339: {  	v40 =	vperm.xlane v40, v4;
	v4 =	vperm.xlane v33, v20;
	v33 =	vld [tilespmem:s7+$0xFFFFFF80]  }
0x33a: {  	v9 =	vmul.f32 v9, v28;
	v22 =	vmul.f32 v25, v3;
	v1 =	vld [tilespmem:s7+$0xFFFFFF90]  }
0x33b: {  	v28 =	vpop (erf);
	v35 =	vmul.f32 v39, v35;
	v39 =	vmul.f32 v51, v8;
	v0 =	vimm.s32 $0x0;
	v8 =	vld [tilespmem:$0x1FFE0]  }
0x33c: {  	v17 =	vmul.f32 v17, v32;
	v3 =	vperm.xlane v28, v0;
	v0 =	vimm.s32 $0x1;
	v32 =	vld [tilespmem:s7+$0xFFFFFFA0]  }
0x33d: {  	v36 =	vmul.f32 v36, v34;
	v34 =	vperm.xlane v28, v0;
	v0 =	vld [tilespmem:s7+$0xFFFFFFB0]  }
0x33e: {  	v14 =	vmul.f32 v26, v29;
	v37 =	vmul.f32 v42, v37;
	v42 =	vld [tilespmem:s7+$0xFFFFFFC0]  }
0x33f: {  	v25 =	vimm.s32 $0x2;
	v23 =	vmul.f32 v30, v31;
	v38 =	vmul.f32 v45, v38;
	v45 =	vld [tilespmem:s7+$0xFFFFFFD0]  }
0x340: {  	v41 =	vmul.f32 v49, v41;
	v30 =	vmul.f32 v54, v43;
	v43 =	vld [tilespmem:s7+$0xFFFFFFE0];
	v8 =	vsel vm0, v28, v8  }
0x341: {  	v49 =	vperm.xlane v28, v25;
	v31 =	vmul.f32 v57, v44;
	v44 =	vld [tilespmem:s7+$0xFFFFFFF0];
	[tilespmem:s6+$0x0] =	vst v8  }
0x342: {  	v51 =	vperm.xlane v28, v21;
	v29 =	vmul.f32 v60, v47;
	v47 =	vld [tilespmem:s7+$0x0]  }
0x343: {  	v63 =	vmul.f32 v63, v48;
	v60 =	vmul.f32 v6, v46;
	v46 =	vld [tilespmem:s7+$0x10]  }
0x344: {  	v26 =	vmul.f32 v7, v50;
	v7 =	vmul.f32 v0, v59;
	v0 =	vld [tilespmem:$0x1FFE0]  }
0x345: {  	v48 =	vperm.xlane v28, v15;
	v25 =	vmul.f32 v2, v53;
	v50 =	vld [tilespmem:s7+$0x20]  }
0x346: {  	v54 =	vperm.xlane v28, v19;
	v57 =	vmul.f32 v27, v40;
	v40 =	vld [tilespmem:s7+$0x30]  }
0x347: {  	v33 =	vmul.f32 v33, v55;
	v27 =	vmul.f32 v1, v56;
	v55 =	vld [tilespmem:s7+$0x40]  }
0x348: {  	v18 =	vimm.s32 $0x7;
	v1 =	vpop (erf);
	v6 =	vmul.f32 v45, v62;
	v2 =	vmul.f32 v44, v52;
	v56 =	vld [tilespmem:s7+$0x50]  }
0x349: {  	v8 =	vmul.f32 v32, v58;
	v58 =	vmul.f32 v42, v61;
	v59 =	vld [tilespmem:s7+$0x60];
	v0 =	vsel vm0, v1, v0  }
0x34a: {  	v42 =	vperm.xlane v28, v20;
	v28 =	vperm.xlane v28, v18;
	v45 =	vld [tilespmem:s7+$0x70];
	[tilespmem:s6+$0x10] =	vst v0  }
0x34b: {  	v32 =	vmul.f32 v47, v3;
	v0 =	vmul.f32 v43, v4;
	v4 =	vld [tilespmem:s7+$0x80]  }
0x34c: {  	v44 =	vimm.s32 $0x0;
	v53 =	vmul.f32 v46, v34;
	v52 =	vmul.f32 v50, v49;
	v3 =	vld [tilespmem:s7+$0x90]  }
0x34d: {  	v62 =	vimm.s32 $0x2;
	[tilespmem:s7+$0x1F0] =	vst v24;
	v51 =	vmul.f32 v40, v51;
	v49 =	vmul.f32 v55, v48;
	v34 =	vld [tilespmem:s7+$0xA0]  }
0x34e: {  	v50 =	vimm.s32 $0x1;
	v48 =	vmul.f32 v59, v42;
	v42 =	vperm.xlane v1, v62;
	v18 =	vld [tilespmem:$0x1FFE0]  }
0x34f: {  	s10 =	simm.s32 $0x19810;
	v43 =	vperm.xlane v1, v44;
	v55 =	vperm.xlane v1, v50  }
0x350: {  	v40 =	vld [tilespmem:s10+$0x70];
	v50 =	vmul.f32 v56, v54;
	v44 =	vmul.f32 v45, v28  }
0x351: {  	v54 =	vperm.xlane v1, v19;
	[tilespmem:s7+$0xFFFFFE00] =	vst v5;
	v5 =	vperm.xlane v1, v15  }
0x352: {  	v24 =	vimm.s32 $0x7;
	v59 =	vpop (erf);
	v28 =	vld [tilespmem:s10+$0xFFFFFC70];
	v45 =	vmul.f32 v4, v43;
	v43 =	vmul.f32 v3, v55  }
0x353: {  	v61 =	vld [tilespmem:s7+$0x1D0];
	v18 =	vsel vm0, v59, v18;
	v3 =	vperm.xlane v1, v21;
	v62 =	vmul.f32 v34, v42  }
0x354: {  	v47 =	vld [tilespmem:s7+$0xC0];
	[tilespmem:s7+$0xFFFFFE10] =	vst v12;
	v55 =	vperm.xlane v1, v20;
	v42 =	vperm.xlane v1, v24;
	v1 =	vimm.s32 $0x0  }
0x355: {  	v4 =	vld [tilespmem:s7+$0xB0];
	[tilespmem:s6+$0x20] =	vst v18;
	v18 =	vperm.xlane v40, v11;
	v1 =	vperm.xlane v59, v1  }
0x356: {  	[tilespmem:s7+$0xFFFFFE20] =	vst v10;
	v40 =	vld [tilespmem:s7+$0x1E0]  }
0x357: {  	v12 =	vadd.f32 v28, v18;
	v18 =	vld [tilespmem:s10+$0x10];
	[tilespmem:$0x1F910] =	vst v1  }
0x358: {  	[tilespmem:s7+$0xFFFFFE30] =	vst v16  }
0x359: {  	[tilespmem:s7+$0xFFFFFE40] =	vst v13  }
0x35a: {  	v46 =	vmul.f32 v4, v3;
	v4 =	vld [tilespmem:$0x1F920]  }
0x35b: {  	v3 =	vmul.f32 v47, v5;
	v5 =	vld [tilespmem:$0x1F930];
	_ =	sdelay $0x4  }
0x35c: {  	v4 =	vmul.f32 v4, v5  }
0x35d: {  	v10 =	vld [tilespmem:s10+$0x20]  }
0x35e: {  	v28 =	vld [tilespmem:s10+$0x30];
	v1 =	vmul.f32 $2.000000030e-01, v12;
	[tilespmem:$0x1FB50] =	vst v4;
	v4 =	vimm.s32 $0x1  }
0x35f: {  	v4 =	vperm.xlane v59, v4  }
0x360: {  	v5 =	vmax.f32 v12, v1;
	v1 =	vimm.s32 $0x2  }
0x361: {  	v1 =	vperm.xlane v59, v1;
	[tilespmem:$0x1F940] =	vst v4  }
0x362: {  	v4 =	vld [tilespmem:s10+$0x0];
	[tilespmem:s7+$0xFFFFFE50] =	vst v9  }
0x363: {  	[tilespmem:$0x1F950] =	vst v1;
	v1 =	vld [tilespmem:$0x1F960]  }
0x364: {  	v9 =	vld [tilespmem:$0x1F970];
	_ =	sdelay $0x2  }
0x365: {  	v12 =	vperm.xlane v59, v21  }
0x366: {  	[tilespmem:s7+$0xFFFFFE60] =	vst v14  }
0x367: {  	v1 =	vmul.f32 v1, v9;
	v9 =	vld [tilespmem:s10+$0x40];
	[tilespmem:$0x1F980] =	vst v12  }
0x368: {  	[tilespmem:s7+$0xFFFFFE70] =	vst v22  }
0x369: {  	v12 =	vmul.f32 $1.442695020e+00, v5;
	v5 =	vld [tilespmem:$0x1F990]  }
0x36a: {  	v14 =	vld [tilespmem:$0x1F9A0];
	_ =	sdelay $0x4  }
0x36b: {  	v5 =	vmul.f32 v5, v14;
	v14 =	vperm.xlane v59, v15;
	_ =	sdelay $0x1  }
0x36c: {  	v13 =	vld [tilespmem:s10+$0xFFFFFC00];
	(erf) = vpow2.f32 v12;
	v12 =	vperm.xlane v59, v19;
	[tilespmem:$0x1F9B0] =	vst v14  }
0x36d: {  	[tilespmem:s7+$0xFFFFFE80] =	vst v23  }
0x36e: {  	v15 =	vperm.xlane v59, v20;
	v14 =	vld [tilespmem:s10+$0x50];
	[tilespmem:$0x1F9C0] =	vst v12  }
0x36f: {  	[tilespmem:s7+$0xFFFFFE90] =	vst v17  }
0x370: {  	v16 =	vperm.xlane v59, v24;
	v12 =	vld [tilespmem:s10+$0x60];
	[tilespmem:$0x1F9D0] =	vst v15  }
0x371: {  	[tilespmem:s7+$0xFFFFFEA0] =	vst v36  }
0x372: {  	v15 =	vld [tilespmem:s10+$0xFFFFFC10];
	[tilespmem:$0x1F9E0] =	vst v16  }
0x373: {  	[tilespmem:s7+$0xFFFFFEB0] =	vst v35  }
0x374: {  	[tilespmem:s7+$0xFFFFFEC0] =	vst v37  }
0x375: {  	[tilespmem:s7+$0xFFFFFED0] =	vst v38  }
0x376: {  	v19 =	vld [tilespmem:$0x1F9F0]  }
0x377: {  	v20 =	vld [tilespmem:$0x1FA00];
	_ =	sdelay $0x3  }
0x378: {  	v4 =	vperm.xlane v4, v11  }
0x379: {  	v17 =	vld [tilespmem:s10+$0xFFFFFC20];
	v19 =	vmul.f32 v19, v20  }
0x37a: {  	v4 =	vadd.f32 v13, v4;
	v13 =	vld [tilespmem:s10+$0xFFFFFC30]  }
0x37b: {  	v10 =	vperm.xlane v10, v11;
	v16 =	vperm.xlane v18, v11;
	v18 =	vld [tilespmem:s10+$0xFFFFFC40];
	[tilespmem:$0x1FB60] =	vst v19  }
0x37c: {  	v21 =	vperm.xlane v28, v11;
	v9 =	vperm.xlane v9, v11;
	[tilespmem:s7+$0xFFFFFEE0] =	vst v41  }
0x37d: {  	v14 =	vperm.xlane v14, v11;
	v12 =	vperm.xlane v12, v11;
	v11 =	vld [tilespmem:$0x1FA10]  }
0x37e: {  	v22 =	vld [tilespmem:$0x1FA20];
	_ =	sdelay $0x3  }
0x37f: {  	v15 =	vadd.f32 v15, v16;
	v16 =	vld [tilespmem:s10+$0xFFFFFC60];
	[tilespmem:s7+$0xFFFFFEF0] =	vst v39  }
0x380: {  	v59 =	vmul.f32 v11, v22;
	v11 =	vld [tilespmem:$0x1FA30];
	_ =	sdelay $0x3  }
0x381: {  	v20 =	vmul.f32 $2.000000030e-01, v4;
	v12 =	vadd.f32 v16, v12;
	v16 =	vld [tilespmem:s7+$0x100];
	[tilespmem:s7+$0xFFFFFF00] =	vst v30  }
0x382: {  	v61 =	vmul.f32 v61, v11;
	v11 =	vld [tilespmem:$0x1FA40]  }
0x383: {  	v4 =	vmax.f32 v4, v20;
	v34 =	vld [tilespmem:$0x1FFE0];
	[tilespmem:s7+$0xFFFFFF10] =	vst v31  }
0x384: {  	v10 =	vadd.f32 v17, v10;
	v19 =	vld [tilespmem:s10+$0xFFFFFC50];
	v4 =	vmul.f32 $1.442695020e+00, v4;
	[tilespmem:s7+$0xFFFFFF20] =	vst v29  }
0x385: {  	v9 =	vadd.f32 v18, v9;
	v18 =	vld [tilespmem:s7+$0xE0];
	[tilespmem:s7+$0xFFFFFF30] =	vst v63  }
0x386: {  	v20 =	vmul.f32 $2.000000030e-01, v10;
	(erf) = vpow2.f32 v4;
	v4 =	vld [tilespmem:s7+$0xF0];
	[tilespmem:s7+$0xFFFFFF40] =	vst v60  }
0x387: {  	v39 =	vmul.f32 v40, v11;
	v11 =	vadd.f32 v13, v21;
	v13 =	vld [tilespmem:s7+$0xD0];
	[tilespmem:$0x1FA50] =	vst v16  }
0x388: {  	v10 =	vmax.f32 v10, v20;
	v20 =	vld [tilespmem:s7+$0x110];
	_ =	sdelay $0x3  }
0x389: {  	[tilespmem:s7+$0xFFFFFF50] =	vst v26;
	v21 =	vmul.f32 $2.000000030e-01, v11  }
0x38a: {  	[tilespmem:$0x1FA60] =	vst v20  }
0x38b: {  	v11 =	vmax.f32 v11, v21;
	v21 =	vld [tilespmem:s7+$0x120]  }
0x38c: {  	v17 =	vmul.f32 $2.000000030e-01, v15;
	_ =	sdelay $0x1  }
0x38d: {  	v15 =	vmax.f32 v15, v17;
	v17 =	vmul.f32 $2.000000030e-01, v9  }
0x38e: {  	v14 =	vadd.f32 v19, v14;
	v19 =	vpop (erf)  }
0x38f: {  	s24 =	simm.s32 $0x1E050;
	v9 =	vmax.f32 v9, v17;
	v17 =	vmul.f32 $2.000000030e-01, v12;
	v20 =	vsel vm0, v19, v34;
	[tilespmem:$0x1FA70] =	vst v21  }
0x390: {  	s20 =	simm.s32 $0x1C190;
	[tilespmem:s24+$0x30] =	vst v20  }
0x391: {  	v12 =	vmax.f32 v12, v17;
	v17 =	vld [tilespmem:s20+$0x180];
	_ =	sdelay $0x2  }
0x392: {  	v16 =	vmul.f32 $2.000000030e-01, v14;
	[tilespmem:s7+$0xFFFFFF60] =	vst v25  }
0x393: {  	[tilespmem:s7+$0xFFFFFF70] =	vst v57  }
0x394: {  	v14 =	vmax.f32 v14, v16;
	v16 =	vld [tilespmem:s20+$0x1F0];
	[tilespmem:$0x1FA80] =	vst v17;
	v17 =	vimm.s32 $0x0  }
0x395: {  	v17 =	vperm.xlane v19, v17  }
0x396: {  	v15 =	vmul.f32 $1.442695020e+00, v15;
	[tilespmem:s7+$0xFFFFFF80] =	vst v33  }
0x397: {  	[tilespmem:$0x1FA90] =	vst v17  }
0x398: {  	(erf) = vpow2.f32 v15;
	v15 =	vld [tilespmem:s20+$0x190];
	_ =	sdelay $0x4  }
0x399: {  	[tilespmem:$0x1FAA0] =	vst v15;
	v15 =	vimm.s32 $0x1  }
0x39a: {  	v15 =	vperm.xlane v19, v15  }
0x39b: {  	v10 =	vmul.f32 $1.442695020e+00, v10;
	[tilespmem:s7+$0xFFFFFF90] =	vst v27  }
0x39c: {  	[tilespmem:$0x1FAB0] =	vst v15  }
0x39d: {  	(erf) = vpow2.f32 v10;
	v10 =	vld [tilespmem:s20+$0x1A0];
	_ =	sdelay $0x4  }
0x39e: {  	[tilespmem:$0x1FAC0] =	vst v10  }
0x39f: {  	v10 =	vld [tilespmem:s20+$0x1B0];
	_ =	sdelay $0x3  }
0x3a0: {  	[tilespmem:s7+$0xFFFFFFA0] =	vst v8  }
0x3a1: {  	[tilespmem:$0x1FAD0] =	vst v10  }
0x3a2: {  	[tilespmem:s7+$0xFFFFFFB0] =	vst v7;
	v7 =	vimm.s32 $0x2  }
0x3a3: {  	v7 =	vperm.xlane v19, v7;
	_ =	sdelay $0x1  }
0x3a4: {  	[tilespmem:$0x1FAE0] =	vst v7  }
0x3a5: {  	v7 =	vld [tilespmem:s20+$0x1C0];
	_ =	sdelay $0x2  }
0x3a6: {  	v11 =	vmul.f32 $1.442695020e+00, v11  }
0x3a7: {  	v9 =	vmul.f32 $1.442695020e+00, v9  }
0x3a8: {  	(erf) = vpow2.f32 v11;
	[tilespmem:$0x1FAF0] =	vst v7  }
0x3a9: {  	v10 =	vpop (erf);
	(erf) = vpow2.f32 v9;
	v9 =	vld [tilespmem:s20+$0x1D0];
	_ =	sdelay $0x4  }
0x3aa: {  	v17 =	vimm.s32 $0x3;
	v7 =	vsel vm0, v10, v34;
	[tilespmem:$0x1FB00] =	vst v9  }
0x3ab: {  	[tilespmem:s24+$0xFFFFFFC0] =	vst v7;
	v7 =	vperm.xlane v19, v17  }
0x3ac: {  	[tilespmem:s7+$0xFFFFFFC0] =	vst v58  }
0x3ad: {  	v20 =	vimm.s32 $0x4;
	[tilespmem:$0x1FB10] =	vst v7  }
0x3ae: {  	[tilespmem:s7+$0xFFFFFFD0] =	vst v6;
	v6 =	vperm.xlane v19, v20  }
0x3af: {  	v21 =	vimm.s32 $0x5  }
0x3b0: {  	v7 =	vld [tilespmem:s20+$0xFFFFFE00];
	[tilespmem:$0x1FB20] =	vst v6;
	v6 =	vperm.xlane v19, v21;
	_ =	sdelay $0x1  }
0x3b1: {  	v23 =	vimm.s32 $0x6;
	[tilespmem:$0x1FB30] =	vst v6  }
0x3b2: {  	[tilespmem:s7+$0xFFFFFFE0] =	vst v0;
	v0 =	vperm.xlane v19, v23;
	_ =	sdelay $0x1  }
0x3b3: {  	v6 =	vld [tilespmem:s20+$0xFFFFFE10];
	[tilespmem:$0x1FB40] =	vst v0  }
0x3b4: {  	[tilespmem:s7+$0xFFFFFFF0] =	vst v2  }
0x3b5: {  	[tilespmem:s7+$0x0] =	vst v32  }
0x3b6: {  	v47 =	vimm.s32 $0x7;
	v15 =	vpop (erf);
	[tilespmem:s7+$0x10] =	vst v53  }
0x3b7: {  	v8 =	vperm.xlane v19, v47;
	v19 =	vsel vm0, v15, v34;
	[tilespmem:s7+$0x20] =	vst v52  }
0x3b8: {  	[tilespmem:s24+$0xFFFFFFD0] =	vst v19  }
0x3b9: {  	v14 =	vmul.f32 $1.442695020e+00, v14;
	[tilespmem:s7+$0x30] =	vst v51  }
0x3ba: {  	v24 =	vimm.s32 $0x0;
	v4 =	vmul.f32 v4, v42;
	v12 =	vmul.f32 $1.442695020e+00, v12;
	[tilespmem:s7+$0x40] =	vst v49  }
0x3bb: {  	v8 =	vmul.f32 v16, v8;
	v16 =	vimm.s32 $0x2;
	(erf) = vpow2.f32 v14;
	v9 =	vld [tilespmem:s20+$0xFFFFFE20];
	[tilespmem:s7+$0x50] =	vst v50  }
0x3bc: {  	v25 =	vimm.s32 $0x1;
	v16 =	vperm.xlane v10, v16;
	(erf) = vpow2.f32 v12;
	v11 =	vld [tilespmem:s20+$0xFFFFFE30];
	[tilespmem:s7+$0x60] =	vst v48  }
0x3bd: {  	v27 =	vimm.s32 $0x2;
	v24 =	vperm.xlane v15, v24;
	v25 =	vperm.xlane v15, v25;
	v14 =	vld [tilespmem:s20+$0xFFFFFE40];
	[tilespmem:s7+$0x70] =	vst v44  }
0x3be: {  	v0 =	vmul.f32 v13, v54;
	v13 =	vimm.s32 $0x1;
	v2 =	vmul.f32 v18, v55;
	v18 =	vld [tilespmem:s20+$0xFFFFFE50];
	[tilespmem:s7+$0x80] =	vst v45  }
0x3bf: {  	v38 =	vimm.s32 $0x6;
	v27 =	vperm.xlane v15, v27;
	v13 =	vperm.xlane v10, v13;
	v22 =	vld [tilespmem:s20+$0xFFFFFE60];
	[tilespmem:s7+$0x90] =	vst v43  }
0x3c0: {  	v12 =	vimm.s32 $0x0;
	v20 =	vperm.xlane v10, v20;
	v19 =	vperm.xlane v10, v23;
	v23 =	vld [tilespmem:s20+$0xFFFFFE70];
	[tilespmem:s7+$0xA0] =	vst v62  }
0x3c1: {  	v41 =	vimm.s32 $0x5;
	v12 =	vperm.xlane v10, v12;
	[tilespmem:s7+$0xB0] =	vst v46;
	v6 =	vmul.f32 v6, v13;
	v13 =	vld [tilespmem:s20+$0xFFFFFEA0]  }
0x3c2: {  	v40 =	vimm.s32 $0x4;
	v17 =	vperm.xlane v10, v17;
	[tilespmem:s20+$0x1F0] =	vst v8;
	v20 =	vmul.f32 v14, v20;
	v14 =	vld [tilespmem:s20+$0xFFFFFED0]  }
0x3c3: {  	v42 =	vimm.s32 $0x3;
	v29 =	vperm.xlane v15, v40;
	v30 =	vperm.xlane v15, v41;
	v48 =	vpop (erf);
	v26 =	vld [tilespmem:s20+$0xFFFFFE80];
	[tilespmem:s7+$0xD0] =	vst v0  }
0x3c4: {  	v28 =	vmul.f32 v7, v12;
	v7 =	vld [tilespmem:s20+$0xFFFFFE90];
	v8 =	vpop (erf);
	[tilespmem:s7+$0xE0] =	vst v2;
	v31 =	vmul.f32 v11, v17;
	v17 =	vsel vm0, v48, v34  }
0x3c5: {  	v21 =	vperm.xlane v10, v21;
	v0 =	vsel vm0, v8, v34;
	v43 =	vpop (erf);
	v9 =	vmul.f32 v9, v16;
	v16 =	vld [tilespmem:s20+$0xFFFFFEB0];
	[tilespmem:s24+$0xFFFFFFE0] =	vst v17  }
0x3c6: {  	v12 =	vperm.xlane v15, v42;
	[tilespmem:s24+$0xFFFFFFF0] =	vst v0;
	v0 =	vsel vm0, v43, v34;
	v33 =	vpop (erf);
	v27 =	vmul.f32 v13, v27;
	v13 =	vld [tilespmem:s20+$0xFFFFFF30]  }
0x3c7: {  	v10 =	vperm.xlane v10, v47;
	[tilespmem:s24+$0x0] =	vst v0;
	v0 =	vsel vm0, v33, v34;
	v44 =	vpop (erf);
	v30 =	vmul.f32 v14, v30;
	v14 =	vld [tilespmem:s20+$0xFFFFFF50]  }
0x3c8: {  	v2 =	vperm.xlane v48, v38;
	v11 =	vld [tilespmem:s20+$0xFFFFFEC0];
	v19 =	vmul.f32 v22, v19;
	[tilespmem:s24+$0x10] =	vst v0;
	v0 =	vsel vm0, v44, v34  }
0x3c9: {  	v22 =	vld [tilespmem:s20+$0xFFFFFEF0];
	v25 =	vmul.f32 v7, v25;
	[tilespmem:s24+$0x20] =	vst v0;
	v0 =	vperm.xlane v48, v41  }
0x3ca: {  	[tilespmem:s7+$0xC0] =	vst v3;
	v7 =	vld [tilespmem:s20+$0xFFFFFF20];
	v45 =	vmul.f32 v16, v12;
	v12 =	vperm.xlane v48, v42  }
0x3cb: {  	[tilespmem:s7+$0xF0] =	vst v4;
	v18 =	vmul.f32 v18, v21;
	v24 =	vmul.f32 v26, v24;
	v50 =	vld [tilespmem:s20+$0xFFFFFF00]  }
0x3cc: {  	v26 =	vimm.s32 $0x2;
	v12 =	vmul.f32 v13, v12;
	v13 =	vmul.f32 v14, v0;
	v0 =	vld [tilespmem:$0x1FB50]  }
0x3cd: {  	v21 =	vperm.xlane v15, v38;
	v26 =	vperm.xlane v48, v26;
	v51 =	vld [tilespmem:s20+$0xFFFFFF10]  }
0x3ce: {  	v15 =	vperm.xlane v15, v47;
	v10 =	vmul.f32 v23, v10;
	v52 =	vld [tilespmem:s20+$0xFFFFFF40]  }
0x3cf: {  	v23 =	vimm.s32 $0x1;
	v17 =	vimm.s32 $0x0;
	v16 =	vmul.f32 v7, v26;
	v26 =	vld [tilespmem:s20+$0xFFFFFF80]  }
0x3d0: {  	v23 =	vperm.xlane v48, v23;
	v17 =	vperm.xlane v48, v17  }
0x3d1: {  	v29 =	vmul.f32 v11, v29;
	v22 =	vmul.f32 v22, v15;
	v15 =	vld [tilespmem:s20+$0xFFFFFF60];
	[tilespmem:s7+$0x180] =	vst v0;
	v0 =	vimm.s32 $0x0  }
0x3d2: {  	v53 =	vld [tilespmem:s20+$0xFFFFFF90];
	v7 =	vperm.xlane v48, v40;
	[tilespmem:s7+$0x190] =	vst v1;
	v0 =	vperm.xlane v8, v0  }
0x3d3: {  	v46 =	vmul.f32 v50, v17;
	v11 =	vmul.f32 v51, v23;
	v23 =	vld [tilespmem:s20+$0xFFFFFF70];
	[tilespmem:s7+$0x1A0] =	vst v5  }
0x3d4: {  	v17 =	vmul.f32 v52, v7;
	v7 =	vmul.f32 v26, v0;
	v0 =	vld [tilespmem:$0x1FB60]  }
0x3d5: {  	v54 =	vld [tilespmem:s20+$0xFFFFFFA0]  }
0x3d6: {  	v36 =	vimm.s32 $0x1;
	v4 =	vperm.xlane v48, v47;
	v14 =	vmul.f32 v15, v2;
	v2 =	vld [tilespmem:s20+$0xFFFFFFB0]  }
0x3d7: {  	v62 =	vperm.xlane v8, v47;
	v3 =	vld [tilespmem:s20+$0xFFFFFFC0];
	v1 =	vperm.xlane v8, v36;
	v5 =	vimm.s32 $0x2  }
0x3d8: {  	v15 =	vld [tilespmem:s20+$0xFFFFFFD0];
	v5 =	vperm.xlane v8, v5;
	v4 =	vmul.f32 v23, v4  }
0x3d9: {  	v23 =	vperm.xlane v8, v42;
	[tilespmem:s7+$0x1B0] =	vst v0;
	v0 =	vmul.f32 v53, v1;
	v1 =	vld [tilespmem:s20+$0xFFFFFFE0]  }
0x3da: {  	v60 =	vmul.f32 v54, v5;
	v26 =	vperm.xlane v8, v40  }
0x3db: {  	v63 =	vld [tilespmem:s20+$0x10];
	v5 =	vperm.xlane v8, v41;
	[tilespmem:s7+$0x1C0] =	vst v59;
	v59 =	vmul.f32 v2, v23  }
0x3dc: {  	v23 =	vperm.xlane v8, v38;
	v8 =	vmul.f32 v3, v26;
	v3 =	vimm.s32 $0x0  }
0x3dd: {  	v49 =	vld [tilespmem:s20+$0xFFFFFEE0];
	v26 =	vperm.xlane v43, v3;
	v3 =	vmul.f32 v15, v5  }
0x3de: {  	v55 =	vld [tilespmem:s20+$0xFFFFFFF0];
	[tilespmem:s7+$0x1D0] =	vst v61;
	v5 =	vmul.f32 v1, v23;
	v1 =	vperm.xlane v43, v36  }
0x3df: {  	v2 =	vld [tilespmem:s20+$0x0];
	[tilespmem:s20+$0xFFFFFE10] =	vst v6;
	v6 =	vimm.s32 $0x2  }
0x3e0: {  	[tilespmem:s7+$0x1E0] =	vst v39;
	v23 =	vperm.xlane v43, v6;
	v6 =	vmul.f32 v63, v1;
	v1 =	vld [tilespmem:s7+$0x140]  }
0x3e1: {  	v48 =	vld [tilespmem:s7+$0x130];
	[tilespmem:s20+$0xFFFFFE00] =	vst v28  }
0x3e2: {  	v52 =	vld [tilespmem:s20+$0x30];
	[tilespmem:s20+$0xFFFFFE20] =	vst v9  }
0x3e3: {  	v28 =	vld [tilespmem:s20+$0x20];
	[tilespmem:s20+$0xFFFFFE30] =	vst v31  }
0x3e4: {  	[tilespmem:s20+$0xFFFFFE40] =	vst v20;
	v53 =	vld [tilespmem:s20+$0x40]  }
0x3e5: {  	v15 =	vmul.f32 v2, v26;
	v2 =	vld [tilespmem:s20+$0x50];
	[tilespmem:$0x1FB70] =	vst v1  }
0x3e6: {  	[tilespmem:s20+$0xFFFFFE50] =	vst v18  }
0x3e7: {  	v58 =	vperm.xlane v43, v38;
	v56 =	vperm.xlane v43, v47;
	[tilespmem:s20+$0xFFFFFE60] =	vst v19  }
0x3e8: {  	v9 =	vmul.f32 v55, v62;
	v31 =	vperm.xlane v43, v42;
	[tilespmem:s20+$0xFFFFFE70] =	vst v10  }
0x3e9: {  	v63 =	vmul.f32 v28, v23;
	v28 =	vld [tilespmem:s7+$0x150];
	v18 =	vperm.xlane v43, v41;
	[tilespmem:s20+$0xFFFFFE80] =	vst v24  }
0x3ea: {  	v61 =	vmul.f32 v52, v31;
	v1 =	vperm.xlane v43, v40;
	v31 =	vld [tilespmem:s7+$0x160];
	[tilespmem:s20+$0xFFFFFE90] =	vst v25  }
0x3eb: {  	v43 =	vld [tilespmem:s7+$0x170];
	[tilespmem:s20+$0xFFFFFEA0] =	vst v27;
	v62 =	vmul.f32 v2, v18;
	v2 =	vperm.xlane v33, v41  }
0x3ec: {  	v37 =	vld [tilespmem:s20+$0x1E0];
	[tilespmem:s20+$0xFFFFFEB0] =	vst v45  }
0x3ed: {  	v10 =	vmul.f32 v53, v1;
	v1 =	vld [tilespmem:s20+$0x60];
	v18 =	vperm.xlane v33, v38;
	[tilespmem:$0x1FB80] =	vst v2  }
0x3ee: {  	v23 =	vimm.s32 $0x7;
	[tilespmem:s20+$0xFFFFFEC0] =	vst v29  }
0x3ef: {  	v2 =	vld [tilespmem:s20+$0x70];
	[tilespmem:$0x1FB90] =	vst v18;
	v18 =	vperm.xlane v33, v23  }
0x3f0: {  	v35 =	vimm.s32 $0x0;
	v47 =	vperm.xlane v44, v41;
	v32 =	vperm.xlane v44, v38  }
0x3f1: {  	v21 =	vmul.f32 v49, v21;
	v51 =	vperm.xlane v44, v35;
	v39 =	vimm.s32 $0x1;
	[tilespmem:$0x1FBA0] =	vst v18  }
0x3f2: {  	v55 =	vperm.xlane v33, v35;
	v57 =	vperm.xlane v33, v39;
	v18 =	vld [tilespmem:s20+$0x80]  }
0x3f3: {  	v50 =	vperm.xlane v44, v39;
	v52 =	vperm.xlane v33, v40;
	v36 =	vimm.s32 $0x2;
	[tilespmem:s20+$0xFFFFFED0] =	vst v30;
	v19 =	vld [tilespmem:s20+$0x90]  }
0x3f4: {  	v26 =	vperm.xlane v44, v42;
	v54 =	vperm.xlane v33, v36;
	[tilespmem:s20+$0xFFFFFEE0] =	vst v21;
	v20 =	vld [tilespmem:s20+$0xA0]  }
0x3f5: {  	s22 =	simm.s32 $0x18AD0;
	v49 =	vperm.xlane v44, v36;
	v53 =	vperm.xlane v33, v42;
	[tilespmem:s20+$0xFFFFFEF0] =	vst v22;
	v21 =	vld [tilespmem:s20+$0xB0]  }
0x3f6: {  	s26 =	simm.s32 $0x1C190;
	s6 =	simm.s32 $0x19890;
	s10 =	simm.s32 $0x8;
	v29 =	vperm.xlane v44, v23;
	v30 =	vperm.xlane v44, v40;
	[tilespmem:s20+$0xFFFFFF00] =	vst v46;
	v22 =	vld [tilespmem:s20+$0xC0]  }
.LBB2_9:
0x3f7: {  	v23 =	vld [tilespmem:s6+$0x70]  }
0x3f8: {  	[tilespmem:s20+$0xFFFFFF10] =	vst v11;
	v11 =	vld [tilespmem:$0x1F910]  }
0x3f9: {  	[tilespmem:s20+$0xFFFFFF30] =	vst v12;
	v12 =	vld [tilespmem:$0x1FA50]  }
0x3fa: {  	v25 =	vld [tilespmem:s6+$0x10]  }
0x3fb: {  	v24 =	vld [tilespmem:$0x1FFF0]  }
0x3fc: {  	[tilespmem:s20+$0xFFFFFF20] =	vst v16;
	v33 =	vmul.f32 v1, v58;
	v1 =	vmul.f32 v18, v55;
	v18 =	vld [tilespmem:s6+$0xFFFFFC70]  }
0x3fd: {  	v57 =	vmul.f32 v19, v57;
	v19 =	vld [tilespmem:s6+$0x20]  }
0x3fe: {  	v16 =	vmul.f32 v20, v54;
	v20 =	vld [tilespmem:$0x1FA60];
	v11 =	vmul.f32 v12, v11;
	v12 =	vmov v51  }
0x3ff: {  	[tilespmem:$0x1F910] =	vst v12;
	v12 =	vld [tilespmem:$0x1F940]  }
0x400: {  	[tilespmem:s20+$0xFFFFFF50] =	vst v13;
	v13 =	vld [tilespmem:$0x1F950]  }
0x401: {  	[tilespmem:s20+$0xFFFFFF40] =	vst v17;
	v17 =	vmul.f32 v21, v53;
	v21 =	vld [tilespmem:$0x1FA70]  }
0x402: {  	[tilespmem:s20+$0xFFFFFF60] =	vst v14;
	v14 =	vld [tilespmem:$0x1F980]  }
0x403: {  	v58 =	vmul.f32 v22, v52;
	[tilespmem:s20+$0xFFFFFF70] =	vst v4;
	v4 =	vld [tilespmem:$0x1F9B0];
	v22 =	vperm.xlane v23, v24  }
0x404: {  	v23 =	vmov v26;
	v26 =	vld [tilespmem:$0x1FB70];
	v12 =	vmul.f32 v20, v12;
	v20 =	vmov v50  }
0x405: {  	v18 =	vadd.f32 v18, v22;
	v22 =	vld [tilespmem:$0x1F9D0];
	[tilespmem:$0x1F940] =	vst v20  }
0x406: {  	v20 =	vld [tilespmem:s6+$0x30];
	[tilespmem:s20+$0xFFFFFF80] =	vst v7  }
0x407: {  	v27 =	vmov v47;
	v7 =	vld [tilespmem:$0x1F9C0];
	[tilespmem:s20+$0xFFFFFF90] =	vst v0  }
0x408: {  	v0 =	vld [tilespmem:$0x1F9E0];
	[tilespmem:$0x1F9C0] =	vst v27;
	v27 =	vmul.f32 $2.000000030e-01, v18  }
0x409: {  	[tilespmem:s20+$0xFFFFFFC0] =	vst v8;
	v8 =	vld [tilespmem:$0x1FAB0]  }
0x40a: {  	v18 =	vmax.f32 v18, v27;
	v27 =	vld [tilespmem:$0x1FAA0]  }
0x40b: {  	[tilespmem:$0x1F980] =	vst v23;
	v23 =	vperm.xlane v25, v24;
	v25 =	vld [tilespmem:s6+$0x50];
	v4 =	vmul.f32 v26, v4  }
0x40c: {  	v26 =	vmov v30;
	v30 =	vmul.f32 v31, v22;
	v22 =	vld [tilespmem:s6+$0x0];
	v18 =	vmul.f32 $1.442695020e+00, v18  }
0x40d: {  	[tilespmem:s20+$0xFFFFFFA0] =	vst v60;
	v31 =	vld [tilespmem:$0x1FA80]  }
0x40e: {  	v14 =	vmul.f32 v48, v14;
	[tilespmem:s20+$0xFFFFFFB0] =	vst v59;
	(erf) = vpow2.f32 v18;
	v18 =	vld [tilespmem:$0x1FB10]  }
0x40f: {  	v48 =	vmul.f32 v43, v0;
	v0 =	vmov v32;
	v32 =	vmul.f32 v27, v8;
	v8 =	vld [tilespmem:s6+$0xFFFFFC30]  }
0x410: {  	[tilespmem:s20+$0xFFFFFFF0] =	vst v9;
	v9 =	vld [tilespmem:$0x1FAD0]  }
0x411: {  	v13 =	vmul.f32 v21, v13;
	v21 =	vmovc v49;
	v7 =	vmul.f32 v28, v7;
	v28 =	vmov v29;
	v29 =	vld [tilespmem:$0x1FA90]  }
0x412: {  	[tilespmem:$0x1F950] =	vst v21;
	v21 =	vld [tilespmem:s6+$0x40]  }
0x413: {  	[tilespmem:s20+$0xFFFFFFD0] =	vst v3;
	v3 =	vperm.xlane v22, v24;
	v22 =	vld [tilespmem:s6+$0xFFFFFC40]  }
0x414: {  	[tilespmem:s20+$0x0] =	vst v15;
	v15 =	vld [tilespmem:$0x1FAF0]  }
0x415: {  	v50 =	vmul.f32 v9, v18;
	v18 =	vld [tilespmem:$0x1FB20]  }
0x416: {  	v45 =	vmul.f32 v31, v29;
	v29 =	vld [tilespmem:s6+$0xFFFFFC20]  }
0x417: {  	[tilespmem:$0x1F9B0] =	vst v26;
	v26 =	vld [tilespmem:s6+$0x60]  }
0x418: {  	[tilespmem:$0x1F9D0] =	vst v0;
	v0 =	vld [tilespmem:s6+$0xFFFFFC00]  }
0x419: {  	v19 =	vperm.xlane v19, v24;
	[tilespmem:$0x1F9E0] =	vst v28;
	v28 =	vld [tilespmem:s6+$0xFFFFFC10]  }
0x41a: {  	v51 =	vmul.f32 v15, v18;
	v18 =	vld [tilespmem:$0x1FB00]  }
0x41b: {  	v15 =	vadd.f32 v29, v19;
	v19 =	vld [tilespmem:$0x1FB30];
	_ =	sdelay $0x1  }
0x41c: {  	v25 =	vperm.xlane v25, v24  }
0x41d: {  	v21 =	vperm.xlane v21, v24;
	[tilespmem:s20+$0xFFFFFFE0] =	vst v5;
	v5 =	vld [tilespmem:$0x1FAC0];
	v0 =	vadd.f32 v0, v3;
	v3 =	vadd.f32 v28, v23  }
0x41e: {  	v26 =	vperm.xlane v26, v24;
	v20 =	vperm.xlane v20, v24;
	v24 =	vld [tilespmem:$0x1FAE0]  }
0x41f: {  	v52 =	vmul.f32 v18, v19;
	v19 =	vmul.f32 $2.000000030e-01, v3  }
0x420: {  	v2 =	vmul.f32 v2, v56;
	v18 =	vld [tilespmem:$0x1FB40]  }
0x421: {  	[tilespmem:s20+$0x10] =	vst v6;
	v3 =	vmax.f32 v3, v19;
	v19 =	vld [tilespmem:s20+$0x110]  }
0x422: {  	[tilespmem:s20+$0x70] =	vst v2;
	v2 =	vld [tilespmem:s20+$0x130]  }
0x423: {  	[tilespmem:s20+$0x20] =	vst v63;
	v24 =	vmul.f32 v5, v24;
	v5 =	vld [tilespmem:s6+$0xFFFFFC50]  }
0x424: {  	[tilespmem:s20+$0x30] =	vst v61;
	v9 =	vld [tilespmem:s6+$0xFFFFFC60]  }
0x425: {  	[tilespmem:s20+$0x80] =	vst v1;
	v1 =	vld [tilespmem:s20+$0x140];
	v54 =	vmul.f32 v37, v18;
	v18 =	vmul.f32 $2.000000030e-01, v0  }
0x426: {  	v8 =	vadd.f32 v8, v20;
	v23 =	vmul.f32 $2.000000030e-01, v15;
	[tilespmem:$0x1FA60] =	vst v19;
	v19 =	vld [tilespmem:s20+$0x120]  }
0x427: {  	[tilespmem:s20+$0x40] =	vst v10;
	v0 =	vmax.f32 v0, v18  }
0x428: {  	[tilespmem:s20+$0x50] =	vst v62;
	v23 =	vmax.f32 v15, v23;
	v18 =	vmul.f32 $2.000000030e-01, v8;
	v0 =	vmul.f32 $1.442695020e+00, v0  }
0x429: {  	[tilespmem:$0x1F8C0] =	vst v2;
	v9 =	vadd.f32 v9, v26;
	v15 =	vpop (erf);
	v2 =	vmul.f32 $1.442695020e+00, v3;
	v3 =	vmul.f32 $1.442695020e+00, v23  }
0x42a: {  	v6 =	vld [tilespmem:s20+$0xD0];
	[tilespmem:$0x1FB70] =	vst v1;
	v8 =	vmax.f32 v8, v18;
	(erf) = vpow2.f32 v0;
	v0 =	vperm.xlane v15, v35  }
0x42b: {  	v10 =	vld [tilespmem:s20+$0x100];
	v5 =	vadd.f32 v5, v25;
	v1 =	vmul.f32 $1.442695020e+00, v8;
	(erf) = vpow2.f32 v2;
	[tilespmem:$0x1FA70] =	vst v19  }
0x42c: {  	v19 =	vmul.f32 $2.000000030e-01, v9;
	[tilespmem:$0x1FA90] =	vst v0;
	v0 =	vld [tilespmem:s26+$0x170];
	(erf) = vpow2.f32 v3  }
0x42d: {  	[tilespmem:s20+$0x60] =	vst v33;
	v20 =	vld [tilespmem:s20+$0xE0];
	v21 =	vadd.f32 v22, v21;
	v18 =	vmul.f32 $2.000000030e-01, v5;
	(erf) = vpow2.f32 v1  }
0x42e: {  	s24 =	sadd.s32 $0x80, s24;
	v22 =	vld [tilespmem:s20+$0xF0];
	[tilespmem:s20+$0x90] =	vst v57;
	v1 =	vperm.xlane v15, v36;
	v8 =	vmax.f32 v9, v19;
	v9 =	vsel vm0, v15, v34  }
0x42f: {  	v5 =	vmax.f32 v5, v18;
	v18 =	vld [tilespmem:s20+$0x150];
	s20 =	sadd.s32 $0x400, s20;
	[tilespmem:s24+$0x30] =	vst v9  }
0x430: {  	[tilespmem:$0x1FAE0] =	vst v1;
	v1 =	vld [tilespmem:s20+$0x1A0]  }
0x431: {  	[tilespmem:$0x1F8B0] =	vst v0;
	v0 =	vld [tilespmem:s20+$0x180];
	_ =	sdelay $0x2  }
0x432: {  	v9 =	vld [tilespmem:s26+$0x160]  }
0x433: {  	[tilespmem:$0x1FAC0] =	vst v1;
	v1 =	vld [tilespmem:s20+$0x1B0]  }
0x434: {  	[tilespmem:$0x1FA80] =	vst v0;
	v0 =	vperm.xlane v15, v39;
	_ =	sdelay $0x1  }
0x435: {  	[tilespmem:$0x1FAB0] =	vst v0;
	v0 =	vld [tilespmem:s20+$0x190]  }
0x436: {  	v26 =	vimm.s32 $0x3;
	[tilespmem:$0x1F890] =	vst v9  }
0x437: {  	v9 =	vld [tilespmem:s20+$0x1F0];
	[tilespmem:$0x1FAD0] =	vst v1;
	v1 =	vperm.xlane v15, v26;
	_ =	sdelay $0x1  }
0x438: {  	v3 =	vimm.s32 $0x7;
	[tilespmem:$0x1FB10] =	vst v1  }
0x439: {  	v1 =	vld [tilespmem:s20+$0x1C0];
	[tilespmem:$0x1FAA0] =	vst v0;
	v0 =	vperm.xlane v15, v3;
	_ =	sdelay $0x1  }
0x43a: {  	v0 =	vmul.f32 v9, v0  }
0x43b: {  	[tilespmem:s7+$0x110] =	vst v12;
	v12 =	vimm.s32 $0x6  }
0x43c: {  	[tilespmem:s20+$0x1F0] =	vst v0;
	v0 =	vperm.xlane v15, v12  }
0x43d: {  	v31 =	vimm.s32 $0x4;
	[tilespmem:$0x1FAF0] =	vst v1  }
0x43e: {  	v1 =	vperm.xlane v15, v31;
	[tilespmem:$0x1FB40] =	vst v0;
	v0 =	vld [tilespmem:s20+$0x1E0]  }
0x43f: {  	v37 =	vimm.s32 $0x5  }
0x440: {  	[tilespmem:$0x1FB20] =	vst v1;
	v1 =	vperm.xlane v15, v37;
	_ =	sdelay $0x1  }
0x441: {  	[tilespmem:$0x1FB30] =	vst v1;
	v1 =	vld [tilespmem:s20+$0x1D0]  }
0x442: {  	[tilespmem:$0x1F8A0] =	vst v0;
	v0 =	vld [tilespmem:$0x1FB80]  }
0x443: {  	[tilespmem:$0x1FA50] =	vst v10  }
0x444: {  	[tilespmem:s26+$0xA0] =	vst v16;
	v10 =	vmul.f32 $2.000000030e-01, v21  }
0x445: {  	[tilespmem:s26+$0xB0] =	vst v17  }
0x446: {  	[tilespmem:s26+$0xC0] =	vst v58;
	v10 =	vmax.f32 v21, v10  }
0x447: {  	v10 =	vmul.f32 $1.442695020e+00, v10;
	[tilespmem:$0x1FB00] =	vst v1;
	v1 =	vmul.f32 v6, v0;
	v0 =	vld [tilespmem:$0x1FB90]  }
0x448: {  	[tilespmem:s7+$0x100] =	vst v11  }
0x449: {  	[tilespmem:s7+$0x120] =	vst v13;
	v5 =	vmul.f32 $1.442695020e+00, v5;
	(erf) = vpow2.f32 v10  }
0x44a: {  	[tilespmem:s7+$0x130] =	vst v14  }
0x44b: {  	(erf) = vpow2.f32 v5;
	[tilespmem:s7+$0x140] =	vst v4  }
0x44c: {  	[tilespmem:$0x1F8D0] =	vst v18;
	v2 =	vpop (erf);
	v18 =	vmul.f32 v20, v0;
	v0 =	vld [tilespmem:$0x1FBA0]  }
0x44d: {  	v8 =	vmul.f32 $1.442695020e+00, v8;
	[tilespmem:s7+$0x150] =	vst v7;
	v4 =	vsel vm0, v2, v34  }
0x44e: {  	v17 =	vpop (erf);
	[tilespmem:s24+$0xFFFFFFC0] =	vst v4  }
0x44f: {  	(erf) = vpow2.f32 v8;
	[tilespmem:s26+$0xD0] =	vst v1;
	v1 =	vsel vm0, v17, v34;
	v20 =	vpop (erf)  }
0x450: {  	[tilespmem:s24+$0xFFFFFFD0] =	vst v1;
	v1 =	vsel vm0, v20, v34;
	v27 =	vpop (erf)  }
0x451: {  	[tilespmem:s24+$0xFFFFFFE0] =	vst v1;
	v1 =	vsel vm0, v27, v34;
	v19 =	vmul.f32 v22, v0;
	v0 =	vperm.xlane v2, v35  }
0x452: {  	v41 =	vpop (erf);
	[tilespmem:s24+$0xFFFFFFF0] =	vst v1  }
0x453: {  	v1 =	vsel vm0, v41, v34;
	[tilespmem:$0x1F790] =	vst v0;
	v0 =	vperm.xlane v2, v39  }
0x454: {  	v47 =	vpop (erf);
	[tilespmem:s24+$0x0] =	vst v1  }
0x455: {  	v28 =	vld [tilespmem:s20+$0xFFFFFEF0];
	v1 =	vsel vm0, v47, v34;
	[tilespmem:$0x1F7A0] =	vst v0;
	v0 =	vperm.xlane v2, v36  }
0x456: {  	v10 =	vperm.xlane v41, v26;
	[tilespmem:s24+$0x10] =	vst v1  }
0x457: {  	[tilespmem:$0x1F7B0] =	vst v0;
	v0 =	vperm.xlane v2, v26  }
0x458: {  	v11 =	vperm.xlane v17, v3;
	v44 =	vpop (erf);
	[tilespmem:$0x1F8E0] =	vst v10  }
0x459: {  	v21 =	vsel vm0, v44, v34;
	[tilespmem:$0x1F7C0] =	vst v0;
	v0 =	vperm.xlane v2, v31  }
0x45a: {  	v28 =	vmul.f32 v28, v11;
	[tilespmem:s24+$0x20] =	vst v21  }
0x45b: {  	[tilespmem:$0x1F7D0] =	vst v0;
	v0 =	vperm.xlane v2, v37  }
0x45c: {  	[tilespmem:s20+$0xFFFFFEF0] =	vst v28  }
0x45d: {  	[tilespmem:$0x1F7E0] =	vst v0;
	v0 =	vperm.xlane v2, v12  }
0x45e: {  	v14 =	vld [tilespmem:s20+$0xFFFFFE00];
	[tilespmem:s26+$0xF0] =	vst v19  }
0x45f: {  	v5 =	vld [tilespmem:s20+$0xFFFFFE10];
	[tilespmem:$0x1F7F0] =	vst v0;
	v0 =	vperm.xlane v2, v3  }
0x460: {  	v4 =	vld [tilespmem:s20+$0xFFFFFE20];
	[tilespmem:s7+$0x160] =	vst v30  }
0x461: {  	v38 =	vld [tilespmem:s20+$0xFFFFFE50];
	[tilespmem:$0x1F800] =	vst v0;
	v0 =	vperm.xlane v17, v35  }
0x462: {  	v40 =	vld [tilespmem:s20+$0xFFFFFE70];
	v10 =	vperm.xlane v41, v31;
	[tilespmem:s7+$0x170] =	vst v48  }
0x463: {  	v6 =	vld [tilespmem:s20+$0xFFFFFE30];
	[tilespmem:$0x1F810] =	vst v0;
	v0 =	vperm.xlane v17, v39  }
0x464: {  	v16 =	vperm.xlane v17, v12;
	v42 =	vld [tilespmem:s20+$0xFFFFFE80];
	[tilespmem:$0x1F8F0] =	vst v10  }
0x465: {  	v49 =	vimm.s32 $0x1;
	v15 =	vperm.xlane v17, v31;
	v43 =	vld [tilespmem:s20+$0xFFFFFE90];
	s7 =	smov.u32 s26;
	[tilespmem:$0x1F820] =	vst v0;
	v0 =	vperm.xlane v17, v36  }
0x466: {  	v46 =	vld [tilespmem:s20+$0xFFFFFEC0];
	v59 =	vperm.xlane v20, v49;
	v60 =	vperm.xlane v20, v36;
	[tilespmem:s7+$0x180] =	vst v45  }
0x467: {  	v7 =	vperm.xlane v20, v26;
	v29 =	vld [tilespmem:s20+$0xFFFFFF00];
	[tilespmem:$0x1F830] =	vst v0;
	v0 =	vperm.xlane v17, v26  }
0x468: {  	v13 =	vperm.xlane v20, v31;
	v33 =	vld [tilespmem:s20+$0xFFFFFF40];
	v10 =	vperm.xlane v41, v37;
	[tilespmem:s7+$0x1A0] =	vst v24  }
0x469: {  	v63 =	vperm.xlane v41, v35;
	v34 =	vld [tilespmem:s20+$0xFFFFFF50];
	[tilespmem:$0x1F840] =	vst v0;
	v0 =	vperm.xlane v17, v37  }
0x46a: {  	v61 =	vperm.xlane v41, v49;
	v28 =	vld [tilespmem:$0x1F8D0];
	v24 =	vperm.xlane v47, v37;
	[tilespmem:$0x1F900] =	vst v10  }
0x46b: {  	v62 =	vperm.xlane v41, v36;
	v48 =	vld [tilespmem:s20+$0xFFFFFED0];
	[tilespmem:$0x1F850] =	vst v0;
	v0 =	vperm.xlane v20, v37  }
0x46c: {  	v58 =	vperm.xlane v41, v12;
	v30 =	vld [tilespmem:s20+$0xFFFFFF10];
	[tilespmem:$0x1FB80] =	vst v24;
	v24 =	vperm.xlane v47, v12  }
0x46d: {  	v56 =	vperm.xlane v41, v3;
	v41 =	vld [tilespmem:s20+$0xFFFFFF20];
	[tilespmem:$0x1F860] =	vst v0;
	v0 =	vperm.xlane v20, v12  }
0x46e: {  	v19 =	vperm.xlane v27, v3;
	v45 =	vld [tilespmem:s20+$0xFFFFFEB0];
	v10 =	vperm.xlane v44, v3;
	[tilespmem:$0x1FB90] =	vst v24  }
0x46f: {  	v24 =	vperm.xlane v47, v3;
	[tilespmem:$0x1F870] =	vst v0;
	v0 =	vperm.xlane v20, v3;
	v3 =	vld [tilespmem:$0x1F790]  }
0x470: {  	v23 =	vperm.xlane v27, v26;
	v8 =	vperm.xlane v27, v31;
	[tilespmem:s7+$0x190] =	vst v32;
	v32 =	vld [tilespmem:s20+$0xFFFFFF30]  }
0x471: {  	v55 =	vperm.xlane v47, v35;
	v11 =	vmul.f32 v30, v59;
	v30 =	vld [tilespmem:s20+$0x20]  }
0x472: {  	v21 =	vperm.xlane v44, v31;
	[tilespmem:s7+$0x1D0] =	vst v52;
	v52 =	vperm.xlane v47, v31;
	v31 =	vld [tilespmem:s20+$0xFFFFFF90]  }
0x473: {  	v57 =	vperm.xlane v47, v49;
	v53 =	vperm.xlane v47, v26;
	[tilespmem:$0x1FBA0] =	vst v24;
	v24 =	vld [tilespmem:s20+$0xFFFFFF60]  }
0x474: {  	v1 =	vperm.xlane v27, v49;
	[tilespmem:s26+$0xE0] =	vst v18;
	v14 =	vmul.f32 v14, v3;
	v3 =	vld [tilespmem:$0x1F7A0]  }
0x475: {  	v22 =	vperm.xlane v44, v26;
	v18 =	vperm.xlane v27, v36;
	[tilespmem:s7+$0x1C0] =	vst v51;
	v2 =	vld [tilespmem:s20+$0xFFFFFE40]  }
0x476: {  	[tilespmem:s7+$0x1E0] =	vst v54;
	v54 =	vperm.xlane v47, v36;
	v51 =	vperm.xlane v44, v35;
	v39 =	vld [tilespmem:s20+$0xFFFFFE60]  }
0x477: {  	[tilespmem:s7+$0x1B0] =	vst v50;
	v50 =	vperm.xlane v44, v49;
	v49 =	vperm.xlane v44, v36;
	v36 =	vld [tilespmem:s20+$0xFFFFFF80]  }
0x478: {  	v47 =	vperm.xlane v44, v37;
	v26 =	vperm.xlane v44, v12;
	v44 =	vld [tilespmem:s20+$0xFFFFFFA0]  }
0x479: {  	v17 =	vperm.xlane v20, v35;
	v5 =	vmul.f32 v5, v3;
	v3 =	vld [tilespmem:$0x1F7B0]  }
0x47a: {  	v25 =	vperm.xlane v27, v37;
	v37 =	vld [tilespmem:s20+$0xFFFFFFB0]  }
0x47b: {  	v29 =	vmul.f32 v29, v17;
	v17 =	vmul.f32 v33, v13;
	v33 =	vld [tilespmem:s20+$0x40]  }
0x47c: {  	v9 =	vperm.xlane v27, v12;
	v12 =	vmul.f32 v32, v7;
	v32 =	vld [tilespmem:s20+$0x30]  }
0x47d: {  	v20 =	vperm.xlane v27, v35;
	v27 =	vld [tilespmem:s20+$0xFFFFFEE0]  }
0x47e: {  	v4 =	vmul.f32 v4, v3;
	v3 =	vld [tilespmem:$0x1F7C0]  }
0x47f: {  	v35 =	vld [tilespmem:s20+$0xFFFFFF70]  }
0x480: {  	[tilespmem:s20+$0xFFFFFF00] =	vst v29;
	v29 =	vmov v10;
	v10 =	vld [tilespmem:$0x1F8F0]  }
0x481: {  	v59 =	vmul.f32 v37, v23;
	v37 =	vld [tilespmem:$0x1F8A0]  }
0x482: {  	[tilespmem:$0x1F880] =	vst v0;
	v0 =	vld [tilespmem:s20+$0xFFFFFEA0]  }
0x483: {  	v7 =	vmul.f32 v36, v20;
	v20 =	vld [tilespmem:s20+$0xA0];
	v3 =	vmul.f32 v6, v3  }
0x484: {  	v6 =	vld [tilespmem:$0x1F7D0]  }
0x485: {  	v27 =	vmul.f32 v27, v16;
	[tilespmem:s20+$0xFFFFFE30] =	vst v3;
	v3 =	vld [tilespmem:$0x1F830]  }
0x486: {  	v16 =	vmul.f32 v41, v60;
	v60 =	vmul.f32 v44, v18;
	v18 =	vld [tilespmem:s20+$0x80]  }
0x487: {  	[tilespmem:s20+$0xFFFFFE10] =	vst v5;
	v5 =	vld [tilespmem:$0x1F7F0]  }
0x488: {  	[tilespmem:s20+$0xFFFFFE20] =	vst v4;
	v4 =	vld [tilespmem:$0x1F810]  }
0x489: {  	v2 =	vmul.f32 v2, v6;
	v6 =	vld [tilespmem:$0x1F7E0]  }
0x48a: {  	v0 =	vmul.f32 v0, v3;
	v3 =	vld [tilespmem:$0x1F840]  }
0x48b: {  	[tilespmem:s20+$0xFFFFFE40] =	vst v2;
	v2 =	vld [tilespmem:$0x1F850]  }
0x48c: {  	[tilespmem:s20+$0xFFFFFEA0] =	vst v0;
	v0 =	vmul.f32 v31, v1;
	v31 =	vld [tilespmem:$0x1F890]  }
0x48d: {  	v1 =	vld [tilespmem:s20+$0x60]  }
0x48e: {  	[tilespmem:s20+$0xFFFFFE00] =	vst v14;
	v14 =	vmul.f32 v38, v6;
	v6 =	vld [tilespmem:$0x1F800]  }
0x48f: {  	v38 =	vld [tilespmem:s20+$0xFFFFFFC0]  }
0x490: {  	v15 =	vmul.f32 v46, v15;
	v46 =	vmul.f32 v48, v2;
	v2 =	vld [tilespmem:$0x1F860]  }
0x491: {  	v3 =	vmul.f32 v45, v3;
	v45 =	vld [tilespmem:s20+$0xFFFFFFF0]  }
0x492: {  	v48 =	vld [tilespmem:s20+$0x0]  }
0x493: {  	v5 =	vmul.f32 v39, v5;
	v39 =	vmul.f32 v40, v6;
	v6 =	vld [tilespmem:$0x1F820]  }
0x494: {  	v40 =	vld [tilespmem:s20+$0xFFFFFFD0]  }
0x495: {  	v13 =	vmul.f32 v34, v2;
	v34 =	vld [tilespmem:$0x1FFE0]  }
0x496: {  	v2 =	vld [tilespmem:$0x1F870]  }
0x497: {  	[tilespmem:s20+$0xFFFFFEC0] =	vst v15;
	v15 =	vmul.f32 v48, v63;
	v63 =	vmul.f32 v30, v62;
	v30 =	vmov v21;
	v21 =	vld [tilespmem:$0x1F8E0]  }
0x498: {  	v4 =	vmul.f32 v42, v4;
	v42 =	vmul.f32 v43, v6;
	v6 =	vld [tilespmem:s20+$0x10]  }
0x499: {  	v43 =	vld [tilespmem:s20+$0xFFFFFFE0]  }
0x49a: {  	v48 =	vld [tilespmem:$0x1F8C0]  }
0x49b: {  	[tilespmem:s20+$0xFFFFFE50] =	vst v14;
	v14 =	vmul.f32 v24, v2;
	v2 =	vld [tilespmem:$0x1F880]  }
0x49c: {  	s10 =	sadd.s32 $0x8, s10;
	[tilespmem:s20+$0xFFFFFEE0] =	vst v27;
	v24 =	vld [tilespmem:s20+$0x50]  }
0x49d: {  	p1 =	slt.u32 s10, $0x38;
	[tilespmem:s20+$0xFFFFFE60] =	vst v5;
	v6 =	vmul.f32 v6, v61;
	v61 =	vmul.f32 v32, v21;
	v32 =	vmovc v26;
	v26 =	vmov v22;
	v22 =	vld [tilespmem:$0x1F900]  }
.Ltmp8:
0x49e: {  	[tilespmem:s20+$0xFFFFFE80] =	vst v4;
	v5 =	vmul.f32 v43, v9;
	v43 =	vld [tilespmem:$0x1F8B0];
	(pc) =	sbr.rel @p1 .LBB2_9-.Ltmp8, $4  }
0x49f: {  	[tilespmem:s20+$0xFFFFFEB0] =	vst v3;
	v9 =	vmul.f32 v45, v19;
	v19 =	vld [tilespmem:s20+$0x90]  }
0x4a0: {  	v36 =	vimm.s32 $0x2;
	v10 =	vmul.f32 v33, v10;
	[tilespmem:s20+$0xFFFFFED0] =	vst v46;
	v21 =	vld [tilespmem:s20+$0xB0]  }
0x4a1: {  	v8 =	vmul.f32 v38, v8;
	[tilespmem:s20+$0xFFFFFE70] =	vst v39;
	v39 =	vimm.s32 $0x1;
	v4 =	vmul.f32 v35, v2;
	v2 =	vld [tilespmem:s20+$0x70]  }
0x4a2: {  	s6 =	sadd.s32 $0x80, s6;
	s26 =	smov.u32 s20;
	v3 =	vmul.f32 v40, v25;
	[tilespmem:s20+$0xFFFFFE90] =	vst v42;
	v35 =	vimm.s32 $0x0;
	v62 =	vmul.f32 v24, v22;
	v22 =	vld [tilespmem:s20+$0xC0]  }
0x4a3: {  	[tilespmem:s20+$0xFFFFFF10] =	vst v11  }
0x4a4: {  	[tilespmem:s20+$0xFFFFFF20] =	vst v16  }
0x4a5: {  	[tilespmem:s20+$0xFFFFFF30] =	vst v12  }
0x4a6: {  	[tilespmem:s20+$0xFFFFFF40] =	vst v17  }
0x4a7: {  	[tilespmem:s20+$0xFFFFFF50] =	vst v13  }
0x4a8: {  	[tilespmem:s20+$0xFFFFFF60] =	vst v14  }
0x4a9: {  	[tilespmem:s20+$0xFFFFFF70] =	vst v4  }
0x4aa: {  	[tilespmem:s20+$0xFFFFFF80] =	vst v7  }
0x4ab: {  	[tilespmem:s20+$0xFFFFFF90] =	vst v0  }
0x4ac: {  	[tilespmem:s20+$0xFFFFFFA0] =	vst v60  }
0x4ad: {  	[tilespmem:s20+$0xFFFFFFB0] =	vst v59  }
0x4ae: {  	[tilespmem:s20+$0xFFFFFFC0] =	vst v8  }
0x4af: {  	[tilespmem:s20+$0xFFFFFFE0] =	vst v5  }
0x4b0: {  	[tilespmem:s20+$0xFFFFFFF0] =	vst v9  }
0x4b1: {  	[tilespmem:s20+$0x0] =	vst v15  }
0x4b2: {  	[tilespmem:s20+$0x10] =	vst v6  }
0x4b3: {  	[tilespmem:s20+$0x20] =	vst v63  }
0x4b4: {  	[tilespmem:s20+$0x30] =	vst v61  }
0x4b5: {  	[tilespmem:s20+$0x40] =	vst v10  }
0x4b6: {  	v0 =	vmul.f32 v1, v58;
	[tilespmem:s20+$0xFFFFFFD0] =	vst v3  }
0x4b7: {  	[tilespmem:s20+$0x50] =	vst v62;
	v3 =	vmul.f32 v18, v55  }
0x4b8: {  	v42 =	vmul.f32 v19, v57;
	[tilespmem:s20+$0x60] =	vst v0  }
0x4b9: {  	v1 =	vmul.f32 v2, v56;
	[tilespmem:s20+$0x80] =	vst v3  }
0x4ba: {  	v44 =	vmul.f32 v20, v54;
	v0 =	vld [tilespmem:s20+$0xE0];
	[tilespmem:s20+$0x90] =	vst v42  }
0x4bb: {  	v2 =	vld [tilespmem:s20+$0xD0];
	[tilespmem:s20+$0x70] =	vst v1  }
0x4bc: {  	v3 =	vmul.f32 v21, v53;
	v1 =	vld [tilespmem:s20+$0xF0];
	[tilespmem:s26+$0xA0] =	vst v44  }
0x4bd: {  	v5 =	vld [tilespmem:$0x1F910]  }
0x4be: {  	v6 =	vld [tilespmem:$0x1FA50];
	[tilespmem:s26+$0xB0] =	vst v3  }
0x4bf: {  	v3 =	vld [tilespmem:$0x1F940]  }
0x4c0: {  	v46 =	vld [tilespmem:$0x1FA60];
	_ =	sdelay $0x1  }
0x4c1: {  	v45 =	vmul.f32 v22, v52;
	_ =	sdelay $0x1  }
0x4c2: {  	[tilespmem:s26+$0xC0] =	vst v45;
	v5 =	vmul.f32 v6, v5  }
0x4c3: {  	v4 =	vld [tilespmem:$0x1F950];
	v3 =	vmul.f32 v46, v3  }
0x4c4: {  	v52 =	vld [tilespmem:$0x1FA70];
	[tilespmem:s7+$0x100] =	vst v5  }
0x4c5: {  	v5 =	vld [tilespmem:$0x1F980];
	[tilespmem:s7+$0x110] =	vst v3  }
0x4c6: {  	v3 =	vld [tilespmem:$0x1F9B0]  }
0x4c7: {  	v53 =	vld [tilespmem:$0x1FB70];
	_ =	sdelay $0x1  }
0x4c8: {  	v4 =	vmul.f32 v52, v4;
	_ =	sdelay $0x1  }
0x4c9: {  	[tilespmem:s7+$0x120] =	vst v4;
	v5 =	vmul.f32 v48, v5  }
0x4ca: {  	v4 =	vld [tilespmem:$0x1F9C0];
	v3 =	vmul.f32 v53, v3  }
0x4cb: {  	[tilespmem:s7+$0x130] =	vst v5  }
0x4cc: {  	v5 =	vld [tilespmem:$0x1FB80];
	[tilespmem:s7+$0x140] =	vst v3  }
0x4cd: {  	v3 =	vld [tilespmem:$0x1FB90];
	_ =	sdelay $0x1  }
0x4ce: {  	v4 =	vmul.f32 v28, v4;
	_ =	sdelay $0x1  }
0x4cf: {  	[tilespmem:s7+$0x150] =	vst v4  }
0x4d0: {  	v0 =	vmul.f32 v0, v3;
	v3 =	vld [tilespmem:$0x1FBA0];
	_ =	sdelay $0x1  }
0x4d1: {  	v2 =	vmul.f32 v2, v5;
	_ =	sdelay $0x1  }
0x4d2: {  	[tilespmem:s26+$0xD0] =	vst v2  }
0x4d3: {  	v2 =	vld [tilespmem:$0x1F9D0];
	v1 =	vmul.f32 v1, v3  }
0x4d4: {  	[tilespmem:s26+$0xE0] =	vst v0  }
0x4d5: {  	v0 =	vld [tilespmem:$0x1F9E0];
	[tilespmem:s26+$0xF0] =	vst v1  }
0x4d6: {  	v1 =	vld [tilespmem:$0x1FA90]  }
0x4d7: {  	v3 =	vld [tilespmem:$0x1FA80]  }
0x4d8: {  	v2 =	vmul.f32 v31, v2;
	_ =	sdelay $0x1  }
0x4d9: {  	v59 =	vld [tilespmem:s20+$0x140];
	[tilespmem:s7+$0x160] =	vst v2  }
0x4da: {  	v2 =	vld [tilespmem:$0x1FAB0]  }
0x4db: {  	v1 =	vmul.f32 v3, v1;
	v3 =	vld [tilespmem:$0x1FAA0]  }
0x4dc: {  	v61 =	vld [tilespmem:s20+$0x150];
	v0 =	vmul.f32 v43, v0  }
0x4dd: {  	v63 =	vld [tilespmem:s26+$0x170]  }
0x4de: {  	[tilespmem:s7+$0x170] =	vst v0;
	v0 =	vld [tilespmem:s20+$0x100]  }
0x4df: {  	v4 =	vld [tilespmem:$0x1FAE0]  }
0x4e0: {  	v2 =	vmul.f32 v3, v2;
	v3 =	vld [tilespmem:$0x1FAC0];
	[tilespmem:s26+$0x180] =	vst v1  }
0x4e1: {  	v54 =	vld [tilespmem:$0x1FAD0]  }
0x4e2: {  	v55 =	vld [tilespmem:$0x1FB10]  }
0x4e3: {  	v1 =	vld [tilespmem:s20+$0x110]  }
0x4e4: {  	[tilespmem:s26+$0x190] =	vst v2;
	v2 =	vld [tilespmem:s20+$0x120]  }
0x4e5: {  	v56 =	vld [tilespmem:$0x1FAF0];
	v3 =	vmul.f32 v3, v4  }
0x4e6: {  	v57 =	vld [tilespmem:$0x1FB20]  }
0x4e7: {  	v4 =	vmul.f32 v54, v55;
	[tilespmem:s26+$0x1A0] =	vst v3;
	v3 =	vld [tilespmem:s20+$0x130]  }
0x4e8: {  	v0 =	vmul.f32 v0, v51;
	v58 =	vld [tilespmem:$0x1FB00]  }
0x4e9: {  	v1 =	vmul.f32 v1, v50;
	v7 =	vld [tilespmem:$0x1FB30];
	[tilespmem:s26+$0x1B0] =	vst v4  }
0x4ea: {  	v2 =	vmul.f32 v2, v49;
	v60 =	vld [tilespmem:$0x1FB40];
	[tilespmem:s26+$0x100] =	vst v0  }
0x4eb: {  	v5 =	vmul.f32 v56, v57;
	[tilespmem:s26+$0x110] =	vst v1  }
0x4ec: {  	v1 =	vmul.f32 v59, v30;
	[tilespmem:s26+$0x120] =	vst v2  }
0x4ed: {  	v62 =	vld [tilespmem:s26+$0x160];
	v2 =	vmul.f32 v61, v47;
	[tilespmem:s26+$0x1C0] =	vst v5  }
0x4ee: {  	[tilespmem:s26+$0x140] =	vst v1;
	v1 =	vmul.f32 v63, v29  }
0x4ef: {  	[tilespmem:s26+$0x150] =	vst v2;
	v0 =	vmul.f32 v3, v26  }
0x4f0: {  	v6 =	vmul.f32 v58, v7;
	[tilespmem:s26+$0x170] =	vst v1  }
0x4f1: {  	v7 =	vmul.f32 v37, v60;
	[tilespmem:s26+$0x130] =	vst v0  }
0x4f2: {  	v0 =	vmul.f32 v62, v32;
	[tilespmem:s26+$0x1D0] =	vst v6  }
.Ltmp9:
0x4f3: {  	[tilespmem:s26+$0x1E0] =	vst v7;
	(pc) =	sbr.rel .LBB2_11-.Ltmp9, $4  }
0x4f4: {  	[tilespmem:s26+$0x160] =	vst v0  }
0x4f5: {  	[spmem:s3] =	stream.indirect.scatter.add.f32 [tilespmem:s21], [sflag:$0x8], $0x80, s25, s17, $0xb8;
	[tilespmem:$0x1E390] =	vst v63  }
0x4f6: {  	s1 =	simm.s32 $0x1DF90;
	v12 =	vimm.s32 $0x3;
	v13 =	vimm.s32 $0x4;
	v14 =	vimm.s32 $0x5  }
0x4f7: {  	v24 =	vimm.s32 $0x6;
	v23 =	vimm.s32 $0x7;
	v2 =	vimm.f32 $0.0e+00;
	v11 =	vld [tilespmem:$0x1FFF0];
	[spmem:s18] =	stream.indirect.scatter.add.f32 [tilespmem:s1], [sflag:$0x8], $0x10, s25, s17, $0xb8  }
.LBB2_13:
0x4f8: {  	[bflag:$0x0] =	sbarrier.arrive $0xFFFF  }
0x4f9: {  	s4 =	simm.s32 $0x4E200;
	s1 =	simm.s32 $0x18A90;
	s0 =	rddreg [dreg:$0x1c]  }
0x4fa: {  	[tilespmem:s1], [sflag:$0x9] =	stream.strided.gather [hbm4b:s0+s17], $0x80, s4, s17, $0x38;
	[tilespmem:$0x1E390] =	vst v63  }
0x4fb: {  	_ =	swait.ge [sflag:s15], $0x80  }
0x4fc: {  	[sflag:s15] =	ssyncset.done $0x0  }
0x4fd: {  	s10 =	simm.s32 $0x0;
	[sflag:s15] =	ssyncadd.s32 $0xFFFFFF80  }
0x4fe: {  	[tilespmem:s14], [sflag:$0x3] =	stream.linear.gather [hbm4b:s12+s10], $0x2000, $0x38;
	[tilespmem:$0x1E390] =	vst v63  }
0x4ff: {  	s6 =	simm.s32 $0x18B10;
	s19 =	rddreg [dreg:$0x1d]  }
0x500: {  	[tilespmem:s6], [sflag:$0x9] =	stream.strided.gather [hbm4b:s19+s17], $0x80, s4, s17, $0x38;
	[tilespmem:$0x1E390] =	vst v63  }
0x501: {  	_ =	swait.ge [sflag:s15], $0x80  }
0x502: {  	[sflag:s15] =	ssyncset.done $0x0  }
0x503: {  	s26 =	simm.s32 $0x1BB90;
	s21 =	rddreg [dreg:$0x8];
	[sflag:s15] =	ssyncadd.s32 $0xFFFFFF80  }
0x504: {  	[tilespmem:s26], [sflag:$0x6] =	stream.linear.gather [hbm4b:s21+s10], $0x2000, $0x38;
	[tilespmem:$0x1E390] =	vst v63  }
0x505: {  	_ =	swait.ge [sflag:s13], $0x2000  }
0x506: {  	[sflag:s13] =	ssyncset.done $0x0  }
0x507: {  	[sflag:s13] =	ssyncadd.s32 $0xFFFFE000  }
0x508: {  	[spmem:s3] =	stream.indirect.scatter.add.f32 [tilespmem:s14], [sflag:$0x7], $0x80, s22, s17, $0xb8;
	[tilespmem:$0x1E390] =	vst v63  }
0x509: {  	s29 =	smov.u32 s28;
	_ =	swait.ge [sflag:s11], $0x2000  }
0x50a: {  	s28 =	smov.u32 s31;
	[sflag:s11] =	ssyncset.done $0x0;
	s31 =	sld [smem:$0x7FA]  }
0x50b: {  	[sflag:s11] =	ssyncadd.s32 $0xFFFFE000  }
0x50c: {  	[spmem:s3] =	stream.indirect.scatter.add.f32 [tilespmem:s26], [sflag:$0x8], $0x80, s25, s17, $0xb8;
	[tilespmem:$0x1E390] =	vst v63  }
0x50d: {  	p1 =	sgt.u32 s31, $0x9C3  }
0x50e: {  	s1 =	simm.s32 @!p1 $0x7  }
0x50f: {  	_ =	swait.ge @!p1 [sflag:s1], $0x2000;
	p1 =	por p1, p1  }
0x510: {  	[sflag:s1] =	ssyncset.done @!p1 $0x0  }
0x511: {  	[sflag:s1] =	ssyncadd.s32 @!p1 $0xFFFFE000;
	s1 =	simm.s32 @!p1 $0x8  }
0x512: {  	s6 =	simm.s32 @!p1 $0x9;
	s7 =	simm.s32 @!p1 $0x4E200;
	_ =	swait.ge @!p1 [sflag:s1], $0x2000  }
0x513: {  	s10 =	simm.s32 @!p1 $0x18A90;
	[sflag:s1] =	ssyncset.done @!p1 $0x0;
	s0 =	rddreg [dreg:$0x1f]  }
0x514: {  	s8 =	simm.s32 @!p1 $0x40;
	[sflag:s1] =	ssyncadd.s32 @!p1 $0xFFFFE000;
	s1 =	sadd.s32 @!p1 $0xFFFFFFF8, s0  }
0x515: {  	[tilespmem:s10], [sflag:$0x9] =	stream.strided.gather @!p1 [hbm4b:s1+s8], $0x80, s7, s8, $0x38;
	[tilespmem:$0x1E390] =	vst v63  }
0x516: {  	s30 =	smov.u32 s20;
	_ =	swait.ge @!p1 [sflag:s6], $0x80  }
0x517: {  	s20 =	simm.s32 @!p1 $0x19B90;
	s1 =	sadd.s32 @!p1 $0x0, s12;
	[sflag:s6] =	ssyncset.done @!p1 $0x0  }
0x518: {  	s26 =	simm.s32 @!p1 $0x0;
	s10 =	sadd.s32 @!p1 $0x8000, s1;
	[sflag:s6] =	ssyncadd.s32 @!p1 $0xFFFFFF80  }
0x519: {  	[tilespmem:s20], [sflag:$0x3] =	stream.linear.gather @!p1 [hbm4b:s10+s26], $0x2000, $0x38;
	[tilespmem:$0x1E390] =	vst v63  }
0x51a: {  	s9 =	smov.u32 s24;
	s10 =	simm.s32 @!p1 $0x18B10  }
0x51b: {  	[tilespmem:s10], [sflag:$0x9] =	stream.strided.gather @!p1 [hbm4b:s0+s8], $0x80, s7, s8, $0x38;
	[tilespmem:$0x1E390] =	vst v63  }
0x51c: {  	s19 =	smov.u32 s16;
	s16 =	smov.u32 s23;
	_ =	swait.ge @!p1 [sflag:s6], $0x80  }
0x51d: {  	s23 =	smov.u32 s18;
	s24 =	simm.s32 @!p1 $0x1BB90;
	[sflag:s6] =	ssyncset.done @!p1 $0x0  }
0x51e: {  	s1 =	sadd.s32 @!p1 $0x8400, s1;
	[sflag:s6] =	ssyncadd.s32 @!p1 $0xFFFFFF80;
	s6 =	simm.s32 @!p1 $0x3  }
0x51f: {  	[tilespmem:s24], [sflag:$0x6] =	stream.linear.gather @!p1 [hbm4b:s1+s26], $0x2000, $0x38;
	[tilespmem:$0x1E390] =	vst v63  }
0x520: {  	s18 =	smov.u32 s2;
	s21 =	simm.s32 $0x1BB90;
	_ =	swait.ge @!p1 [sflag:s6], $0x2000  }
0x521: {  	s7 =	simm.s32 $0x8000;
	s10 =	simm.s32 $0x10000;
	[sflag:s6] =	ssyncset.done @!p1 $0x0  }
0x522: {  	s1 =	simm.s32 @!p1 $0x18AD0;
	s26 =	simm.s32 @!p1 $0x6;
	[sflag:s6] =	ssyncadd.s32 @!p1 $0xFFFFE000  }
0x523: {  	[spmem:s3] =	stream.indirect.scatter.add.f32 @!p1 [tilespmem:s20], [sflag:$0x7], $0x80, s1, s8, $0xb8;
	[tilespmem:$0x1E390] =	vst v63  }
0x524: {  	s6 =	sadd.s32 $0x100, s0;
	s20 =	sadd.s32 $0x10, s31;
	_ =	swait.ge @!p1 [sflag:s26], $0x2000  }
0x525: {  	s1 =	simm.s32 @!p1 $0x18B50;
	p3 =	sgt.u32 s20, $0x9C3;
	[sflag:s26] =	ssyncset.done @!p1 $0x0  }
.LBB2_14:
0x526: {  	s4 =	simm.s32 @!p3 $0x7  }
0x527: {  	[sflag:s26] =	ssyncadd.s32 @!p1 $0xFFFFE000;
	s26 =	smov.u32 s10;
	s10 =	sadd.s32 $0x8000, s10  }
0x528: {  	[spmem:s3] =	stream.indirect.scatter.add.f32 @!p1 [tilespmem:s24], [sflag:$0x8], $0x80, s1, s8, $0xb8;
	[tilespmem:$0x1E390] =	vst v63  }
0x529: {  	p2 =	sne.s32 s10, $0x4E0000;
	p1 =	por p3, p3;
	_ =	swait.ge @!p3 [sflag:s4], $0x2000  }
0x52a: {  	[sflag:s4] =	ssyncset.done @!p1 $0x0  }
0x52b: {  	s1 =	simm.s32 @!p1 $0x8;
	[sflag:s4] =	ssyncadd.s32 @!p1 $0xFFFFE000  }
0x52c: {  	s4 =	simm.s32 @!p1 $0x9;
	_ =	swait.ge @!p1 [sflag:s1], $0x2000  }
0x52d: {  	s24 =	simm.s32 @!p1 $0x4E200;
	s0 =	simm.s32 @!p1 $0x18A90;
	[sflag:s1] =	ssyncset.done @!p1 $0x0  }
0x52e: {  	s8 =	simm.s32 @!p1 $0x40;
	[sflag:s1] =	ssyncadd.s32 @!p1 $0xFFFFE000;
	s1 =	sadd.s32 @!p1 $0xFFFFFFF8, s6  }
0x52f: {  	[tilespmem:s0], [sflag:$0x9] =	stream.strided.gather @!p1 [hbm4b:s1+s8], $0x80, s24, s8, $0x38;
	[tilespmem:$0x1E390] =	vst v63  }
0x530: {  	_ =	swait.ge @!p1 [sflag:s4], $0x80  }
0x531: {  	s0 =	sadd.s32 @!p1 s7, s12;
	s1 =	simm.s32 @!p1 $0x19B90;
	[sflag:s4] =	ssyncset.done @!p1 $0x0  }
0x532: {  	s31 =	simm.s32 @!p1 $0x0;
	s7 =	sadd.s32 @!p1 $0x8000, s0;
	[sflag:s4] =	ssyncadd.s32 @!p1 $0xFFFFFF80  }
0x533: {  	[tilespmem:s1], [sflag:$0x3] =	stream.linear.gather @!p1 [hbm4b:s7+s31], $0x2000, $0x38;
	[tilespmem:$0x1E390] =	vst v63  }
0x534: {  	s2 =	simm.s32 @!p1 $0x18B10;
	s0 =	sadd.s32 @!p1 $0x8400, s0;
	s7 =	smov.u32 s26  }
0x535: {  	[tilespmem:s2], [sflag:$0x9] =	stream.strided.gather @!p1 [hbm4b:s6+s8], $0x80, s24, s8, $0x38;
	[tilespmem:$0x1E390] =	vst v63  }
0x536: {  	_ =	swait.ge @!p1 [sflag:s4], $0x80  }
0x537: {  	[sflag:s4] =	ssyncset.done @!p1 $0x0  }
0x538: {  	s24 =	simm.s32 @!p1 $0x1BB90;
	s2 =	simm.s32 @!p1 $0x3;
	[sflag:s4] =	ssyncadd.s32 @!p1 $0xFFFFFF80  }
0x539: {  	[tilespmem:s24], [sflag:$0x6] =	stream.linear.gather @!p1 [hbm4b:s0+s31], $0x2000, $0x38;
	[tilespmem:$0x1E390] =	vst v63  }
0x53a: {  	_ =	swait.ge @!p1 [sflag:s2], $0x2000  }
.Ltmp10:
0x53b: {  	[sflag:s2] =	ssyncset.done @!p1 $0x0;
	(pc) =	sbr.rel @p2 .LBB2_14-.Ltmp10, $4  }
0x53c: {  	s26 =	simm.s32 @!p1 $0x6;
	s0 =	simm.s32 @!p1 $0x18AD0;
	[sflag:s2] =	ssyncadd.s32 @!p1 $0xFFFFE000  }
0x53d: {  	[spmem:s3] =	stream.indirect.scatter.add.f32 @!p1 [tilespmem:s1], [sflag:$0x7], $0x80, s0, s8, $0xb8;
	[tilespmem:$0x1E390] =	vst v63  }
0x53e: {  	s20 =	sadd.s32 $0x10, s20;
	s6 =	sadd.s32 $0x100, s6;
	_ =	swait.ge @!p1 [sflag:s26], $0x2000  }
0x53f: {  	p3 =	sgt.u32 s20, $0x9C3;
	s1 =	simm.s32 @!p1 $0x18B50;
	[sflag:s26] =	ssyncset.done @!p1 $0x0  }
0x540: {  	s0 =	simm.s32 @!p3 $0x7;
	[sflag:s26] =	ssyncadd.s32 @!p1 $0xFFFFE000  }
0x541: {  	[spmem:s3] =	stream.indirect.scatter.add.f32 @!p1 [tilespmem:s24], [sflag:$0x8], $0x80, s1, s8, $0xb8;
	[tilespmem:$0x1E390] =	vst v63  }
0x542: {  	p1 =	por p3, p3;
	_ =	swait.ge @!p3 [sflag:s0], $0x2000  }
0x543: {  	[sflag:s0] =	ssyncset.done @!p1 $0x0  }
0x544: {  	[sflag:s0] =	ssyncadd.s32 @!p1 $0xFFFFE000;
	s0 =	simm.s32 @!p1 $0x8  }
0x545: {  	s1 =	simm.s32 @!p1 $0x9;
	_ =	swait.ge @!p1 [sflag:s0], $0x2000  }
0x546: {  	s2 =	simm.s32 @!p1 $0x4E200;
	s4 =	simm.s32 @!p1 $0x18A90;
	[sflag:s0] =	ssyncset.done @!p1 $0x0  }
0x547: {  	s8 =	simm.s32 @!p1 $0x40;
	[sflag:s0] =	ssyncadd.s32 @!p1 $0xFFFFE000;
	s0 =	sadd.s32 @!p1 $0xFFFFFFF8, s6  }
0x548: {  	[tilespmem:s4], [sflag:$0x9] =	stream.strided.gather @!p1 [hbm4b:s0+s8], $0x80, s2, s8, $0x38;
	[tilespmem:$0x1E390] =	vst v63  }
0x549: {  	_ =	swait.ge @!p1 [sflag:s1], $0x80  }
0x54a: {  	s10 =	simm.s32 @!p1 $0x0;
	s0 =	sadd.s32 @!p1 s7, s12;
	[sflag:s1] =	ssyncset.done @!p1 $0x0  }
0x54b: {  	s4 =	simm.s32 @!p1 $0x19B90;
	s7 =	sadd.s32 @!p1 $0x8000, s0;
	[sflag:s1] =	ssyncadd.s32 @!p1 $0xFFFFFF80  }
0x54c: {  	[tilespmem:s4], [sflag:$0x3] =	stream.linear.gather @!p1 [hbm4b:s7+s10], $0x2000, $0x38;
	[tilespmem:$0x1E390] =	vst v63  }
0x54d: {  	s7 =	simm.s32 @!p1 $0x18B10  }
0x54e: {  	[tilespmem:s7], [sflag:$0x9] =	stream.strided.gather @!p1 [hbm4b:s6+s8], $0x80, s2, s8, $0x38;
	[tilespmem:$0x1E390] =	vst v63  }
0x54f: {  	_ =	swait.ge @!p1 [sflag:s1], $0x80  }
0x550: {  	s0 =	sadd.s32 @!p1 $0x8400, s0;
	[sflag:s1] =	ssyncset.done @!p1 $0x0  }
0x551: {  	s2 =	simm.s32 @!p1 $0x3;
	[sflag:s1] =	ssyncadd.s32 @!p1 $0xFFFFFF80;
	s1 =	simm.s32 @!p1 $0x1BB90  }
0x552: {  	[tilespmem:s1], [sflag:$0x6] =	stream.linear.gather @!p1 [hbm4b:s0+s10], $0x2000, $0x38;
	[tilespmem:$0x1E390] =	vst v63  }
0x553: {  	_ =	swait.ge @!p1 [sflag:s2], $0x2000  }
0x554: {  	[sflag:s2] =	ssyncset.done @!p1 $0x0  }
0x555: {  	s0 =	simm.s32 @!p1 $0x18AD0;
	[sflag:s2] =	ssyncadd.s32 @!p1 $0xFFFFE000;
	s2 =	simm.s32 @!p1 $0x6  }
0x556: {  	[spmem:s3] =	stream.indirect.scatter.add.f32 @!p1 [tilespmem:s4], [sflag:$0x7], $0x80, s0, s8, $0xb8;
	[tilespmem:$0x1E390] =	vst v63  }
0x557: {  	_ =	swait.ge @!p1 [sflag:s2], $0x2000  }
0x558: {  	[sflag:s2] =	ssyncset.done @!p1 $0x0  }
0x559: {  	s24 =	simm.s32 $0x7;
	s0 =	simm.s32 @!p1 $0x18B50;
	[sflag:s2] =	ssyncadd.s32 @!p1 $0xFFFFE000  }
0x55a: {  	[spmem:s3] =	stream.indirect.scatter.add.f32 @!p1 [tilespmem:s1], [sflag:$0x8], $0x80, s0, s8, $0xb8;
	[tilespmem:$0x1E390] =	vst v63  }
0x55b: {  	s26 =	simm.s32 $0x8;
	_ =	swait.ge [sflag:s24], $0x2000  }
0x55c: {  	s31 =	smov.u32 s28;
	s28 =	smov.u32 s29;
	[sflag:s24] =	ssyncset.done $0x0  }
.Ltmp11:
0x55d: {  	s20 =	smov.u32 s30;
	[sflag:s24] =	ssyncadd.s32 $0xFFFFE000;
	(pc) =	sbr.rel .LBB2_16-.Ltmp11, $4  }
0x55e: {  	s2 =	smov.u32 s18;
	s18 =	smov.u32 s23;
	_ =	swait.ge [sflag:s26], $0x2000  }
0x55f: {  	s23 =	smov.u32 s16;
	s16 =	smov.u32 s19;
	s19 =	sld [smem:$0x7FB]  }
0x560: {  	s4 =	stileid.u32;
	[sflag:s26] =	ssyncset.done $0x0;
	s30 =	rddreg [dreg:$0xb]  }
0x561: {  	s24 =	smov.u32 s9;
	s9 =	rddreg [dreg:$0x15];
	[sflag:s26] =	ssyncadd.s32 $0xFFFFE000  }
.LBB2_17:
0x562: {  	_ =	sfence.sel $0x180000  }
0x563: {  	[bflag:$0x0] =	sbarrier.arrive $0xFFFF  }
0x564: {  	_ =	strace $0x90000047  }
0x565: {  	[bflag:$0x2] =	sbarrier.arrive $0xFFFF  }
0x566: {  	p0 =	sne.s32 s4, $0x0;
	s0 =	rddreg [dreg:$0x6]  }
0x567: {  	s0 =	sadd.s32 @!p0 $0x100000, s0  }
0x568: {  	[sflag:s0] =	ssyncadd.tile.s32 @!p0 $0x1;
	_ =	shalt  }
.Lfunc_end2:
_tile_overlayer_lowered:
.L_overlay_start_2:
0x569: {  	(tag) =	ssettag $0x2  }
0x56a: {  	s0 =	rddreg [dreg:$0x0];
	s2 =	stileid.u32  }
0x56b: {  	s1 =	rddreg [dreg:$0x1];
	p0 =	sne.s32 s2, $0x0  }
0x56c: {  	s3 =	rddreg [dreg:$0x2];
	[bflag:$0x3] =	sbarrier.arrive $0xFFFF;
	s2 =	simm.s32 @!p0 $0x1C09  }
0x56d: {  	[timem:s3], [sflag:s2] =	dma.local @!p0 [hbm:s0], s1  }
0x56e: {  	s0 =	simm.s32 @!p0 $0x9  }
0x56f: {  	_ =	swait.ge @!p0 [sflag:s0], s1  }
0x570: {  	s1 =	ssub.s32 @!p0 $0x0, s1;
	[sflag:s0] =	ssyncset.done @!p0 $0x0  }
0x571: {  	[sflag:s0] =	ssyncadd.s32 @!p0 s1  }
0x572: {  	[bflag:$0x3] =	sbarrier.arrive $0xFFFF  }
0x573: {  	_ =	shalt  }

</sc_bundles>
